<compile_context>
chip_gen: v7x
topology: tpu7x:2x2x1
jax: 0.10.2.dev20260603
libtpu: 0.0.44.dev20260713+nightly
codegen_flags: <defaults>
</compile_context>

<pallas_src>
import functools
import jax
import jax.numpy as jnp
from jax import lax
from jax.experimental import pallas as pl
from jax.experimental.pallas import tpu as pltpu
from jax.experimental.pallas import tpu_sc as plsc

N = 10000
E = 320000
NIN = 128
H = 64
_BN_S = (1.0 + 1e-5) ** -0.5
_NEG = -3.4e38

_NC = 2
_NS = 16
_NW = _NC * _NS
RANGE = 320
NPAD = _NW * RANGE
ACCR = 328
FLUSH = 8192
EPAD = 40 * FLUSH
CHB = 8000
CAP = 16384
CH2 = 2000
CHE = 512

_sc_mesh = plsc.VectorSubcoreMesh(core_axis_name="c", subcore_axis_name="s",
                                  num_cores=_NC, num_subcores=_NS)


def _worker_id():
    return lax.axis_index("s") * _NC + lax.axis_index("c")


NCHB = E // CHB
SUBI = 125
OCAP = FLUSH + SUBI * 16 + 16


def _bucket_body(src_hbm, dst_hbm, bsrc_hbm, bdst_hbm, cnts_hbm,
                 bsrc2_hbm, bdst2_hbm, cnts2_hbm,
                 sb0, sb1, db0, db1, osrc, odst, cbuf,
                 hist, offs, srts, srtd, semb0, semb1):
    w = _worker_id()
    lo = w * RANGE
    iota = lax.iota(jnp.int32, 16)
    sbuf = (sb0, sb1)
    dbuf = (db0, db1)
    semb = (semb0, semb1)

    def init_body(i, _):
        base = i * 16
        osrc[pl.ds(base, 16)] = (base + iota) & 8191
        odst[pl.ds(base, 16)] = jnp.full((16,), RANGE, jnp.int32)
        return 0
    lax.fori_loop(0, OCAP // 16, init_body, 0)

    def load_chunk(ci, b):
        cb = pl.multiple_of(ci * CHB, 8)
        pltpu.async_copy(dst_hbm.at[pl.ds(cb, CHB)], dbuf[b], semb[b])
        pltpu.async_copy(src_hbm.at[pl.ds(cb, CHB)], sbuf[b], semb[b])

    def wait_chunk(ci, b):
        cb = pl.multiple_of(ci * CHB, 8)
        pltpu.make_async_copy(dst_hbm.at[pl.ds(cb, CHB)], dbuf[b],
                              semb[b]).wait()
        pltpu.make_async_copy(src_hbm.at[pl.ds(cb, CHB)], sbuf[b],
                              semb[b]).wait()

    load_chunk(0, 0)

    def maybe_flush(offv, flushed):
        def flush(c3):
            offv, flushed = c3
            ob = pl.multiple_of(w * EPAD + flushed, FLUSH)
            pltpu.sync_copy(osrc.at[pl.ds(0, FLUSH)],
                            bsrc_hbm.at[pl.ds(ob, FLUSH)])
            pltpu.sync_copy(odst.at[pl.ds(0, FLUSH)],
                            bdst_hbm.at[pl.ds(ob, FLUSH)])
            def mv(k, _):
                vs = osrc[pl.ds(FLUSH + k * 16, 16)]
                vd = odst[pl.ds(FLUSH + k * 16, 16)]
                osrc[pl.ds(k * 16, 16)] = vs
                odst[pl.ds(k * 16, 16)] = vd
                return 0
            lax.fori_loop(0, SUBI + 1, mv, 0)
            return (offv - FLUSH, flushed + FLUSH)
        return lax.cond(jnp.max(offv) >= FLUSH, flush, lambda c3: c3,
                        (offv, flushed))

    def chunk_body(ci, b, carry):
        offv, flushed = carry

        def sub_body(si, c2):
            offv = c2

            def vec_body(i, offv):
                for u in range(5):
                    p = si * SUBI * 16 + (i * 5 + u) * 16
                    d = dbuf[b][pl.ds(p, 16)]
                    sv = sbuf[b][pl.ds(p, 16)]
                    m = (d >= lo) & (d < lo + RANGE)
                    cs = plsc.cumsum(jnp.where(m, jnp.int32(1), jnp.int32(0)))
                    idx = (offv + cs) - 1
                    plsc.store_scatter(odst, [idx], d - lo, mask=m)
                    plsc.store_scatter(osrc, [idx], sv, mask=m)
                    offv = offv + plsc.all_reduce_population_count(m)
                return offv

            return lax.fori_loop(0, SUBI // 5, vec_body, offv)

        for si in range(CHB // (SUBI * 16)):
            offv = sub_body(si, offv)
            offv, flushed = maybe_flush(offv, flushed)
        return (offv, flushed)

    def outer(co, carry):
        for b in range(2):
            ci = co * 2 + b

            @pl.when(ci + 1 < NCHB)
            def _():
                load_chunk(ci + 1, b ^ 1)

            wait_chunk(ci, b)
            carry = chunk_body(ci, b, carry)
        return carry

    offv, flushed = lax.fori_loop(0, NCHB // 2, outer,
                                  (jnp.zeros((16,), jnp.int32), 0))
    ob = pl.multiple_of(w * EPAD + flushed, FLUSH)
    pltpu.sync_copy(osrc.at[pl.ds(0, FLUSH)], bsrc_hbm.at[pl.ds(ob, FLUSH)])
    pltpu.sync_copy(odst.at[pl.ds(0, FLUSH)], bdst_hbm.at[pl.ds(ob, FLUSH)])
    cnt = flushed + jnp.max(offv)
    cbuf[...] = jnp.full((16,), cnt, jnp.int32)
    pltpu.sync_copy(cbuf, cnts_hbm.at[w])

    nc2 = (cnt + (CH2 - 1)) // CH2
    cnt2 = nc2 * CH2
    ok = cnt2 <= CAP

    @pl.when(ok)
    def _():
        def hz(r, _):
            hist[r, :] = jnp.zeros((16,), jnp.int32)
            return 0
        lax.fori_loop(0, ACCR, hz, 0)

        ones = jnp.full((16,), 1, jnp.int32)

        def hchunk(k, _):
            base = pl.multiple_of(w * EPAD + k * CH2, 8)
            pltpu.sync_copy(bdst_hbm.at[pl.ds(base, CH2)],
                            db0.at[pl.ds(0, CH2)])

            def hv(i, _):
                dv = db0[pl.ds(i * 16, 16)]
                plsc.addupdate_scatter(hist, [dv, iota], ones)
                return 0
            lax.fori_loop(0, CH2 // 16, hv, 0)
            return 0
        lax.fori_loop(0, nc2, hchunk, 0)

        def pz(r, carry):
            hrow = hist[r, :]
            inc = plsc.cumsum(hrow)
            offs[r, :] = (carry + inc) - hrow
            return carry + _lane(inc, 15)
        lax.fori_loop(0, ACCR, pz, jnp.zeros((16,), jnp.int32))

        def sf(i, _):
            base = i * 16
            srts[pl.ds(base, 16)] = (base + iota) & 8191
            srtd[pl.ds(base, 16)] = jnp.full((16,), RANGE, jnp.int32)
            return 0
        lax.fori_loop(0, CAP // 16, sf, 0)

        def schunk(k, _):
            base = pl.multiple_of(w * EPAD + k * CH2, 8)
            pltpu.sync_copy(bdst_hbm.at[pl.ds(base, CH2)],
                            db0.at[pl.ds(0, CH2)])
            pltpu.sync_copy(bsrc_hbm.at[pl.ds(base, CH2)],
                            sb0.at[pl.ds(0, CH2)])

            def sv2(i, _):
                dv = db0[pl.ds(i * 16, 16)]
                sv = sb0[pl.ds(i * 16, 16)]
                pos = plsc.load_gather(offs, [dv, iota])
                plsc.store_scatter(offs, [dv, iota], pos + 1)
                plsc.store_scatter(srts, [pos], sv)
                plsc.store_scatter(srtd, [pos], dv)
                return 0
            lax.fori_loop(0, CH2 // 16, sv2, 0)
            return 0
        lax.fori_loop(0, nc2, schunk, 0)

        ob2 = pl.multiple_of(w * CAP, 8)
        pltpu.sync_copy(srts, bsrc2_hbm.at[pl.ds(ob2, CAP)])
        pltpu.sync_copy(srtd, bdst2_hbm.at[pl.ds(ob2, CAP)])

    cbuf[...] = jnp.full((16,), jnp.where(ok, cnt2, -1), jnp.int32)
    pltpu.sync_copy(cbuf, cnts2_hbm.at[w])


@jax.jit
def _bucket(src, dst):
    f = pl.kernel(
        _bucket_body,
        out_type=[
            jax.ShapeDtypeStruct((_NW * EPAD,), jnp.int32),
            jax.ShapeDtypeStruct((_NW * EPAD,), jnp.int32),
            jax.ShapeDtypeStruct((_NW, 16), jnp.int32),
            jax.ShapeDtypeStruct((_NW * CAP,), jnp.int32),
            jax.ShapeDtypeStruct((_NW * CAP,), jnp.int32),
            jax.ShapeDtypeStruct((_NW, 16), jnp.int32),
        ],
        mesh=_sc_mesh,
        compiler_params=pltpu.CompilerParams(needs_layout_passes=False, use_tc_tiling_on_sc=False),
        scratch_types=[
            pltpu.VMEM((CHB,), jnp.int32),
            pltpu.VMEM((CHB,), jnp.int32),
            pltpu.VMEM((CHB,), jnp.int32),
            pltpu.VMEM((CHB,), jnp.int32),
            pltpu.VMEM((OCAP,), jnp.int32),
            pltpu.VMEM((OCAP,), jnp.int32),
            pltpu.VMEM((16,), jnp.int32),
            pltpu.VMEM((ACCR, 16), jnp.int32),
            pltpu.VMEM((ACCR, 16), jnp.int32),
            pltpu.VMEM((CAP,), jnp.int32),
            pltpu.VMEM((CAP,), jnp.int32),
            pltpu.SemaphoreType.DMA,
            pltpu.SemaphoreType.DMA,
        ],
    )
    return f(src, dst)


_DN = lax.GatherDimensionNumbers(offset_dims=(), collapsed_slice_dims=(0,),
                                 start_index_map=(0,))


def _lane(v, e):
    return lax.gather(v, jnp.full((16, 1), e, jnp.int32), _DN, (1,),
                      mode=lax.GatherScatterMode.PROMISE_IN_BOUNDS)


def _segmax_body(beff_hbm, bsrc_hbm, bdst_hbm, cnts_hbm,
                 bsrc2_hbm, bdst2_hbm, cnts2_hbm, m_hbm,
                 idx0, idx1, dst0, dst1, rows0, rows1,
                 acc0, acc1, acc2, acc3, mstage, cbuf,
                 semr0, semr1):
    w = _worker_id()
    lo = w * RANGE
    sid = lax.axis_index("s")
    iota = lax.iota(jnp.int32, 16)
    idxb = (idx0, idx1)
    dstb = (dst0, dst1)
    rows = (rows0, rows1)
    semr = (semr0, semr1)
    accs = (acc0, acc1, acc2, acc3)

    pltpu.sync_copy(cnts2_hbm.at[w], cbuf)
    cnt2 = jnp.max(cbuf[...])
    sorted_ok = cnt2 >= 0
    pltpu.sync_copy(cnts_hbm.at[w], cbuf)
    cnt_raw = jnp.max(cbuf[...])
    cnt = jnp.where(sorted_ok, cnt2, cnt_raw)

    neg = jnp.full((16,), _NEG, jnp.float32)

    def init_body(r, _):
        for aj in accs:
            aj[r, :] = neg
        return 0
    lax.fori_loop(0, ACCR, init_body, 0)

    nch = (cnt + (CHE - 1)) >> 9

    def load_chunk(ci, b):
        @pl.when(sorted_ok)
        def _():
            base = pl.multiple_of(w * CAP + ci * CHE, CHE)
            pltpu.sync_copy(bsrc2_hbm.at[pl.ds(base, CHE)], idxb[b])
            pltpu.sync_copy(bdst2_hbm.at[pl.ds(base, CHE)], dstb[b])

        @pl.when(jnp.logical_not(sorted_ok))
        def _():
            base = pl.multiple_of(w * EPAD + ci * CHE, CHE)
            pltpu.sync_copy(bsrc_hbm.at[pl.ds(base, CHE)], idxb[b])
            pltpu.sync_copy(bdst_hbm.at[pl.ds(base, CHE)], dstb[b])

    @pl.when(nch > 0)
    def _():
        load_chunk(0, 0)
        pltpu.async_copy(beff_hbm.at[idx0], rows0, semr0)

    def compute_rmw(b):
        rb = rows[b]
        db = dstb[b]

        def grp(g, _):
            dv = db[pl.ds(g * 16, 16)]
            for e in range(16):
                ei = g * 16 + e
                de = _lane(dv, e)
                rvs = [rb[ei, pl.ds(j * 16, 16)] for j in range(4)]
                curs = [plsc.load_gather(aj, [de, iota]) for aj in accs]
                res = [jnp.maximum(c, r) for c, r in zip(curs, rvs)]
                for j, aj in enumerate(accs):
                    plsc.store_scatter(aj, [de, iota], res[j])
            return 0
        lax.fori_loop(0, CHE // 16, grp, 0)

    def compute_sorted(b, carry):
        rb = rows[b]
        db = dstb[b]

        def grp(g, carry):
            r0, r1, r2, r3, dprev = carry
            rs = [r0, r1, r2, r3]
            dv = db[pl.ds(g * 16, 16)]
            for e in range(16):
                ei = g * 16 + e
                de = _lane(dv, e)
                mask = de != dprev
                rvs = [rb[ei, pl.ds(j * 16, 16)] for j in range(4)]
                for j, aj in enumerate(accs):
                    plsc.store_scatter(aj, [dprev, iota], rs[j], mask=mask)
                rs = [jnp.where(mask, rv, jnp.maximum(r, rv))
                      for r, rv in zip(rs, rvs)]
                dprev = de
            return (rs[0], rs[1], rs[2], rs[3], dprev)
        return lax.fori_loop(0, CHE // 16, grp, carry)

    def outer(co, _):
        for b in range(2):
            ci = co * 2 + b

            @pl.when(ci + 1 < nch)
            def _():
                load_chunk(ci + 1, b ^ 1)
                pltpu.async_copy(beff_hbm.at[idxb[b ^ 1]], rows[b ^ 1],
                                 semr[b ^ 1])

            @pl.when(ci < nch)
            def _():
                pltpu.make_async_copy(beff_hbm.at[idxb[b]], rows[b],
                                      semr[b]).wait()

                @pl.when(jnp.logical_not(sorted_ok))
                def _():
                    compute_rmw(b)
        return 0

    def outer_sorted(co, carry):
        for b in range(2):
            ci = co * 2 + b

            @pl.when(ci + 1 < nch)
            def _():
                load_chunk(ci + 1, b ^ 1)
                pltpu.async_copy(beff_hbm.at[idxb[b ^ 1]], rows[b ^ 1],
                                 semr[b ^ 1])

            def do(c):
                pltpu.make_async_copy(beff_hbm.at[idxb[b]], rows[b],
                                      semr[b]).wait()
                return compute_sorted(b, c)
            carry = lax.cond(ci < nch, do, lambda c: c, carry)
        return carry

    neg4 = (neg, neg, neg, neg, jnp.full((16,), RANGE, jnp.int32))

    @pl.when(sorted_ok)
    def _():
        r0, r1, r2, r3, dprev = lax.fori_loop(0, (nch + 1) >> 1,
                                              outer_sorted, neg4)
        for j, (aj, rj) in enumerate(zip(accs, (r0, r1, r2, r3))):
            plsc.store_scatter(aj, [dprev, iota], rj)

    @pl.when(jnp.logical_not(sorted_ok))
    def _():
        lax.fori_loop(0, (nch + 1) >> 1, outer, 0)

    def out_body(r, _):
        for j, aj in enumerate(accs):
            mstage[r, pl.ds(j * 16, 16)] = aj[r, :]
        return 0
    lax.fori_loop(0, RANGE, out_body, 0)
    pltpu.sync_copy(mstage, m_hbm.at[pl.ds(lo, RANGE)])


@jax.jit
def _segmax(beff, bsrc, bdst, cnts, bsrc2, bdst2, cnts2):
    f = pl.kernel(
        _segmax_body,
        out_type=jax.ShapeDtypeStruct((NPAD, H), jnp.float32),
        mesh=_sc_mesh,
        compiler_params=pltpu.CompilerParams(needs_layout_passes=False, use_tc_tiling_on_sc=False),
        scratch_types=[
            pltpu.VMEM((CHE,), jnp.int32),
            pltpu.VMEM((CHE,), jnp.int32),
            pltpu.VMEM((CHE,), jnp.int32),
            pltpu.VMEM((CHE,), jnp.int32),
            pltpu.VMEM((CHE, H), jnp.float32),
            pltpu.VMEM((CHE, H), jnp.float32),
            pltpu.VMEM((ACCR, 16), jnp.float32),
            pltpu.VMEM((ACCR, 16), jnp.float32),
            pltpu.VMEM((ACCR, 16), jnp.float32),
            pltpu.VMEM((ACCR, 16), jnp.float32),
            pltpu.VMEM((RANGE, H), jnp.float32),
            pltpu.VMEM((16,), jnp.int32),
            pltpu.SemaphoreType.DMA,
            pltpu.SemaphoreType.DMA,
        ],
    )
    return f(beff, bsrc, bdst, cnts, bsrc2, bdst2, cnts2)


_BR = 2000


def _tc_call(body, n_in, n_out_cols):
    in_specs = ([pl.BlockSpec((_BR, None), lambda i: (i, 0))] +
                [pl.BlockSpec(lambda i: (0, 0))] * (n_in - 1))
    return body, in_specs


def _first_k(x_ref, w0_ref, c0_ref, wc_ref, xn_ref, a_ref, b_ref):
    xn = jax.nn.relu(jnp.dot(x_ref[...], w0_ref[...],
                             preferred_element_type=jnp.float32) + c0_ref[...])
    p = jnp.dot(xn, wc_ref[...], preferred_element_type=jnp.float32)
    xn_ref[...] = xn
    a_ref[...] = p[:, :H]
    b_ref[...] = p[:, H:]


def _comb_sub_k(xnp_ref, a_ref, m_ref, cv_ref, ga_ref, wc_ref,
                xn_ref, a2_ref, b2_ref):
    agg = jax.nn.relu(a_ref[...] + cv_ref[...] + ga_ref[...] * m_ref[...])
    xn = xnp_ref[...] - agg
    p = jnp.dot(xn, wc_ref[...], preferred_element_type=jnp.float32)
    xn_ref[...] = xn
    a2_ref[...] = p[:, :H]
    b2_ref[...] = p[:, H:]


def _comb_set_k(a_ref, m_ref, cv_ref, ga_ref, wc_ref,
                xn_ref, a2_ref, b2_ref):
    xn = jax.nn.relu(a_ref[...] + cv_ref[...] + ga_ref[...] * m_ref[...])
    p = jnp.dot(xn, wc_ref[...], preferred_element_type=jnp.float32)
    xn_ref[...] = xn
    a2_ref[...] = p[:, :H]
    b2_ref[...] = p[:, H:]


def _final_k(xnp_ref, a_ref, m_ref, cv_ref, ga_ref, w1_ref, c1_ref, o_ref):
    agg = jax.nn.relu(a_ref[...] + cv_ref[...] + ga_ref[...] * m_ref[...])
    xn = xnp_ref[...] - agg
    o = jax.nn.relu(jnp.dot(xn, w1_ref[...],
                            preferred_element_type=jnp.float32) + c1_ref[...])
    mx = jnp.max(o, axis=1, keepdims=True)
    ex = jnp.exp(o - mx)
    s = jnp.sum(ex, axis=1, keepdims=True)
    o_ref[...] = o - mx - jnp.log(s)


def _row_spec(cols):
    return pl.BlockSpec((_BR, cols), lambda i: (i, 0))


def _full_spec(r, c):
    return pl.BlockSpec((r, c), lambda i: (0, 0))


def _tc_first(x, w0, c0, wc):
    return pl.pallas_call(
        _first_k,
        grid=(N // _BR,),
        in_specs=[_row_spec(NIN), _full_spec(NIN, H), _full_spec(1, H),
                  _full_spec(H, 2 * H)],
        out_specs=[_row_spec(H), _row_spec(H), _row_spec(H)],
        out_shape=[jax.ShapeDtypeStruct((N, H), jnp.float32)] * 3,
    )(x, w0, c0, wc)


def _tc_comb_sub(xnp, a, m, cv, ga, wc):
    return pl.pallas_call(
        _comb_sub_k,
        grid=(N // _BR,),
        in_specs=[_row_spec(H), _row_spec(H), _row_spec(H),
                  _full_spec(1, H), _full_spec(1, H), _full_spec(H, 2 * H)],
        out_specs=[_row_spec(H), _row_spec(H), _row_spec(H)],
        out_shape=[jax.ShapeDtypeStruct((N, H), jnp.float32)] * 3,
    )(xnp, a, m, cv, ga, wc)


def _tc_comb_set(a, m, cv, ga, wc):
    return pl.pallas_call(
        _comb_set_k,
        grid=(N // _BR,),
        in_specs=[_row_spec(H), _row_spec(H),
                  _full_spec(1, H), _full_spec(1, H), _full_spec(H, 2 * H)],
        out_specs=[_row_spec(H), _row_spec(H), _row_spec(H)],
        out_shape=[jax.ShapeDtypeStruct((N, H), jnp.float32)] * 3,
    )(a, m, cv, ga, wc)


def _tc_final(xnp, a, m, cv, ga, w1, c1):
    return pl.pallas_call(
        _final_k,
        grid=(N // _BR,),
        in_specs=[_row_spec(H), _row_spec(H), _row_spec(H),
                  _full_spec(1, H), _full_spec(1, H), _full_spec(H, H),
                  _full_spec(1, H)],
        out_specs=_row_spec(H),
        out_shape=jax.ShapeDtypeStruct((N, H), jnp.float32),
    )(xnp, a, m, cv, ga, w1, c1)


def kernel(x, edge_index, lin0_W, lin0_b, lin0_g, lin0_beta, conv_Ws,
           conv_bs, conv_gs, conv_betas, lin1_W, lin1_b, lin1_g, lin1_beta):
    src = edge_index[0]
    dst = edge_index[1]

    sg0 = _BN_S * lin0_g
    w0 = lin0_W * sg0[None, :]
    c0 = (lin0_b * sg0 + lin0_beta)[None, :]
    sg1 = _BN_S * lin1_g
    w1 = lin1_W * sg1[None, :]
    c1 = (lin1_b * sg1 + lin1_beta)[None, :]

    wcs, cvs, gas = [], [], []
    for l in range(4):
        sg = _BN_S * conv_gs[l]
        sgn = jnp.where(sg >= 0, 1.0, -1.0)
        wt, wb = conv_Ws[l][:H], conv_Ws[l][H:]
        wcs.append(jnp.concatenate([(wt - wb) * sg[None, :],
                                    wb * sgn[None, :]], axis=1))
        cvs.append((conv_bs[l] * sg + conv_betas[l])[None, :])
        gas.append(jnp.abs(sg)[None, :])

    bsrc, bdst, cnts, bsrc2, bdst2, cnts2 = _bucket(src, dst)

    def pad(b):
        return jnp.pad(b, ((0, NPAD - N), (0, 0)))

    xn0, a0, b0 = _tc_first(x, w0, c0, wcs[0])
    m0 = _segmax(pad(b0), bsrc, bdst, cnts, bsrc2, bdst2, cnts2)[:N]
    xn1, a1, b1 = _tc_comb_sub(xn0, a0, m0, cvs[0], gas[0], wcs[1])
    m1 = _segmax(pad(b1), bsrc, bdst, cnts, bsrc2, bdst2, cnts2)[:N]
    xn2, a2, b2 = _tc_comb_set(a1, m1, cvs[1], gas[1], wcs[2])
    m2 = _segmax(pad(b2), bsrc, bdst, cnts, bsrc2, bdst2, cnts2)[:N]
    xn3, a3, b3 = _tc_comb_sub(xn2, a2, m2, cvs[2], gas[2], wcs[3])
    m3 = _segmax(pad(b3), bsrc, bdst, cnts, bsrc2, bdst2, cnts2)[:N]
    return _tc_final(xn3, a3, m3, cvs[3], gas[3], w1, c1)

# --- scband reference (transcript-rebuilt; emitter-appended) ---
"""Pipeline reference for scband-net-32787780337936 (READ-ONLY COPY).

The authoritative reference and input builder live on the scoring server;
editing this copy changes nothing except your own understanding.
"""

import jax, jax.numpy as jnp
import numpy as np

N = 10000
E = 320000
NIN = 128
H = 64


def _mlp_block(x, W, b, g, beta):
    # Linear -> BatchNorm1d (eval mode, running_mean=0, running_var=1) -> ReLU
    h = x @ W + b
    h = h / jnp.sqrt(1.0 + 1e-5) * g + beta
    return jax.nn.relu(h)


def _edge_conv(x, src, dst, W, b, g, beta, n):
    # PyG EdgeConv: message = nn(cat([x_i, x_j - x_i])), max-aggregated at target i
    xi = x[dst]
    xj = x[src]
    m = jnp.concatenate([xi, xj - xi], axis=-1)
    m = _mlp_block(m, W, b, g, beta)
    agg = jax.ops.segment_max(m, dst, num_segments=n)
    return jnp.where(jnp.isneginf(agg), 0.0, agg)


def setup_inputs(seed: int = 0) -> dict:
    key = jax.random.key(seed)
    ks = jax.random.split(key, 8)
    x = jax.random.normal(ks[0], (N, NIN), dtype=jnp.float32)
    edge_index = jax.random.randint(ks[1], (2, E), 0, N, dtype=jnp.int32)
    lin0_W = jax.random.normal(ks[2], (NIN, H), dtype=jnp.float32) * (1.0 / np.sqrt(NIN))
    lin0_b = jnp.zeros((H,), dtype=jnp.float32)
    lin0_g = jnp.ones((H,), dtype=jnp.float32)
    lin0_beta = jnp.zeros((H,), dtype=jnp.float32)
    conv_Ws = jax.random.normal(ks[3], (4, 2 * H, H), dtype=jnp.float32) * (1.0 / np.sqrt(2 * H))
    conv_bs = jnp.zeros((4, H), dtype=jnp.float32)
    conv_gs = jnp.ones((4, H), dtype=jnp.float32)
    conv_betas = jnp.zeros((4, H), dtype=jnp.float32)
    lin1_W = jax.random.normal(ks[4], (H, H), dtype=jnp.float32) * (1.0 / np.sqrt(H))
    lin1_b = jnp.zeros((H,), dtype=jnp.float32)
    lin1_g = jnp.ones((H,), dtype=jnp.float32)
    lin1_beta = jnp.zeros((H,), dtype=jnp.float32)
    return {
        'x': x, 'edge_index': edge_index,
        'lin0_W': lin0_W, 'lin0_b': lin0_b, 'lin0_g': lin0_g, 'lin0_beta': lin0_beta,
        'conv_Ws': conv_Ws, 'conv_bs': conv_bs, 'conv_gs': conv_gs, 'conv_betas': conv_betas,
        'lin1_W': lin1_W, 'lin1_b': lin1_b, 'lin1_g': lin1_g, 'lin1_beta': lin1_beta,
    }


def reference(x, edge_index, lin0_W, lin0_b, lin0_g, lin0_beta, conv_Ws, conv_bs, conv_gs, conv_betas, lin1_W, lin1_b, lin1_g, lin1_beta):
    src = edge_index[0]
    dst = edge_index[1]
    # dropout is identity in eval mode
    xn = _mlp_block(x, lin0_W, lin0_b, lin0_g, lin0_beta)
    out = _edge_conv(xn, src, dst, conv_Ws[0], conv_bs[0], conv_gs[0], conv_betas[0], N)
    xn = xn - out
    out = _edge_conv(xn, src, dst, conv_Ws[1], conv_bs[1], conv_gs[1], conv_betas[1], N)
    xn = out
    out = _edge_conv(xn, src, dst, conv_Ws[2], conv_bs[2], conv_gs[2], conv_betas[2], N)
    xn = xn - out
    out = _edge_conv(xn, src, dst, conv_Ws[3], conv_bs[3], conv_gs[3], conv_betas[3], N)
    xn = xn - out
    out = _mlp_block(xn, lin1_W, lin1_b, lin1_g, lin1_beta)
    return jax.nn.log_softmax(out, axis=1)

if __name__ == "__main__":
    import jax
    _d = setup_inputs()
    print(jax.jit(kernel)(*tuple(_d.values())))

</pallas_src>

<mosaic_0001>
#map = affine_map<(d0, d1) -> (0)>
#map1 = affine_map<(d0, d1) -> (0, 0)>
module attributes {stable_mosaic.version = 14 : i64} {
  func.func @_bucket_body(%arg0: i32, %arg1: i32, %arg2: memref<320000xi32, #tpu.memory_space<hbm>>, %arg3: memref<320000xi32, #tpu.memory_space<hbm>>, %arg4: memref<10485760xi32, #tpu.memory_space<hbm>>, %arg5: memref<10485760xi32, #tpu.memory_space<hbm>>, %arg6: memref<32x16xi32, #tpu.memory_space<hbm>>, %arg7: memref<524288xi32, #tpu.memory_space<hbm>>, %arg8: memref<524288xi32, #tpu.memory_space<hbm>>, %arg9: memref<32x16xi32, #tpu.memory_space<hbm>>, %arg10: memref<8000xi32, #tpu.memory_space<vmem>>, %arg11: memref<8000xi32, #tpu.memory_space<vmem>>, %arg12: memref<8000xi32, #tpu.memory_space<vmem>>, %arg13: memref<8000xi32, #tpu.memory_space<vmem>>, %arg14: memref<10208xi32, #tpu.memory_space<vmem>>, %arg15: memref<10208xi32, #tpu.memory_space<vmem>>, %arg16: memref<16xi32, #tpu.memory_space<vmem>>, %arg17: memref<328x16xi32, #tpu.memory_space<vmem>>, %arg18: memref<328x16xi32, #tpu.memory_space<vmem>>, %arg19: memref<16384xi32, #tpu.memory_space<vmem>>, %arg20: memref<16384xi32, #tpu.memory_space<vmem>>, %arg21: memref<!tpu.dma_semaphore, #tpu.memory_space<semaphore_mem>>, %arg22: memref<!tpu.dma_semaphore, #tpu.memory_space<semaphore_mem>>) attributes {dimension_semantics = [#tpu.dimension_semantics<core_parallel>, #tpu.dimension_semantics<subcore_parallel>], iteration_bounds = array<i64: 2, 16>, scalar_prefetch = 0 : i64, scratch_operands = 13 : i64, tpu.core_type = #tpu.core_type<sc_vector_subcore>, window_params = [{transform_indices = #map}, {transform_indices = #map}, {transform_indices = #map}, {transform_indices = #map}, {transform_indices = #map1}, {transform_indices = #map}, {transform_indices = #map}, {transform_indices = #map1}]} {
    %mul3A = arith.constant 2 : i32
    %mul3A_0 = arith.muli %arg1, %mul3A : i32
    %add3A = arith.addi %mul3A_0, %arg0 : i32
    %mul3A_1 = arith.constant 320 : i32
    %mul3A_2 = arith.muli %add3A, %mul3A_1 : i32
    %iota3A = tpu.iota {dimensions = array<i32: 0>} : vector<16xi32>
    %scan3A = arith.constant 0 : i32
    %scan3A_3 = arith.constant 0 : i32
    %scan3A_4 = arith.constant 638 : i32
    %scan3A_5 = arith.addi %scan3A_3, %scan3A_4 : i32
    %scan3A_6 = arith.constant 1 : i32
    %scan3A_7 = scf.for %scan3A_62 = %scan3A_3 to %scan3A_5 step %scan3A_6 iter_args(%scan3A_63 = %scan3A) -> (i32)  : i32 {
      %mul3A_64 = arith.constant 16 : i32
      %mul3A_65 = arith.muli %scan3A_62, %mul3A_64 : i32
      %add3A_66 = vector.broadcast %mul3A_65 : i32 to vector<16xi32>
      %add3A_67 = arith.addi %add3A_66, %iota3A : vector<16xi32>
      %and3A_68 = arith.constant 8191 : i32
      %and3A_69 = vector.broadcast %and3A_68 : i32 to vector<16xi32>
      %and3A_70 = arith.andi %add3A_67, %and3A_69 : vector<16xi32>
      %swap3A_71 = arith.index_cast %mul3A_65 : i32 to index
      %swap3A_72 = tpu.vector_load %arg14[%swap3A_71] {strides = array<i32>} : memref<10208xi32, #tpu.memory_space<vmem>>, vector<16xi32>,
      tpu.vector_store %arg14[%swap3A_71], %and3A_70 {strides = array<i32>} : memref<10208xi32, #tpu.memory_space<vmem>>, vector<16xi32>,
      %broadcast_in_dim3A_73 = arith.constant 320 : i32
      %broadcast_in_dim3A_74 = vector.broadcast %broadcast_in_dim3A_73 : i32 to vector<16xi32>
      %swap3A_75 = arith.index_cast %mul3A_65 : i32 to index
      %swap3A_76 = tpu.vector_load %arg15[%swap3A_75] {strides = array<i32>} : memref<10208xi32, #tpu.memory_space<vmem>>, vector<16xi32>,
      tpu.vector_store %arg15[%swap3A_75], %broadcast_in_dim3A_74 {strides = array<i32>} : memref<10208xi32, #tpu.memory_space<vmem>>, vector<16xi32>,
      %scan3A_77 = arith.constant 0 : i32
      scf.yield %scan3A_77 : i32
    }
    %scan3A_8 = arith.constant 638 : i32
    %multiple_of3A = arith.constant 0 : i32
    %multiple_of3A_9 = tpu.assume_multiple %multiple_of3A, 8 : i32
    %dma_start3A = tpu.memref_slice %arg3[%multiple_of3A_9] : memref<320000xi32, #tpu.memory_space<hbm>> -> memref<8000xi32, #tpu.memory_space<hbm>>
    %dma_start3A_10 = tpu.memref_slice %arg3[%multiple_of3A_9] : memref<320000xi32, #tpu.memory_space<hbm>> -> memref<8000xi32, #tpu.memory_space<hbm>>
    tpu.enqueue_dma source(%dma_start3A_10 : memref<8000xi32, #tpu.memory_space<hbm>>) target(%arg12 : memref<8000xi32, #tpu.memory_space<vmem>>) target_semaphore(%arg21 : memref<!tpu.dma_semaphore, #tpu.memory_space<semaphore_mem>>)
    %dma_start3A_11 = tpu.memref_slice %arg2[%multiple_of3A_9] : memref<320000xi32, #tpu.memory_space<hbm>> -> memref<8000xi32, #tpu.memory_space<hbm>>
    %dma_start3A_12 = tpu.memref_slice %arg2[%multiple_of3A_9] : memref<320000xi32, #tpu.memory_space<hbm>> -> memref<8000xi32, #tpu.memory_space<hbm>>
    tpu.enqueue_dma source(%dma_start3A_12 : memref<8000xi32, #tpu.memory_space<hbm>>) target(%arg10 : memref<8000xi32, #tpu.memory_space<vmem>>) target_semaphore(%arg21 : memref<!tpu.dma_semaphore, #tpu.memory_space<semaphore_mem>>)
    %broadcast_in_dim3A = arith.constant 0 : i32
    %broadcast_in_dim3A_13 = vector.broadcast %broadcast_in_dim3A : i32 to vector<16xi32>
    %scan3A_14 = arith.constant 0 : i32
    %scan3A_15 = arith.constant 0 : i32
    %scan3A_16 = arith.constant 20 : i32
    %scan3A_17 = arith.addi %scan3A_15, %scan3A_16 : i32
    %scan3A_18 = arith.constant 1 : i32
    %scan3A_19:2 = scf.for %scan3A_62 = %scan3A_15 to %scan3A_17 step %scan3A_18 iter_args(%scan3A_63 = %broadcast_in_dim3A_13, %scan3A_64 = %scan3A_14) -> (vector<16xi32>, i32)  : i32 {
      %mul3A_65 = arith.constant 2 : i32
      %mul3A_66 = arith.muli %scan3A_62, %mul3A_65 : i32
      %add3A_67 = arith.constant 0 : i32
      %add3A_68 = arith.addi %mul3A_66, %add3A_67 : i32
      %add3A_69 = arith.constant 1 : i32
      %add3A_70 = arith.addi %add3A_68, %add3A_69 : i32
      %lt3A = arith.constant 40 : i32
      %lt3A_71 = arith.cmpi slt, %add3A_70, %lt3A : i32
      %convert_element_type3A_72 = arith.extui %lt3A_71 : i1 to i32
      %cond3A_73 = arith.constant 0 : i32
      %cond3A_74 = arith.cmpi ne, %convert_element_type3A_72, %cond3A_73 : i32
      scf.if %cond3A_74 {
        %add3A_258 = arith.constant 1 : i32
        %add3A_259 = arith.addi %add3A_68, %add3A_258 : i32
        %mul3A_260 = arith.constant 8000 : i32
        %mul3A_261 = arith.muli %add3A_259, %mul3A_260 : i32
        %multiple_of3A_262 = tpu.assume_multiple %mul3A_261, 8 : i32
        %dma_start3A_263 = tpu.memref_slice %arg3[%multiple_of3A_262] : memref<320000xi32, #tpu.memory_space<hbm>> -> memref<8000xi32, #tpu.memory_space<hbm>>
        %dma_start3A_264 = tpu.memref_slice %arg3[%multiple_of3A_262] : memref<320000xi32, #tpu.memory_space<hbm>> -> memref<8000xi32, #tpu.memory_space<hbm>>
        tpu.enqueue_dma source(%dma_start3A_264 : memref<8000xi32, #tpu.memory_space<hbm>>) target(%arg13 : memref<8000xi32, #tpu.memory_space<vmem>>) target_semaphore(%arg22 : memref<!tpu.dma_semaphore, #tpu.memory_space<semaphore_mem>>)
        %dma_start3A_265 = tpu.memref_slice %arg2[%multiple_of3A_262] : memref<320000xi32, #tpu.memory_space<hbm>> -> memref<8000xi32, #tpu.memory_space<hbm>>
        %dma_start3A_266 = tpu.memref_slice %arg2[%multiple_of3A_262] : memref<320000xi32, #tpu.memory_space<hbm>> -> memref<8000xi32, #tpu.memory_space<hbm>>
        tpu.enqueue_dma source(%dma_start3A_266 : memref<8000xi32, #tpu.memory_space<hbm>>) target(%arg11 : memref<8000xi32, #tpu.memory_space<vmem>>) target_semaphore(%arg22 : memref<!tpu.dma_semaphore, #tpu.memory_space<semaphore_mem>>)
      } else {
      }
      %mul3A_75 = arith.constant 8000 : i32
      %mul3A_76 = arith.muli %add3A_68, %mul3A_75 : i32
      %multiple_of3A_77 = tpu.assume_multiple %mul3A_76, 8 : i32
      %dma_wait3A = tpu.memref_slice %arg3[%multiple_of3A_77] : memref<320000xi32, #tpu.memory_space<hbm>> -> memref<8000xi32, #tpu.memory_space<hbm>>
      %dma_wait3A_78 = tpu.memref_slice %arg3[%multiple_of3A_77] : memref<320000xi32, #tpu.memory_space<hbm>> -> memref<8000xi32, #tpu.memory_space<hbm>>
      tpu.wait_dma2 semaphore(%arg21 : memref<!tpu.dma_semaphore, #tpu.memory_space<semaphore_mem>>) src(%dma_wait3A_78 : memref<8000xi32, #tpu.memory_space<hbm>>) dst(%arg12 : memref<8000xi32, #tpu.memory_space<vmem>>)
      %dma_wait3A_79 = tpu.memref_slice %arg2[%multiple_of3A_77] : memref<320000xi32, #tpu.memory_space<hbm>> -> memref<8000xi32, #tpu.memory_space<hbm>>
      %dma_wait3A_80 = tpu.memref_slice %arg2[%multiple_of3A_77] : memref<320000xi32, #tpu.memory_space<hbm>> -> memref<8000xi32, #tpu.memory_space<hbm>>
      tpu.wait_dma2 semaphore(%arg21 : memref<!tpu.dma_semaphore, #tpu.memory_space<semaphore_mem>>) src(%dma_wait3A_80 : memref<8000xi32, #tpu.memory_space<hbm>>) dst(%arg10 : memref<8000xi32, #tpu.memory_space<vmem>>)
      %scan3A_81 = arith.constant 0 : i32
      %scan3A_82 = arith.constant 25 : i32
      %scan3A_83 = arith.addi %scan3A_81, %scan3A_82 : i32
      %scan3A_84 = arith.constant 1 : i32
      %scan3A_85 = scf.for %scan3A_258 = %scan3A_81 to %scan3A_83 step %scan3A_84 iter_args(%scan3A_259 = %scan3A_63) -> (vector<16xi32>)  : i32 {
        %mul3A_260 = arith.constant 5 : i32
        %mul3A_261 = arith.muli %scan3A_258, %mul3A_260 : i32
        %add3A_262 = arith.constant 0 : i32
        %add3A_263 = arith.addi %mul3A_261, %add3A_262 : i32
        %mul3A_264 = arith.constant 16 : i32
        %mul3A_265 = arith.muli %add3A_263, %mul3A_264 : i32
        %add3A_266 = arith.constant 0 : i32
        %add3A_267 = arith.addi %add3A_266, %mul3A_265 : i32
        %get3A = arith.index_cast %add3A_267 : i32 to index
        %get3A_268 = tpu.vector_load %arg12[%get3A] {strides = array<i32>} : memref<8000xi32, #tpu.memory_space<vmem>>, vector<16xi32>,
        %get3A_269 = arith.index_cast %add3A_267 : i32 to index
        %get3A_270 = tpu.vector_load %arg10[%get3A_269] {strides = array<i32>} : memref<8000xi32, #tpu.memory_space<vmem>>, vector<16xi32>,
        %ge3A_271 = vector.broadcast %mul3A_2 : i32 to vector<16xi32>
        %ge3A_272 = arith.cmpi sge, %get3A_268, %ge3A_271 : vector<16xi32>
        %add3A_273 = arith.constant 320 : i32
        %add3A_274 = arith.addi %mul3A_2, %add3A_273 : i32
        %lt3A_275 = vector.broadcast %add3A_274 : i32 to vector<16xi32>
        %lt3A_276 = arith.cmpi slt, %get3A_268, %lt3A_275 : vector<16xi32>
        %and3A_277 = arith.andi %ge3A_272, %lt3A_276 : vector<16xi1>
        %jit3A_278 = arith.constant 1 : i32
        %jit3A_279 = arith.constant 0 : i32
        %broadcast_in_dim3A_280 = vector.broadcast %jit3A_278 : i32 to vector<16xi32>
        %broadcast_in_dim3A_281 = vector.broadcast %jit3A_279 : i32 to vector<16xi32>
        %select_n3A_282 = arith.select %and3A_277, %broadcast_in_dim3A_280, %broadcast_in_dim3A_281 : vector<16xi1>, vector<16xi32>
        %broadcast_in_dim3A_283 = arith.constant true
        %broadcast_in_dim3A_284 = vector.broadcast %broadcast_in_dim3A_283 : i1 to vector<16xi1>
        %masked_cumsum3A = tpu.scan <sum>, %select_n3A_282 masked %broadcast_in_dim3A_284 : vector<16xi32>, vector<16xi1> -> vector<16xi32>
        %add3A_285 = arith.addi %scan3A_259, %masked_cumsum3A : vector<16xi32>
        %sub3A_286 = arith.constant 1 : i32
        %sub3A_287 = vector.broadcast %sub3A_286 : i32 to vector<16xi32>
        %sub3A_288 = arith.subi %add3A_285, %sub3A_287 : vector<16xi32>
        %sub3A_289 = vector.broadcast %mul3A_2 : i32 to vector<16xi32>
        %sub3A_290 = arith.subi %get3A_268, %sub3A_289 : vector<16xi32>
        tpu.vector_store_idx %arg15[%sub3A_288], %sub3A_290 masked %and3A_277 : memref<10208xi32, #tpu.memory_space<vmem>>[vector<16xi32>], vector<16xi32>, vector<16xi1>
        tpu.vector_store_idx %arg14[%sub3A_288], %get3A_270 masked %and3A_277 : memref<10208xi32, #tpu.memory_space<vmem>>[vector<16xi32>], vector<16xi32>, vector<16xi1>
        %all_reduce_population_count3A = tpu.all_reduce %and3A_277 {dim = 0 : i64, kind = #tpu.reduction_kind<sum>} : vector<16xi1> -> vector<16xi32>
        %add3A_291 = arith.addi %scan3A_259, %all_reduce_population_count3A : vector<16xi32>
        %mul3A_292 = arith.constant 5 : i32
        %mul3A_293 = arith.muli %scan3A_258, %mul3A_292 : i32
        %add3A_294 = arith.constant 1 : i32
        %add3A_295 = arith.addi %mul3A_293, %add3A_294 : i32
        %mul3A_296 = arith.constant 16 : i32
        %mul3A_297 = arith.muli %add3A_295, %mul3A_296 : i32
        %add3A_298 = arith.constant 0 : i32
        %add3A_299 = arith.addi %add3A_298, %mul3A_297 : i32
        %get3A_300 = arith.index_cast %add3A_299 : i32 to index
        %get3A_301 = tpu.vector_load %arg12[%get3A_300] {strides = array<i32>} : memref<8000xi32, #tpu.memory_space<vmem>>, vector<16xi32>,
        %get3A_302 = arith.index_cast %add3A_299 : i32 to index
        %get3A_303 = tpu.vector_load %arg10[%get3A_302] {strides = array<i32>} : memref<8000xi32, #tpu.memory_space<vmem>>, vector<16xi32>,
        %ge3A_304 = vector.broadcast %mul3A_2 : i32 to vector<16xi32>
        %ge3A_305 = arith.cmpi sge, %get3A_301, %ge3A_304 : vector<16xi32>
        %add3A_306 = arith.constant 320 : i32
        %add3A_307 = arith.addi %mul3A_2, %add3A_306 : i32
        %lt3A_308 = vector.broadcast %add3A_307 : i32 to vector<16xi32>
        %lt3A_309 = arith.cmpi slt, %get3A_301, %lt3A_308 : vector<16xi32>
        %and3A_310 = arith.andi %ge3A_305, %lt3A_309 : vector<16xi1>
        %jit3A_311 = arith.constant 1 : i32
        %jit3A_312 = arith.constant 0 : i32
        %broadcast_in_dim3A_313 = vector.broadcast %jit3A_311 : i32 to vector<16xi32>
        %broadcast_in_dim3A_314 = vector.broadcast %jit3A_312 : i32 to vector<16xi32>
        %select_n3A_315 = arith.select %and3A_310, %broadcast_in_dim3A_313, %broadcast_in_dim3A_314 : vector<16xi1>, vector<16xi32>
        %broadcast_in_dim3A_316 = arith.constant true
        %broadcast_in_dim3A_317 = vector.broadcast %broadcast_in_dim3A_316 : i1 to vector<16xi1>
        %masked_cumsum3A_318 = tpu.scan <sum>, %select_n3A_315 masked %broadcast_in_dim3A_317 : vector<16xi32>, vector<16xi1> -> vector<16xi32>
        %add3A_319 = arith.addi %add3A_291, %masked_cumsum3A_318 : vector<16xi32>
        %sub3A_320 = arith.constant 1 : i32
        %sub3A_321 = vector.broadcast %sub3A_320 : i32 to vector<16xi32>
        %sub3A_322 = arith.subi %add3A_319, %sub3A_321 : vector<16xi32>
        %sub3A_323 = vector.broadcast %mul3A_2 : i32 to vector<16xi32>
        %sub3A_324 = arith.subi %get3A_301, %sub3A_323 : vector<16xi32>
        tpu.vector_store_idx %arg15[%sub3A_322], %sub3A_324 masked %and3A_310 : memref<10208xi32, #tpu.memory_space<vmem>>[vector<16xi32>], vector<16xi32>, vector<16xi1>
        tpu.vector_store_idx %arg14[%sub3A_322], %get3A_303 masked %and3A_310 : memref<10208xi32, #tpu.memory_space<vmem>>[vector<16xi32>], vector<16xi32>, vector<16xi1>
        %all_reduce_population_count3A_325 = tpu.all_reduce %and3A_310 {dim = 0 : i64, kind = #tpu.reduction_kind<sum>} : vector<16xi1> -> vector<16xi32>
        %add3A_326 = arith.addi %add3A_291, %all_reduce_population_count3A_325 : vector<16xi32>
        %mul3A_327 = arith.constant 5 : i32
        %mul3A_328 = arith.muli %scan3A_258, %mul3A_327 : i32
        %add3A_329 = arith.constant 2 : i32
        %add3A_330 = arith.addi %mul3A_328, %add3A_329 : i32
        %mul3A_331 = arith.constant 16 : i32
        %mul3A_332 = arith.muli %add3A_330, %mul3A_331 : i32
        %add3A_333 = arith.constant 0 : i32
        %add3A_334 = arith.addi %add3A_333, %mul3A_332 : i32
        %get3A_335 = arith.index_cast %add3A_334 : i32 to index
        %get3A_336 = tpu.vector_load %arg12[%get3A_335] {strides = array<i32>} : memref<8000xi32, #tpu.memory_space<vmem>>, vector<16xi32>,
        %get3A_337 = arith.index_cast %add3A_334 : i32 to index
        %get3A_338 = tpu.vector_load %arg10[%get3A_337] {strides = array<i32>} : memref<8000xi32, #tpu.memory_space<vmem>>, vector<16xi32>,
        %ge3A_339 = vector.broadcast %mul3A_2 : i32 to vector<16xi32>
        %ge3A_340 = arith.cmpi sge, %get3A_336, %ge3A_339 : vector<16xi32>
        %add3A_341 = arith.constant 320 : i32
        %add3A_342 = arith.addi %mul3A_2, %add3A_341 : i32
        %lt3A_343 = vector.broadcast %add3A_342 : i32 to vector<16xi32>
        %lt3A_344 = arith.cmpi slt, %get3A_336, %lt3A_343 : vector<16xi32>
        %and3A_345 = arith.andi %ge3A_340, %lt3A_344 : vector<16xi1>
        %jit3A_346 = arith.constant 1 : i32
        %jit3A_347 = arith.constant 0 : i32
        %broadcast_in_dim3A_348 = vector.broadcast %jit3A_346 : i32 to vector<16xi32>
        %broadcast_in_dim3A_349 = vector.broadcast %jit3A_347 : i32 to vector<16xi32>
        %select_n3A_350 = arith.select %and3A_345, %broadcast_in_dim3A_348, %broadcast_in_dim3A_349 : vector<16xi1>, vector<16xi32>
        %broadcast_in_dim3A_351 = arith.constant true
        %broadcast_in_dim3A_352 = vector.broadcast %broadcast_in_dim3A_351 : i1 to vector<16xi1>
        %masked_cumsum3A_353 = tpu.scan <sum>, %select_n3A_350 masked %broadcast_in_dim3A_352 : vector<16xi32>, vector<16xi1> -> vector<16xi32>
        %add3A_354 = arith.addi %add3A_326, %masked_cumsum3A_353 : vector<16xi32>
        %sub3A_355 = arith.constant 1 : i32
        %sub3A_356 = vector.broadcast %sub3A_355 : i32 to vector<16xi32>
        %sub3A_357 = arith.subi %add3A_354, %sub3A_356 : vector<16xi32>
        %sub3A_358 = vector.broadcast %mul3A_2 : i32 to vector<16xi32>
        %sub3A_359 = arith.subi %get3A_336, %sub3A_358 : vector<16xi32>
        tpu.vector_store_idx %arg15[%sub3A_357], %sub3A_359 masked %and3A_345 : memref<10208xi32, #tpu.memory_space<vmem>>[vector<16xi32>], vector<16xi32>, vector<16xi1>
        tpu.vector_store_idx %arg14[%sub3A_357], %get3A_338 masked %and3A_345 : memref<10208xi32, #tpu.memory_space<vmem>>[vector<16xi32>], vector<16xi32>, vector<16xi1>
        %all_reduce_population_count3A_360 = tpu.all_reduce %and3A_345 {dim = 0 : i64, kind = #tpu.reduction_kind<sum>} : vector<16xi1> -> vector<16xi32>
        %add3A_361 = arith.addi %add3A_326, %all_reduce_population_count3A_360 : vector<16xi32>
        %mul3A_362 = arith.constant 5 : i32
        %mul3A_363 = arith.muli %scan3A_258, %mul3A_362 : i32
        %add3A_364 = arith.constant 3 : i32
        %add3A_365 = arith.addi %mul3A_363, %add3A_364 : i32
        %mul3A_366 = arith.constant 16 : i32
        %mul3A_367 = arith.muli %add3A_365, %mul3A_366 : i32
        %add3A_368 = arith.constant 0 : i32
        %add3A_369 = arith.addi %add3A_368, %mul3A_367 : i32
        %get3A_370 = arith.index_cast %add3A_369 : i32 to index
        %get3A_371 = tpu.vector_load %arg12[%get3A_370] {strides = array<i32>} : memref<8000xi32, #tpu.memory_space<vmem>>, vector<16xi32>,
        %get3A_372 = arith.index_cast %add3A_369 : i32 to index
        %get3A_373 = tpu.vector_load %arg10[%get3A_372] {strides = array<i32>} : memref<8000xi32, #tpu.memory_space<vmem>>, vector<16xi32>,
        %ge3A_374 = vector.broadcast %mul3A_2 : i32 to vector<16xi32>
        %ge3A_375 = arith.cmpi sge, %get3A_371, %ge3A_374 : vector<16xi32>
        %add3A_376 = arith.constant 320 : i32
        %add3A_377 = arith.addi %mul3A_2, %add3A_376 : i32
        %lt3A_378 = vector.broadcast %add3A_377 : i32 to vector<16xi32>
        %lt3A_379 = arith.cmpi slt, %get3A_371, %lt3A_378 : vector<16xi32>
        %and3A_380 = arith.andi %ge3A_375, %lt3A_379 : vector<16xi1>
        %jit3A_381 = arith.constant 1 : i32
        %jit3A_382 = arith.constant 0 : i32
        %broadcast_in_dim3A_383 = vector.broadcast %jit3A_381 : i32 to vector<16xi32>
        %broadcast_in_dim3A_384 = vector.broadcast %jit3A_382 : i32 to vector<16xi32>
        %select_n3A_385 = arith.select %and3A_380, %broadcast_in_dim3A_383, %broadcast_in_dim3A_384 : vector<16xi1>, vector<16xi32>
        %broadcast_in_dim3A_386 = arith.constant true
        %broadcast_in_dim3A_387 = vector.broadcast %broadcast_in_dim3A_386 : i1 to vector<16xi1>
        %masked_cumsum3A_388 = tpu.scan <sum>, %select_n3A_385 masked %broadcast_in_dim3A_387 : vector<16xi32>, vector<16xi1> -> vector<16xi32>
        %add3A_389 = arith.addi %add3A_361, %masked_cumsum3A_388 : vector<16xi32>
        %sub3A_390 = arith.constant 1 : i32
        %sub3A_391 = vector.broadcast %sub3A_390 : i32 to vector<16xi32>
        %sub3A_392 = arith.subi %add3A_389, %sub3A_391 : vector<16xi32>
        %sub3A_393 = vector.broadcast %mul3A_2 : i32 to vector<16xi32>
        %sub3A_394 = arith.subi %get3A_371, %sub3A_393 : vector<16xi32>
        tpu.vector_store_idx %arg15[%sub3A_392], %sub3A_394 masked %and3A_380 : memref<10208xi32, #tpu.memory_space<vmem>>[vector<16xi32>], vector<16xi32>, vector<16xi1>
        tpu.vector_store_idx %arg14[%sub3A_392], %get3A_373 masked %and3A_380 : memref<10208xi32, #tpu.memory_space<vmem>>[vector<16xi32>], vector<16xi32>, vector<16xi1>
        %all_reduce_population_count3A_395 = tpu.all_reduce %and3A_380 {dim = 0 : i64, kind = #tpu.reduction_kind<sum>} : vector<16xi1> -> vector<16xi32>
        %add3A_396 = arith.addi %add3A_361, %all_reduce_population_count3A_395 : vector<16xi32>
        %mul3A_397 = arith.constant 5 : i32
        %mul3A_398 = arith.muli %scan3A_258, %mul3A_397 : i32
        %add3A_399 = arith.constant 4 : i32
        %add3A_400 = arith.addi %mul3A_398, %add3A_399 : i32
        %mul3A_401 = arith.constant 16 : i32
        %mul3A_402 = arith.muli %add3A_400, %mul3A_401 : i32
        %add3A_403 = arith.constant 0 : i32
        %add3A_404 = arith.addi %add3A_403, %mul3A_402 : i32
        %get3A_405 = arith.index_cast %add3A_404 : i32 to index
        %get3A_406 = tpu.vector_load %arg12[%get3A_405] {strides = array<i32>} : memref<8000xi32, #tpu.memory_space<vmem>>, vector<16xi32>,
        %get3A_407 = arith.index_cast %add3A_404 : i32 to index
        %get3A_408 = tpu.vector_load %arg10[%get3A_407] {strides = array<i32>} : memref<8000xi32, #tpu.memory_space<vmem>>, vector<16xi32>,
        %ge3A_409 = vector.broadcast %mul3A_2 : i32 to vector<16xi32>
        %ge3A_410 = arith.cmpi sge, %get3A_406, %ge3A_409 : vector<16xi32>
        %add3A_411 = arith.constant 320 : i32
        %add3A_412 = arith.addi %mul3A_2, %add3A_411 : i32
        %lt3A_413 = vector.broadcast %add3A_412 : i32 to vector<16xi32>
        %lt3A_414 = arith.cmpi slt, %get3A_406, %lt3A_413 : vector<16xi32>
        %and3A_415 = arith.andi %ge3A_410, %lt3A_414 : vector<16xi1>
        %jit3A_416 = arith.constant 1 : i32
        %jit3A_417 = arith.constant 0 : i32
        %broadcast_in_dim3A_418 = vector.broadcast %jit3A_416 : i32 to vector<16xi32>
        %broadcast_in_dim3A_419 = vector.broadcast %jit3A_417 : i32 to vector<16xi32>
        %select_n3A_420 = arith.select %and3A_415, %broadcast_in_dim3A_418, %broadcast_in_dim3A_419 : vector<16xi1>, vector<16xi32>
        %broadcast_in_dim3A_421 = arith.constant true
        %broadcast_in_dim3A_422 = vector.broadcast %broadcast_in_dim3A_421 : i1 to vector<16xi1>
        %masked_cumsum3A_423 = tpu.scan <sum>, %select_n3A_420 masked %broadcast_in_dim3A_422 : vector<16xi32>, vector<16xi1> -> vector<16xi32>
        %add3A_424 = arith.addi %add3A_396, %masked_cumsum3A_423 : vector<16xi32>
        %sub3A_425 = arith.constant 1 : i32
        %sub3A_426 = vector.broadcast %sub3A_425 : i32 to vector<16xi32>
        %sub3A_427 = arith.subi %add3A_424, %sub3A_426 : vector<16xi32>
        %sub3A_428 = vector.broadcast %mul3A_2 : i32 to vector<16xi32>
        %sub3A_429 = arith.subi %get3A_406, %sub3A_428 : vector<16xi32>
        tpu.vector_store_idx %arg15[%sub3A_427], %sub3A_429 masked %and3A_415 : memref<10208xi32, #tpu.memory_space<vmem>>[vector<16xi32>], vector<16xi32>, vector<16xi1>
        tpu.vector_store_idx %arg14[%sub3A_427], %get3A_408 masked %and3A_415 : memref<10208xi32, #tpu.memory_space<vmem>>[vector<16xi32>], vector<16xi32>, vector<16xi1>
        %all_reduce_population_count3A_430 = tpu.all_reduce %and3A_415 {dim = 0 : i64, kind = #tpu.reduction_kind<sum>} : vector<16xi1> -> vector<16xi32>
        %add3A_431 = arith.addi %add3A_396, %all_reduce_population_count3A_430 : vector<16xi32>
        scf.yield %add3A_431 : vector<16xi32>
      }
      %scan3A_86 = arith.constant 25 : i32
      %reduce_max3A_87 = arith.constant true
      %reduce_max3A_88 = vector.broadcast %reduce_max3A_87 : i1 to vector<16xi1>
      %reduce_max3A_89 = arith.constant -2147483648 : i32
      %reduce_max3A_90 = vector.broadcast %reduce_max3A_89 : i32 to vector<16xi32>
      %reduce_max3A_91 = arith.xori %scan3A_85, %reduce_max3A_90 : vector<16xi32>
      %reduce_max3A_92 = tpu.scan <max>, %reduce_max3A_91 masked %reduce_max3A_88 : vector<16xi32>, vector<16xi1> -> vector<16xi32>
      %reduce_max3A_93 = arith.xori %reduce_max3A_92, %reduce_max3A_90 : vector<16xi32>
      %reduce_max3A_94 = vector.extract %reduce_max3A_93[15] : i32 from vector<16xi32>
      %ge3A = arith.constant 8192 : i32
      %ge3A_95 = arith.cmpi sge, %reduce_max3A_94, %ge3A : i32
      %convert_element_type3A_96 = arith.extui %ge3A_95 : i1 to i32
      %cond3A_97 = arith.constant 0 : i32
      %cond3A_98 = arith.cmpi ne, %convert_element_type3A_96, %cond3A_97 : i32
      %cond3A_99:2 = scf.if %cond3A_98 -> (vector<16xi32>, i32) {
        %mul3A_258 = arith.constant 327680 : i32
        %mul3A_259 = arith.muli %add3A, %mul3A_258 : i32
        %add3A_260 = arith.addi %mul3A_259, %scan3A_64 : i32
        %multiple_of3A_261 = tpu.assume_multiple %add3A_260, 8192 : i32
        "tpu.region"() ({
          %run_scoped3A = tpu.sem_alloc : memref<!tpu.dma_semaphore, #tpu.memory_space<semaphore_mem>>
          %dma_start3A_274 = arith.constant 0 : i32
          %dma_start3A_275 = tpu.memref_slice %arg14[%dma_start3A_274] : memref<10208xi32, #tpu.memory_space<vmem>> -> memref<8192xi32, #tpu.memory_space<vmem>>
          %dma_start3A_276 = tpu.memref_slice %arg4[%multiple_of3A_261] : memref<10485760xi32, #tpu.memory_space<hbm>> -> memref<8192xi32, #tpu.memory_space<hbm>>
          %dma_start3A_277 = tpu.memref_slice %arg4[%multiple_of3A_261] : memref<10485760xi32, #tpu.memory_space<hbm>> -> memref<8192xi32, #tpu.memory_space<hbm>>
          %dma_start3A_278 = arith.constant 0 : i32
          %dma_start3A_279 = tpu.memref_slice %arg14[%dma_start3A_278] : memref<10208xi32, #tpu.memory_space<vmem>> -> memref<8192xi32, #tpu.memory_space<vmem>>
          tpu.enqueue_dma source(%dma_start3A_279 : memref<8192xi32, #tpu.memory_space<vmem>>) target(%dma_start3A_277 : memref<8192xi32, #tpu.memory_space<hbm>>) target_semaphore(%run_scoped3A : memref<!tpu.dma_semaphore, #tpu.memory_space<semaphore_mem>>)
          %dma_wait3A_280 = arith.constant 0 : i32
          %dma_wait3A_281 = tpu.memref_slice %arg14[%dma_wait3A_280] : memref<10208xi32, #tpu.memory_space<vmem>> -> memref<8192xi32, #tpu.memory_space<vmem>>
          %dma_wait3A_282 = tpu.memref_slice %arg4[%multiple_of3A_261] : memref<10485760xi32, #tpu.memory_space<hbm>> -> memref<8192xi32, #tpu.memory_space<hbm>>
          %dma_wait3A_283 = tpu.memref_slice %arg4[%multiple_of3A_261] : memref<10485760xi32, #tpu.memory_space<hbm>> -> memref<8192xi32, #tpu.memory_space<hbm>>
          %dma_wait3A_284 = arith.constant 0 : i32
          %dma_wait3A_285 = tpu.memref_slice %arg14[%dma_wait3A_284] : memref<10208xi32, #tpu.memory_space<vmem>> -> memref<8192xi32, #tpu.memory_space<vmem>>
          tpu.wait_dma2 semaphore(%run_scoped3A : memref<!tpu.dma_semaphore, #tpu.memory_space<semaphore_mem>>) src(%dma_wait3A_285 : memref<8192xi32, #tpu.memory_space<vmem>>) dst(%dma_wait3A_283 : memref<8192xi32, #tpu.memory_space<hbm>>)
          tpu.yield
        }) : () -> ()
        "tpu.region"() ({
          %run_scoped3A = tpu.sem_alloc : memref<!tpu.dma_semaphore, #tpu.memory_space<semaphore_mem>>
          %dma_start3A_274 = arith.constant 0 : i32
          %dma_start3A_275 = tpu.memref_slice %arg15[%dma_start3A_274] : memref<10208xi32, #tpu.memory_space<vmem>> -> memref<8192xi32, #tpu.memory_space<vmem>>
          %dma_start3A_276 = tpu.memref_slice %arg5[%multiple_of3A_261] : memref<10485760xi32, #tpu.memory_space<hbm>> -> memref<8192xi32, #tpu.memory_space<hbm>>
          %dma_start3A_277 = tpu.memref_slice %arg5[%multiple_of3A_261] : memref<10485760xi32, #tpu.memory_space<hbm>> -> memref<8192xi32, #tpu.memory_space<hbm>>
          %dma_start3A_278 = arith.constant 0 : i32
          %dma_start3A_279 = tpu.memref_slice %arg15[%dma_start3A_278] : memref<10208xi32, #tpu.memory_space<vmem>> -> memref<8192xi32, #tpu.memory_space<vmem>>
          tpu.enqueue_dma source(%dma_start3A_279 : memref<8192xi32, #tpu.memory_space<vmem>>) target(%dma_start3A_277 : memref<8192xi32, #tpu.memory_space<hbm>>) target_semaphore(%run_scoped3A : memref<!tpu.dma_semaphore, #tpu.memory_space<semaphore_mem>>)
          %dma_wait3A_280 = arith.constant 0 : i32
          %dma_wait3A_281 = tpu.memref_slice %arg15[%dma_wait3A_280] : memref<10208xi32, #tpu.memory_space<vmem>> -> memref<8192xi32, #tpu.memory_space<vmem>>
          %dma_wait3A_282 = tpu.memref_slice %arg5[%multiple_of3A_261] : memref<10485760xi32, #tpu.memory_space<hbm>> -> memref<8192xi32, #tpu.memory_space<hbm>>
          %dma_wait3A_283 = tpu.memref_slice %arg5[%multiple_of3A_261] : memref<10485760xi32, #tpu.memory_space<hbm>> -> memref<8192xi32, #tpu.memory_space<hbm>>
          %dma_wait3A_284 = arith.constant 0 : i32
          %dma_wait3A_285 = tpu.memref_slice %arg15[%dma_wait3A_284] : memref<10208xi32, #tpu.memory_space<vmem>> -> memref<8192xi32, #tpu.memory_space<vmem>>
          tpu.wait_dma2 semaphore(%run_scoped3A : memref<!tpu.dma_semaphore, #tpu.memory_space<semaphore_mem>>) src(%dma_wait3A_285 : memref<8192xi32, #tpu.memory_space<vmem>>) dst(%dma_wait3A_283 : memref<8192xi32, #tpu.memory_space<hbm>>)
          tpu.yield
        }) : () -> ()
        %scan3A_262 = arith.constant 0 : i32
        %scan3A_263 = arith.constant 0 : i32
        %scan3A_264 = arith.constant 126 : i32
        %scan3A_265 = arith.addi %scan3A_263, %scan3A_264 : i32
        %scan3A_266 = arith.constant 1 : i32
        %scan3A_267 = scf.for %scan3A_274 = %scan3A_263 to %scan3A_265 step %scan3A_266 iter_args(%scan3A_275 = %scan3A_262) -> (i32)  : i32 {
          %mul3A_276 = arith.constant 16 : i32
          %mul3A_277 = arith.muli %scan3A_274, %mul3A_276 : i32
          %add3A_278 = arith.constant 8192 : i32
          %add3A_279 = arith.addi %add3A_278, %mul3A_277 : i32
          %get3A = arith.index_cast %add3A_279 : i32 to index
          %get3A_280 = tpu.vector_load %arg14[%get3A] {strides = array<i32>} : memref<10208xi32, #tpu.memory_space<vmem>>, vector<16xi32>,
          %mul3A_281 = arith.constant 16 : i32
          %mul3A_282 = arith.muli %scan3A_274, %mul3A_281 : i32
          %add3A_283 = arith.constant 8192 : i32
          %add3A_284 = arith.addi %add3A_283, %mul3A_282 : i32
          %get3A_285 = arith.index_cast %add3A_284 : i32 to index
          %get3A_286 = tpu.vector_load %arg15[%get3A_285] {strides = array<i32>} : memref<10208xi32, #tpu.memory_space<vmem>>, vector<16xi32>,
          %mul3A_287 = arith.constant 16 : i32
          %mul3A_288 = arith.muli %scan3A_274, %mul3A_287 : i32
          %swap3A_289 = arith.index_cast %mul3A_288 : i32 to index
          %swap3A_290 = tpu.vector_load %arg14[%swap3A_289] {strides = array<i32>} : memref<10208xi32, #tpu.memory_space<vmem>>, vector<16xi32>,
          tpu.vector_store %arg14[%swap3A_289], %get3A_280 {strides = array<i32>} : memref<10208xi32, #tpu.memory_space<vmem>>, vector<16xi32>,
          %mul3A_291 = arith.constant 16 : i32
          %mul3A_292 = arith.muli %scan3A_274, %mul3A_291 : i32
          %swap3A_293 = arith.index_cast %mul3A_292 : i32 to index
          %swap3A_294 = tpu.vector_load %arg15[%swap3A_293] {strides = array<i32>} : memref<10208xi32, #tpu.memory_space<vmem>>, vector<16xi32>,
          tpu.vector_store %arg15[%swap3A_293], %get3A_286 {strides = array<i32>} : memref<10208xi32, #tpu.memory_space<vmem>>, vector<16xi32>,
          %scan3A_295 = arith.constant 0 : i32
          scf.yield %scan3A_295 : i32
        }
        %scan3A_268 = arith.constant 126 : i32
        %sub3A_269 = arith.constant 8192 : i32
        %sub3A_270 = vector.broadcast %sub3A_269 : i32 to vector<16xi32>
        %sub3A_271 = arith.subi %scan3A_85, %sub3A_270 : vector<16xi32>
        %add3A_272 = arith.constant 8192 : i32
        %add3A_273 = arith.addi %scan3A_64, %add3A_272 : i32
        scf.yield %sub3A_271, %add3A_273 : vector<16xi32>, i32
      } else {
        scf.yield %scan3A_85, %scan3A_64 : vector<16xi32>, i32
      }
      %scan3A_100 = arith.constant 0 : i32
      %scan3A_101 = arith.constant 25 : i32
      %scan3A_102 = arith.addi %scan3A_100, %scan3A_101 : i32
      %scan3A_103 = arith.constant 1 : i32
      %scan3A_104 = scf.for %scan3A_258 = %scan3A_100 to %scan3A_102 step %scan3A_103 iter_args(%scan3A_259 = %cond3A_99#0) -> (vector<16xi32>)  : i32 {
        %mul3A_260 = arith.constant 5 : i32
        %mul3A_261 = arith.muli %scan3A_258, %mul3A_260 : i32
        %add3A_262 = arith.constant 0 : i32
        %add3A_263 = arith.addi %mul3A_261, %add3A_262 : i32
        %mul3A_264 = arith.constant 16 : i32
        %mul3A_265 = arith.muli %add3A_263, %mul3A_264 : i32
        %add3A_266 = arith.constant 2000 : i32
        %add3A_267 = arith.addi %add3A_266, %mul3A_265 : i32
        %get3A = arith.index_cast %add3A_267 : i32 to index
        %get3A_268 = tpu.vector_load %arg12[%get3A] {strides = array<i32>} : memref<8000xi32, #tpu.memory_space<vmem>>, vector<16xi32>,
        %get3A_269 = arith.index_cast %add3A_267 : i32 to index
        %get3A_270 = tpu.vector_load %arg10[%get3A_269] {strides = array<i32>} : memref<8000xi32, #tpu.memory_space<vmem>>, vector<16xi32>,
        %ge3A_271 = vector.broadcast %mul3A_2 : i32 to vector<16xi32>
        %ge3A_272 = arith.cmpi sge, %get3A_268, %ge3A_271 : vector<16xi32>
        %add3A_273 = arith.constant 320 : i32
        %add3A_274 = arith.addi %mul3A_2, %add3A_273 : i32
        %lt3A_275 = vector.broadcast %add3A_274 : i32 to vector<16xi32>
        %lt3A_276 = arith.cmpi slt, %get3A_268, %lt3A_275 : vector<16xi32>
        %and3A_277 = arith.andi %ge3A_272, %lt3A_276 : vector<16xi1>
        %jit3A_278 = arith.constant 1 : i32
        %jit3A_279 = arith.constant 0 : i32
        %broadcast_in_dim3A_280 = vector.broadcast %jit3A_278 : i32 to vector<16xi32>
        %broadcast_in_dim3A_281 = vector.broadcast %jit3A_279 : i32 to vector<16xi32>
        %select_n3A_282 = arith.select %and3A_277, %broadcast_in_dim3A_280, %broadcast_in_dim3A_281 : vector<16xi1>, vector<16xi32>
        %broadcast_in_dim3A_283 = arith.constant true
        %broadcast_in_dim3A_284 = vector.broadcast %broadcast_in_dim3A_283 : i1 to vector<16xi1>
        %masked_cumsum3A = tpu.scan <sum>, %select_n3A_282 masked %broadcast_in_dim3A_284 : vector<16xi32>, vector<16xi1> -> vector<16xi32>
        %add3A_285 = arith.addi %scan3A_259, %masked_cumsum3A : vector<16xi32>
        %sub3A_286 = arith.constant 1 : i32
        %sub3A_287 = vector.broadcast %sub3A_286 : i32 to vector<16xi32>
        %sub3A_288 = arith.subi %add3A_285, %sub3A_287 : vector<16xi32>
        %sub3A_289 = vector.broadcast %mul3A_2 : i32 to vector<16xi32>
        %sub3A_290 = arith.subi %get3A_268, %sub3A_289 : vector<16xi32>
        tpu.vector_store_idx %arg15[%sub3A_288], %sub3A_290 masked %and3A_277 : memref<10208xi32, #tpu.memory_space<vmem>>[vector<16xi32>], vector<16xi32>, vector<16xi1>
        tpu.vector_store_idx %arg14[%sub3A_288], %get3A_270 masked %and3A_277 : memref<10208xi32, #tpu.memory_space<vmem>>[vector<16xi32>], vector<16xi32>, vector<16xi1>
        %all_reduce_population_count3A = tpu.all_reduce %and3A_277 {dim = 0 : i64, kind = #tpu.reduction_kind<sum>} : vector<16xi1> -> vector<16xi32>
        %add3A_291 = arith.addi %scan3A_259, %all_reduce_population_count3A : vector<16xi32>
        %mul3A_292 = arith.constant 5 : i32
        %mul3A_293 = arith.muli %scan3A_258, %mul3A_292 : i32
        %add3A_294 = arith.constant 1 : i32
        %add3A_295 = arith.addi %mul3A_293, %add3A_294 : i32
        %mul3A_296 = arith.constant 16 : i32
        %mul3A_297 = arith.muli %add3A_295, %mul3A_296 : i32
        %add3A_298 = arith.constant 2000 : i32
        %add3A_299 = arith.addi %add3A_298, %mul3A_297 : i32
        %get3A_300 = arith.index_cast %add3A_299 : i32 to index
        %get3A_301 = tpu.vector_load %arg12[%get3A_300] {strides = array<i32>} : memref<8000xi32, #tpu.memory_space<vmem>>, vector<16xi32>,
        %get3A_302 = arith.index_cast %add3A_299 : i32 to index
        %get3A_303 = tpu.vector_load %arg10[%get3A_302] {strides = array<i32>} : memref<8000xi32, #tpu.memory_space<vmem>>, vector<16xi32>,
        %ge3A_304 = vector.broadcast %mul3A_2 : i32 to vector<16xi32>
        %ge3A_305 = arith.cmpi sge, %get3A_301, %ge3A_304 : vector<16xi32>
        %add3A_306 = arith.constant 320 : i32
        %add3A_307 = arith.addi %mul3A_2, %add3A_306 : i32
        %lt3A_308 = vector.broadcast %add3A_307 : i32 to vector<16xi32>
        %lt3A_309 = arith.cmpi slt, %get3A_301, %lt3A_308 : vector<16xi32>
        %and3A_310 = arith.andi %ge3A_305, %lt3A_309 : vector<16xi1>
        %jit3A_311 = arith.constant 1 : i32
        %jit3A_312 = arith.constant 0 : i32
        %broadcast_in_dim3A_313 = vector.broadcast %jit3A_311 : i32 to vector<16xi32>
        %broadcast_in_dim3A_314 = vector.broadcast %jit3A_312 : i32 to vector<16xi32>
        %select_n3A_315 = arith.select %and3A_310, %broadcast_in_dim3A_313, %broadcast_in_dim3A_314 : vector<16xi1>, vector<16xi32>
        %broadcast_in_dim3A_316 = arith.constant true
        %broadcast_in_dim3A_317 = vector.broadcast %broadcast_in_dim3A_316 : i1 to vector<16xi1>
        %masked_cumsum3A_318 = tpu.scan <sum>, %select_n3A_315 masked %broadcast_in_dim3A_317 : vector<16xi32>, vector<16xi1> -> vector<16xi32>
        %add3A_319 = arith.addi %add3A_291, %masked_cumsum3A_318 : vector<16xi32>
        %sub3A_320 = arith.constant 1 : i32
        %sub3A_321 = vector.broadcast %sub3A_320 : i32 to vector<16xi32>
        %sub3A_322 = arith.subi %add3A_319, %sub3A_321 : vector<16xi32>
        %sub3A_323 = vector.broadcast %mul3A_2 : i32 to vector<16xi32>
        %sub3A_324 = arith.subi %get3A_301, %sub3A_323 : vector<16xi32>
        tpu.vector_store_idx %arg15[%sub3A_322], %sub3A_324 masked %and3A_310 : memref<10208xi32, #tpu.memory_space<vmem>>[vector<16xi32>], vector<16xi32>, vector<16xi1>
        tpu.vector_store_idx %arg14[%sub3A_322], %get3A_303 masked %and3A_310 : memref<10208xi32, #tpu.memory_space<vmem>>[vector<16xi32>], vector<16xi32>, vector<16xi1>
        %all_reduce_population_count3A_325 = tpu.all_reduce %and3A_310 {dim = 0 : i64, kind = #tpu.reduction_kind<sum>} : vector<16xi1> -> vector<16xi32>
        %add3A_326 = arith.addi %add3A_291, %all_reduce_population_count3A_325 : vector<16xi32>
        %mul3A_327 = arith.constant 5 : i32
        %mul3A_328 = arith.muli %scan3A_258, %mul3A_327 : i32
        %add3A_329 = arith.constant 2 : i32
        %add3A_330 = arith.addi %mul3A_328, %add3A_329 : i32
        %mul3A_331 = arith.constant 16 : i32
        %mul3A_332 = arith.muli %add3A_330, %mul3A_331 : i32
        %add3A_333 = arith.constant 2000 : i32
        %add3A_334 = arith.addi %add3A_333, %mul3A_332 : i32
        %get3A_335 = arith.index_cast %add3A_334 : i32 to index
        %get3A_336 = tpu.vector_load %arg12[%get3A_335] {strides = array<i32>} : memref<8000xi32, #tpu.memory_space<vmem>>, vector<16xi32>,
        %get3A_337 = arith.index_cast %add3A_334 : i32 to index
        %get3A_338 = tpu.vector_load %arg10[%get3A_337] {strides = array<i32>} : memref<8000xi32, #tpu.memory_space<vmem>>, vector<16xi32>,
        %ge3A_339 = vector.broadcast %mul3A_2 : i32 to vector<16xi32>
        %ge3A_340 = arith.cmpi sge, %get3A_336, %ge3A_339 : vector<16xi32>
        %add3A_341 = arith.constant 320 : i32
        %add3A_342 = arith.addi %mul3A_2, %add3A_341 : i32
        %lt3A_343 = vector.broadcast %add3A_342 : i32 to vector<16xi32>
        %lt3A_344 = arith.cmpi slt, %get3A_336, %lt3A_343 : vector<16xi32>
        %and3A_345 = arith.andi %ge3A_340, %lt3A_344 : vector<16xi1>
        %jit3A_346 = arith.constant 1 : i32
        %jit3A_347 = arith.constant 0 : i32
        %broadcast_in_dim3A_348 = vector.broadcast %jit3A_346 : i32 to vector<16xi32>
        %broadcast_in_dim3A_349 = vector.broadcast %jit3A_347 : i32 to vector<16xi32>
        %select_n3A_350 = arith.select %and3A_345, %broadcast_in_dim3A_348, %broadcast_in_dim3A_349 : vector<16xi1>, vector<16xi32>
        %broadcast_in_dim3A_351 = arith.constant true
        %broadcast_in_dim3A_352 = vector.broadcast %broadcast_in_dim3A_351 : i1 to vector<16xi1>
        %masked_cumsum3A_353 = tpu.scan <sum>, %select_n3A_350 masked %broadcast_in_dim3A_352 : vector<16xi32>, vector<16xi1> -> vector<16xi32>
        %add3A_354 = arith.addi %add3A_326, %masked_cumsum3A_353 : vector<16xi32>
        %sub3A_355 = arith.constant 1 : i32
        %sub3A_356 = vector.broadcast %sub3A_355 : i32 to vector<16xi32>
        %sub3A_357 = arith.subi %add3A_354, %sub3A_356 : vector<16xi32>
        %sub3A_358 = vector.broadcast %mul3A_2 : i32 to vector<16xi32>
        %sub3A_359 = arith.subi %get3A_336, %sub3A_358 : vector<16xi32>
        tpu.vector_store_idx %arg15[%sub3A_357], %sub3A_359 masked %and3A_345 : memref<10208xi32, #tpu.memory_space<vmem>>[vector<16xi32>], vector<16xi32>, vector<16xi1>
        tpu.vector_store_idx %arg14[%sub3A_357], %get3A_338 masked %and3A_345 : memref<10208xi32, #tpu.memory_space<vmem>>[vector<16xi32>], vector<16xi32>, vector<16xi1>
        %all_reduce_population_count3A_360 = tpu.all_reduce %and3A_345 {dim = 0 : i64, kind = #tpu.reduction_kind<sum>} : vector<16xi1> -> vector<16xi32>
        %add3A_361 = arith.addi %add3A_326, %all_reduce_population_count3A_360 : vector<16xi32>
        %mul3A_362 = arith.constant 5 : i32
        %mul3A_363 = arith.muli %scan3A_258, %mul3A_362 : i32
        %add3A_364 = arith.constant 3 : i32
        %add3A_365 = arith.addi %mul3A_363, %add3A_364 : i32
        %mul3A_366 = arith.constant 16 : i32
        %mul3A_367 = arith.muli %add3A_365, %mul3A_366 : i32
        %add3A_368 = arith.constant 2000 : i32
        %add3A_369 = arith.addi %add3A_368, %mul3A_367 : i32
        %get3A_370 = arith.index_cast %add3A_369 : i32 to index
        %get3A_371 = tpu.vector_load %arg12[%get3A_370] {strides = array<i32>} : memref<8000xi32, #tpu.memory_space<vmem>>, vector<16xi32>,
        %get3A_372 = arith.index_cast %add3A_369 : i32 to index
        %get3A_373 = tpu.vector_load %arg10[%get3A_372] {strides = array<i32>} : memref<8000xi32, #tpu.memory_space<vmem>>, vector<16xi32>,
        %ge3A_374 = vector.broadcast %mul3A_2 : i32 to vector<16xi32>
        %ge3A_375 = arith.cmpi sge, %get3A_371, %ge3A_374 : vector<16xi32>
        %add3A_376 = arith.constant 320 : i32
        %add3A_377 = arith.addi %mul3A_2, %add3A_376 : i32
        %lt3A_378 = vector.broadcast %add3A_377 : i32 to vector<16xi32>
        %lt3A_379 = arith.cmpi slt, %get3A_371, %lt3A_378 : vector<16xi32>
        %and3A_380 = arith.andi %ge3A_375, %lt3A_379 : vector<16xi1>
        %jit3A_381 = arith.constant 1 : i32
        %jit3A_382 = arith.constant 0 : i32
        %broadcast_in_dim3A_383 = vector.broadcast %jit3A_381 : i32 to vector<16xi32>
        %broadcast_in_dim3A_384 = vector.broadcast %jit3A_382 : i32 to vector<16xi32>
        %select_n3A_385 = arith.select %and3A_380, %broadcast_in_dim3A_383, %broadcast_in_dim3A_384 : vector<16xi1>, vector<16xi32>
        %broadcast_in_dim3A_386 = arith.constant true
        %broadcast_in_dim3A_387 = vector.broadcast %broadcast_in_dim3A_386 : i1 to vector<16xi1>
        %masked_cumsum3A_388 = tpu.scan <sum>, %select_n3A_385 masked %broadcast_in_dim3A_387 : vector<16xi32>, vector<16xi1> -> vector<16xi32>
        %add3A_389 = arith.addi %add3A_361, %masked_cumsum3A_388 : vector<16xi32>
        %sub3A_390 = arith.constant 1 : i32
        %sub3A_391 = vector.broadcast %sub3A_390 : i32 to vector<16xi32>
        %sub3A_392 = arith.subi %add3A_389, %sub3A_391 : vector<16xi32>
        %sub3A_393 = vector.broadcast %mul3A_2 : i32 to vector<16xi32>
        %sub3A_394 = arith.subi %get3A_371, %sub3A_393 : vector<16xi32>
        tpu.vector_store_idx %arg15[%sub3A_392], %sub3A_394 masked %and3A_380 : memref<10208xi32, #tpu.memory_space<vmem>>[vector<16xi32>], vector<16xi32>, vector<16xi1>
        tpu.vector_store_idx %arg14[%sub3A_392], %get3A_373 masked %and3A_380 : memref<10208xi32, #tpu.memory_space<vmem>>[vector<16xi32>], vector<16xi32>, vector<16xi1>
        %all_reduce_population_count3A_395 = tpu.all_reduce %and3A_380 {dim = 0 : i64, kind = #tpu.reduction_kind<sum>} : vector<16xi1> -> vector<16xi32>
        %add3A_396 = arith.addi %add3A_361, %all_reduce_population_count3A_395 : vector<16xi32>
        %mul3A_397 = arith.constant 5 : i32
        %mul3A_398 = arith.muli %scan3A_258, %mul3A_397 : i32
        %add3A_399 = arith.constant 4 : i32
        %add3A_400 = arith.addi %mul3A_398, %add3A_399 : i32
        %mul3A_401 = arith.constant 16 : i32
        %mul3A_402 = arith.muli %add3A_400, %mul3A_401 : i32
        %add3A_403 = arith.constant 2000 : i32
        %add3A_404 = arith.addi %add3A_403, %mul3A_402 : i32
        %get3A_405 = arith.index_cast %add3A_404 : i32 to index
        %get3A_406 = tpu.vector_load %arg12[%get3A_405] {strides = array<i32>} : memref<8000xi32, #tpu.memory_space<vmem>>, vector<16xi32>,
        %get3A_407 = arith.index_cast %add3A_404 : i32 to index
        %get3A_408 = tpu.vector_load %arg10[%get3A_407] {strides = array<i32>} : memref<8000xi32, #tpu.memory_space<vmem>>, vector<16xi32>,
        %ge3A_409 = vector.broadcast %mul3A_2 : i32 to vector<16xi32>
        %ge3A_410 = arith.cmpi sge, %get3A_406, %ge3A_409 : vector<16xi32>
        %add3A_411 = arith.constant 320 : i32
        %add3A_412 = arith.addi %mul3A_2, %add3A_411 : i32
        %lt3A_413 = vector.broadcast %add3A_412 : i32 to vector<16xi32>
        %lt3A_414 = arith.cmpi slt, %get3A_406, %lt3A_413 : vector<16xi32>
        %and3A_415 = arith.andi %ge3A_410, %lt3A_414 : vector<16xi1>
        %jit3A_416 = arith.constant 1 : i32
        %jit3A_417 = arith.constant 0 : i32
        %broadcast_in_dim3A_418 = vector.broadcast %jit3A_416 : i32 to vector<16xi32>
        %broadcast_in_dim3A_419 = vector.broadcast %jit3A_417 : i32 to vector<16xi32>
        %select_n3A_420 = arith.select %and3A_415, %broadcast_in_dim3A_418, %broadcast_in_dim3A_419 : vector<16xi1>, vector<16xi32>
        %broadcast_in_dim3A_421 = arith.constant true
        %broadcast_in_dim3A_422 = vector.broadcast %broadcast_in_dim3A_421 : i1 to vector<16xi1>
        %masked_cumsum3A_423 = tpu.scan <sum>, %select_n3A_420 masked %broadcast_in_dim3A_422 : vector<16xi32>, vector<16xi1> -> vector<16xi32>
        %add3A_424 = arith.addi %add3A_396, %masked_cumsum3A_423 : vector<16xi32>
        %sub3A_425 = arith.constant 1 : i32
        %sub3A_426 = vector.broadcast %sub3A_425 : i32 to vector<16xi32>
        %sub3A_427 = arith.subi %add3A_424, %sub3A_426 : vector<16xi32>
        %sub3A_428 = vector.broadcast %mul3A_2 : i32 to vector<16xi32>
        %sub3A_429 = arith.subi %get3A_406, %sub3A_428 : vector<16xi32>
        tpu.vector_store_idx %arg15[%sub3A_427], %sub3A_429 masked %and3A_415 : memref<10208xi32, #tpu.memory_space<vmem>>[vector<16xi32>], vector<16xi32>, vector<16xi1>
        tpu.vector_store_idx %arg14[%sub3A_427], %get3A_408 masked %and3A_415 : memref<10208xi32, #tpu.memory_space<vmem>>[vector<16xi32>], vector<16xi32>, vector<16xi1>
        %all_reduce_population_count3A_430 = tpu.all_reduce %and3A_415 {dim = 0 : i64, kind = #tpu.reduction_kind<sum>} : vector<16xi1> -> vector<16xi32>
        %add3A_431 = arith.addi %add3A_396, %all_reduce_population_count3A_430 : vector<16xi32>
        scf.yield %add3A_431 : vector<16xi32>
      }
      %scan3A_105 = arith.constant 25 : i32
      %reduce_max3A_106 = arith.constant true
      %reduce_max3A_107 = vector.broadcast %reduce_max3A_106 : i1 to vector<16xi1>
      %reduce_max3A_108 = arith.constant -2147483648 : i32
      %reduce_max3A_109 = vector.broadcast %reduce_max3A_108 : i32 to vector<16xi32>
      %reduce_max3A_110 = arith.xori %scan3A_104, %reduce_max3A_109 : vector<16xi32>
      %reduce_max3A_111 = tpu.scan <max>, %reduce_max3A_110 masked %reduce_max3A_107 : vector<16xi32>, vector<16xi1> -> vector<16xi32>
      %reduce_max3A_112 = arith.xori %reduce_max3A_111, %reduce_max3A_109 : vector<16xi32>
      %reduce_max3A_113 = vector.extract %reduce_max3A_112[15] : i32 from vector<16xi32>
      %ge3A_114 = arith.constant 8192 : i32
      %ge3A_115 = arith.cmpi sge, %reduce_max3A_113, %ge3A_114 : i32
      %convert_element_type3A_116 = arith.extui %ge3A_115 : i1 to i32
      %cond3A_117 = arith.constant 0 : i32
      %cond3A_118 = arith.cmpi ne, %convert_element_type3A_116, %cond3A_117 : i32
      %cond3A_119:2 = scf.if %cond3A_118 -> (vector<16xi32>, i32) {
        %mul3A_258 = arith.constant 327680 : i32
        %mul3A_259 = arith.muli %add3A, %mul3A_258 : i32
        %add3A_260 = arith.addi %mul3A_259, %cond3A_99#1 : i32
        %multiple_of3A_261 = tpu.assume_multiple %add3A_260, 8192 : i32
        "tpu.region"() ({
          %run_scoped3A = tpu.sem_alloc : memref<!tpu.dma_semaphore, #tpu.memory_space<semaphore_mem>>
          %dma_start3A_274 = arith.constant 0 : i32
          %dma_start3A_275 = tpu.memref_slice %arg14[%dma_start3A_274] : memref<10208xi32, #tpu.memory_space<vmem>> -> memref<8192xi32, #tpu.memory_space<vmem>>
          %dma_start3A_276 = tpu.memref_slice %arg4[%multiple_of3A_261] : memref<10485760xi32, #tpu.memory_space<hbm>> -> memref<8192xi32, #tpu.memory_space<hbm>>
          %dma_start3A_277 = tpu.memref_slice %arg4[%multiple_of3A_261] : memref<10485760xi32, #tpu.memory_space<hbm>> -> memref<8192xi32, #tpu.memory_space<hbm>>
          %dma_start3A_278 = arith.constant 0 : i32
          %dma_start3A_279 = tpu.memref_slice %arg14[%dma_start3A_278] : memref<10208xi32, #tpu.memory_space<vmem>> -> memref<8192xi32, #tpu.memory_space<vmem>>
          tpu.enqueue_dma source(%dma_start3A_279 : memref<8192xi32, #tpu.memory_space<vmem>>) target(%dma_start3A_277 : memref<8192xi32, #tpu.memory_space<hbm>>) target_semaphore(%run_scoped3A : memref<!tpu.dma_semaphore, #tpu.memory_space<semaphore_mem>>)
          %dma_wait3A_280 = arith.constant 0 : i32
          %dma_wait3A_281 = tpu.memref_slice %arg14[%dma_wait3A_280] : memref<10208xi32, #tpu.memory_space<vmem>> -> memref<8192xi32, #tpu.memory_space<vmem>>
          %dma_wait3A_282 = tpu.memref_slice %arg4[%multiple_of3A_261] : memref<10485760xi32, #tpu.memory_space<hbm>> -> memref<8192xi32, #tpu.memory_space<hbm>>
          %dma_wait3A_283 = tpu.memref_slice %arg4[%multiple_of3A_261] : memref<10485760xi32, #tpu.memory_space<hbm>> -> memref<8192xi32, #tpu.memory_space<hbm>>
          %dma_wait3A_284 = arith.constant 0 : i32
          %dma_wait3A_285 = tpu.memref_slice %arg14[%dma_wait3A_284] : memref<10208xi32, #tpu.memory_space<vmem>> -> memref<8192xi32, #tpu.memory_space<vmem>>
          tpu.wait_dma2 semaphore(%run_scoped3A : memref<!tpu.dma_semaphore, #tpu.memory_space<semaphore_mem>>) src(%dma_wait3A_285 : memref<8192xi32, #tpu.memory_space<vmem>>) dst(%dma_wait3A_283 : memref<8192xi32, #tpu.memory_space<hbm>>)
          tpu.yield
        }) : () -> ()
        "tpu.region"() ({
          %run_scoped3A = tpu.sem_alloc : memref<!tpu.dma_semaphore, #tpu.memory_space<semaphore_mem>>
          %dma_start3A_274 = arith.constant 0 : i32
          %dma_start3A_275 = tpu.memref_slice %arg15[%dma_start3A_274] : memref<10208xi32, #tpu.memory_space<vmem>> -> memref<8192xi32, #tpu.memory_space<vmem>>
          %dma_start3A_276 = tpu.memref_slice %arg5[%multiple_of3A_261] : memref<10485760xi32, #tpu.memory_space<hbm>> -> memref<8192xi32, #tpu.memory_space<hbm>>
          %dma_start3A_277 = tpu.memref_slice %arg5[%multiple_of3A_261] : memref<10485760xi32, #tpu.memory_space<hbm>> -> memref<8192xi32, #tpu.memory_space<hbm>>
          %dma_start3A_278 = arith.constant 0 : i32
          %dma_start3A_279 = tpu.memref_slice %arg15[%dma_start3A_278] : memref<10208xi32, #tpu.memory_space<vmem>> -> memref<8192xi32, #tpu.memory_space<vmem>>
          tpu.enqueue_dma source(%dma_start3A_279 : memref<8192xi32, #tpu.memory_space<vmem>>) target(%dma_start3A_277 : memref<8192xi32, #tpu.memory_space<hbm>>) target_semaphore(%run_scoped3A : memref<!tpu.dma_semaphore, #tpu.memory_space<semaphore_mem>>)
          %dma_wait3A_280 = arith.constant 0 : i32
          %dma_wait3A_281 = tpu.memref_slice %arg15[%dma_wait3A_280] : memref<10208xi32, #tpu.memory_space<vmem>> -> memref<8192xi32, #tpu.memory_space<vmem>>
          %dma_wait3A_282 = tpu.memref_slice %arg5[%multiple_of3A_261] : memref<10485760xi32, #tpu.memory_space<hbm>> -> memref<8192xi32, #tpu.memory_space<hbm>>
          %dma_wait3A_283 = tpu.memref_slice %arg5[%multiple_of3A_261] : memref<10485760xi32, #tpu.memory_space<hbm>> -> memref<8192xi32, #tpu.memory_space<hbm>>
          %dma_wait3A_284 = arith.constant 0 : i32
          %dma_wait3A_285 = tpu.memref_slice %arg15[%dma_wait3A_284] : memref<10208xi32, #tpu.memory_space<vmem>> -> memref<8192xi32, #tpu.memory_space<vmem>>
          tpu.wait_dma2 semaphore(%run_scoped3A : memref<!tpu.dma_semaphore, #tpu.memory_space<semaphore_mem>>) src(%dma_wait3A_285 : memref<8192xi32, #tpu.memory_space<vmem>>) dst(%dma_wait3A_283 : memref<8192xi32, #tpu.memory_space<hbm>>)
          tpu.yield
        }) : () -> ()
        %scan3A_262 = arith.constant 0 : i32
        %scan3A_263 = arith.constant 0 : i32
        %scan3A_264 = arith.constant 126 : i32
        %scan3A_265 = arith.addi %scan3A_263, %scan3A_264 : i32
        %scan3A_266 = arith.constant 1 : i32
        %scan3A_267 = scf.for %scan3A_274 = %scan3A_263 to %scan3A_265 step %scan3A_266 iter_args(%scan3A_275 = %scan3A_262) -> (i32)  : i32 {
          %mul3A_276 = arith.constant 16 : i32
          %mul3A_277 = arith.muli %scan3A_274, %mul3A_276 : i32
          %add3A_278 = arith.constant 8192 : i32
          %add3A_279 = arith.addi %add3A_278, %mul3A_277 : i32
          %get3A = arith.index_cast %add3A_279 : i32 to index
          %get3A_280 = tpu.vector_load %arg14[%get3A] {strides = array<i32>} : memref<10208xi32, #tpu.memory_space<vmem>>, vector<16xi32>,
          %mul3A_281 = arith.constant 16 : i32
          %mul3A_282 = arith.muli %scan3A_274, %mul3A_281 : i32
          %add3A_283 = arith.constant 8192 : i32
          %add3A_284 = arith.addi %add3A_283, %mul3A_282 : i32
          %get3A_285 = arith.index_cast %add3A_284 : i32 to index
          %get3A_286 = tpu.vector_load %arg15[%get3A_285] {strides = array<i32>} : memref<10208xi32, #tpu.memory_space<vmem>>, vector<16xi32>,
          %mul3A_287 = arith.constant 16 : i32
          %mul3A_288 = arith.muli %scan3A_274, %mul3A_287 : i32
          %swap3A_289 = arith.index_cast %mul3A_288 : i32 to index
          %swap3A_290 = tpu.vector_load %arg14[%swap3A_289] {strides = array<i32>} : memref<10208xi32, #tpu.memory_space<vmem>>, vector<16xi32>,
          tpu.vector_store %arg14[%swap3A_289], %get3A_280 {strides = array<i32>} : memref<10208xi32, #tpu.memory_space<vmem>>, vector<16xi32>,
          %mul3A_291 = arith.constant 16 : i32
          %mul3A_292 = arith.muli %scan3A_274, %mul3A_291 : i32
          %swap3A_293 = arith.index_cast %mul3A_292 : i32 to index
          %swap3A_294 = tpu.vector_load %arg15[%swap3A_293] {strides = array<i32>} : memref<10208xi32, #tpu.memory_space<vmem>>, vector<16xi32>,
          tpu.vector_store %arg15[%swap3A_293], %get3A_286 {strides = array<i32>} : memref<10208xi32, #tpu.memory_space<vmem>>, vector<16xi32>,
          %scan3A_295 = arith.constant 0 : i32
          scf.yield %scan3A_295 : i32
        }
        %scan3A_268 = arith.constant 126 : i32
        %sub3A_269 = arith.constant 8192 : i32
        %sub3A_270 = vector.broadcast %sub3A_269 : i32 to vector<16xi32>
        %sub3A_271 = arith.subi %scan3A_104, %sub3A_270 : vector<16xi32>
        %add3A_272 = arith.constant 8192 : i32
        %add3A_273 = arith.addi %cond3A_99#1, %add3A_272 : i32
        scf.yield %sub3A_271, %add3A_273 : vector<16xi32>, i32
      } else {
        scf.yield %scan3A_104, %cond3A_99#1 : vector<16xi32>, i32
      }
      %scan3A_120 = arith.constant 0 : i32
      %scan3A_121 = arith.constant 25 : i32
      %scan3A_122 = arith.addi %scan3A_120, %scan3A_121 : i32
      %scan3A_123 = arith.constant 1 : i32
      %scan3A_124 = scf.for %scan3A_258 = %scan3A_120 to %scan3A_122 step %scan3A_123 iter_args(%scan3A_259 = %cond3A_119#0) -> (vector<16xi32>)  : i32 {
        %mul3A_260 = arith.constant 5 : i32
        %mul3A_261 = arith.muli %scan3A_258, %mul3A_260 : i32
        %add3A_262 = arith.constant 0 : i32
        %add3A_263 = arith.addi %mul3A_261, %add3A_262 : i32
        %mul3A_264 = arith.constant 16 : i32
        %mul3A_265 = arith.muli %add3A_263, %mul3A_264 : i32
        %add3A_266 = arith.constant 4000 : i32
        %add3A_267 = arith.addi %add3A_266, %mul3A_265 : i32
        %get3A = arith.index_cast %add3A_267 : i32 to index
        %get3A_268 = tpu.vector_load %arg12[%get3A] {strides = array<i32>} : memref<8000xi32, #tpu.memory_space<vmem>>, vector<16xi32>,
        %get3A_269 = arith.index_cast %add3A_267 : i32 to index
        %get3A_270 = tpu.vector_load %arg10[%get3A_269] {strides = array<i32>} : memref<8000xi32, #tpu.memory_space<vmem>>, vector<16xi32>,
        %ge3A_271 = vector.broadcast %mul3A_2 : i32 to vector<16xi32>
        %ge3A_272 = arith.cmpi sge, %get3A_268, %ge3A_271 : vector<16xi32>
        %add3A_273 = arith.constant 320 : i32
        %add3A_274 = arith.addi %mul3A_2, %add3A_273 : i32
        %lt3A_275 = vector.broadcast %add3A_274 : i32 to vector<16xi32>
        %lt3A_276 = arith.cmpi slt, %get3A_268, %lt3A_275 : vector<16xi32>
        %and3A_277 = arith.andi %ge3A_272, %lt3A_276 : vector<16xi1>
        %jit3A_278 = arith.constant 1 : i32
        %jit3A_279 = arith.constant 0 : i32
        %broadcast_in_dim3A_280 = vector.broadcast %jit3A_278 : i32 to vector<16xi32>
        %broadcast_in_dim3A_281 = vector.broadcast %jit3A_279 : i32 to vector<16xi32>
        %select_n3A_282 = arith.select %and3A_277, %broadcast_in_dim3A_280, %broadcast_in_dim3A_281 : vector<16xi1>, vector<16xi32>
        %broadcast_in_dim3A_283 = arith.constant true
        %broadcast_in_dim3A_284 = vector.broadcast %broadcast_in_dim3A_283 : i1 to vector<16xi1>
        %masked_cumsum3A = tpu.scan <sum>, %select_n3A_282 masked %broadcast_in_dim3A_284 : vector<16xi32>, vector<16xi1> -> vector<16xi32>
        %add3A_285 = arith.addi %scan3A_259, %masked_cumsum3A : vector<16xi32>
        %sub3A_286 = arith.constant 1 : i32
        %sub3A_287 = vector.broadcast %sub3A_286 : i32 to vector<16xi32>
        %sub3A_288 = arith.subi %add3A_285, %sub3A_287 : vector<16xi32>
        %sub3A_289 = vector.broadcast %mul3A_2 : i32 to vector<16xi32>
        %sub3A_290 = arith.subi %get3A_268, %sub3A_289 : vector<16xi32>
        tpu.vector_store_idx %arg15[%sub3A_288], %sub3A_290 masked %and3A_277 : memref<10208xi32, #tpu.memory_space<vmem>>[vector<16xi32>], vector<16xi32>, vector<16xi1>
        tpu.vector_store_idx %arg14[%sub3A_288], %get3A_270 masked %and3A_277 : memref<10208xi32, #tpu.memory_space<vmem>>[vector<16xi32>], vector<16xi32>, vector<16xi1>
        %all_reduce_population_count3A = tpu.all_reduce %and3A_277 {dim = 0 : i64, kind = #tpu.reduction_kind<sum>} : vector<16xi1> -> vector<16xi32>
        %add3A_291 = arith.addi %scan3A_259, %all_reduce_population_count3A : vector<16xi32>
        %mul3A_292 = arith.constant 5 : i32
        %mul3A_293 = arith.muli %scan3A_258, %mul3A_292 : i32
        %add3A_294 = arith.constant 1 : i32
        %add3A_295 = arith.addi %mul3A_293, %add3A_294 : i32
        %mul3A_296 = arith.constant 16 : i32
        %mul3A_297 = arith.muli %add3A_295, %mul3A_296 : i32
        %add3A_298 = arith.constant 4000 : i32
        %add3A_299 = arith.addi %add3A_298, %mul3A_297 : i32
        %get3A_300 = arith.index_cast %add3A_299 : i32 to index
        %get3A_301 = tpu.vector_load %arg12[%get3A_300] {strides = array<i32>} : memref<8000xi32, #tpu.memory_space<vmem>>, vector<16xi32>,
        %get3A_302 = arith.index_cast %add3A_299 : i32 to index
        %get3A_303 = tpu.vector_load %arg10[%get3A_302] {strides = array<i32>} : memref<8000xi32, #tpu.memory_space<vmem>>, vector<16xi32>,
        %ge3A_304 = vector.broadcast %mul3A_2 : i32 to vector<16xi32>
        %ge3A_305 = arith.cmpi sge, %get3A_301, %ge3A_304 : vector<16xi32>
        %add3A_306 = arith.constant 320 : i32
        %add3A_307 = arith.addi %mul3A_2, %add3A_306 : i32
        %lt3A_308 = vector.broadcast %add3A_307 : i32 to vector<16xi32>
        %lt3A_309 = arith.cmpi slt, %get3A_301, %lt3A_308 : vector<16xi32>
        %and3A_310 = arith.andi %ge3A_305, %lt3A_309 : vector<16xi1>
        %jit3A_311 = arith.constant 1 : i32
        %jit3A_312 = arith.constant 0 : i32
        %broadcast_in_dim3A_313 = vector.broadcast %jit3A_311 : i32 to vector<16xi32>
        %broadcast_in_dim3A_314 = vector.broadcast %jit3A_312 : i32 to vector<16xi32>
        %select_n3A_315 = arith.select %and3A_310, %broadcast_in_dim3A_313, %broadcast_in_dim3A_314 : vector<16xi1>, vector<16xi32>
        %broadcast_in_dim3A_316 = arith.constant true
        %broadcast_in_dim3A_317 = vector.broadcast %broadcast_in_dim3A_316 : i1 to vector<16xi1>
        %masked_cumsum3A_318 = tpu.scan <sum>, %select_n3A_315 masked %broadcast_in_dim3A_317 : vector<16xi32>, vector<16xi1> -> vector<16xi32>
        %add3A_319 = arith.addi %add3A_291, %masked_cumsum3A_318 : vector<16xi32>
        %sub3A_320 = arith.constant 1 : i32
        %sub3A_321 = vector.broadcast %sub3A_320 : i32 to vector<16xi32>
        %sub3A_322 = arith.subi %add3A_319, %sub3A_321 : vector<16xi32>
        %sub3A_323 = vector.broadcast %mul3A_2 : i32 to vector<16xi32>
        %sub3A_324 = arith.subi %get3A_301, %sub3A_323 : vector<16xi32>
        tpu.vector_store_idx %arg15[%sub3A_322], %sub3A_324 masked %and3A_310 : memref<10208xi32, #tpu.memory_space<vmem>>[vector<16xi32>], vector<16xi32>, vector<16xi1>
        tpu.vector_store_idx %arg14[%sub3A_322], %get3A_303 masked %and3A_310 : memref<10208xi32, #tpu.memory_space<vmem>>[vector<16xi32>], vector<16xi32>, vector<16xi1>
        %all_reduce_population_count3A_325 = tpu.all_reduce %and3A_310 {dim = 0 : i64, kind = #tpu.reduction_kind<sum>} : vector<16xi1> -> vector<16xi32>
        %add3A_326 = arith.addi %add3A_291, %all_reduce_population_count3A_325 : vector<16xi32>
        %mul3A_327 = arith.constant 5 : i32
        %mul3A_328 = arith.muli %scan3A_258, %mul3A_327 : i32
        %add3A_329 = arith.constant 2 : i32
        %add3A_330 = arith.addi %mul3A_328, %add3A_329 : i32
        %mul3A_331 = arith.constant 16 : i32
        %mul3A_332 = arith.muli %add3A_330, %mul3A_331 : i32
        %add3A_333 = arith.constant 4000 : i32
        %add3A_334 = arith.addi %add3A_333, %mul3A_332 : i32
        %get3A_335 = arith.index_cast %add3A_334 : i32 to index
        %get3A_336 = tpu.vector_load %arg12[%get3A_335] {strides = array<i32>} : memref<8000xi32, #tpu.memory_space<vmem>>, vector<16xi32>,
        %get3A_337 = arith.index_cast %add3A_334 : i32 to index
        %get3A_338 = tpu.vector_load %arg10[%get3A_337] {strides = array<i32>} : memref<8000xi32, #tpu.memory_space<vmem>>, vector<16xi32>,
        %ge3A_339 = vector.broadcast %mul3A_2 : i32 to vector<16xi32>
        %ge3A_340 = arith.cmpi sge, %get3A_336, %ge3A_339 : vector<16xi32>
        %add3A_341 = arith.constant 320 : i32
        %add3A_342 = arith.addi %mul3A_2, %add3A_341 : i32
        %lt3A_343 = vector.broadcast %add3A_342 : i32 to vector<16xi32>
        %lt3A_344 = arith.cmpi slt, %get3A_336, %lt3A_343 : vector<16xi32>
        %and3A_345 = arith.andi %ge3A_340, %lt3A_344 : vector<16xi1>
        %jit3A_346 = arith.constant 1 : i32
        %jit3A_347 = arith.constant 0 : i32
        %broadcast_in_dim3A_348 = vector.broadcast %jit3A_346 : i32 to vector<16xi32>
        %broadcast_in_dim3A_349 = vector.broadcast %jit3A_347 : i32 to vector<16xi32>
        %select_n3A_350 = arith.select %and3A_345, %broadcast_in_dim3A_348, %broadcast_in_dim3A_349 : vector<16xi1>, vector<16xi32>
        %broadcast_in_dim3A_351 = arith.constant true
        %broadcast_in_dim3A_352 = vector.broadcast %broadcast_in_dim3A_351 : i1 to vector<16xi1>
        %masked_cumsum3A_353 = tpu.scan <sum>, %select_n3A_350 masked %broadcast_in_dim3A_352 : vector<16xi32>, vector<16xi1> -> vector<16xi32>
        %add3A_354 = arith.addi %add3A_326, %masked_cumsum3A_353 : vector<16xi32>
        %sub3A_355 = arith.constant 1 : i32
        %sub3A_356 = vector.broadcast %sub3A_355 : i32 to vector<16xi32>
        %sub3A_357 = arith.subi %add3A_354, %sub3A_356 : vector<16xi32>
        %sub3A_358 = vector.broadcast %mul3A_2 : i32 to vector<16xi32>
        %sub3A_359 = arith.subi %get3A_336, %sub3A_358 : vector<16xi32>
        tpu.vector_store_idx %arg15[%sub3A_357], %sub3A_359 masked %and3A_345 : memref<10208xi32, #tpu.memory_space<vmem>>[vector<16xi32>], vector<16xi32>, vector<16xi1>
        tpu.vector_store_idx %arg14[%sub3A_357], %get3A_338 masked %and3A_345 : memref<10208xi32, #tpu.memory_space<vmem>>[vector<16xi32>], vector<16xi32>, vector<16xi1>
        %all_reduce_population_count3A_360 = tpu.all_reduce %and3A_345 {dim = 0 : i64, kind = #tpu.reduction_kind<sum>} : vector<16xi1> -> vector<16xi32>
        %add3A_361 = arith.addi %add3A_326, %all_reduce_population_count3A_360 : vector<16xi32>
        %mul3A_362 = arith.constant 5 : i32
        %mul3A_363 = arith.muli %scan3A_258, %mul3A_362 : i32
        %add3A_364 = arith.constant 3 : i32
        %add3A_365 = arith.addi %mul3A_363, %add3A_364 : i32
        %mul3A_366 = arith.constant 16 : i32
        %mul3A_367 = arith.muli %add3A_365, %mul3A_366 : i32
        %add3A_368 = arith.constant 4000 : i32
        %add3A_369 = arith.addi %add3A_368, %mul3A_367 : i32
        %get3A_370 = arith.index_cast %add3A_369 : i32 to index
        %get3A_371 = tpu.vector_load %arg12[%get3A_370] {strides = array<i32>} : memref<8000xi32, #tpu.memory_space<vmem>>, vector<16xi32>,
        %get3A_372 = arith.index_cast %add3A_369 : i32 to index
        %get3A_373 = tpu.vector_load %arg10[%get3A_372] {strides = array<i32>} : memref<8000xi32, #tpu.memory_space<vmem>>, vector<16xi32>,
        %ge3A_374 = vector.broadcast %mul3A_2 : i32 to vector<16xi32>
        %ge3A_375 = arith.cmpi sge, %get3A_371, %ge3A_374 : vector<16xi32>
        %add3A_376 = arith.constant 320 : i32
        %add3A_377 = arith.addi %mul3A_2, %add3A_376 : i32
        %lt3A_378 = vector.broadcast %add3A_377 : i32 to vector<16xi32>
        %lt3A_379 = arith.cmpi slt, %get3A_371, %lt3A_378 : vector<16xi32>
        %and3A_380 = arith.andi %ge3A_375, %lt3A_379 : vector<16xi1>
        %jit3A_381 = arith.constant 1 : i32
        %jit3A_382 = arith.constant 0 : i32
        %broadcast_in_dim3A_383 = vector.broadcast %jit3A_381 : i32 to vector<16xi32>
        %broadcast_in_dim3A_384 = vector.broadcast %jit3A_382 : i32 to vector<16xi32>
        %select_n3A_385 = arith.select %and3A_380, %broadcast_in_dim3A_383, %broadcast_in_dim3A_384 : vector<16xi1>, vector<16xi32>
        %broadcast_in_dim3A_386 = arith.constant true
        %broadcast_in_dim3A_387 = vector.broadcast %broadcast_in_dim3A_386 : i1 to vector<16xi1>
        %masked_cumsum3A_388 = tpu.scan <sum>, %select_n3A_385 masked %broadcast_in_dim3A_387 : vector<16xi32>, vector<16xi1> -> vector<16xi32>
        %add3A_389 = arith.addi %add3A_361, %masked_cumsum3A_388 : vector<16xi32>
        %sub3A_390 = arith.constant 1 : i32
        %sub3A_391 = vector.broadcast %sub3A_390 : i32 to vector<16xi32>
        %sub3A_392 = arith.subi %add3A_389, %sub3A_391 : vector<16xi32>
        %sub3A_393 = vector.broadcast %mul3A_2 : i32 to vector<16xi32>
        %sub3A_394 = arith.subi %get3A_371, %sub3A_393 : vector<16xi32>
        tpu.vector_store_idx %arg15[%sub3A_392], %sub3A_394 masked %and3A_380 : memref<10208xi32, #tpu.memory_space<vmem>>[vector<16xi32>], vector<16xi32>, vector<16xi1>
        tpu.vector_store_idx %arg14[%sub3A_392], %get3A_373 masked %and3A_380 : memref<10208xi32, #tpu.memory_space<vmem>>[vector<16xi32>], vector<16xi32>, vector<16xi1>
        %all_reduce_population_count3A_395 = tpu.all_reduce %and3A_380 {dim = 0 : i64, kind = #tpu.reduction_kind<sum>} : vector<16xi1> -> vector<16xi32>
        %add3A_396 = arith.addi %add3A_361, %all_reduce_population_count3A_395 : vector<16xi32>
        %mul3A_397 = arith.constant 5 : i32
        %mul3A_398 = arith.muli %scan3A_258, %mul3A_397 : i32
        %add3A_399 = arith.constant 4 : i32
        %add3A_400 = arith.addi %mul3A_398, %add3A_399 : i32
        %mul3A_401 = arith.constant 16 : i32
        %mul3A_402 = arith.muli %add3A_400, %mul3A_401 : i32
        %add3A_403 = arith.constant 4000 : i32
        %add3A_404 = arith.addi %add3A_403, %mul3A_402 : i32
        %get3A_405 = arith.index_cast %add3A_404 : i32 to index
        %get3A_406 = tpu.vector_load %arg12[%get3A_405] {strides = array<i32>} : memref<8000xi32, #tpu.memory_space<vmem>>, vector<16xi32>,
        %get3A_407 = arith.index_cast %add3A_404 : i32 to index
        %get3A_408 = tpu.vector_load %arg10[%get3A_407] {strides = array<i32>} : memref<8000xi32, #tpu.memory_space<vmem>>, vector<16xi32>,
        %ge3A_409 = vector.broadcast %mul3A_2 : i32 to vector<16xi32>
        %ge3A_410 = arith.cmpi sge, %get3A_406, %ge3A_409 : vector<16xi32>
        %add3A_411 = arith.constant 320 : i32
        %add3A_412 = arith.addi %mul3A_2, %add3A_411 : i32
        %lt3A_413 = vector.broadcast %add3A_412 : i32 to vector<16xi32>
        %lt3A_414 = arith.cmpi slt, %get3A_406, %lt3A_413 : vector<16xi32>
        %and3A_415 = arith.andi %ge3A_410, %lt3A_414 : vector<16xi1>
        %jit3A_416 = arith.constant 1 : i32
        %jit3A_417 = arith.constant 0 : i32
        %broadcast_in_dim3A_418 = vector.broadcast %jit3A_416 : i32 to vector<16xi32>
        %broadcast_in_dim3A_419 = vector.broadcast %jit3A_417 : i32 to vector<16xi32>
        %select_n3A_420 = arith.select %and3A_415, %broadcast_in_dim3A_418, %broadcast_in_dim3A_419 : vector<16xi1>, vector<16xi32>
        %broadcast_in_dim3A_421 = arith.constant true
        %broadcast_in_dim3A_422 = vector.broadcast %broadcast_in_dim3A_421 : i1 to vector<16xi1>
        %masked_cumsum3A_423 = tpu.scan <sum>, %select_n3A_420 masked %broadcast_in_dim3A_422 : vector<16xi32>, vector<16xi1> -> vector<16xi32>
        %add3A_424 = arith.addi %add3A_396, %masked_cumsum3A_423 : vector<16xi32>
        %sub3A_425 = arith.constant 1 : i32
        %sub3A_426 = vector.broadcast %sub3A_425 : i32 to vector<16xi32>
        %sub3A_427 = arith.subi %add3A_424, %sub3A_426 : vector<16xi32>
        %sub3A_428 = vector.broadcast %mul3A_2 : i32 to vector<16xi32>
        %sub3A_429 = arith.subi %get3A_406, %sub3A_428 : vector<16xi32>
        tpu.vector_store_idx %arg15[%sub3A_427], %sub3A_429 masked %and3A_415 : memref<10208xi32, #tpu.memory_space<vmem>>[vector<16xi32>], vector<16xi32>, vector<16xi1>
        tpu.vector_store_idx %arg14[%sub3A_427], %get3A_408 masked %and3A_415 : memref<10208xi32, #tpu.memory_space<vmem>>[vector<16xi32>], vector<16xi32>, vector<16xi1>
        %all_reduce_population_count3A_430 = tpu.all_reduce %and3A_415 {dim = 0 : i64, kind = #tpu.reduction_kind<sum>} : vector<16xi1> -> vector<16xi32>
        %add3A_431 = arith.addi %add3A_396, %all_reduce_population_count3A_430 : vector<16xi32>
        scf.yield %add3A_431 : vector<16xi32>
      }
      %scan3A_125 = arith.constant 25 : i32
      %reduce_max3A_126 = arith.constant true
      %reduce_max3A_127 = vector.broadcast %reduce_max3A_126 : i1 to vector<16xi1>
      %reduce_max3A_128 = arith.constant -2147483648 : i32
      %reduce_max3A_129 = vector.broadcast %reduce_max3A_128 : i32 to vector<16xi32>
      %reduce_max3A_130 = arith.xori %scan3A_124, %reduce_max3A_129 : vector<16xi32>
      %reduce_max3A_131 = tpu.scan <max>, %reduce_max3A_130 masked %reduce_max3A_127 : vector<16xi32>, vector<16xi1> -> vector<16xi32>
      %reduce_max3A_132 = arith.xori %reduce_max3A_131, %reduce_max3A_129 : vector<16xi32>
      %reduce_max3A_133 = vector.extract %reduce_max3A_132[15] : i32 from vector<16xi32>
      %ge3A_134 = arith.constant 8192 : i32
      %ge3A_135 = arith.cmpi sge, %reduce_max3A_133, %ge3A_134 : i32
      %convert_element_type3A_136 = arith.extui %ge3A_135 : i1 to i32
      %cond3A_137 = arith.constant 0 : i32
      %cond3A_138 = arith.cmpi ne, %convert_element_type3A_136, %cond3A_137 : i32
      %cond3A_139:2 = scf.if %cond3A_138 -> (vector<16xi32>, i32) {
        %mul3A_258 = arith.constant 327680 : i32
        %mul3A_259 = arith.muli %add3A, %mul3A_258 : i32
        %add3A_260 = arith.addi %mul3A_259, %cond3A_119#1 : i32
        %multiple_of3A_261 = tpu.assume_multiple %add3A_260, 8192 : i32
        "tpu.region"() ({
          %run_scoped3A = tpu.sem_alloc : memref<!tpu.dma_semaphore, #tpu.memory_space<semaphore_mem>>
          %dma_start3A_274 = arith.constant 0 : i32
          %dma_start3A_275 = tpu.memref_slice %arg14[%dma_start3A_274] : memref<10208xi32, #tpu.memory_space<vmem>> -> memref<8192xi32, #tpu.memory_space<vmem>>
          %dma_start3A_276 = tpu.memref_slice %arg4[%multiple_of3A_261] : memref<10485760xi32, #tpu.memory_space<hbm>> -> memref<8192xi32, #tpu.memory_space<hbm>>
          %dma_start3A_277 = tpu.memref_slice %arg4[%multiple_of3A_261] : memref<10485760xi32, #tpu.memory_space<hbm>> -> memref<8192xi32, #tpu.memory_space<hbm>>
          %dma_start3A_278 = arith.constant 0 : i32
          %dma_start3A_279 = tpu.memref_slice %arg14[%dma_start3A_278] : memref<10208xi32, #tpu.memory_space<vmem>> -> memref<8192xi32, #tpu.memory_space<vmem>>
          tpu.enqueue_dma source(%dma_start3A_279 : memref<8192xi32, #tpu.memory_space<vmem>>) target(%dma_start3A_277 : memref<8192xi32, #tpu.memory_space<hbm>>) target_semaphore(%run_scoped3A : memref<!tpu.dma_semaphore, #tpu.memory_space<semaphore_mem>>)
          %dma_wait3A_280 = arith.constant 0 : i32
          %dma_wait3A_281 = tpu.memref_slice %arg14[%dma_wait3A_280] : memref<10208xi32, #tpu.memory_space<vmem>> -> memref<8192xi32, #tpu.memory_space<vmem>>
          %dma_wait3A_282 = tpu.memref_slice %arg4[%multiple_of3A_261] : memref<10485760xi32, #tpu.memory_space<hbm>> -> memref<8192xi32, #tpu.memory_space<hbm>>
          %dma_wait3A_283 = tpu.memref_slice %arg4[%multiple_of3A_261] : memref<10485760xi32, #tpu.memory_space<hbm>> -> memref<8192xi32, #tpu.memory_space<hbm>>
          %dma_wait3A_284 = arith.constant 0 : i32
          %dma_wait3A_285 = tpu.memref_slice %arg14[%dma_wait3A_284] : memref<10208xi32, #tpu.memory_space<vmem>> -> memref<8192xi32, #tpu.memory_space<vmem>>
          tpu.wait_dma2 semaphore(%run_scoped3A : memref<!tpu.dma_semaphore, #tpu.memory_space<semaphore_mem>>) src(%dma_wait3A_285 : memref<8192xi32, #tpu.memory_space<vmem>>) dst(%dma_wait3A_283 : memref<8192xi32, #tpu.memory_space<hbm>>)
          tpu.yield
        }) : () -> ()
        "tpu.region"() ({
          %run_scoped3A = tpu.sem_alloc : memref<!tpu.dma_semaphore, #tpu.memory_space<semaphore_mem>>
          %dma_start3A_274 = arith.constant 0 : i32
          %dma_start3A_275 = tpu.memref_slice %arg15[%dma_start3A_274] : memref<10208xi32, #tpu.memory_space<vmem>> -> memref<8192xi32, #tpu.memory_space<vmem>>
          %dma_start3A_276 = tpu.memref_slice %arg5[%multiple_of3A_261] : memref<10485760xi32, #tpu.memory_space<hbm>> -> memref<8192xi32, #tpu.memory_space<hbm>>
          %dma_start3A_277 = tpu.memref_slice %arg5[%multiple_of3A_261] : memref<10485760xi32, #tpu.memory_space<hbm>> -> memref<8192xi32, #tpu.memory_space<hbm>>
          %dma_start3A_278 = arith.constant 0 : i32
          %dma_start3A_279 = tpu.memref_slice %arg15[%dma_start3A_278] : memref<10208xi32, #tpu.memory_space<vmem>> -> memref<8192xi32, #tpu.memory_space<vmem>>
          tpu.enqueue_dma source(%dma_start3A_279 : memref<8192xi32, #tpu.memory_space<vmem>>) target(%dma_start3A_277 : memref<8192xi32, #tpu.memory_space<hbm>>) target_semaphore(%run_scoped3A : memref<!tpu.dma_semaphore, #tpu.memory_space<semaphore_mem>>)
          %dma_wait3A_280 = arith.constant 0 : i32
          %dma_wait3A_281 = tpu.memref_slice %arg15[%dma_wait3A_280] : memref<10208xi32, #tpu.memory_space<vmem>> -> memref<8192xi32, #tpu.memory_space<vmem>>
          %dma_wait3A_282 = tpu.memref_slice %arg5[%multiple_of3A_261] : memref<10485760xi32, #tpu.memory_space<hbm>> -> memref<8192xi32, #tpu.memory_space<hbm>>
          %dma_wait3A_283 = tpu.memref_slice %arg5[%multiple_of3A_261] : memref<10485760xi32, #tpu.memory_space<hbm>> -> memref<8192xi32, #tpu.memory_space<hbm>>
          %dma_wait3A_284 = arith.constant 0 : i32
          %dma_wait3A_285 = tpu.memref_slice %arg15[%dma_wait3A_284] : memref<10208xi32, #tpu.memory_space<vmem>> -> memref<8192xi32, #tpu.memory_space<vmem>>
          tpu.wait_dma2 semaphore(%run_scoped3A : memref<!tpu.dma_semaphore, #tpu.memory_space<semaphore_mem>>) src(%dma_wait3A_285 : memref<8192xi32, #tpu.memory_space<vmem>>) dst(%dma_wait3A_283 : memref<8192xi32, #tpu.memory_space<hbm>>)
          tpu.yield
        }) : () -> ()
        %scan3A_262 = arith.constant 0 : i32
        %scan3A_263 = arith.constant 0 : i32
        %scan3A_264 = arith.constant 126 : i32
        %scan3A_265 = arith.addi %scan3A_263, %scan3A_264 : i32
        %scan3A_266 = arith.constant 1 : i32
        %scan3A_267 = scf.for %scan3A_274 = %scan3A_263 to %scan3A_265 step %scan3A_266 iter_args(%scan3A_275 = %scan3A_262) -> (i32)  : i32 {
          %mul3A_276 = arith.constant 16 : i32
          %mul3A_277 = arith.muli %scan3A_274, %mul3A_276 : i32
          %add3A_278 = arith.constant 8192 : i32
          %add3A_279 = arith.addi %add3A_278, %mul3A_277 : i32
          %get3A = arith.index_cast %add3A_279 : i32 to index
          %get3A_280 = tpu.vector_load %arg14[%get3A] {strides = array<i32>} : memref<10208xi32, #tpu.memory_space<vmem>>, vector<16xi32>,
          %mul3A_281 = arith.constant 16 : i32
          %mul3A_282 = arith.muli %scan3A_274, %mul3A_281 : i32
          %add3A_283 = arith.constant 8192 : i32
          %add3A_284 = arith.addi %add3A_283, %mul3A_282 : i32
          %get3A_285 = arith.index_cast %add3A_284 : i32 to index
          %get3A_286 = tpu.vector_load %arg15[%get3A_285] {strides = array<i32>} : memref<10208xi32, #tpu.memory_space<vmem>>, vector<16xi32>,
          %mul3A_287 = arith.constant 16 : i32
          %mul3A_288 = arith.muli %scan3A_274, %mul3A_287 : i32
          %swap3A_289 = arith.index_cast %mul3A_288 : i32 to index
          %swap3A_290 = tpu.vector_load %arg14[%swap3A_289] {strides = array<i32>} : memref<10208xi32, #tpu.memory_space<vmem>>, vector<16xi32>,
          tpu.vector_store %arg14[%swap3A_289], %get3A_280 {strides = array<i32>} : memref<10208xi32, #tpu.memory_space<vmem>>, vector<16xi32>,
          %mul3A_291 = arith.constant 16 : i32
          %mul3A_292 = arith.muli %scan3A_274, %mul3A_291 : i32
          %swap3A_293 = arith.index_cast %mul3A_292 : i32 to index
          %swap3A_294 = tpu.vector_load %arg15[%swap3A_293] {strides = array<i32>} : memref<10208xi32, #tpu.memory_space<vmem>>, vector<16xi32>,
          tpu.vector_store %arg15[%swap3A_293], %get3A_286 {strides = array<i32>} : memref<10208xi32, #tpu.memory_space<vmem>>, vector<16xi32>,
          %scan3A_295 = arith.constant 0 : i32
          scf.yield %scan3A_295 : i32
        }
        %scan3A_268 = arith.constant 126 : i32
        %sub3A_269 = arith.constant 8192 : i32
        %sub3A_270 = vector.broadcast %sub3A_269 : i32 to vector<16xi32>
        %sub3A_271 = arith.subi %scan3A_124, %sub3A_270 : vector<16xi32>
        %add3A_272 = arith.constant 8192 : i32
        %add3A_273 = arith.addi %cond3A_119#1, %add3A_272 : i32
        scf.yield %sub3A_271, %add3A_273 : vector<16xi32>, i32
      } else {
        scf.yield %scan3A_124, %cond3A_119#1 : vector<16xi32>, i32
      }
      %scan3A_140 = arith.constant 0 : i32
      %scan3A_141 = arith.constant 25 : i32
      %scan3A_142 = arith.addi %scan3A_140, %scan3A_141 : i32
      %scan3A_143 = arith.constant 1 : i32
      %scan3A_144 = scf.for %scan3A_258 = %scan3A_140 to %scan3A_142 step %scan3A_143 iter_args(%scan3A_259 = %cond3A_139#0) -> (vector<16xi32>)  : i32 {
        %mul3A_260 = arith.constant 5 : i32
        %mul3A_261 = arith.muli %scan3A_258, %mul3A_260 : i32
        %add3A_262 = arith.constant 0 : i32
        %add3A_263 = arith.addi %mul3A_261, %add3A_262 : i32
        %mul3A_264 = arith.constant 16 : i32
        %mul3A_265 = arith.muli %add3A_263, %mul3A_264 : i32
        %add3A_266 = arith.constant 6000 : i32
        %add3A_267 = arith.addi %add3A_266, %mul3A_265 : i32
        %get3A = arith.index_cast %add3A_267 : i32 to index
        %get3A_268 = tpu.vector_load %arg12[%get3A] {strides = array<i32>} : memref<8000xi32, #tpu.memory_space<vmem>>, vector<16xi32>,
        %get3A_269 = arith.index_cast %add3A_267 : i32 to index
        %get3A_270 = tpu.vector_load %arg10[%get3A_269] {strides = array<i32>} : memref<8000xi32, #tpu.memory_space<vmem>>, vector<16xi32>,
        %ge3A_271 = vector.broadcast %mul3A_2 : i32 to vector<16xi32>
        %ge3A_272 = arith.cmpi sge, %get3A_268, %ge3A_271 : vector<16xi32>
        %add3A_273 = arith.constant 320 : i32
        %add3A_274 = arith.addi %mul3A_2, %add3A_273 : i32
        %lt3A_275 = vector.broadcast %add3A_274 : i32 to vector<16xi32>
        %lt3A_276 = arith.cmpi slt, %get3A_268, %lt3A_275 : vector<16xi32>
        %and3A_277 = arith.andi %ge3A_272, %lt3A_276 : vector<16xi1>
        %jit3A_278 = arith.constant 1 : i32
        %jit3A_279 = arith.constant 0 : i32
        %broadcast_in_dim3A_280 = vector.broadcast %jit3A_278 : i32 to vector<16xi32>
        %broadcast_in_dim3A_281 = vector.broadcast %jit3A_279 : i32 to vector<16xi32>
        %select_n3A_282 = arith.select %and3A_277, %broadcast_in_dim3A_280, %broadcast_in_dim3A_281 : vector<16xi1>, vector<16xi32>
        %broadcast_in_dim3A_283 = arith.constant true
        %broadcast_in_dim3A_284 = vector.broadcast %broadcast_in_dim3A_283 : i1 to vector<16xi1>
        %masked_cumsum3A = tpu.scan <sum>, %select_n3A_282 masked %broadcast_in_dim3A_284 : vector<16xi32>, vector<16xi1> -> vector<16xi32>
        %add3A_285 = arith.addi %scan3A_259, %masked_cumsum3A : vector<16xi32>
        %sub3A_286 = arith.constant 1 : i32
        %sub3A_287 = vector.broadcast %sub3A_286 : i32 to vector<16xi32>
        %sub3A_288 = arith.subi %add3A_285, %sub3A_287 : vector<16xi32>
        %sub3A_289 = vector.broadcast %mul3A_2 : i32 to vector<16xi32>
        %sub3A_290 = arith.subi %get3A_268, %sub3A_289 : vector<16xi32>
        tpu.vector_store_idx %arg15[%sub3A_288], %sub3A_290 masked %and3A_277 : memref<10208xi32, #tpu.memory_space<vmem>>[vector<16xi32>], vector<16xi32>, vector<16xi1>
        tpu.vector_store_idx %arg14[%sub3A_288], %get3A_270 masked %and3A_277 : memref<10208xi32, #tpu.memory_space<vmem>>[vector<16xi32>], vector<16xi32>, vector<16xi1>
        %all_reduce_population_count3A = tpu.all_reduce %and3A_277 {dim = 0 : i64, kind = #tpu.reduction_kind<sum>} : vector<16xi1> -> vector<16xi32>
        %add3A_291 = arith.addi %scan3A_259, %all_reduce_population_count3A : vector<16xi32>
        %mul3A_292 = arith.constant 5 : i32
        %mul3A_293 = arith.muli %scan3A_258, %mul3A_292 : i32
        %add3A_294 = arith.constant 1 : i32
        %add3A_295 = arith.addi %mul3A_293, %add3A_294 : i32
        %mul3A_296 = arith.constant 16 : i32
        %mul3A_297 = arith.muli %add3A_295, %mul3A_296 : i32
        %add3A_298 = arith.constant 6000 : i32
        %add3A_299 = arith.addi %add3A_298, %mul3A_297 : i32
        %get3A_300 = arith.index_cast %add3A_299 : i32 to index
        %get3A_301 = tpu.vector_load %arg12[%get3A_300] {strides = array<i32>} : memref<8000xi32, #tpu.memory_space<vmem>>, vector<16xi32>,
        %get3A_302 = arith.index_cast %add3A_299 : i32 to index
        %get3A_303 = tpu.vector_load %arg10[%get3A_302] {strides = array<i32>} : memref<8000xi32, #tpu.memory_space<vmem>>, vector<16xi32>,
        %ge3A_304 = vector.broadcast %mul3A_2 : i32 to vector<16xi32>
        %ge3A_305 = arith.cmpi sge, %get3A_301, %ge3A_304 : vector<16xi32>
        %add3A_306 = arith.constant 320 : i32
        %add3A_307 = arith.addi %mul3A_2, %add3A_306 : i32
        %lt3A_308 = vector.broadcast %add3A_307 : i32 to vector<16xi32>
        %lt3A_309 = arith.cmpi slt, %get3A_301, %lt3A_308 : vector<16xi32>
        %and3A_310 = arith.andi %ge3A_305, %lt3A_309 : vector<16xi1>
        %jit3A_311 = arith.constant 1 : i32
        %jit3A_312 = arith.constant 0 : i32
        %broadcast_in_dim3A_313 = vector.broadcast %jit3A_311 : i32 to vector<16xi32>
        %broadcast_in_dim3A_314 = vector.broadcast %jit3A_312 : i32 to vector<16xi32>
        %select_n3A_315 = arith.select %and3A_310, %broadcast_in_dim3A_313, %broadcast_in_dim3A_314 : vector<16xi1>, vector<16xi32>
        %broadcast_in_dim3A_316 = arith.constant true
        %broadcast_in_dim3A_317 = vector.broadcast %broadcast_in_dim3A_316 : i1 to vector<16xi1>
        %masked_cumsum3A_318 = tpu.scan <sum>, %select_n3A_315 masked %broadcast_in_dim3A_317 : vector<16xi32>, vector<16xi1> -> vector<16xi32>
        %add3A_319 = arith.addi %add3A_291, %masked_cumsum3A_318 : vector<16xi32>
        %sub3A_320 = arith.constant 1 : i32
        %sub3A_321 = vector.broadcast %sub3A_320 : i32 to vector<16xi32>
        %sub3A_322 = arith.subi %add3A_319, %sub3A_321 : vector<16xi32>
        %sub3A_323 = vector.broadcast %mul3A_2 : i32 to vector<16xi32>
        %sub3A_324 = arith.subi %get3A_301, %sub3A_323 : vector<16xi32>
        tpu.vector_store_idx %arg15[%sub3A_322], %sub3A_324 masked %and3A_310 : memref<10208xi32, #tpu.memory_space<vmem>>[vector<16xi32>], vector<16xi32>, vector<16xi1>
        tpu.vector_store_idx %arg14[%sub3A_322], %get3A_303 masked %and3A_310 : memref<10208xi32, #tpu.memory_space<vmem>>[vector<16xi32>], vector<16xi32>, vector<16xi1>
        %all_reduce_population_count3A_325 = tpu.all_reduce %and3A_310 {dim = 0 : i64, kind = #tpu.reduction_kind<sum>} : vector<16xi1> -> vector<16xi32>
        %add3A_326 = arith.addi %add3A_291, %all_reduce_population_count3A_325 : vector<16xi32>
        %mul3A_327 = arith.constant 5 : i32
        %mul3A_328 = arith.muli %scan3A_258, %mul3A_327 : i32
        %add3A_329 = arith.constant 2 : i32
        %add3A_330 = arith.addi %mul3A_328, %add3A_329 : i32
        %mul3A_331 = arith.constant 16 : i32
        %mul3A_332 = arith.muli %add3A_330, %mul3A_331 : i32
        %add3A_333 = arith.constant 6000 : i32
        %add3A_334 = arith.addi %add3A_333, %mul3A_332 : i32
        %get3A_335 = arith.index_cast %add3A_334 : i32 to index
        %get3A_336 = tpu.vector_load %arg12[%get3A_335] {strides = array<i32>} : memref<8000xi32, #tpu.memory_space<vmem>>, vector<16xi32>,
        %get3A_337 = arith.index_cast %add3A_334 : i32 to index
        %get3A_338 = tpu.vector_load %arg10[%get3A_337] {strides = array<i32>} : memref<8000xi32, #tpu.memory_space<vmem>>, vector<16xi32>,
        %ge3A_339 = vector.broadcast %mul3A_2 : i32 to vector<16xi32>
        %ge3A_340 = arith.cmpi sge, %get3A_336, %ge3A_339 : vector<16xi32>
        %add3A_341 = arith.constant 320 : i32
        %add3A_342 = arith.addi %mul3A_2, %add3A_341 : i32
        %lt3A_343 = vector.broadcast %add3A_342 : i32 to vector<16xi32>
        %lt3A_344 = arith.cmpi slt, %get3A_336, %lt3A_343 : vector<16xi32>
        %and3A_345 = arith.andi %ge3A_340, %lt3A_344 : vector<16xi1>
        %jit3A_346 = arith.constant 1 : i32
        %jit3A_347 = arith.constant 0 : i32
        %broadcast_in_dim3A_348 = vector.broadcast %jit3A_346 : i32 to vector<16xi32>
        %broadcast_in_dim3A_349 = vector.broadcast %jit3A_347 : i32 to vector<16xi32>
        %select_n3A_350 = arith.select %and3A_345, %broadcast_in_dim3A_348, %broadcast_in_dim3A_349 : vector<16xi1>, vector<16xi32>
        %broadcast_in_dim3A_351 = arith.constant true
        %broadcast_in_dim3A_352 = vector.broadcast %broadcast_in_dim3A_351 : i1 to vector<16xi1>
        %masked_cumsum3A_353 = tpu.scan <sum>, %select_n3A_350 masked %broadcast_in_dim3A_352 : vector<16xi32>, vector<16xi1> -> vector<16xi32>
        %add3A_354 = arith.addi %add3A_326, %masked_cumsum3A_353 : vector<16xi32>
        %sub3A_355 = arith.constant 1 : i32
        %sub3A_356 = vector.broadcast %sub3A_355 : i32 to vector<16xi32>
        %sub3A_357 = arith.subi %add3A_354, %sub3A_356 : vector<16xi32>
        %sub3A_358 = vector.broadcast %mul3A_2 : i32 to vector<16xi32>
        %sub3A_359 = arith.subi %get3A_336, %sub3A_358 : vector<16xi32>
        tpu.vector_store_idx %arg15[%sub3A_357], %sub3A_359 masked %and3A_345 : memref<10208xi32, #tpu.memory_space<vmem>>[vector<16xi32>], vector<16xi32>, vector<16xi1>
        tpu.vector_store_idx %arg14[%sub3A_357], %get3A_338 masked %and3A_345 : memref<10208xi32, #tpu.memory_space<vmem>>[vector<16xi32>], vector<16xi32>, vector<16xi1>
        %all_reduce_population_count3A_360 = tpu.all_reduce %and3A_345 {dim = 0 : i64, kind = #tpu.reduction_kind<sum>} : vector<16xi1> -> vector<16xi32>
        %add3A_361 = arith.addi %add3A_326, %all_reduce_population_count3A_360 : vector<16xi32>
        %mul3A_362 = arith.constant 5 : i32
        %mul3A_363 = arith.muli %scan3A_258, %mul3A_362 : i32
        %add3A_364 = arith.constant 3 : i32
        %add3A_365 = arith.addi %mul3A_363, %add3A_364 : i32
        %mul3A_366 = arith.constant 16 : i32
        %mul3A_367 = arith.muli %add3A_365, %mul3A_366 : i32
        %add3A_368 = arith.constant 6000 : i32
        %add3A_369 = arith.addi %add3A_368, %mul3A_367 : i32
        %get3A_370 = arith.index_cast %add3A_369 : i32 to index
        %get3A_371 = tpu.vector_load %arg12[%get3A_370] {strides = array<i32>} : memref<8000xi32, #tpu.memory_space<vmem>>, vector<16xi32>,
        %get3A_372 = arith.index_cast %add3A_369 : i32 to index
        %get3A_373 = tpu.vector_load %arg10[%get3A_372] {strides = array<i32>} : memref<8000xi32, #tpu.memory_space<vmem>>, vector<16xi32>,
        %ge3A_374 = vector.broadcast %mul3A_2 : i32 to vector<16xi32>
        %ge3A_375 = arith.cmpi sge, %get3A_371, %ge3A_374 : vector<16xi32>
        %add3A_376 = arith.constant 320 : i32
        %add3A_377 = arith.addi %mul3A_2, %add3A_376 : i32
        %lt3A_378 = vector.broadcast %add3A_377 : i32 to vector<16xi32>
        %lt3A_379 = arith.cmpi slt, %get3A_371, %lt3A_378 : vector<16xi32>
        %and3A_380 = arith.andi %ge3A_375, %lt3A_379 : vector<16xi1>
        %jit3A_381 = arith.constant 1 : i32
        %jit3A_382 = arith.constant 0 : i32
        %broadcast_in_dim3A_383 = vector.broadcast %jit3A_381 : i32 to vector<16xi32>
        %broadcast_in_dim3A_384 = vector.broadcast %jit3A_382 : i32 to vector<16xi32>
        %select_n3A_385 = arith.select %and3A_380, %broadcast_in_dim3A_383, %broadcast_in_dim3A_384 : vector<16xi1>, vector<16xi32>
        %broadcast_in_dim3A_386 = arith.constant true
        %broadcast_in_dim3A_387 = vector.broadcast %broadcast_in_dim3A_386 : i1 to vector<16xi1>
        %masked_cumsum3A_388 = tpu.scan <sum>, %select_n3A_385 masked %broadcast_in_dim3A_387 : vector<16xi32>, vector<16xi1> -> vector<16xi32>
        %add3A_389 = arith.addi %add3A_361, %masked_cumsum3A_388 : vector<16xi32>
        %sub3A_390 = arith.constant 1 : i32
        %sub3A_391 = vector.broadcast %sub3A_390 : i32 to vector<16xi32>
        %sub3A_392 = arith.subi %add3A_389, %sub3A_391 : vector<16xi32>
        %sub3A_393 = vector.broadcast %mul3A_2 : i32 to vector<16xi32>
        %sub3A_394 = arith.subi %get3A_371, %sub3A_393 : vector<16xi32>
        tpu.vector_store_idx %arg15[%sub3A_392], %sub3A_394 masked %and3A_380 : memref<10208xi32, #tpu.memory_space<vmem>>[vector<16xi32>], vector<16xi32>, vector<16xi1>
        tpu.vector_store_idx %arg14[%sub3A_392], %get3A_373 masked %and3A_380 : memref<10208xi32, #tpu.memory_space<vmem>>[vector<16xi32>], vector<16xi32>, vector<16xi1>
        %all_reduce_population_count3A_395 = tpu.all_reduce %and3A_380 {dim = 0 : i64, kind = #tpu.reduction_kind<sum>} : vector<16xi1> -> vector<16xi32>
        %add3A_396 = arith.addi %add3A_361, %all_reduce_population_count3A_395 : vector<16xi32>
        %mul3A_397 = arith.constant 5 : i32
        %mul3A_398 = arith.muli %scan3A_258, %mul3A_397 : i32
        %add3A_399 = arith.constant 4 : i32
        %add3A_400 = arith.addi %mul3A_398, %add3A_399 : i32
        %mul3A_401 = arith.constant 16 : i32
        %mul3A_402 = arith.muli %add3A_400, %mul3A_401 : i32
        %add3A_403 = arith.constant 6000 : i32
        %add3A_404 = arith.addi %add3A_403, %mul3A_402 : i32
        %get3A_405 = arith.index_cast %add3A_404 : i32 to index
        %get3A_406 = tpu.vector_load %arg12[%get3A_405] {strides = array<i32>} : memref<8000xi32, #tpu.memory_space<vmem>>, vector<16xi32>,
        %get3A_407 = arith.index_cast %add3A_404 : i32 to index
        %get3A_408 = tpu.vector_load %arg10[%get3A_407] {strides = array<i32>} : memref<8000xi32, #tpu.memory_space<vmem>>, vector<16xi32>,
        %ge3A_409 = vector.broadcast %mul3A_2 : i32 to vector<16xi32>
        %ge3A_410 = arith.cmpi sge, %get3A_406, %ge3A_409 : vector<16xi32>
        %add3A_411 = arith.constant 320 : i32
        %add3A_412 = arith.addi %mul3A_2, %add3A_411 : i32
        %lt3A_413 = vector.broadcast %add3A_412 : i32 to vector<16xi32>
        %lt3A_414 = arith.cmpi slt, %get3A_406, %lt3A_413 : vector<16xi32>
        %and3A_415 = arith.andi %ge3A_410, %lt3A_414 : vector<16xi1>
        %jit3A_416 = arith.constant 1 : i32
        %jit3A_417 = arith.constant 0 : i32
        %broadcast_in_dim3A_418 = vector.broadcast %jit3A_416 : i32 to vector<16xi32>
        %broadcast_in_dim3A_419 = vector.broadcast %jit3A_417 : i32 to vector<16xi32>
        %select_n3A_420 = arith.select %and3A_415, %broadcast_in_dim3A_418, %broadcast_in_dim3A_419 : vector<16xi1>, vector<16xi32>
        %broadcast_in_dim3A_421 = arith.constant true
        %broadcast_in_dim3A_422 = vector.broadcast %broadcast_in_dim3A_421 : i1 to vector<16xi1>
        %masked_cumsum3A_423 = tpu.scan <sum>, %select_n3A_420 masked %broadcast_in_dim3A_422 : vector<16xi32>, vector<16xi1> -> vector<16xi32>
        %add3A_424 = arith.addi %add3A_396, %masked_cumsum3A_423 : vector<16xi32>
        %sub3A_425 = arith.constant 1 : i32
        %sub3A_426 = vector.broadcast %sub3A_425 : i32 to vector<16xi32>
        %sub3A_427 = arith.subi %add3A_424, %sub3A_426 : vector<16xi32>
        %sub3A_428 = vector.broadcast %mul3A_2 : i32 to vector<16xi32>
        %sub3A_429 = arith.subi %get3A_406, %sub3A_428 : vector<16xi32>
        tpu.vector_store_idx %arg15[%sub3A_427], %sub3A_429 masked %and3A_415 : memref<10208xi32, #tpu.memory_space<vmem>>[vector<16xi32>], vector<16xi32>, vector<16xi1>
        tpu.vector_store_idx %arg14[%sub3A_427], %get3A_408 masked %and3A_415 : memref<10208xi32, #tpu.memory_space<vmem>>[vector<16xi32>], vector<16xi32>, vector<16xi1>
        %all_reduce_population_count3A_430 = tpu.all_reduce %and3A_415 {dim = 0 : i64, kind = #tpu.reduction_kind<sum>} : vector<16xi1> -> vector<16xi32>
        %add3A_431 = arith.addi %add3A_396, %all_reduce_population_count3A_430 : vector<16xi32>
        scf.yield %add3A_431 : vector<16xi32>
      }
      %scan3A_145 = arith.constant 25 : i32
      %reduce_max3A_146 = arith.constant true
      %reduce_max3A_147 = vector.broadcast %reduce_max3A_146 : i1 to vector<16xi1>
      %reduce_max3A_148 = arith.constant -2147483648 : i32
      %reduce_max3A_149 = vector.broadcast %reduce_max3A_148 : i32 to vector<16xi32>
      %reduce_max3A_150 = arith.xori %scan3A_144, %reduce_max3A_149 : vector<16xi32>
      %reduce_max3A_151 = tpu.scan <max>, %reduce_max3A_150 masked %reduce_max3A_147 : vector<16xi32>, vector<16xi1> -> vector<16xi32>
      %reduce_max3A_152 = arith.xori %reduce_max3A_151, %reduce_max3A_149 : vector<16xi32>
      %reduce_max3A_153 = vector.extract %reduce_max3A_152[15] : i32 from vector<16xi32>
      %ge3A_154 = arith.constant 8192 : i32
      %ge3A_155 = arith.cmpi sge, %reduce_max3A_153, %ge3A_154 : i32
      %convert_element_type3A_156 = arith.extui %ge3A_155 : i1 to i32
      %cond3A_157 = arith.constant 0 : i32
      %cond3A_158 = arith.cmpi ne, %convert_element_type3A_156, %cond3A_157 : i32
      %cond3A_159:2 = scf.if %cond3A_158 -> (vector<16xi32>, i32) {
        %mul3A_258 = arith.constant 327680 : i32
        %mul3A_259 = arith.muli %add3A, %mul3A_258 : i32
        %add3A_260 = arith.addi %mul3A_259, %cond3A_139#1 : i32
        %multiple_of3A_261 = tpu.assume_multiple %add3A_260, 8192 : i32
        "tpu.region"() ({
          %run_scoped3A = tpu.sem_alloc : memref<!tpu.dma_semaphore, #tpu.memory_space<semaphore_mem>>
          %dma_start3A_274 = arith.constant 0 : i32
          %dma_start3A_275 = tpu.memref_slice %arg14[%dma_start3A_274] : memref<10208xi32, #tpu.memory_space<vmem>> -> memref<8192xi32, #tpu.memory_space<vmem>>
          %dma_start3A_276 = tpu.memref_slice %arg4[%multiple_of3A_261] : memref<10485760xi32, #tpu.memory_space<hbm>> -> memref<8192xi32, #tpu.memory_space<hbm>>
          %dma_start3A_277 = tpu.memref_slice %arg4[%multiple_of3A_261] : memref<10485760xi32, #tpu.memory_space<hbm>> -> memref<8192xi32, #tpu.memory_space<hbm>>
          %dma_start3A_278 = arith.constant 0 : i32
          %dma_start3A_279 = tpu.memref_slice %arg14[%dma_start3A_278] : memref<10208xi32, #tpu.memory_space<vmem>> -> memref<8192xi32, #tpu.memory_space<vmem>>
          tpu.enqueue_dma source(%dma_start3A_279 : memref<8192xi32, #tpu.memory_space<vmem>>) target(%dma_start3A_277 : memref<8192xi32, #tpu.memory_space<hbm>>) target_semaphore(%run_scoped3A : memref<!tpu.dma_semaphore, #tpu.memory_space<semaphore_mem>>)
          %dma_wait3A_280 = arith.constant 0 : i32
          %dma_wait3A_281 = tpu.memref_slice %arg14[%dma_wait3A_280] : memref<10208xi32, #tpu.memory_space<vmem>> -> memref<8192xi32, #tpu.memory_space<vmem>>
          %dma_wait3A_282 = tpu.memref_slice %arg4[%multiple_of3A_261] : memref<10485760xi32, #tpu.memory_space<hbm>> -> memref<8192xi32, #tpu.memory_space<hbm>>
          %dma_wait3A_283 = tpu.memref_slice %arg4[%multiple_of3A_261] : memref<10485760xi32, #tpu.memory_space<hbm>> -> memref<8192xi32, #tpu.memory_space<hbm>>
          %dma_wait3A_284 = arith.constant 0 : i32
          %dma_wait3A_285 = tpu.memref_slice %arg14[%dma_wait3A_284] : memref<10208xi32, #tpu.memory_space<vmem>> -> memref<8192xi32, #tpu.memory_space<vmem>>
          tpu.wait_dma2 semaphore(%run_scoped3A : memref<!tpu.dma_semaphore, #tpu.memory_space<semaphore_mem>>) src(%dma_wait3A_285 : memref<8192xi32, #tpu.memory_space<vmem>>) dst(%dma_wait3A_283 : memref<8192xi32, #tpu.memory_space<hbm>>)
          tpu.yield
        }) : () -> ()
        "tpu.region"() ({
          %run_scoped3A = tpu.sem_alloc : memref<!tpu.dma_semaphore, #tpu.memory_space<semaphore_mem>>
          %dma_start3A_274 = arith.constant 0 : i32
          %dma_start3A_275 = tpu.memref_slice %arg15[%dma_start3A_274] : memref<10208xi32, #tpu.memory_space<vmem>> -> memref<8192xi32, #tpu.memory_space<vmem>>
          %dma_start3A_276 = tpu.memref_slice %arg5[%multiple_of3A_261] : memref<10485760xi32, #tpu.memory_space<hbm>> -> memref<8192xi32, #tpu.memory_space<hbm>>
          %dma_start3A_277 = tpu.memref_slice %arg5[%multiple_of3A_261] : memref<10485760xi32, #tpu.memory_space<hbm>> -> memref<8192xi32, #tpu.memory_space<hbm>>
          %dma_start3A_278 = arith.constant 0 : i32
          %dma_start3A_279 = tpu.memref_slice %arg15[%dma_start3A_278] : memref<10208xi32, #tpu.memory_space<vmem>> -> memref<8192xi32, #tpu.memory_space<vmem>>
          tpu.enqueue_dma source(%dma_start3A_279 : memref<8192xi32, #tpu.memory_space<vmem>>) target(%dma_start3A_277 : memref<8192xi32, #tpu.memory_space<hbm>>) target_semaphore(%run_scoped3A : memref<!tpu.dma_semaphore, #tpu.memory_space<semaphore_mem>>)
          %dma_wait3A_280 = arith.constant 0 : i32
          %dma_wait3A_281 = tpu.memref_slice %arg15[%dma_wait3A_280] : memref<10208xi32, #tpu.memory_space<vmem>> -> memref<8192xi32, #tpu.memory_space<vmem>>
          %dma_wait3A_282 = tpu.memref_slice %arg5[%multiple_of3A_261] : memref<10485760xi32, #tpu.memory_space<hbm>> -> memref<8192xi32, #tpu.memory_space<hbm>>
          %dma_wait3A_283 = tpu.memref_slice %arg5[%multiple_of3A_261] : memref<10485760xi32, #tpu.memory_space<hbm>> -> memref<8192xi32, #tpu.memory_space<hbm>>
          %dma_wait3A_284 = arith.constant 0 : i32
          %dma_wait3A_285 = tpu.memref_slice %arg15[%dma_wait3A_284] : memref<10208xi32, #tpu.memory_space<vmem>> -> memref<8192xi32, #tpu.memory_space<vmem>>
          tpu.wait_dma2 semaphore(%run_scoped3A : memref<!tpu.dma_semaphore, #tpu.memory_space<semaphore_mem>>) src(%dma_wait3A_285 : memref<8192xi32, #tpu.memory_space<vmem>>) dst(%dma_wait3A_283 : memref<8192xi32, #tpu.memory_space<hbm>>)
          tpu.yield
        }) : () -> ()
        %scan3A_262 = arith.constant 0 : i32
        %scan3A_263 = arith.constant 0 : i32
        %scan3A_264 = arith.constant 126 : i32
        %scan3A_265 = arith.addi %scan3A_263, %scan3A_264 : i32
        %scan3A_266 = arith.constant 1 : i32
        %scan3A_267 = scf.for %scan3A_274 = %scan3A_263 to %scan3A_265 step %scan3A_266 iter_args(%scan3A_275 = %scan3A_262) -> (i32)  : i32 {
          %mul3A_276 = arith.constant 16 : i32
          %mul3A_277 = arith.muli %scan3A_274, %mul3A_276 : i32
          %add3A_278 = arith.constant 8192 : i32
          %add3A_279 = arith.addi %add3A_278, %mul3A_277 : i32
          %get3A = arith.index_cast %add3A_279 : i32 to index
          %get3A_280 = tpu.vector_load %arg14[%get3A] {strides = array<i32>} : memref<10208xi32, #tpu.memory_space<vmem>>, vector<16xi32>,
          %mul3A_281 = arith.constant 16 : i32
          %mul3A_282 = arith.muli %scan3A_274, %mul3A_281 : i32
          %add3A_283 = arith.constant 8192 : i32
          %add3A_284 = arith.addi %add3A_283, %mul3A_282 : i32
          %get3A_285 = arith.index_cast %add3A_284 : i32 to index
          %get3A_286 = tpu.vector_load %arg15[%get3A_285] {strides = array<i32>} : memref<10208xi32, #tpu.memory_space<vmem>>, vector<16xi32>,
          %mul3A_287 = arith.constant 16 : i32
          %mul3A_288 = arith.muli %scan3A_274, %mul3A_287 : i32
          %swap3A_289 = arith.index_cast %mul3A_288 : i32 to index
          %swap3A_290 = tpu.vector_load %arg14[%swap3A_289] {strides = array<i32>} : memref<10208xi32, #tpu.memory_space<vmem>>, vector<16xi32>,
          tpu.vector_store %arg14[%swap3A_289], %get3A_280 {strides = array<i32>} : memref<10208xi32, #tpu.memory_space<vmem>>, vector<16xi32>,
          %mul3A_291 = arith.constant 16 : i32
          %mul3A_292 = arith.muli %scan3A_274, %mul3A_291 : i32
          %swap3A_293 = arith.index_cast %mul3A_292 : i32 to index
          %swap3A_294 = tpu.vector_load %arg15[%swap3A_293] {strides = array<i32>} : memref<10208xi32, #tpu.memory_space<vmem>>, vector<16xi32>,
          tpu.vector_store %arg15[%swap3A_293], %get3A_286 {strides = array<i32>} : memref<10208xi32, #tpu.memory_space<vmem>>, vector<16xi32>,
          %scan3A_295 = arith.constant 0 : i32
          scf.yield %scan3A_295 : i32
        }
        %scan3A_268 = arith.constant 126 : i32
        %sub3A_269 = arith.constant 8192 : i32
        %sub3A_270 = vector.broadcast %sub3A_269 : i32 to vector<16xi32>
        %sub3A_271 = arith.subi %scan3A_144, %sub3A_270 : vector<16xi32>
        %add3A_272 = arith.constant 8192 : i32
        %add3A_273 = arith.addi %cond3A_139#1, %add3A_272 : i32
        scf.yield %sub3A_271, %add3A_273 : vector<16xi32>, i32
      } else {
        scf.yield %scan3A_144, %cond3A_139#1 : vector<16xi32>, i32
      }
      %mul3A_160 = arith.constant 2 : i32
      %mul3A_161 = arith.muli %scan3A_62, %mul3A_160 : i32
      %add3A_162 = arith.constant 1 : i32
      %add3A_163 = arith.addi %mul3A_161, %add3A_162 : i32
      %add3A_164 = arith.constant 1 : i32
      %add3A_165 = arith.addi %add3A_163, %add3A_164 : i32
      %lt3A_166 = arith.constant 40 : i32
      %lt3A_167 = arith.cmpi slt, %add3A_165, %lt3A_166 : i32
      %convert_element_type3A_168 = arith.extui %lt3A_167 : i1 to i32
      %cond3A_169 = arith.constant 0 : i32
      %cond3A_170 = arith.cmpi ne, %convert_element_type3A_168, %cond3A_169 : i32
      scf.if %cond3A_170 {
        %add3A_258 = arith.constant 1 : i32
        %add3A_259 = arith.addi %add3A_163, %add3A_258 : i32
        %mul3A_260 = arith.constant 8000 : i32
        %mul3A_261 = arith.muli %add3A_259, %mul3A_260 : i32
        %multiple_of3A_262 = tpu.assume_multiple %mul3A_261, 8 : i32
        %dma_start3A_263 = tpu.memref_slice %arg3[%multiple_of3A_262] : memref<320000xi32, #tpu.memory_space<hbm>> -> memref<8000xi32, #tpu.memory_space<hbm>>
        %dma_start3A_264 = tpu.memref_slice %arg3[%multiple_of3A_262] : memref<320000xi32, #tpu.memory_space<hbm>> -> memref<8000xi32, #tpu.memory_space<hbm>>
        tpu.enqueue_dma source(%dma_start3A_264 : memref<8000xi32, #tpu.memory_space<hbm>>) target(%arg12 : memref<8000xi32, #tpu.memory_space<vmem>>) target_semaphore(%arg21 : memref<!tpu.dma_semaphore, #tpu.memory_space<semaphore_mem>>)
        %dma_start3A_265 = tpu.memref_slice %arg2[%multiple_of3A_262] : memref<320000xi32, #tpu.memory_space<hbm>> -> memref<8000xi32, #tpu.memory_space<hbm>>
        %dma_start3A_266 = tpu.memref_slice %arg2[%multiple_of3A_262] : memref<320000xi32, #tpu.memory_space<hbm>> -> memref<8000xi32, #tpu.memory_space<hbm>>
        tpu.enqueue_dma source(%dma_start3A_266 : memref<8000xi32, #tpu.memory_space<hbm>>) target(%arg10 : memref<8000xi32, #tpu.memory_space<vmem>>) target_semaphore(%arg21 : memref<!tpu.dma_semaphore, #tpu.memory_space<semaphore_mem>>)
      } else {
      }
      %mul3A_171 = arith.constant 8000 : i32
      %mul3A_172 = arith.muli %add3A_163, %mul3A_171 : i32
      %multiple_of3A_173 = tpu.assume_multiple %mul3A_172, 8 : i32
      %dma_wait3A_174 = tpu.memref_slice %arg3[%multiple_of3A_173] : memref<320000xi32, #tpu.memory_space<hbm>> -> memref<8000xi32, #tpu.memory_space<hbm>>
      %dma_wait3A_175 = tpu.memref_slice %arg3[%multiple_of3A_173] : memref<320000xi32, #tpu.memory_space<hbm>> -> memref<8000xi32, #tpu.memory_space<hbm>>
      tpu.wait_dma2 semaphore(%arg22 : memref<!tpu.dma_semaphore, #tpu.memory_space<semaphore_mem>>) src(%dma_wait3A_175 : memref<8000xi32, #tpu.memory_space<hbm>>) dst(%arg13 : memref<8000xi32, #tpu.memory_space<vmem>>)
      %dma_wait3A_176 = tpu.memref_slice %arg2[%multiple_of3A_173] : memref<320000xi32, #tpu.memory_space<hbm>> -> memref<8000xi32, #tpu.memory_space<hbm>>
      %dma_wait3A_177 = tpu.memref_slice %arg2[%multiple_of3A_173] : memref<320000xi32, #tpu.memory_space<hbm>> -> memref<8000xi32, #tpu.memory_space<hbm>>
      tpu.wait_dma2 semaphore(%arg22 : memref<!tpu.dma_semaphore, #tpu.memory_space<semaphore_mem>>) src(%dma_wait3A_177 : memref<8000xi32, #tpu.memory_space<hbm>>) dst(%arg11 : memref<8000xi32, #tpu.memory_space<vmem>>)
      %scan3A_178 = arith.constant 0 : i32
      %scan3A_179 = arith.constant 25 : i32
      %scan3A_180 = arith.addi %scan3A_178, %scan3A_179 : i32
      %scan3A_181 = arith.constant 1 : i32
      %scan3A_182 = scf.for %scan3A_258 = %scan3A_178 to %scan3A_180 step %scan3A_181 iter_args(%scan3A_259 = %cond3A_159#0) -> (vector<16xi32>)  : i32 {
        %mul3A_260 = arith.constant 5 : i32
        %mul3A_261 = arith.muli %scan3A_258, %mul3A_260 : i32
        %add3A_262 = arith.constant 0 : i32
        %add3A_263 = arith.addi %mul3A_261, %add3A_262 : i32
        %mul3A_264 = arith.constant 16 : i32
        %mul3A_265 = arith.muli %add3A_263, %mul3A_264 : i32
        %add3A_266 = arith.constant 0 : i32
        %add3A_267 = arith.addi %add3A_266, %mul3A_265 : i32
        %get3A = arith.index_cast %add3A_267 : i32 to index
        %get3A_268 = tpu.vector_load %arg13[%get3A] {strides = array<i32>} : memref<8000xi32, #tpu.memory_space<vmem>>, vector<16xi32>,
        %get3A_269 = arith.index_cast %add3A_267 : i32 to index
        %get3A_270 = tpu.vector_load %arg11[%get3A_269] {strides = array<i32>} : memref<8000xi32, #tpu.memory_space<vmem>>, vector<16xi32>,
        %ge3A_271 = vector.broadcast %mul3A_2 : i32 to vector<16xi32>
        %ge3A_272 = arith.cmpi sge, %get3A_268, %ge3A_271 : vector<16xi32>
        %add3A_273 = arith.constant 320 : i32
        %add3A_274 = arith.addi %mul3A_2, %add3A_273 : i32
        %lt3A_275 = vector.broadcast %add3A_274 : i32 to vector<16xi32>
        %lt3A_276 = arith.cmpi slt, %get3A_268, %lt3A_275 : vector<16xi32>
        %and3A_277 = arith.andi %ge3A_272, %lt3A_276 : vector<16xi1>
        %jit3A_278 = arith.constant 1 : i32
        %jit3A_279 = arith.constant 0 : i32
        %broadcast_in_dim3A_280 = vector.broadcast %jit3A_278 : i32 to vector<16xi32>
        %broadcast_in_dim3A_281 = vector.broadcast %jit3A_279 : i32 to vector<16xi32>
        %select_n3A_282 = arith.select %and3A_277, %broadcast_in_dim3A_280, %broadcast_in_dim3A_281 : vector<16xi1>, vector<16xi32>
        %broadcast_in_dim3A_283 = arith.constant true
        %broadcast_in_dim3A_284 = vector.broadcast %broadcast_in_dim3A_283 : i1 to vector<16xi1>
        %masked_cumsum3A = tpu.scan <sum>, %select_n3A_282 masked %broadcast_in_dim3A_284 : vector<16xi32>, vector<16xi1> -> vector<16xi32>
        %add3A_285 = arith.addi %scan3A_259, %masked_cumsum3A : vector<16xi32>
        %sub3A_286 = arith.constant 1 : i32
        %sub3A_287 = vector.broadcast %sub3A_286 : i32 to vector<16xi32>
        %sub3A_288 = arith.subi %add3A_285, %sub3A_287 : vector<16xi32>
        %sub3A_289 = vector.broadcast %mul3A_2 : i32 to vector<16xi32>
        %sub3A_290 = arith.subi %get3A_268, %sub3A_289 : vector<16xi32>
        tpu.vector_store_idx %arg15[%sub3A_288], %sub3A_290 masked %and3A_277 : memref<10208xi32, #tpu.memory_space<vmem>>[vector<16xi32>], vector<16xi32>, vector<16xi1>
        tpu.vector_store_idx %arg14[%sub3A_288], %get3A_270 masked %and3A_277 : memref<10208xi32, #tpu.memory_space<vmem>>[vector<16xi32>], vector<16xi32>, vector<16xi1>
        %all_reduce_population_count3A = tpu.all_reduce %and3A_277 {dim = 0 : i64, kind = #tpu.reduction_kind<sum>} : vector<16xi1> -> vector<16xi32>
        %add3A_291 = arith.addi %scan3A_259, %all_reduce_population_count3A : vector<16xi32>
        %mul3A_292 = arith.constant 5 : i32
        %mul3A_293 = arith.muli %scan3A_258, %mul3A_292 : i32
        %add3A_294 = arith.constant 1 : i32
        %add3A_295 = arith.addi %mul3A_293, %add3A_294 : i32
        %mul3A_296 = arith.constant 16 : i32
        %mul3A_297 = arith.muli %add3A_295, %mul3A_296 : i32
        %add3A_298 = arith.constant 0 : i32
        %add3A_299 = arith.addi %add3A_298, %mul3A_297 : i32
        %get3A_300 = arith.index_cast %add3A_299 : i32 to index
        %get3A_301 = tpu.vector_load %arg13[%get3A_300] {strides = array<i32>} : memref<8000xi32, #tpu.memory_space<vmem>>, vector<16xi32>,
        %get3A_302 = arith.index_cast %add3A_299 : i32 to index
        %get3A_303 = tpu.vector_load %arg11[%get3A_302] {strides = array<i32>} : memref<8000xi32, #tpu.memory_space<vmem>>, vector<16xi32>,
        %ge3A_304 = vector.broadcast %mul3A_2 : i32 to vector<16xi32>
        %ge3A_305 = arith.cmpi sge, %get3A_301, %ge3A_304 : vector<16xi32>
        %add3A_306 = arith.constant 320 : i32
        %add3A_307 = arith.addi %mul3A_2, %add3A_306 : i32
        %lt3A_308 = vector.broadcast %add3A_307 : i32 to vector<16xi32>
        %lt3A_309 = arith.cmpi slt, %get3A_301, %lt3A_308 : vector<16xi32>
        %and3A_310 = arith.andi %ge3A_305, %lt3A_309 : vector<16xi1>
        %jit3A_311 = arith.constant 1 : i32
        %jit3A_312 = arith.constant 0 : i32
        %broadcast_in_dim3A_313 = vector.broadcast %jit3A_311 : i32 to vector<16xi32>
        %broadcast_in_dim3A_314 = vector.broadcast %jit3A_312 : i32 to vector<16xi32>
        %select_n3A_315 = arith.select %and3A_310, %broadcast_in_dim3A_313, %broadcast_in_dim3A_314 : vector<16xi1>, vector<16xi32>
        %broadcast_in_dim3A_316 = arith.constant true
        %broadcast_in_dim3A_317 = vector.broadcast %broadcast_in_dim3A_316 : i1 to vector<16xi1>
        %masked_cumsum3A_318 = tpu.scan <sum>, %select_n3A_315 masked %broadcast_in_dim3A_317 : vector<16xi32>, vector<16xi1> -> vector<16xi32>
        %add3A_319 = arith.addi %add3A_291, %masked_cumsum3A_318 : vector<16xi32>
        %sub3A_320 = arith.constant 1 : i32
        %sub3A_321 = vector.broadcast %sub3A_320 : i32 to vector<16xi32>
        %sub3A_322 = arith.subi %add3A_319, %sub3A_321 : vector<16xi32>
        %sub3A_323 = vector.broadcast %mul3A_2 : i32 to vector<16xi32>
        %sub3A_324 = arith.subi %get3A_301, %sub3A_323 : vector<16xi32>
        tpu.vector_store_idx %arg15[%sub3A_322], %sub3A_324 masked %and3A_310 : memref<10208xi32, #tpu.memory_space<vmem>>[vector<16xi32>], vector<16xi32>, vector<16xi1>
        tpu.vector_store_idx %arg14[%sub3A_322], %get3A_303 masked %and3A_310 : memref<10208xi32, #tpu.memory_space<vmem>>[vector<16xi32>], vector<16xi32>, vector<16xi1>
        %all_reduce_population_count3A_325 = tpu.all_reduce %and3A_310 {dim = 0 : i64, kind = #tpu.reduction_kind<sum>} : vector<16xi1> -> vector<16xi32>
        %add3A_326 = arith.addi %add3A_291, %all_reduce_population_count3A_325 : vector<16xi32>
        %mul3A_327 = arith.constant 5 : i32
        %mul3A_328 = arith.muli %scan3A_258, %mul3A_327 : i32
        %add3A_329 = arith.constant 2 : i32
        %add3A_330 = arith.addi %mul3A_328, %add3A_329 : i32
        %mul3A_331 = arith.constant 16 : i32
        %mul3A_332 = arith.muli %add3A_330, %mul3A_331 : i32
        %add3A_333 = arith.constant 0 : i32
        %add3A_334 = arith.addi %add3A_333, %mul3A_332 : i32
        %get3A_335 = arith.index_cast %add3A_334 : i32 to index
        %get3A_336 = tpu.vector_load %arg13[%get3A_335] {strides = array<i32>} : memref<8000xi32, #tpu.memory_space<vmem>>, vector<16xi32>,
        %get3A_337 = arith.index_cast %add3A_334 : i32 to index
        %get3A_338 = tpu.vector_load %arg11[%get3A_337] {strides = array<i32>} : memref<8000xi32, #tpu.memory_space<vmem>>, vector<16xi32>,
        %ge3A_339 = vector.broadcast %mul3A_2 : i32 to vector<16xi32>
        %ge3A_340 = arith.cmpi sge, %get3A_336, %ge3A_339 : vector<16xi32>
        %add3A_341 = arith.constant 320 : i32
        %add3A_342 = arith.addi %mul3A_2, %add3A_341 : i32
        %lt3A_343 = vector.broadcast %add3A_342 : i32 to vector<16xi32>
        %lt3A_344 = arith.cmpi slt, %get3A_336, %lt3A_343 : vector<16xi32>
        %and3A_345 = arith.andi %ge3A_340, %lt3A_344 : vector<16xi1>
        %jit3A_346 = arith.constant 1 : i32
        %jit3A_347 = arith.constant 0 : i32
        %broadcast_in_dim3A_348 = vector.broadcast %jit3A_346 : i32 to vector<16xi32>
        %broadcast_in_dim3A_349 = vector.broadcast %jit3A_347 : i32 to vector<16xi32>
        %select_n3A_350 = arith.select %and3A_345, %broadcast_in_dim3A_348, %broadcast_in_dim3A_349 : vector<16xi1>, vector<16xi32>
        %broadcast_in_dim3A_351 = arith.constant true
        %broadcast_in_dim3A_352 = vector.broadcast %broadcast_in_dim3A_351 : i1 to vector<16xi1>
        %masked_cumsum3A_353 = tpu.scan <sum>, %select_n3A_350 masked %broadcast_in_dim3A_352 : vector<16xi32>, vector<16xi1> -> vector<16xi32>
        %add3A_354 = arith.addi %add3A_326, %masked_cumsum3A_353 : vector<16xi32>
        %sub3A_355 = arith.constant 1 : i32
        %sub3A_356 = vector.broadcast %sub3A_355 : i32 to vector<16xi32>
        %sub3A_357 = arith.subi %add3A_354, %sub3A_356 : vector<16xi32>
        %sub3A_358 = vector.broadcast %mul3A_2 : i32 to vector<16xi32>
        %sub3A_359 = arith.subi %get3A_336, %sub3A_358 : vector<16xi32>
        tpu.vector_store_idx %arg15[%sub3A_357], %sub3A_359 masked %and3A_345 : memref<10208xi32, #tpu.memory_space<vmem>>[vector<16xi32>], vector<16xi32>, vector<16xi1>
        tpu.vector_store_idx %arg14[%sub3A_357], %get3A_338 masked %and3A_345 : memref<10208xi32, #tpu.memory_space<vmem>>[vector<16xi32>], vector<16xi32>, vector<16xi1>
        %all_reduce_population_count3A_360 = tpu.all_reduce %and3A_345 {dim = 0 : i64, kind = #tpu.reduction_kind<sum>} : vector<16xi1> -> vector<16xi32>
        %add3A_361 = arith.addi %add3A_326, %all_reduce_population_count3A_360 : vector<16xi32>
        %mul3A_362 = arith.constant 5 : i32
        %mul3A_363 = arith.muli %scan3A_258, %mul3A_362 : i32
        %add3A_364 = arith.constant 3 : i32
        %add3A_365 = arith.addi %mul3A_363, %add3A_364 : i32
        %mul3A_366 = arith.constant 16 : i32
        %mul3A_367 = arith.muli %add3A_365, %mul3A_366 : i32
        %add3A_368 = arith.constant 0 : i32
        %add3A_369 = arith.addi %add3A_368, %mul3A_367 : i32
        %get3A_370 = arith.index_cast %add3A_369 : i32 to index
        %get3A_371 = tpu.vector_load %arg13[%get3A_370] {strides = array<i32>} : memref<8000xi32, #tpu.memory_space<vmem>>, vector<16xi32>,
        %get3A_372 = arith.index_cast %add3A_369 : i32 to index
        %get3A_373 = tpu.vector_load %arg11[%get3A_372] {strides = array<i32>} : memref<8000xi32, #tpu.memory_space<vmem>>, vector<16xi32>,
        %ge3A_374 = vector.broadcast %mul3A_2 : i32 to vector<16xi32>
        %ge3A_375 = arith.cmpi sge, %get3A_371, %ge3A_374 : vector<16xi32>
        %add3A_376 = arith.constant 320 : i32
        %add3A_377 = arith.addi %mul3A_2, %add3A_376 : i32
        %lt3A_378 = vector.broadcast %add3A_377 : i32 to vector<16xi32>
        %lt3A_379 = arith.cmpi slt, %get3A_371, %lt3A_378 : vector<16xi32>
        %and3A_380 = arith.andi %ge3A_375, %lt3A_379 : vector<16xi1>
        %jit3A_381 = arith.constant 1 : i32
        %jit3A_382 = arith.constant 0 : i32
        %broadcast_in_dim3A_383 = vector.broadcast %jit3A_381 : i32 to vector<16xi32>
        %broadcast_in_dim3A_384 = vector.broadcast %jit3A_382 : i32 to vector<16xi32>
        %select_n3A_385 = arith.select %and3A_380, %broadcast_in_dim3A_383, %broadcast_in_dim3A_384 : vector<16xi1>, vector<16xi32>
        %broadcast_in_dim3A_386 = arith.constant true
        %broadcast_in_dim3A_387 = vector.broadcast %broadcast_in_dim3A_386 : i1 to vector<16xi1>
        %masked_cumsum3A_388 = tpu.scan <sum>, %select_n3A_385 masked %broadcast_in_dim3A_387 : vector<16xi32>, vector<16xi1> -> vector<16xi32>
        %add3A_389 = arith.addi %add3A_361, %masked_cumsum3A_388 : vector<16xi32>
        %sub3A_390 = arith.constant 1 : i32
        %sub3A_391 = vector.broadcast %sub3A_390 : i32 to vector<16xi32>
        %sub3A_392 = arith.subi %add3A_389, %sub3A_391 : vector<16xi32>
        %sub3A_393 = vector.broadcast %mul3A_2 : i32 to vector<16xi32>
        %sub3A_394 = arith.subi %get3A_371, %sub3A_393 : vector<16xi32>
        tpu.vector_store_idx %arg15[%sub3A_392], %sub3A_394 masked %and3A_380 : memref<10208xi32, #tpu.memory_space<vmem>>[vector<16xi32>], vector<16xi32>, vector<16xi1>
        tpu.vector_store_idx %arg14[%sub3A_392], %get3A_373 masked %and3A_380 : memref<10208xi32, #tpu.memory_space<vmem>>[vector<16xi32>], vector<16xi32>, vector<16xi1>
        %all_reduce_population_count3A_395 = tpu.all_reduce %and3A_380 {dim = 0 : i64, kind = #tpu.reduction_kind<sum>} : vector<16xi1> -> vector<16xi32>
        %add3A_396 = arith.addi %add3A_361, %all_reduce_population_count3A_395 : vector<16xi32>
        %mul3A_397 = arith.constant 5 : i32
        %mul3A_398 = arith.muli %scan3A_258, %mul3A_397 : i32
        %add3A_399 = arith.constant 4 : i32
        %add3A_400 = arith.addi %mul3A_398, %add3A_399 : i32
        %mul3A_401 = arith.constant 16 : i32
        %mul3A_402 = arith.muli %add3A_400, %mul3A_401 : i32
        %add3A_403 = arith.constant 0 : i32
        %add3A_404 = arith.addi %add3A_403, %mul3A_402 : i32
        %get3A_405 = arith.index_cast %add3A_404 : i32 to index
        %get3A_406 = tpu.vector_load %arg13[%get3A_405] {strides = array<i32>} : memref<8000xi32, #tpu.memory_space<vmem>>, vector<16xi32>,
        %get3A_407 = arith.index_cast %add3A_404 : i32 to index
        %get3A_408 = tpu.vector_load %arg11[%get3A_407] {strides = array<i32>} : memref<8000xi32, #tpu.memory_space<vmem>>, vector<16xi32>,
        %ge3A_409 = vector.broadcast %mul3A_2 : i32 to vector<16xi32>
        %ge3A_410 = arith.cmpi sge, %get3A_406, %ge3A_409 : vector<16xi32>
        %add3A_411 = arith.constant 320 : i32
        %add3A_412 = arith.addi %mul3A_2, %add3A_411 : i32
        %lt3A_413 = vector.broadcast %add3A_412 : i32 to vector<16xi32>
        %lt3A_414 = arith.cmpi slt, %get3A_406, %lt3A_413 : vector<16xi32>
        %and3A_415 = arith.andi %ge3A_410, %lt3A_414 : vector<16xi1>
        %jit3A_416 = arith.constant 1 : i32
        %jit3A_417 = arith.constant 0 : i32
        %broadcast_in_dim3A_418 = vector.broadcast %jit3A_416 : i32 to vector<16xi32>
        %broadcast_in_dim3A_419 = vector.broadcast %jit3A_417 : i32 to vector<16xi32>
        %select_n3A_420 = arith.select %and3A_415, %broadcast_in_dim3A_418, %broadcast_in_dim3A_419 : vector<16xi1>, vector<16xi32>
        %broadcast_in_dim3A_421 = arith.constant true
        %broadcast_in_dim3A_422 = vector.broadcast %broadcast_in_dim3A_421 : i1 to vector<16xi1>
        %masked_cumsum3A_423 = tpu.scan <sum>, %select_n3A_420 masked %broadcast_in_dim3A_422 : vector<16xi32>, vector<16xi1> -> vector<16xi32>
        %add3A_424 = arith.addi %add3A_396, %masked_cumsum3A_423 : vector<16xi32>
        %sub3A_425 = arith.constant 1 : i32
        %sub3A_426 = vector.broadcast %sub3A_425 : i32 to vector<16xi32>
        %sub3A_427 = arith.subi %add3A_424, %sub3A_426 : vector<16xi32>
        %sub3A_428 = vector.broadcast %mul3A_2 : i32 to vector<16xi32>
        %sub3A_429 = arith.subi %get3A_406, %sub3A_428 : vector<16xi32>
        tpu.vector_store_idx %arg15[%sub3A_427], %sub3A_429 masked %and3A_415 : memref<10208xi32, #tpu.memory_space<vmem>>[vector<16xi32>], vector<16xi32>, vector<16xi1>
        tpu.vector_store_idx %arg14[%sub3A_427], %get3A_408 masked %and3A_415 : memref<10208xi32, #tpu.memory_space<vmem>>[vector<16xi32>], vector<16xi32>, vector<16xi1>
        %all_reduce_population_count3A_430 = tpu.all_reduce %and3A_415 {dim = 0 : i64, kind = #tpu.reduction_kind<sum>} : vector<16xi1> -> vector<16xi32>
        %add3A_431 = arith.addi %add3A_396, %all_reduce_population_count3A_430 : vector<16xi32>
        scf.yield %add3A_431 : vector<16xi32>
      }
      %scan3A_183 = arith.constant 25 : i32
      %reduce_max3A_184 = arith.constant true
      %reduce_max3A_185 = vector.broadcast %reduce_max3A_184 : i1 to vector<16xi1>
      %reduce_max3A_186 = arith.constant -2147483648 : i32
      %reduce_max3A_187 = vector.broadcast %reduce_max3A_186 : i32 to vector<16xi32>
      %reduce_max3A_188 = arith.xori %scan3A_182, %reduce_max3A_187 : vector<16xi32>
      %reduce_max3A_189 = tpu.scan <max>, %reduce_max3A_188 masked %reduce_max3A_185 : vector<16xi32>, vector<16xi1> -> vector<16xi32>
      %reduce_max3A_190 = arith.xori %reduce_max3A_189, %reduce_max3A_187 : vector<16xi32>
      %reduce_max3A_191 = vector.extract %reduce_max3A_190[15] : i32 from vector<16xi32>
      %ge3A_192 = arith.constant 8192 : i32
      %ge3A_193 = arith.cmpi sge, %reduce_max3A_191, %ge3A_192 : i32
      %convert_element_type3A_194 = arith.extui %ge3A_193 : i1 to i32
      %cond3A_195 = arith.constant 0 : i32
      %cond3A_196 = arith.cmpi ne, %convert_element_type3A_194, %cond3A_195 : i32
      %cond3A_197:2 = scf.if %cond3A_196 -> (vector<16xi32>, i32) {
        %mul3A_258 = arith.constant 327680 : i32
        %mul3A_259 = arith.muli %add3A, %mul3A_258 : i32
        %add3A_260 = arith.addi %mul3A_259, %cond3A_159#1 : i32
        %multiple_of3A_261 = tpu.assume_multiple %add3A_260, 8192 : i32
        "tpu.region"() ({
          %run_scoped3A = tpu.sem_alloc : memref<!tpu.dma_semaphore, #tpu.memory_space<semaphore_mem>>
          %dma_start3A_274 = arith.constant 0 : i32
          %dma_start3A_275 = tpu.memref_slice %arg14[%dma_start3A_274] : memref<10208xi32, #tpu.memory_space<vmem>> -> memref<8192xi32, #tpu.memory_space<vmem>>
          %dma_start3A_276 = tpu.memref_slice %arg4[%multiple_of3A_261] : memref<10485760xi32, #tpu.memory_space<hbm>> -> memref<8192xi32, #tpu.memory_space<hbm>>
          %dma_start3A_277 = tpu.memref_slice %arg4[%multiple_of3A_261] : memref<10485760xi32, #tpu.memory_space<hbm>> -> memref<8192xi32, #tpu.memory_space<hbm>>
          %dma_start3A_278 = arith.constant 0 : i32
          %dma_start3A_279 = tpu.memref_slice %arg14[%dma_start3A_278] : memref<10208xi32, #tpu.memory_space<vmem>> -> memref<8192xi32, #tpu.memory_space<vmem>>
          tpu.enqueue_dma source(%dma_start3A_279 : memref<8192xi32, #tpu.memory_space<vmem>>) target(%dma_start3A_277 : memref<8192xi32, #tpu.memory_space<hbm>>) target_semaphore(%run_scoped3A : memref<!tpu.dma_semaphore, #tpu.memory_space<semaphore_mem>>)
          %dma_wait3A_280 = arith.constant 0 : i32
          %dma_wait3A_281 = tpu.memref_slice %arg14[%dma_wait3A_280] : memref<10208xi32, #tpu.memory_space<vmem>> -> memref<8192xi32, #tpu.memory_space<vmem>>
          %dma_wait3A_282 = tpu.memref_slice %arg4[%multiple_of3A_261] : memref<10485760xi32, #tpu.memory_space<hbm>> -> memref<8192xi32, #tpu.memory_space<hbm>>
          %dma_wait3A_283 = tpu.memref_slice %arg4[%multiple_of3A_261] : memref<10485760xi32, #tpu.memory_space<hbm>> -> memref<8192xi32, #tpu.memory_space<hbm>>
          %dma_wait3A_284 = arith.constant 0 : i32
          %dma_wait3A_285 = tpu.memref_slice %arg14[%dma_wait3A_284] : memref<10208xi32, #tpu.memory_space<vmem>> -> memref<8192xi32, #tpu.memory_space<vmem>>
          tpu.wait_dma2 semaphore(%run_scoped3A : memref<!tpu.dma_semaphore, #tpu.memory_space<semaphore_mem>>) src(%dma_wait3A_285 : memref<8192xi32, #tpu.memory_space<vmem>>) dst(%dma_wait3A_283 : memref<8192xi32, #tpu.memory_space<hbm>>)
          tpu.yield
        }) : () -> ()
        "tpu.region"() ({
          %run_scoped3A = tpu.sem_alloc : memref<!tpu.dma_semaphore, #tpu.memory_space<semaphore_mem>>
          %dma_start3A_274 = arith.constant 0 : i32
          %dma_start3A_275 = tpu.memref_slice %arg15[%dma_start3A_274] : memref<10208xi32, #tpu.memory_space<vmem>> -> memref<8192xi32, #tpu.memory_space<vmem>>
          %dma_start3A_276 = tpu.memref_slice %arg5[%multiple_of3A_261] : memref<10485760xi32, #tpu.memory_space<hbm>> -> memref<8192xi32, #tpu.memory_space<hbm>>
          %dma_start3A_277 = tpu.memref_slice %arg5[%multiple_of3A_261] : memref<10485760xi32, #tpu.memory_space<hbm>> -> memref<8192xi32, #tpu.memory_space<hbm>>
          %dma_start3A_278 = arith.constant 0 : i32
          %dma_start3A_279 = tpu.memref_slice %arg15[%dma_start3A_278] : memref<10208xi32, #tpu.memory_space<vmem>> -> memref<8192xi32, #tpu.memory_space<vmem>>
          tpu.enqueue_dma source(%dma_start3A_279 : memref<8192xi32, #tpu.memory_space<vmem>>) target(%dma_start3A_277 : memref<8192xi32, #tpu.memory_space<hbm>>) target_semaphore(%run_scoped3A : memref<!tpu.dma_semaphore, #tpu.memory_space<semaphore_mem>>)
          %dma_wait3A_280 = arith.constant 0 : i32
          %dma_wait3A_281 = tpu.memref_slice %arg15[%dma_wait3A_280] : memref<10208xi32, #tpu.memory_space<vmem>> -> memref<8192xi32, #tpu.memory_space<vmem>>
          %dma_wait3A_282 = tpu.memref_slice %arg5[%multiple_of3A_261] : memref<10485760xi32, #tpu.memory_space<hbm>> -> memref<8192xi32, #tpu.memory_space<hbm>>
          %dma_wait3A_283 = tpu.memref_slice %arg5[%multiple_of3A_261] : memref<10485760xi32, #tpu.memory_space<hbm>> -> memref<8192xi32, #tpu.memory_space<hbm>>
          %dma_wait3A_284 = arith.constant 0 : i32
          %dma_wait3A_285 = tpu.memref_slice %arg15[%dma_wait3A_284] : memref<10208xi32, #tpu.memory_space<vmem>> -> memref<8192xi32, #tpu.memory_space<vmem>>
          tpu.wait_dma2 semaphore(%run_scoped3A : memref<!tpu.dma_semaphore, #tpu.memory_space<semaphore_mem>>) src(%dma_wait3A_285 : memref<8192xi32, #tpu.memory_space<vmem>>) dst(%dma_wait3A_283 : memref<8192xi32, #tpu.memory_space<hbm>>)
          tpu.yield
        }) : () -> ()
        %scan3A_262 = arith.constant 0 : i32
        %scan3A_263 = arith.constant 0 : i32
        %scan3A_264 = arith.constant 126 : i32
        %scan3A_265 = arith.addi %scan3A_263, %scan3A_264 : i32
        %scan3A_266 = arith.constant 1 : i32
        %scan3A_267 = scf.for %scan3A_274 = %scan3A_263 to %scan3A_265 step %scan3A_266 iter_args(%scan3A_275 = %scan3A_262) -> (i32)  : i32 {
          %mul3A_276 = arith.constant 16 : i32
          %mul3A_277 = arith.muli %scan3A_274, %mul3A_276 : i32
          %add3A_278 = arith.constant 8192 : i32
          %add3A_279 = arith.addi %add3A_278, %mul3A_277 : i32
          %get3A = arith.index_cast %add3A_279 : i32 to index
          %get3A_280 = tpu.vector_load %arg14[%get3A] {strides = array<i32>} : memref<10208xi32, #tpu.memory_space<vmem>>, vector<16xi32>,
          %mul3A_281 = arith.constant 16 : i32
          %mul3A_282 = arith.muli %scan3A_274, %mul3A_281 : i32
          %add3A_283 = arith.constant 8192 : i32
          %add3A_284 = arith.addi %add3A_283, %mul3A_282 : i32
          %get3A_285 = arith.index_cast %add3A_284 : i32 to index
          %get3A_286 = tpu.vector_load %arg15[%get3A_285] {strides = array<i32>} : memref<10208xi32, #tpu.memory_space<vmem>>, vector<16xi32>,
          %mul3A_287 = arith.constant 16 : i32
          %mul3A_288 = arith.muli %scan3A_274, %mul3A_287 : i32
          %swap3A_289 = arith.index_cast %mul3A_288 : i32 to index
          %swap3A_290 = tpu.vector_load %arg14[%swap3A_289] {strides = array<i32>} : memref<10208xi32, #tpu.memory_space<vmem>>, vector<16xi32>,
          tpu.vector_store %arg14[%swap3A_289], %get3A_280 {strides = array<i32>} : memref<10208xi32, #tpu.memory_space<vmem>>, vector<16xi32>,
          %mul3A_291 = arith.constant 16 : i32
          %mul3A_292 = arith.muli %scan3A_274, %mul3A_291 : i32
          %swap3A_293 = arith.index_cast %mul3A_292 : i32 to index
          %swap3A_294 = tpu.vector_load %arg15[%swap3A_293] {strides = array<i32>} : memref<10208xi32, #tpu.memory_space<vmem>>, vector<16xi32>,
          tpu.vector_store %arg15[%swap3A_293], %get3A_286 {strides = array<i32>} : memref<10208xi32, #tpu.memory_space<vmem>>, vector<16xi32>,
          %scan3A_295 = arith.constant 0 : i32
          scf.yield %scan3A_295 : i32
        }
        %scan3A_268 = arith.constant 126 : i32
        %sub3A_269 = arith.constant 8192 : i32
        %sub3A_270 = vector.broadcast %sub3A_269 : i32 to vector<16xi32>
        %sub3A_271 = arith.subi %scan3A_182, %sub3A_270 : vector<16xi32>
        %add3A_272 = arith.constant 8192 : i32
        %add3A_273 = arith.addi %cond3A_159#1, %add3A_272 : i32
        scf.yield %sub3A_271, %add3A_273 : vector<16xi32>, i32
      } else {
        scf.yield %scan3A_182, %cond3A_159#1 : vector<16xi32>, i32
      }
      %scan3A_198 = arith.constant 0 : i32
      %scan3A_199 = arith.constant 25 : i32
      %scan3A_200 = arith.addi %scan3A_198, %scan3A_199 : i32
      %scan3A_201 = arith.constant 1 : i32
      %scan3A_202 = scf.for %scan3A_258 = %scan3A_198 to %scan3A_200 step %scan3A_201 iter_args(%scan3A_259 = %cond3A_197#0) -> (vector<16xi32>)  : i32 {
        %mul3A_260 = arith.constant 5 : i32
        %mul3A_261 = arith.muli %scan3A_258, %mul3A_260 : i32
        %add3A_262 = arith.constant 0 : i32
        %add3A_263 = arith.addi %mul3A_261, %add3A_262 : i32
        %mul3A_264 = arith.constant 16 : i32
        %mul3A_265 = arith.muli %add3A_263, %mul3A_264 : i32
        %add3A_266 = arith.constant 2000 : i32
        %add3A_267 = arith.addi %add3A_266, %mul3A_265 : i32
        %get3A = arith.index_cast %add3A_267 : i32 to index
        %get3A_268 = tpu.vector_load %arg13[%get3A] {strides = array<i32>} : memref<8000xi32, #tpu.memory_space<vmem>>, vector<16xi32>,
        %get3A_269 = arith.index_cast %add3A_267 : i32 to index
        %get3A_270 = tpu.vector_load %arg11[%get3A_269] {strides = array<i32>} : memref<8000xi32, #tpu.memory_space<vmem>>, vector<16xi32>,
        %ge3A_271 = vector.broadcast %mul3A_2 : i32 to vector<16xi32>
        %ge3A_272 = arith.cmpi sge, %get3A_268, %ge3A_271 : vector<16xi32>
        %add3A_273 = arith.constant 320 : i32
        %add3A_274 = arith.addi %mul3A_2, %add3A_273 : i32
        %lt3A_275 = vector.broadcast %add3A_274 : i32 to vector<16xi32>
        %lt3A_276 = arith.cmpi slt, %get3A_268, %lt3A_275 : vector<16xi32>
        %and3A_277 = arith.andi %ge3A_272, %lt3A_276 : vector<16xi1>
        %jit3A_278 = arith.constant 1 : i32
        %jit3A_279 = arith.constant 0 : i32
        %broadcast_in_dim3A_280 = vector.broadcast %jit3A_278 : i32 to vector<16xi32>
        %broadcast_in_dim3A_281 = vector.broadcast %jit3A_279 : i32 to vector<16xi32>
        %select_n3A_282 = arith.select %and3A_277, %broadcast_in_dim3A_280, %broadcast_in_dim3A_281 : vector<16xi1>, vector<16xi32>
        %broadcast_in_dim3A_283 = arith.constant true
        %broadcast_in_dim3A_284 = vector.broadcast %broadcast_in_dim3A_283 : i1 to vector<16xi1>
        %masked_cumsum3A = tpu.scan <sum>, %select_n3A_282 masked %broadcast_in_dim3A_284 : vector<16xi32>, vector<16xi1> -> vector<16xi32>
        %add3A_285 = arith.addi %scan3A_259, %masked_cumsum3A : vector<16xi32>
        %sub3A_286 = arith.constant 1 : i32
        %sub3A_287 = vector.broadcast %sub3A_286 : i32 to vector<16xi32>
        %sub3A_288 = arith.subi %add3A_285, %sub3A_287 : vector<16xi32>
        %sub3A_289 = vector.broadcast %mul3A_2 : i32 to vector<16xi32>
        %sub3A_290 = arith.subi %get3A_268, %sub3A_289 : vector<16xi32>
        tpu.vector_store_idx %arg15[%sub3A_288], %sub3A_290 masked %and3A_277 : memref<10208xi32, #tpu.memory_space<vmem>>[vector<16xi32>], vector<16xi32>, vector<16xi1>
        tpu.vector_store_idx %arg14[%sub3A_288], %get3A_270 masked %and3A_277 : memref<10208xi32, #tpu.memory_space<vmem>>[vector<16xi32>], vector<16xi32>, vector<16xi1>
        %all_reduce_population_count3A = tpu.all_reduce %and3A_277 {dim = 0 : i64, kind = #tpu.reduction_kind<sum>} : vector<16xi1> -> vector<16xi32>
        %add3A_291 = arith.addi %scan3A_259, %all_reduce_population_count3A : vector<16xi32>
        %mul3A_292 = arith.constant 5 : i32
        %mul3A_293 = arith.muli %scan3A_258, %mul3A_292 : i32
        %add3A_294 = arith.constant 1 : i32
        %add3A_295 = arith.addi %mul3A_293, %add3A_294 : i32
        %mul3A_296 = arith.constant 16 : i32
        %mul3A_297 = arith.muli %add3A_295, %mul3A_296 : i32
        %add3A_298 = arith.constant 2000 : i32
        %add3A_299 = arith.addi %add3A_298, %mul3A_297 : i32
        %get3A_300 = arith.index_cast %add3A_299 : i32 to index
        %get3A_301 = tpu.vector_load %arg13[%get3A_300] {strides = array<i32>} : memref<8000xi32, #tpu.memory_space<vmem>>, vector<16xi32>,
        %get3A_302 = arith.index_cast %add3A_299 : i32 to index
        %get3A_303 = tpu.vector_load %arg11[%get3A_302] {strides = array<i32>} : memref<8000xi32, #tpu.memory_space<vmem>>, vector<16xi32>,
        %ge3A_304 = vector.broadcast %mul3A_2 : i32 to vector<16xi32>
        %ge3A_305 = arith.cmpi sge, %get3A_301, %ge3A_304 : vector<16xi32>
        %add3A_306 = arith.constant 320 : i32
        %add3A_307 = arith.addi %mul3A_2, %add3A_306 : i32
        %lt3A_308 = vector.broadcast %add3A_307 : i32 to vector<16xi32>
        %lt3A_309 = arith.cmpi slt, %get3A_301, %lt3A_308 : vector<16xi32>
        %and3A_310 = arith.andi %ge3A_305, %lt3A_309 : vector<16xi1>
        %jit3A_311 = arith.constant 1 : i32
        %jit3A_312 = arith.constant 0 : i32
        %broadcast_in_dim3A_313 = vector.broadcast %jit3A_311 : i32 to vector<16xi32>
        %broadcast_in_dim3A_314 = vector.broadcast %jit3A_312 : i32 to vector<16xi32>
        %select_n3A_315 = arith.select %and3A_310, %broadcast_in_dim3A_313, %broadcast_in_dim3A_314 : vector<16xi1>, vector<16xi32>
        %broadcast_in_dim3A_316 = arith.constant true
        %broadcast_in_dim3A_317 = vector.broadcast %broadcast_in_dim3A_316 : i1 to vector<16xi1>
        %masked_cumsum3A_318 = tpu.scan <sum>, %select_n3A_315 masked %broadcast_in_dim3A_317 : vector<16xi32>, vector<16xi1> -> vector<16xi32>
        %add3A_319 = arith.addi %add3A_291, %masked_cumsum3A_318 : vector<16xi32>
        %sub3A_320 = arith.constant 1 : i32
        %sub3A_321 = vector.broadcast %sub3A_320 : i32 to vector<16xi32>
        %sub3A_322 = arith.subi %add3A_319, %sub3A_321 : vector<16xi32>
        %sub3A_323 = vector.broadcast %mul3A_2 : i32 to vector<16xi32>
        %sub3A_324 = arith.subi %get3A_301, %sub3A_323 : vector<16xi32>
        tpu.vector_store_idx %arg15[%sub3A_322], %sub3A_324 masked %and3A_310 : memref<10208xi32, #tpu.memory_space<vmem>>[vector<16xi32>], vector<16xi32>, vector<16xi1>
        tpu.vector_store_idx %arg14[%sub3A_322], %get3A_303 masked %and3A_310 : memref<10208xi32, #tpu.memory_space<vmem>>[vector<16xi32>], vector<16xi32>, vector<16xi1>
        %all_reduce_population_count3A_325 = tpu.all_reduce %and3A_310 {dim = 0 : i64, kind = #tpu.reduction_kind<sum>} : vector<16xi1> -> vector<16xi32>
        %add3A_326 = arith.addi %add3A_291, %all_reduce_population_count3A_325 : vector<16xi32>
        %mul3A_327 = arith.constant 5 : i32
        %mul3A_328 = arith.muli %scan3A_258, %mul3A_327 : i32
        %add3A_329 = arith.constant 2 : i32
        %add3A_330 = arith.addi %mul3A_328, %add3A_329 : i32
        %mul3A_331 = arith.constant 16 : i32
        %mul3A_332 = arith.muli %add3A_330, %mul3A_331 : i32
        %add3A_333 = arith.constant 2000 : i32
        %add3A_334 = arith.addi %add3A_333, %mul3A_332 : i32
        %get3A_335 = arith.index_cast %add3A_334 : i32 to index
        %get3A_336 = tpu.vector_load %arg13[%get3A_335] {strides = array<i32>} : memref<8000xi32, #tpu.memory_space<vmem>>, vector<16xi32>,
        %get3A_337 = arith.index_cast %add3A_334 : i32 to index
        %get3A_338 = tpu.vector_load %arg11[%get3A_337] {strides = array<i32>} : memref<8000xi32, #tpu.memory_space<vmem>>, vector<16xi32>,
        %ge3A_339 = vector.broadcast %mul3A_2 : i32 to vector<16xi32>
        %ge3A_340 = arith.cmpi sge, %get3A_336, %ge3A_339 : vector<16xi32>
        %add3A_341 = arith.constant 320 : i32
        %add3A_342 = arith.addi %mul3A_2, %add3A_341 : i32
        %lt3A_343 = vector.broadcast %add3A_342 : i32 to vector<16xi32>
        %lt3A_344 = arith.cmpi slt, %get3A_336, %lt3A_343 : vector<16xi32>
        %and3A_345 = arith.andi %ge3A_340, %lt3A_344 : vector<16xi1>
        %jit3A_346 = arith.constant 1 : i32
        %jit3A_347 = arith.constant 0 : i32
        %broadcast_in_dim3A_348 = vector.broadcast %jit3A_346 : i32 to vector<16xi32>
        %broadcast_in_dim3A_349 = vector.broadcast %jit3A_347 : i32 to vector<16xi32>
        %select_n3A_350 = arith.select %and3A_345, %broadcast_in_dim3A_348, %broadcast_in_dim3A_349 : vector<16xi1>, vector<16xi32>
        %broadcast_in_dim3A_351 = arith.constant true
        %broadcast_in_dim3A_352 = vector.broadcast %broadcast_in_dim3A_351 : i1 to vector<16xi1>
        %masked_cumsum3A_353 = tpu.scan <sum>, %select_n3A_350 masked %broadcast_in_dim3A_352 : vector<16xi32>, vector<16xi1> -> vector<16xi32>
        %add3A_354 = arith.addi %add3A_326, %masked_cumsum3A_353 : vector<16xi32>
        %sub3A_355 = arith.constant 1 : i32
        %sub3A_356 = vector.broadcast %sub3A_355 : i32 to vector<16xi32>
        %sub3A_357 = arith.subi %add3A_354, %sub3A_356 : vector<16xi32>
        %sub3A_358 = vector.broadcast %mul3A_2 : i32 to vector<16xi32>
        %sub3A_359 = arith.subi %get3A_336, %sub3A_358 : vector<16xi32>
        tpu.vector_store_idx %arg15[%sub3A_357], %sub3A_359 masked %and3A_345 : memref<10208xi32, #tpu.memory_space<vmem>>[vector<16xi32>], vector<16xi32>, vector<16xi1>
        tpu.vector_store_idx %arg14[%sub3A_357], %get3A_338 masked %and3A_345 : memref<10208xi32, #tpu.memory_space<vmem>>[vector<16xi32>], vector<16xi32>, vector<16xi1>
        %all_reduce_population_count3A_360 = tpu.all_reduce %and3A_345 {dim = 0 : i64, kind = #tpu.reduction_kind<sum>} : vector<16xi1> -> vector<16xi32>
        %add3A_361 = arith.addi %add3A_326, %all_reduce_population_count3A_360 : vector<16xi32>
        %mul3A_362 = arith.constant 5 : i32
        %mul3A_363 = arith.muli %scan3A_258, %mul3A_362 : i32
        %add3A_364 = arith.constant 3 : i32
        %add3A_365 = arith.addi %mul3A_363, %add3A_364 : i32
        %mul3A_366 = arith.constant 16 : i32
        %mul3A_367 = arith.muli %add3A_365, %mul3A_366 : i32
        %add3A_368 = arith.constant 2000 : i32
        %add3A_369 = arith.addi %add3A_368, %mul3A_367 : i32
        %get3A_370 = arith.index_cast %add3A_369 : i32 to index
        %get3A_371 = tpu.vector_load %arg13[%get3A_370] {strides = array<i32>} : memref<8000xi32, #tpu.memory_space<vmem>>, vector<16xi32>,
        %get3A_372 = arith.index_cast %add3A_369 : i32 to index
        %get3A_373 = tpu.vector_load %arg11[%get3A_372] {strides = array<i32>} : memref<8000xi32, #tpu.memory_space<vmem>>, vector<16xi32>,
        %ge3A_374 = vector.broadcast %mul3A_2 : i32 to vector<16xi32>
        %ge3A_375 = arith.cmpi sge, %get3A_371, %ge3A_374 : vector<16xi32>
        %add3A_376 = arith.constant 320 : i32
        %add3A_377 = arith.addi %mul3A_2, %add3A_376 : i32
        %lt3A_378 = vector.broadcast %add3A_377 : i32 to vector<16xi32>
        %lt3A_379 = arith.cmpi slt, %get3A_371, %lt3A_378 : vector<16xi32>
        %and3A_380 = arith.andi %ge3A_375, %lt3A_379 : vector<16xi1>
        %jit3A_381 = arith.constant 1 : i32
        %jit3A_382 = arith.constant 0 : i32
        %broadcast_in_dim3A_383 = vector.broadcast %jit3A_381 : i32 to vector<16xi32>
        %broadcast_in_dim3A_384 = vector.broadcast %jit3A_382 : i32 to vector<16xi32>
        %select_n3A_385 = arith.select %and3A_380, %broadcast_in_dim3A_383, %broadcast_in_dim3A_384 : vector<16xi1>, vector<16xi32>
        %broadcast_in_dim3A_386 = arith.constant true
        %broadcast_in_dim3A_387 = vector.broadcast %broadcast_in_dim3A_386 : i1 to vector<16xi1>
        %masked_cumsum3A_388 = tpu.scan <sum>, %select_n3A_385 masked %broadcast_in_dim3A_387 : vector<16xi32>, vector<16xi1> -> vector<16xi32>
        %add3A_389 = arith.addi %add3A_361, %masked_cumsum3A_388 : vector<16xi32>
        %sub3A_390 = arith.constant 1 : i32
        %sub3A_391 = vector.broadcast %sub3A_390 : i32 to vector<16xi32>
        %sub3A_392 = arith.subi %add3A_389, %sub3A_391 : vector<16xi32>
        %sub3A_393 = vector.broadcast %mul3A_2 : i32 to vector<16xi32>
        %sub3A_394 = arith.subi %get3A_371, %sub3A_393 : vector<16xi32>
        tpu.vector_store_idx %arg15[%sub3A_392], %sub3A_394 masked %and3A_380 : memref<10208xi32, #tpu.memory_space<vmem>>[vector<16xi32>], vector<16xi32>, vector<16xi1>
        tpu.vector_store_idx %arg14[%sub3A_392], %get3A_373 masked %and3A_380 : memref<10208xi32, #tpu.memory_space<vmem>>[vector<16xi32>], vector<16xi32>, vector<16xi1>
        %all_reduce_population_count3A_395 = tpu.all_reduce %and3A_380 {dim = 0 : i64, kind = #tpu.reduction_kind<sum>} : vector<16xi1> -> vector<16xi32>
        %add3A_396 = arith.addi %add3A_361, %all_reduce_population_count3A_395 : vector<16xi32>
        %mul3A_397 = arith.constant 5 : i32
        %mul3A_398 = arith.muli %scan3A_258, %mul3A_397 : i32
        %add3A_399 = arith.constant 4 : i32
        %add3A_400 = arith.addi %mul3A_398, %add3A_399 : i32
        %mul3A_401 = arith.constant 16 : i32
        %mul3A_402 = arith.muli %add3A_400, %mul3A_401 : i32
        %add3A_403 = arith.constant 2000 : i32
        %add3A_404 = arith.addi %add3A_403, %mul3A_402 : i32
        %get3A_405 = arith.index_cast %add3A_404 : i32 to index
        %get3A_406 = tpu.vector_load %arg13[%get3A_405] {strides = array<i32>} : memref<8000xi32, #tpu.memory_space<vmem>>, vector<16xi32>,
        %get3A_407 = arith.index_cast %add3A_404 : i32 to index
        %get3A_408 = tpu.vector_load %arg11[%get3A_407] {strides = array<i32>} : memref<8000xi32, #tpu.memory_space<vmem>>, vector<16xi32>,
        %ge3A_409 = vector.broadcast %mul3A_2 : i32 to vector<16xi32>
        %ge3A_410 = arith.cmpi sge, %get3A_406, %ge3A_409 : vector<16xi32>
        %add3A_411 = arith.constant 320 : i32
        %add3A_412 = arith.addi %mul3A_2, %add3A_411 : i32
        %lt3A_413 = vector.broadcast %add3A_412 : i32 to vector<16xi32>
        %lt3A_414 = arith.cmpi slt, %get3A_406, %lt3A_413 : vector<16xi32>
        %and3A_415 = arith.andi %ge3A_410, %lt3A_414 : vector<16xi1>
        %jit3A_416 = arith.constant 1 : i32
        %jit3A_417 = arith.constant 0 : i32
        %broadcast_in_dim3A_418 = vector.broadcast %jit3A_416 : i32 to vector<16xi32>
        %broadcast_in_dim3A_419 = vector.broadcast %jit3A_417 : i32 to vector<16xi32>
        %select_n3A_420 = arith.select %and3A_415, %broadcast_in_dim3A_418, %broadcast_in_dim3A_419 : vector<16xi1>, vector<16xi32>
        %broadcast_in_dim3A_421 = arith.constant true
        %broadcast_in_dim3A_422 = vector.broadcast %broadcast_in_dim3A_421 : i1 to vector<16xi1>
        %masked_cumsum3A_423 = tpu.scan <sum>, %select_n3A_420 masked %broadcast_in_dim3A_422 : vector<16xi32>, vector<16xi1> -> vector<16xi32>
        %add3A_424 = arith.addi %add3A_396, %masked_cumsum3A_423 : vector<16xi32>
        %sub3A_425 = arith.constant 1 : i32
        %sub3A_426 = vector.broadcast %sub3A_425 : i32 to vector<16xi32>
        %sub3A_427 = arith.subi %add3A_424, %sub3A_426 : vector<16xi32>
        %sub3A_428 = vector.broadcast %mul3A_2 : i32 to vector<16xi32>
        %sub3A_429 = arith.subi %get3A_406, %sub3A_428 : vector<16xi32>
        tpu.vector_store_idx %arg15[%sub3A_427], %sub3A_429 masked %and3A_415 : memref<10208xi32, #tpu.memory_space<vmem>>[vector<16xi32>], vector<16xi32>, vector<16xi1>
        tpu.vector_store_idx %arg14[%sub3A_427], %get3A_408 masked %and3A_415 : memref<10208xi32, #tpu.memory_space<vmem>>[vector<16xi32>], vector<16xi32>, vector<16xi1>
        %all_reduce_population_count3A_430 = tpu.all_reduce %and3A_415 {dim = 0 : i64, kind = #tpu.reduction_kind<sum>} : vector<16xi1> -> vector<16xi32>
        %add3A_431 = arith.addi %add3A_396, %all_reduce_population_count3A_430 : vector<16xi32>
        scf.yield %add3A_431 : vector<16xi32>
      }
      %scan3A_203 = arith.constant 25 : i32
      %reduce_max3A_204 = arith.constant true
      %reduce_max3A_205 = vector.broadcast %reduce_max3A_204 : i1 to vector<16xi1>
      %reduce_max3A_206 = arith.constant -2147483648 : i32
      %reduce_max3A_207 = vector.broadcast %reduce_max3A_206 : i32 to vector<16xi32>
      %reduce_max3A_208 = arith.xori %scan3A_202, %reduce_max3A_207 : vector<16xi32>
      %reduce_max3A_209 = tpu.scan <max>, %reduce_max3A_208 masked %reduce_max3A_205 : vector<16xi32>, vector<16xi1> -> vector<16xi32>
      %reduce_max3A_210 = arith.xori %reduce_max3A_209, %reduce_max3A_207 : vector<16xi32>
      %reduce_max3A_211 = vector.extract %reduce_max3A_210[15] : i32 from vector<16xi32>
      %ge3A_212 = arith.constant 8192 : i32
      %ge3A_213 = arith.cmpi sge, %reduce_max3A_211, %ge3A_212 : i32
      %convert_element_type3A_214 = arith.extui %ge3A_213 : i1 to i32
      %cond3A_215 = arith.constant 0 : i32
      %cond3A_216 = arith.cmpi ne, %convert_element_type3A_214, %cond3A_215 : i32
      %cond3A_217:2 = scf.if %cond3A_216 -> (vector<16xi32>, i32) {
        %mul3A_258 = arith.constant 327680 : i32
        %mul3A_259 = arith.muli %add3A, %mul3A_258 : i32
        %add3A_260 = arith.addi %mul3A_259, %cond3A_197#1 : i32
        %multiple_of3A_261 = tpu.assume_multiple %add3A_260, 8192 : i32
        "tpu.region"() ({
          %run_scoped3A = tpu.sem_alloc : memref<!tpu.dma_semaphore, #tpu.memory_space<semaphore_mem>>
          %dma_start3A_274 = arith.constant 0 : i32
          %dma_start3A_275 = tpu.memref_slice %arg14[%dma_start3A_274] : memref<10208xi32, #tpu.memory_space<vmem>> -> memref<8192xi32, #tpu.memory_space<vmem>>
          %dma_start3A_276 = tpu.memref_slice %arg4[%multiple_of3A_261] : memref<10485760xi32, #tpu.memory_space<hbm>> -> memref<8192xi32, #tpu.memory_space<hbm>>
          %dma_start3A_277 = tpu.memref_slice %arg4[%multiple_of3A_261] : memref<10485760xi32, #tpu.memory_space<hbm>> -> memref<8192xi32, #tpu.memory_space<hbm>>
          %dma_start3A_278 = arith.constant 0 : i32
          %dma_start3A_279 = tpu.memref_slice %arg14[%dma_start3A_278] : memref<10208xi32, #tpu.memory_space<vmem>> -> memref<8192xi32, #tpu.memory_space<vmem>>
          tpu.enqueue_dma source(%dma_start3A_279 : memref<8192xi32, #tpu.memory_space<vmem>>) target(%dma_start3A_277 : memref<8192xi32, #tpu.memory_space<hbm>>) target_semaphore(%run_scoped3A : memref<!tpu.dma_semaphore, #tpu.memory_space<semaphore_mem>>)
          %dma_wait3A_280 = arith.constant 0 : i32
          %dma_wait3A_281 = tpu.memref_slice %arg14[%dma_wait3A_280] : memref<10208xi32, #tpu.memory_space<vmem>> -> memref<8192xi32, #tpu.memory_space<vmem>>
          %dma_wait3A_282 = tpu.memref_slice %arg4[%multiple_of3A_261] : memref<10485760xi32, #tpu.memory_space<hbm>> -> memref<8192xi32, #tpu.memory_space<hbm>>
          %dma_wait3A_283 = tpu.memref_slice %arg4[%multiple_of3A_261] : memref<10485760xi32, #tpu.memory_space<hbm>> -> memref<8192xi32, #tpu.memory_space<hbm>>
          %dma_wait3A_284 = arith.constant 0 : i32
          %dma_wait3A_285 = tpu.memref_slice %arg14[%dma_wait3A_284] : memref<10208xi32, #tpu.memory_space<vmem>> -> memref<8192xi32, #tpu.memory_space<vmem>>
          tpu.wait_dma2 semaphore(%run_scoped3A : memref<!tpu.dma_semaphore, #tpu.memory_space<semaphore_mem>>) src(%dma_wait3A_285 : memref<8192xi32, #tpu.memory_space<vmem>>) dst(%dma_wait3A_283 : memref<8192xi32, #tpu.memory_space<hbm>>)
          tpu.yield
        }) : () -> ()
        "tpu.region"() ({
          %run_scoped3A = tpu.sem_alloc : memref<!tpu.dma_semaphore, #tpu.memory_space<semaphore_mem>>
          %dma_start3A_274 = arith.constant 0 : i32
          %dma_start3A_275 = tpu.memref_slice %arg15[%dma_start3A_274] : memref<10208xi32, #tpu.memory_space<vmem>> -> memref<8192xi32, #tpu.memory_space<vmem>>
          %dma_start3A_276 = tpu.memref_slice %arg5[%multiple_of3A_261] : memref<10485760xi32, #tpu.memory_space<hbm>> -> memref<8192xi32, #tpu.memory_space<hbm>>
          %dma_start3A_277 = tpu.memref_slice %arg5[%multiple_of3A_261] : memref<10485760xi32, #tpu.memory_space<hbm>> -> memref<8192xi32, #tpu.memory_space<hbm>>
          %dma_start3A_278 = arith.constant 0 : i32
          %dma_start3A_279 = tpu.memref_slice %arg15[%dma_start3A_278] : memref<10208xi32, #tpu.memory_space<vmem>> -> memref<8192xi32, #tpu.memory_space<vmem>>
          tpu.enqueue_dma source(%dma_start3A_279 : memref<8192xi32, #tpu.memory_space<vmem>>) target(%dma_start3A_277 : memref<8192xi32, #tpu.memory_space<hbm>>) target_semaphore(%run_scoped3A : memref<!tpu.dma_semaphore, #tpu.memory_space<semaphore_mem>>)
          %dma_wait3A_280 = arith.constant 0 : i32
          %dma_wait3A_281 = tpu.memref_slice %arg15[%dma_wait3A_280] : memref<10208xi32, #tpu.memory_space<vmem>> -> memref<8192xi32, #tpu.memory_space<vmem>>
          %dma_wait3A_282 = tpu.memref_slice %arg5[%multiple_of3A_261] : memref<10485760xi32, #tpu.memory_space<hbm>> -> memref<8192xi32, #tpu.memory_space<hbm>>
          %dma_wait3A_283 = tpu.memref_slice %arg5[%multiple_of3A_261] : memref<10485760xi32, #tpu.memory_space<hbm>> -> memref<8192xi32, #tpu.memory_space<hbm>>
          %dma_wait3A_284 = arith.constant 0 : i32
          %dma_wait3A_285 = tpu.memref_slice %arg15[%dma_wait3A_284] : memref<10208xi32, #tpu.memory_space<vmem>> -> memref<8192xi32, #tpu.memory_space<vmem>>
          tpu.wait_dma2 semaphore(%run_scoped3A : memref<!tpu.dma_semaphore, #tpu.memory_space<semaphore_mem>>) src(%dma_wait3A_285 : memref<8192xi32, #tpu.memory_space<vmem>>) dst(%dma_wait3A_283 : memref<8192xi32, #tpu.memory_space<hbm>>)
          tpu.yield
        }) : () -> ()
        %scan3A_262 = arith.constant 0 : i32
        %scan3A_263 = arith.constant 0 : i32
        %scan3A_264 = arith.constant 126 : i32
        %scan3A_265 = arith.addi %scan3A_263, %scan3A_264 : i32
        %scan3A_266 = arith.constant 1 : i32
        %scan3A_267 = scf.for %scan3A_274 = %scan3A_263 to %scan3A_265 step %scan3A_266 iter_args(%scan3A_275 = %scan3A_262) -> (i32)  : i32 {
          %mul3A_276 = arith.constant 16 : i32
          %mul3A_277 = arith.muli %scan3A_274, %mul3A_276 : i32
          %add3A_278 = arith.constant 8192 : i32
          %add3A_279 = arith.addi %add3A_278, %mul3A_277 : i32
          %get3A = arith.index_cast %add3A_279 : i32 to index
          %get3A_280 = tpu.vector_load %arg14[%get3A] {strides = array<i32>} : memref<10208xi32, #tpu.memory_space<vmem>>, vector<16xi32>,
          %mul3A_281 = arith.constant 16 : i32
          %mul3A_282 = arith.muli %scan3A_274, %mul3A_281 : i32
          %add3A_283 = arith.constant 8192 : i32
          %add3A_284 = arith.addi %add3A_283, %mul3A_282 : i32
          %get3A_285 = arith.index_cast %add3A_284 : i32 to index
          %get3A_286 = tpu.vector_load %arg15[%get3A_285] {strides = array<i32>} : memref<10208xi32, #tpu.memory_space<vmem>>, vector<16xi32>,
          %mul3A_287 = arith.constant 16 : i32
          %mul3A_288 = arith.muli %scan3A_274, %mul3A_287 : i32
          %swap3A_289 = arith.index_cast %mul3A_288 : i32 to index
          %swap3A_290 = tpu.vector_load %arg14[%swap3A_289] {strides = array<i32>} : memref<10208xi32, #tpu.memory_space<vmem>>, vector<16xi32>,
          tpu.vector_store %arg14[%swap3A_289], %get3A_280 {strides = array<i32>} : memref<10208xi32, #tpu.memory_space<vmem>>, vector<16xi32>,
          %mul3A_291 = arith.constant 16 : i32
          %mul3A_292 = arith.muli %scan3A_274, %mul3A_291 : i32
          %swap3A_293 = arith.index_cast %mul3A_292 : i32 to index
          %swap3A_294 = tpu.vector_load %arg15[%swap3A_293] {strides = array<i32>} : memref<10208xi32, #tpu.memory_space<vmem>>, vector<16xi32>,
          tpu.vector_store %arg15[%swap3A_293], %get3A_286 {strides = array<i32>} : memref<10208xi32, #tpu.memory_space<vmem>>, vector<16xi32>,
          %scan3A_295 = arith.constant 0 : i32
          scf.yield %scan3A_295 : i32
        }
        %scan3A_268 = arith.constant 126 : i32
        %sub3A_269 = arith.constant 8192 : i32
        %sub3A_270 = vector.broadcast %sub3A_269 : i32 to vector<16xi32>
        %sub3A_271 = arith.subi %scan3A_202, %sub3A_270 : vector<16xi32>
        %add3A_272 = arith.constant 8192 : i32
        %add3A_273 = arith.addi %cond3A_197#1, %add3A_272 : i32
        scf.yield %sub3A_271, %add3A_273 : vector<16xi32>, i32
      } else {
        scf.yield %scan3A_202, %cond3A_197#1 : vector<16xi32>, i32
      }
      %scan3A_218 = arith.constant 0 : i32
      %scan3A_219 = arith.constant 25 : i32
      %scan3A_220 = arith.addi %scan3A_218, %scan3A_219 : i32
      %scan3A_221 = arith.constant 1 : i32
      %scan3A_222 = scf.for %scan3A_258 = %scan3A_218 to %scan3A_220 step %scan3A_221 iter_args(%scan3A_259 = %cond3A_217#0) -> (vector<16xi32>)  : i32 {
        %mul3A_260 = arith.constant 5 : i32
        %mul3A_261 = arith.muli %scan3A_258, %mul3A_260 : i32
        %add3A_262 = arith.constant 0 : i32
        %add3A_263 = arith.addi %mul3A_261, %add3A_262 : i32
        %mul3A_264 = arith.constant 16 : i32
        %mul3A_265 = arith.muli %add3A_263, %mul3A_264 : i32
        %add3A_266 = arith.constant 4000 : i32
        %add3A_267 = arith.addi %add3A_266, %mul3A_265 : i32
        %get3A = arith.index_cast %add3A_267 : i32 to index
        %get3A_268 = tpu.vector_load %arg13[%get3A] {strides = array<i32>} : memref<8000xi32, #tpu.memory_space<vmem>>, vector<16xi32>,
        %get3A_269 = arith.index_cast %add3A_267 : i32 to index
        %get3A_270 = tpu.vector_load %arg11[%get3A_269] {strides = array<i32>} : memref<8000xi32, #tpu.memory_space<vmem>>, vector<16xi32>,
        %ge3A_271 = vector.broadcast %mul3A_2 : i32 to vector<16xi32>
        %ge3A_272 = arith.cmpi sge, %get3A_268, %ge3A_271 : vector<16xi32>
        %add3A_273 = arith.constant 320 : i32
        %add3A_274 = arith.addi %mul3A_2, %add3A_273 : i32
        %lt3A_275 = vector.broadcast %add3A_274 : i32 to vector<16xi32>
        %lt3A_276 = arith.cmpi slt, %get3A_268, %lt3A_275 : vector<16xi32>
        %and3A_277 = arith.andi %ge3A_272, %lt3A_276 : vector<16xi1>
        %jit3A_278 = arith.constant 1 : i32
        %jit3A_279 = arith.constant 0 : i32
        %broadcast_in_dim3A_280 = vector.broadcast %jit3A_278 : i32 to vector<16xi32>
        %broadcast_in_dim3A_281 = vector.broadcast %jit3A_279 : i32 to vector<16xi32>
        %select_n3A_282 = arith.select %and3A_277, %broadcast_in_dim3A_280, %broadcast_in_dim3A_281 : vector<16xi1>, vector<16xi32>
        %broadcast_in_dim3A_283 = arith.constant true
        %broadcast_in_dim3A_284 = vector.broadcast %broadcast_in_dim3A_283 : i1 to vector<16xi1>
        %masked_cumsum3A = tpu.scan <sum>, %select_n3A_282 masked %broadcast_in_dim3A_284 : vector<16xi32>, vector<16xi1> -> vector<16xi32>
        %add3A_285 = arith.addi %scan3A_259, %masked_cumsum3A : vector<16xi32>
        %sub3A_286 = arith.constant 1 : i32
        %sub3A_287 = vector.broadcast %sub3A_286 : i32 to vector<16xi32>
        %sub3A_288 = arith.subi %add3A_285, %sub3A_287 : vector<16xi32>
        %sub3A_289 = vector.broadcast %mul3A_2 : i32 to vector<16xi32>
        %sub3A_290 = arith.subi %get3A_268, %sub3A_289 : vector<16xi32>
        tpu.vector_store_idx %arg15[%sub3A_288], %sub3A_290 masked %and3A_277 : memref<10208xi32, #tpu.memory_space<vmem>>[vector<16xi32>], vector<16xi32>, vector<16xi1>
        tpu.vector_store_idx %arg14[%sub3A_288], %get3A_270 masked %and3A_277 : memref<10208xi32, #tpu.memory_space<vmem>>[vector<16xi32>], vector<16xi32>, vector<16xi1>
        %all_reduce_population_count3A = tpu.all_reduce %and3A_277 {dim = 0 : i64, kind = #tpu.reduction_kind<sum>} : vector<16xi1> -> vector<16xi32>
        %add3A_291 = arith.addi %scan3A_259, %all_reduce_population_count3A : vector<16xi32>
        %mul3A_292 = arith.constant 5 : i32
        %mul3A_293 = arith.muli %scan3A_258, %mul3A_292 : i32
        %add3A_294 = arith.constant 1 : i32
        %add3A_295 = arith.addi %mul3A_293, %add3A_294 : i32
        %mul3A_296 = arith.constant 16 : i32
        %mul3A_297 = arith.muli %add3A_295, %mul3A_296 : i32
        %add3A_298 = arith.constant 4000 : i32
        %add3A_299 = arith.addi %add3A_298, %mul3A_297 : i32
        %get3A_300 = arith.index_cast %add3A_299 : i32 to index
        %get3A_301 = tpu.vector_load %arg13[%get3A_300] {strides = array<i32>} : memref<8000xi32, #tpu.memory_space<vmem>>, vector<16xi32>,
        %get3A_302 = arith.index_cast %add3A_299 : i32 to index
        %get3A_303 = tpu.vector_load %arg11[%get3A_302] {strides = array<i32>} : memref<8000xi32, #tpu.memory_space<vmem>>, vector<16xi32>,
        %ge3A_304 = vector.broadcast %mul3A_2 : i32 to vector<16xi32>
        %ge3A_305 = arith.cmpi sge, %get3A_301, %ge3A_304 : vector<16xi32>
        %add3A_306 = arith.constant 320 : i32
        %add3A_307 = arith.addi %mul3A_2, %add3A_306 : i32
        %lt3A_308 = vector.broadcast %add3A_307 : i32 to vector<16xi32>
        %lt3A_309 = arith.cmpi slt, %get3A_301, %lt3A_308 : vector<16xi32>
        %and3A_310 = arith.andi %ge3A_305, %lt3A_309 : vector<16xi1>
        %jit3A_311 = arith.constant 1 : i32
        %jit3A_312 = arith.constant 0 : i32
        %broadcast_in_dim3A_313 = vector.broadcast %jit3A_311 : i32 to vector<16xi32>
        %broadcast_in_dim3A_314 = vector.broadcast %jit3A_312 : i32 to vector<16xi32>
        %select_n3A_315 = arith.select %and3A_310, %broadcast_in_dim3A_313, %broadcast_in_dim3A_314 : vector<16xi1>, vector<16xi32>
        %broadcast_in_dim3A_316 = arith.constant true
        %broadcast_in_dim3A_317 = vector.broadcast %broadcast_in_dim3A_316 : i1 to vector<16xi1>
        %masked_cumsum3A_318 = tpu.scan <sum>, %select_n3A_315 masked %broadcast_in_dim3A_317 : vector<16xi32>, vector<16xi1> -> vector<16xi32>
        %add3A_319 = arith.addi %add3A_291, %masked_cumsum3A_318 : vector<16xi32>
        %sub3A_320 = arith.constant 1 : i32
        %sub3A_321 = vector.broadcast %sub3A_320 : i32 to vector<16xi32>
        %sub3A_322 = arith.subi %add3A_319, %sub3A_321 : vector<16xi32>
        %sub3A_323 = vector.broadcast %mul3A_2 : i32 to vector<16xi32>
        %sub3A_324 = arith.subi %get3A_301, %sub3A_323 : vector<16xi32>
        tpu.vector_store_idx %arg15[%sub3A_322], %sub3A_324 masked %and3A_310 : memref<10208xi32, #tpu.memory_space<vmem>>[vector<16xi32>], vector<16xi32>, vector<16xi1>
        tpu.vector_store_idx %arg14[%sub3A_322], %get3A_303 masked %and3A_310 : memref<10208xi32, #tpu.memory_space<vmem>>[vector<16xi32>], vector<16xi32>, vector<16xi1>
        %all_reduce_population_count3A_325 = tpu.all_reduce %and3A_310 {dim = 0 : i64, kind = #tpu.reduction_kind<sum>} : vector<16xi1> -> vector<16xi32>
        %add3A_326 = arith.addi %add3A_291, %all_reduce_population_count3A_325 : vector<16xi32>
        %mul3A_327 = arith.constant 5 : i32
        %mul3A_328 = arith.muli %scan3A_258, %mul3A_327 : i32
        %add3A_329 = arith.constant 2 : i32
        %add3A_330 = arith.addi %mul3A_328, %add3A_329 : i32
        %mul3A_331 = arith.constant 16 : i32
        %mul3A_332 = arith.muli %add3A_330, %mul3A_331 : i32
        %add3A_333 = arith.constant 4000 : i32
        %add3A_334 = arith.addi %add3A_333, %mul3A_332 : i32
        %get3A_335 = arith.index_cast %add3A_334 : i32 to index
        %get3A_336 = tpu.vector_load %arg13[%get3A_335] {strides = array<i32>} : memref<8000xi32, #tpu.memory_space<vmem>>, vector<16xi32>,
        %get3A_337 = arith.index_cast %add3A_334 : i32 to index
        %get3A_338 = tpu.vector_load %arg11[%get3A_337] {strides = array<i32>} : memref<8000xi32, #tpu.memory_space<vmem>>, vector<16xi32>,
        %ge3A_339 = vector.broadcast %mul3A_2 : i32 to vector<16xi32>
        %ge3A_340 = arith.cmpi sge, %get3A_336, %ge3A_339 : vector<16xi32>
        %add3A_341 = arith.constant 320 : i32
        %add3A_342 = arith.addi %mul3A_2, %add3A_341 : i32
        %lt3A_343 = vector.broadcast %add3A_342 : i32 to vector<16xi32>
        %lt3A_344 = arith.cmpi slt, %get3A_336, %lt3A_343 : vector<16xi32>
        %and3A_345 = arith.andi %ge3A_340, %lt3A_344 : vector<16xi1>
        %jit3A_346 = arith.constant 1 : i32
        %jit3A_347 = arith.constant 0 : i32
        %broadcast_in_dim3A_348 = vector.broadcast %jit3A_346 : i32 to vector<16xi32>
        %broadcast_in_dim3A_349 = vector.broadcast %jit3A_347 : i32 to vector<16xi32>
        %select_n3A_350 = arith.select %and3A_345, %broadcast_in_dim3A_348, %broadcast_in_dim3A_349 : vector<16xi1>, vector<16xi32>
        %broadcast_in_dim3A_351 = arith.constant true
        %broadcast_in_dim3A_352 = vector.broadcast %broadcast_in_dim3A_351 : i1 to vector<16xi1>
        %masked_cumsum3A_353 = tpu.scan <sum>, %select_n3A_350 masked %broadcast_in_dim3A_352 : vector<16xi32>, vector<16xi1> -> vector<16xi32>
        %add3A_354 = arith.addi %add3A_326, %masked_cumsum3A_353 : vector<16xi32>
        %sub3A_355 = arith.constant 1 : i32
        %sub3A_356 = vector.broadcast %sub3A_355 : i32 to vector<16xi32>
        %sub3A_357 = arith.subi %add3A_354, %sub3A_356 : vector<16xi32>
        %sub3A_358 = vector.broadcast %mul3A_2 : i32 to vector<16xi32>
        %sub3A_359 = arith.subi %get3A_336, %sub3A_358 : vector<16xi32>
        tpu.vector_store_idx %arg15[%sub3A_357], %sub3A_359 masked %and3A_345 : memref<10208xi32, #tpu.memory_space<vmem>>[vector<16xi32>], vector<16xi32>, vector<16xi1>
        tpu.vector_store_idx %arg14[%sub3A_357], %get3A_338 masked %and3A_345 : memref<10208xi32, #tpu.memory_space<vmem>>[vector<16xi32>], vector<16xi32>, vector<16xi1>
        %all_reduce_population_count3A_360 = tpu.all_reduce %and3A_345 {dim = 0 : i64, kind = #tpu.reduction_kind<sum>} : vector<16xi1> -> vector<16xi32>
        %add3A_361 = arith.addi %add3A_326, %all_reduce_population_count3A_360 : vector<16xi32>
        %mul3A_362 = arith.constant 5 : i32
        %mul3A_363 = arith.muli %scan3A_258, %mul3A_362 : i32
        %add3A_364 = arith.constant 3 : i32
        %add3A_365 = arith.addi %mul3A_363, %add3A_364 : i32
        %mul3A_366 = arith.constant 16 : i32
        %mul3A_367 = arith.muli %add3A_365, %mul3A_366 : i32
        %add3A_368 = arith.constant 4000 : i32
        %add3A_369 = arith.addi %add3A_368, %mul3A_367 : i32
        %get3A_370 = arith.index_cast %add3A_369 : i32 to index
        %get3A_371 = tpu.vector_load %arg13[%get3A_370] {strides = array<i32>} : memref<8000xi32, #tpu.memory_space<vmem>>, vector<16xi32>,
        %get3A_372 = arith.index_cast %add3A_369 : i32 to index
        %get3A_373 = tpu.vector_load %arg11[%get3A_372] {strides = array<i32>} : memref<8000xi32, #tpu.memory_space<vmem>>, vector<16xi32>,
        %ge3A_374 = vector.broadcast %mul3A_2 : i32 to vector<16xi32>
        %ge3A_375 = arith.cmpi sge, %get3A_371, %ge3A_374 : vector<16xi32>
        %add3A_376 = arith.constant 320 : i32
        %add3A_377 = arith.addi %mul3A_2, %add3A_376 : i32
        %lt3A_378 = vector.broadcast %add3A_377 : i32 to vector<16xi32>
        %lt3A_379 = arith.cmpi slt, %get3A_371, %lt3A_378 : vector<16xi32>
        %and3A_380 = arith.andi %ge3A_375, %lt3A_379 : vector<16xi1>
        %jit3A_381 = arith.constant 1 : i32
        %jit3A_382 = arith.constant 0 : i32
        %broadcast_in_dim3A_383 = vector.broadcast %jit3A_381 : i32 to vector<16xi32>
        %broadcast_in_dim3A_384 = vector.broadcast %jit3A_382 : i32 to vector<16xi32>
        %select_n3A_385 = arith.select %and3A_380, %broadcast_in_dim3A_383, %broadcast_in_dim3A_384 : vector<16xi1>, vector<16xi32>
        %broadcast_in_dim3A_386 = arith.constant true
        %broadcast_in_dim3A_387 = vector.broadcast %broadcast_in_dim3A_386 : i1 to vector<16xi1>
        %masked_cumsum3A_388 = tpu.scan <sum>, %select_n3A_385 masked %broadcast_in_dim3A_387 : vector<16xi32>, vector<16xi1> -> vector<16xi32>
        %add3A_389 = arith.addi %add3A_361, %masked_cumsum3A_388 : vector<16xi32>
        %sub3A_390 = arith.constant 1 : i32
        %sub3A_391 = vector.broadcast %sub3A_390 : i32 to vector<16xi32>
        %sub3A_392 = arith.subi %add3A_389, %sub3A_391 : vector<16xi32>
        %sub3A_393 = vector.broadcast %mul3A_2 : i32 to vector<16xi32>
        %sub3A_394 = arith.subi %get3A_371, %sub3A_393 : vector<16xi32>
        tpu.vector_store_idx %arg15[%sub3A_392], %sub3A_394 masked %and3A_380 : memref<10208xi32, #tpu.memory_space<vmem>>[vector<16xi32>], vector<16xi32>, vector<16xi1>
        tpu.vector_store_idx %arg14[%sub3A_392], %get3A_373 masked %and3A_380 : memref<10208xi32, #tpu.memory_space<vmem>>[vector<16xi32>], vector<16xi32>, vector<16xi1>
        %all_reduce_population_count3A_395 = tpu.all_reduce %and3A_380 {dim = 0 : i64, kind = #tpu.reduction_kind<sum>} : vector<16xi1> -> vector<16xi32>
        %add3A_396 = arith.addi %add3A_361, %all_reduce_population_count3A_395 : vector<16xi32>
        %mul3A_397 = arith.constant 5 : i32
        %mul3A_398 = arith.muli %scan3A_258, %mul3A_397 : i32
        %add3A_399 = arith.constant 4 : i32
        %add3A_400 = arith.addi %mul3A_398, %add3A_399 : i32
        %mul3A_401 = arith.constant 16 : i32
        %mul3A_402 = arith.muli %add3A_400, %mul3A_401 : i32
        %add3A_403 = arith.constant 4000 : i32
        %add3A_404 = arith.addi %add3A_403, %mul3A_402 : i32
        %get3A_405 = arith.index_cast %add3A_404 : i32 to index
        %get3A_406 = tpu.vector_load %arg13[%get3A_405] {strides = array<i32>} : memref<8000xi32, #tpu.memory_space<vmem>>, vector<16xi32>,
        %get3A_407 = arith.index_cast %add3A_404 : i32 to index
        %get3A_408 = tpu.vector_load %arg11[%get3A_407] {strides = array<i32>} : memref<8000xi32, #tpu.memory_space<vmem>>, vector<16xi32>,
        %ge3A_409 = vector.broadcast %mul3A_2 : i32 to vector<16xi32>
        %ge3A_410 = arith.cmpi sge, %get3A_406, %ge3A_409 : vector<16xi32>
        %add3A_411 = arith.constant 320 : i32
        %add3A_412 = arith.addi %mul3A_2, %add3A_411 : i32
        %lt3A_413 = vector.broadcast %add3A_412 : i32 to vector<16xi32>
        %lt3A_414 = arith.cmpi slt, %get3A_406, %lt3A_413 : vector<16xi32>
        %and3A_415 = arith.andi %ge3A_410, %lt3A_414 : vector<16xi1>
        %jit3A_416 = arith.constant 1 : i32
        %jit3A_417 = arith.constant 0 : i32
        %broadcast_in_dim3A_418 = vector.broadcast %jit3A_416 : i32 to vector<16xi32>
        %broadcast_in_dim3A_419 = vector.broadcast %jit3A_417 : i32 to vector<16xi32>
        %select_n3A_420 = arith.select %and3A_415, %broadcast_in_dim3A_418, %broadcast_in_dim3A_419 : vector<16xi1>, vector<16xi32>
        %broadcast_in_dim3A_421 = arith.constant true
        %broadcast_in_dim3A_422 = vector.broadcast %broadcast_in_dim3A_421 : i1 to vector<16xi1>
        %masked_cumsum3A_423 = tpu.scan <sum>, %select_n3A_420 masked %broadcast_in_dim3A_422 : vector<16xi32>, vector<16xi1> -> vector<16xi32>
        %add3A_424 = arith.addi %add3A_396, %masked_cumsum3A_423 : vector<16xi32>
        %sub3A_425 = arith.constant 1 : i32
        %sub3A_426 = vector.broadcast %sub3A_425 : i32 to vector<16xi32>
        %sub3A_427 = arith.subi %add3A_424, %sub3A_426 : vector<16xi32>
        %sub3A_428 = vector.broadcast %mul3A_2 : i32 to vector<16xi32>
        %sub3A_429 = arith.subi %get3A_406, %sub3A_428 : vector<16xi32>
        tpu.vector_store_idx %arg15[%sub3A_427], %sub3A_429 masked %and3A_415 : memref<10208xi32, #tpu.memory_space<vmem>>[vector<16xi32>], vector<16xi32>, vector<16xi1>
        tpu.vector_store_idx %arg14[%sub3A_427], %get3A_408 masked %and3A_415 : memref<10208xi32, #tpu.memory_space<vmem>>[vector<16xi32>], vector<16xi32>, vector<16xi1>
        %all_reduce_population_count3A_430 = tpu.all_reduce %and3A_415 {dim = 0 : i64, kind = #tpu.reduction_kind<sum>} : vector<16xi1> -> vector<16xi32>
        %add3A_431 = arith.addi %add3A_396, %all_reduce_population_count3A_430 : vector<16xi32>
        scf.yield %add3A_431 : vector<16xi32>
      }
      %scan3A_223 = arith.constant 25 : i32
      %reduce_max3A_224 = arith.constant true
      %reduce_max3A_225 = vector.broadcast %reduce_max3A_224 : i1 to vector<16xi1>
      %reduce_max3A_226 = arith.constant -2147483648 : i32
      %reduce_max3A_227 = vector.broadcast %reduce_max3A_226 : i32 to vector<16xi32>
      %reduce_max3A_228 = arith.xori %scan3A_222, %reduce_max3A_227 : vector<16xi32>
      %reduce_max3A_229 = tpu.scan <max>, %reduce_max3A_228 masked %reduce_max3A_225 : vector<16xi32>, vector<16xi1> -> vector<16xi32>
      %reduce_max3A_230 = arith.xori %reduce_max3A_229, %reduce_max3A_227 : vector<16xi32>
      %reduce_max3A_231 = vector.extract %reduce_max3A_230[15] : i32 from vector<16xi32>
      %ge3A_232 = arith.constant 8192 : i32
      %ge3A_233 = arith.cmpi sge, %reduce_max3A_231, %ge3A_232 : i32
      %convert_element_type3A_234 = arith.extui %ge3A_233 : i1 to i32
      %cond3A_235 = arith.constant 0 : i32
      %cond3A_236 = arith.cmpi ne, %convert_element_type3A_234, %cond3A_235 : i32
      %cond3A_237:2 = scf.if %cond3A_236 -> (vector<16xi32>, i32) {
        %mul3A_258 = arith.constant 327680 : i32
        %mul3A_259 = arith.muli %add3A, %mul3A_258 : i32
        %add3A_260 = arith.addi %mul3A_259, %cond3A_217#1 : i32
        %multiple_of3A_261 = tpu.assume_multiple %add3A_260, 8192 : i32
        "tpu.region"() ({
          %run_scoped3A = tpu.sem_alloc : memref<!tpu.dma_semaphore, #tpu.memory_space<semaphore_mem>>
          %dma_start3A_274 = arith.constant 0 : i32
          %dma_start3A_275 = tpu.memref_slice %arg14[%dma_start3A_274] : memref<10208xi32, #tpu.memory_space<vmem>> -> memref<8192xi32, #tpu.memory_space<vmem>>
          %dma_start3A_276 = tpu.memref_slice %arg4[%multiple_of3A_261] : memref<10485760xi32, #tpu.memory_space<hbm>> -> memref<8192xi32, #tpu.memory_space<hbm>>
          %dma_start3A_277 = tpu.memref_slice %arg4[%multiple_of3A_261] : memref<10485760xi32, #tpu.memory_space<hbm>> -> memref<8192xi32, #tpu.memory_space<hbm>>
          %dma_start3A_278 = arith.constant 0 : i32
          %dma_start3A_279 = tpu.memref_slice %arg14[%dma_start3A_278] : memref<10208xi32, #tpu.memory_space<vmem>> -> memref<8192xi32, #tpu.memory_space<vmem>>
          tpu.enqueue_dma source(%dma_start3A_279 : memref<8192xi32, #tpu.memory_space<vmem>>) target(%dma_start3A_277 : memref<8192xi32, #tpu.memory_space<hbm>>) target_semaphore(%run_scoped3A : memref<!tpu.dma_semaphore, #tpu.memory_space<semaphore_mem>>)
          %dma_wait3A_280 = arith.constant 0 : i32
          %dma_wait3A_281 = tpu.memref_slice %arg14[%dma_wait3A_280] : memref<10208xi32, #tpu.memory_space<vmem>> -> memref<8192xi32, #tpu.memory_space<vmem>>
          %dma_wait3A_282 = tpu.memref_slice %arg4[%multiple_of3A_261] : memref<10485760xi32, #tpu.memory_space<hbm>> -> memref<8192xi32, #tpu.memory_space<hbm>>
          %dma_wait3A_283 = tpu.memref_slice %arg4[%multiple_of3A_261] : memref<10485760xi32, #tpu.memory_space<hbm>> -> memref<8192xi32, #tpu.memory_space<hbm>>
          %dma_wait3A_284 = arith.constant 0 : i32
          %dma_wait3A_285 = tpu.memref_slice %arg14[%dma_wait3A_284] : memref<10208xi32, #tpu.memory_space<vmem>> -> memref<8192xi32, #tpu.memory_space<vmem>>
          tpu.wait_dma2 semaphore(%run_scoped3A : memref<!tpu.dma_semaphore, #tpu.memory_space<semaphore_mem>>) src(%dma_wait3A_285 : memref<8192xi32, #tpu.memory_space<vmem>>) dst(%dma_wait3A_283 : memref<8192xi32, #tpu.memory_space<hbm>>)
          tpu.yield
        }) : () -> ()
        "tpu.region"() ({
          %run_scoped3A = tpu.sem_alloc : memref<!tpu.dma_semaphore, #tpu.memory_space<semaphore_mem>>
          %dma_start3A_274 = arith.constant 0 : i32
          %dma_start3A_275 = tpu.memref_slice %arg15[%dma_start3A_274] : memref<10208xi32, #tpu.memory_space<vmem>> -> memref<8192xi32, #tpu.memory_space<vmem>>
          %dma_start3A_276 = tpu.memref_slice %arg5[%multiple_of3A_261] : memref<10485760xi32, #tpu.memory_space<hbm>> -> memref<8192xi32, #tpu.memory_space<hbm>>
          %dma_start3A_277 = tpu.memref_slice %arg5[%multiple_of3A_261] : memref<10485760xi32, #tpu.memory_space<hbm>> -> memref<8192xi32, #tpu.memory_space<hbm>>
          %dma_start3A_278 = arith.constant 0 : i32
          %dma_start3A_279 = tpu.memref_slice %arg15[%dma_start3A_278] : memref<10208xi32, #tpu.memory_space<vmem>> -> memref<8192xi32, #tpu.memory_space<vmem>>
          tpu.enqueue_dma source(%dma_start3A_279 : memref<8192xi32, #tpu.memory_space<vmem>>) target(%dma_start3A_277 : memref<8192xi32, #tpu.memory_space<hbm>>) target_semaphore(%run_scoped3A : memref<!tpu.dma_semaphore, #tpu.memory_space<semaphore_mem>>)
          %dma_wait3A_280 = arith.constant 0 : i32
          %dma_wait3A_281 = tpu.memref_slice %arg15[%dma_wait3A_280] : memref<10208xi32, #tpu.memory_space<vmem>> -> memref<8192xi32, #tpu.memory_space<vmem>>
          %dma_wait3A_282 = tpu.memref_slice %arg5[%multiple_of3A_261] : memref<10485760xi32, #tpu.memory_space<hbm>> -> memref<8192xi32, #tpu.memory_space<hbm>>
          %dma_wait3A_283 = tpu.memref_slice %arg5[%multiple_of3A_261] : memref<10485760xi32, #tpu.memory_space<hbm>> -> memref<8192xi32, #tpu.memory_space<hbm>>
          %dma_wait3A_284 = arith.constant 0 : i32
          %dma_wait3A_285 = tpu.memref_slice %arg15[%dma_wait3A_284] : memref<10208xi32, #tpu.memory_space<vmem>> -> memref<8192xi32, #tpu.memory_space<vmem>>
          tpu.wait_dma2 semaphore(%run_scoped3A : memref<!tpu.dma_semaphore, #tpu.memory_space<semaphore_mem>>) src(%dma_wait3A_285 : memref<8192xi32, #tpu.memory_space<vmem>>) dst(%dma_wait3A_283 : memref<8192xi32, #tpu.memory_space<hbm>>)
          tpu.yield
        }) : () -> ()
        %scan3A_262 = arith.constant 0 : i32
        %scan3A_263 = arith.constant 0 : i32
        %scan3A_264 = arith.constant 126 : i32
        %scan3A_265 = arith.addi %scan3A_263, %scan3A_264 : i32
        %scan3A_266 = arith.constant 1 : i32
        %scan3A_267 = scf.for %scan3A_274 = %scan3A_263 to %scan3A_265 step %scan3A_266 iter_args(%scan3A_275 = %scan3A_262) -> (i32)  : i32 {
          %mul3A_276 = arith.constant 16 : i32
          %mul3A_277 = arith.muli %scan3A_274, %mul3A_276 : i32
          %add3A_278 = arith.constant 8192 : i32
          %add3A_279 = arith.addi %add3A_278, %mul3A_277 : i32
          %get3A = arith.index_cast %add3A_279 : i32 to index
          %get3A_280 = tpu.vector_load %arg14[%get3A] {strides = array<i32>} : memref<10208xi32, #tpu.memory_space<vmem>>, vector<16xi32>,
          %mul3A_281 = arith.constant 16 : i32
          %mul3A_282 = arith.muli %scan3A_274, %mul3A_281 : i32
          %add3A_283 = arith.constant 8192 : i32
          %add3A_284 = arith.addi %add3A_283, %mul3A_282 : i32
          %get3A_285 = arith.index_cast %add3A_284 : i32 to index
          %get3A_286 = tpu.vector_load %arg15[%get3A_285] {strides = array<i32>} : memref<10208xi32, #tpu.memory_space<vmem>>, vector<16xi32>,
          %mul3A_287 = arith.constant 16 : i32
          %mul3A_288 = arith.muli %scan3A_274, %mul3A_287 : i32
          %swap3A_289 = arith.index_cast %mul3A_288 : i32 to index
          %swap3A_290 = tpu.vector_load %arg14[%swap3A_289] {strides = array<i32>} : memref<10208xi32, #tpu.memory_space<vmem>>, vector<16xi32>,
          tpu.vector_store %arg14[%swap3A_289], %get3A_280 {strides = array<i32>} : memref<10208xi32, #tpu.memory_space<vmem>>, vector<16xi32>,
          %mul3A_291 = arith.constant 16 : i32
          %mul3A_292 = arith.muli %scan3A_274, %mul3A_291 : i32
          %swap3A_293 = arith.index_cast %mul3A_292 : i32 to index
          %swap3A_294 = tpu.vector_load %arg15[%swap3A_293] {strides = array<i32>} : memref<10208xi32, #tpu.memory_space<vmem>>, vector<16xi32>,
          tpu.vector_store %arg15[%swap3A_293], %get3A_286 {strides = array<i32>} : memref<10208xi32, #tpu.memory_space<vmem>>, vector<16xi32>,
          %scan3A_295 = arith.constant 0 : i32
          scf.yield %scan3A_295 : i32
        }
        %scan3A_268 = arith.constant 126 : i32
        %sub3A_269 = arith.constant 8192 : i32
        %sub3A_270 = vector.broadcast %sub3A_269 : i32 to vector<16xi32>
        %sub3A_271 = arith.subi %scan3A_222, %sub3A_270 : vector<16xi32>
        %add3A_272 = arith.constant 8192 : i32
        %add3A_273 = arith.addi %cond3A_217#1, %add3A_272 : i32
        scf.yield %sub3A_271, %add3A_273 : vector<16xi32>, i32
      } else {
        scf.yield %scan3A_222, %cond3A_217#1 : vector<16xi32>, i32
      }
      %scan3A_238 = arith.constant 0 : i32
      %scan3A_239 = arith.constant 25 : i32
      %scan3A_240 = arith.addi %scan3A_238, %scan3A_239 : i32
      %scan3A_241 = arith.constant 1 : i32
      %scan3A_242 = scf.for %scan3A_258 = %scan3A_238 to %scan3A_240 step %scan3A_241 iter_args(%scan3A_259 = %cond3A_237#0) -> (vector<16xi32>)  : i32 {
        %mul3A_260 = arith.constant 5 : i32
        %mul3A_261 = arith.muli %scan3A_258, %mul3A_260 : i32
        %add3A_262 = arith.constant 0 : i32
        %add3A_263 = arith.addi %mul3A_261, %add3A_262 : i32
        %mul3A_264 = arith.constant 16 : i32
        %mul3A_265 = arith.muli %add3A_263, %mul3A_264 : i32
        %add3A_266 = arith.constant 6000 : i32
        %add3A_267 = arith.addi %add3A_266, %mul3A_265 : i32
        %get3A = arith.index_cast %add3A_267 : i32 to index
        %get3A_268 = tpu.vector_load %arg13[%get3A] {strides = array<i32>} : memref<8000xi32, #tpu.memory_space<vmem>>, vector<16xi32>,
        %get3A_269 = arith.index_cast %add3A_267 : i32 to index
        %get3A_270 = tpu.vector_load %arg11[%get3A_269] {strides = array<i32>} : memref<8000xi32, #tpu.memory_space<vmem>>, vector<16xi32>,
        %ge3A_271 = vector.broadcast %mul3A_2 : i32 to vector<16xi32>
        %ge3A_272 = arith.cmpi sge, %get3A_268, %ge3A_271 : vector<16xi32>
        %add3A_273 = arith.constant 320 : i32
        %add3A_274 = arith.addi %mul3A_2, %add3A_273 : i32
        %lt3A_275 = vector.broadcast %add3A_274 : i32 to vector<16xi32>
        %lt3A_276 = arith.cmpi slt, %get3A_268, %lt3A_275 : vector<16xi32>
        %and3A_277 = arith.andi %ge3A_272, %lt3A_276 : vector<16xi1>
        %jit3A_278 = arith.constant 1 : i32
        %jit3A_279 = arith.constant 0 : i32
        %broadcast_in_dim3A_280 = vector.broadcast %jit3A_278 : i32 to vector<16xi32>
        %broadcast_in_dim3A_281 = vector.broadcast %jit3A_279 : i32 to vector<16xi32>
        %select_n3A_282 = arith.select %and3A_277, %broadcast_in_dim3A_280, %broadcast_in_dim3A_281 : vector<16xi1>, vector<16xi32>
        %broadcast_in_dim3A_283 = arith.constant true
        %broadcast_in_dim3A_284 = vector.broadcast %broadcast_in_dim3A_283 : i1 to vector<16xi1>
        %masked_cumsum3A = tpu.scan <sum>, %select_n3A_282 masked %broadcast_in_dim3A_284 : vector<16xi32>, vector<16xi1> -> vector<16xi32>
        %add3A_285 = arith.addi %scan3A_259, %masked_cumsum3A : vector<16xi32>
        %sub3A_286 = arith.constant 1 : i32
        %sub3A_287 = vector.broadcast %sub3A_286 : i32 to vector<16xi32>
        %sub3A_288 = arith.subi %add3A_285, %sub3A_287 : vector<16xi32>
        %sub3A_289 = vector.broadcast %mul3A_2 : i32 to vector<16xi32>
        %sub3A_290 = arith.subi %get3A_268, %sub3A_289 : vector<16xi32>
        tpu.vector_store_idx %arg15[%sub3A_288], %sub3A_290 masked %and3A_277 : memref<10208xi32, #tpu.memory_space<vmem>>[vector<16xi32>], vector<16xi32>, vector<16xi1>
        tpu.vector_store_idx %arg14[%sub3A_288], %get3A_270 masked %and3A_277 : memref<10208xi32, #tpu.memory_space<vmem>>[vector<16xi32>], vector<16xi32>, vector<16xi1>
        %all_reduce_population_count3A = tpu.all_reduce %and3A_277 {dim = 0 : i64, kind = #tpu.reduction_kind<sum>} : vector<16xi1> -> vector<16xi32>
        %add3A_291 = arith.addi %scan3A_259, %all_reduce_population_count3A : vector<16xi32>
        %mul3A_292 = arith.constant 5 : i32
        %mul3A_293 = arith.muli %scan3A_258, %mul3A_292 : i32
        %add3A_294 = arith.constant 1 : i32
        %add3A_295 = arith.addi %mul3A_293, %add3A_294 : i32
        %mul3A_296 = arith.constant 16 : i32
        %mul3A_297 = arith.muli %add3A_295, %mul3A_296 : i32
        %add3A_298 = arith.constant 6000 : i32
        %add3A_299 = arith.addi %add3A_298, %mul3A_297 : i32
        %get3A_300 = arith.index_cast %add3A_299 : i32 to index
        %get3A_301 = tpu.vector_load %arg13[%get3A_300] {strides = array<i32>} : memref<8000xi32, #tpu.memory_space<vmem>>, vector<16xi32>,
        %get3A_302 = arith.index_cast %add3A_299 : i32 to index
        %get3A_303 = tpu.vector_load %arg11[%get3A_302] {strides = array<i32>} : memref<8000xi32, #tpu.memory_space<vmem>>, vector<16xi32>,
        %ge3A_304 = vector.broadcast %mul3A_2 : i32 to vector<16xi32>
        %ge3A_305 = arith.cmpi sge, %get3A_301, %ge3A_304 : vector<16xi32>
        %add3A_306 = arith.constant 320 : i32
        %add3A_307 = arith.addi %mul3A_2, %add3A_306 : i32
        %lt3A_308 = vector.broadcast %add3A_307 : i32 to vector<16xi32>
        %lt3A_309 = arith.cmpi slt, %get3A_301, %lt3A_308 : vector<16xi32>
        %and3A_310 = arith.andi %ge3A_305, %lt3A_309 : vector<16xi1>
        %jit3A_311 = arith.constant 1 : i32
        %jit3A_312 = arith.constant 0 : i32
        %broadcast_in_dim3A_313 = vector.broadcast %jit3A_311 : i32 to vector<16xi32>
        %broadcast_in_dim3A_314 = vector.broadcast %jit3A_312 : i32 to vector<16xi32>
        %select_n3A_315 = arith.select %and3A_310, %broadcast_in_dim3A_313, %broadcast_in_dim3A_314 : vector<16xi1>, vector<16xi32>
        %broadcast_in_dim3A_316 = arith.constant true
        %broadcast_in_dim3A_317 = vector.broadcast %broadcast_in_dim3A_316 : i1 to vector<16xi1>
        %masked_cumsum3A_318 = tpu.scan <sum>, %select_n3A_315 masked %broadcast_in_dim3A_317 : vector<16xi32>, vector<16xi1> -> vector<16xi32>
        %add3A_319 = arith.addi %add3A_291, %masked_cumsum3A_318 : vector<16xi32>
        %sub3A_320 = arith.constant 1 : i32
        %sub3A_321 = vector.broadcast %sub3A_320 : i32 to vector<16xi32>
        %sub3A_322 = arith.subi %add3A_319, %sub3A_321 : vector<16xi32>
        %sub3A_323 = vector.broadcast %mul3A_2 : i32 to vector<16xi32>
        %sub3A_324 = arith.subi %get3A_301, %sub3A_323 : vector<16xi32>
        tpu.vector_store_idx %arg15[%sub3A_322], %sub3A_324 masked %and3A_310 : memref<10208xi32, #tpu.memory_space<vmem>>[vector<16xi32>], vector<16xi32>, vector<16xi1>
        tpu.vector_store_idx %arg14[%sub3A_322], %get3A_303 masked %and3A_310 : memref<10208xi32, #tpu.memory_space<vmem>>[vector<16xi32>], vector<16xi32>, vector<16xi1>
        %all_reduce_population_count3A_325 = tpu.all_reduce %and3A_310 {dim = 0 : i64, kind = #tpu.reduction_kind<sum>} : vector<16xi1> -> vector<16xi32>
        %add3A_326 = arith.addi %add3A_291, %all_reduce_population_count3A_325 : vector<16xi32>
        %mul3A_327 = arith.constant 5 : i32
        %mul3A_328 = arith.muli %scan3A_258, %mul3A_327 : i32
        %add3A_329 = arith.constant 2 : i32
        %add3A_330 = arith.addi %mul3A_328, %add3A_329 : i32
        %mul3A_331 = arith.constant 16 : i32
        %mul3A_332 = arith.muli %add3A_330, %mul3A_331 : i32
        %add3A_333 = arith.constant 6000 : i32
        %add3A_334 = arith.addi %add3A_333, %mul3A_332 : i32
        %get3A_335 = arith.index_cast %add3A_334 : i32 to index
        %get3A_336 = tpu.vector_load %arg13[%get3A_335] {strides = array<i32>} : memref<8000xi32, #tpu.memory_space<vmem>>, vector<16xi32>,
        %get3A_337 = arith.index_cast %add3A_334 : i32 to index
        %get3A_338 = tpu.vector_load %arg11[%get3A_337] {strides = array<i32>} : memref<8000xi32, #tpu.memory_space<vmem>>, vector<16xi32>,
        %ge3A_339 = vector.broadcast %mul3A_2 : i32 to vector<16xi32>
        %ge3A_340 = arith.cmpi sge, %get3A_336, %ge3A_339 : vector<16xi32>
        %add3A_341 = arith.constant 320 : i32
        %add3A_342 = arith.addi %mul3A_2, %add3A_341 : i32
        %lt3A_343 = vector.broadcast %add3A_342 : i32 to vector<16xi32>
        %lt3A_344 = arith.cmpi slt, %get3A_336, %lt3A_343 : vector<16xi32>
        %and3A_345 = arith.andi %ge3A_340, %lt3A_344 : vector<16xi1>
        %jit3A_346 = arith.constant 1 : i32
        %jit3A_347 = arith.constant 0 : i32
        %broadcast_in_dim3A_348 = vector.broadcast %jit3A_346 : i32 to vector<16xi32>
        %broadcast_in_dim3A_349 = vector.broadcast %jit3A_347 : i32 to vector<16xi32>
        %select_n3A_350 = arith.select %and3A_345, %broadcast_in_dim3A_348, %broadcast_in_dim3A_349 : vector<16xi1>, vector<16xi32>
        %broadcast_in_dim3A_351 = arith.constant true
        %broadcast_in_dim3A_352 = vector.broadcast %broadcast_in_dim3A_351 : i1 to vector<16xi1>
        %masked_cumsum3A_353 = tpu.scan <sum>, %select_n3A_350 masked %broadcast_in_dim3A_352 : vector<16xi32>, vector<16xi1> -> vector<16xi32>
        %add3A_354 = arith.addi %add3A_326, %masked_cumsum3A_353 : vector<16xi32>
        %sub3A_355 = arith.constant 1 : i32
        %sub3A_356 = vector.broadcast %sub3A_355 : i32 to vector<16xi32>
        %sub3A_357 = arith.subi %add3A_354, %sub3A_356 : vector<16xi32>
        %sub3A_358 = vector.broadcast %mul3A_2 : i32 to vector<16xi32>
        %sub3A_359 = arith.subi %get3A_336, %sub3A_358 : vector<16xi32>
        tpu.vector_store_idx %arg15[%sub3A_357], %sub3A_359 masked %and3A_345 : memref<10208xi32, #tpu.memory_space<vmem>>[vector<16xi32>], vector<16xi32>, vector<16xi1>
        tpu.vector_store_idx %arg14[%sub3A_357], %get3A_338 masked %and3A_345 : memref<10208xi32, #tpu.memory_space<vmem>>[vector<16xi32>], vector<16xi32>, vector<16xi1>
        %all_reduce_population_count3A_360 = tpu.all_reduce %and3A_345 {dim = 0 : i64, kind = #tpu.reduction_kind<sum>} : vector<16xi1> -> vector<16xi32>
        %add3A_361 = arith.addi %add3A_326, %all_reduce_population_count3A_360 : vector<16xi32>
        %mul3A_362 = arith.constant 5 : i32
        %mul3A_363 = arith.muli %scan3A_258, %mul3A_362 : i32
        %add3A_364 = arith.constant 3 : i32
        %add3A_365 = arith.addi %mul3A_363, %add3A_364 : i32
        %mul3A_366 = arith.constant 16 : i32
        %mul3A_367 = arith.muli %add3A_365, %mul3A_366 : i32
        %add3A_368 = arith.constant 6000 : i32
        %add3A_369 = arith.addi %add3A_368, %mul3A_367 : i32
        %get3A_370 = arith.index_cast %add3A_369 : i32 to index
        %get3A_371 = tpu.vector_load %arg13[%get3A_370] {strides = array<i32>} : memref<8000xi32, #tpu.memory_space<vmem>>, vector<16xi32>,
        %get3A_372 = arith.index_cast %add3A_369 : i32 to index
        %get3A_373 = tpu.vector_load %arg11[%get3A_372] {strides = array<i32>} : memref<8000xi32, #tpu.memory_space<vmem>>, vector<16xi32>,
        %ge3A_374 = vector.broadcast %mul3A_2 : i32 to vector<16xi32>
        %ge3A_375 = arith.cmpi sge, %get3A_371, %ge3A_374 : vector<16xi32>
        %add3A_376 = arith.constant 320 : i32
        %add3A_377 = arith.addi %mul3A_2, %add3A_376 : i32
        %lt3A_378 = vector.broadcast %add3A_377 : i32 to vector<16xi32>
        %lt3A_379 = arith.cmpi slt, %get3A_371, %lt3A_378 : vector<16xi32>
        %and3A_380 = arith.andi %ge3A_375, %lt3A_379 : vector<16xi1>
        %jit3A_381 = arith.constant 1 : i32
        %jit3A_382 = arith.constant 0 : i32
        %broadcast_in_dim3A_383 = vector.broadcast %jit3A_381 : i32 to vector<16xi32>
        %broadcast_in_dim3A_384 = vector.broadcast %jit3A_382 : i32 to vector<16xi32>
        %select_n3A_385 = arith.select %and3A_380, %broadcast_in_dim3A_383, %broadcast_in_dim3A_384 : vector<16xi1>, vector<16xi32>
        %broadcast_in_dim3A_386 = arith.constant true
        %broadcast_in_dim3A_387 = vector.broadcast %broadcast_in_dim3A_386 : i1 to vector<16xi1>
        %masked_cumsum3A_388 = tpu.scan <sum>, %select_n3A_385 masked %broadcast_in_dim3A_387 : vector<16xi32>, vector<16xi1> -> vector<16xi32>
        %add3A_389 = arith.addi %add3A_361, %masked_cumsum3A_388 : vector<16xi32>
        %sub3A_390 = arith.constant 1 : i32
        %sub3A_391 = vector.broadcast %sub3A_390 : i32 to vector<16xi32>
        %sub3A_392 = arith.subi %add3A_389, %sub3A_391 : vector<16xi32>
        %sub3A_393 = vector.broadcast %mul3A_2 : i32 to vector<16xi32>
        %sub3A_394 = arith.subi %get3A_371, %sub3A_393 : vector<16xi32>
        tpu.vector_store_idx %arg15[%sub3A_392], %sub3A_394 masked %and3A_380 : memref<10208xi32, #tpu.memory_space<vmem>>[vector<16xi32>], vector<16xi32>, vector<16xi1>
        tpu.vector_store_idx %arg14[%sub3A_392], %get3A_373 masked %and3A_380 : memref<10208xi32, #tpu.memory_space<vmem>>[vector<16xi32>], vector<16xi32>, vector<16xi1>
        %all_reduce_population_count3A_395 = tpu.all_reduce %and3A_380 {dim = 0 : i64, kind = #tpu.reduction_kind<sum>} : vector<16xi1> -> vector<16xi32>
        %add3A_396 = arith.addi %add3A_361, %all_reduce_population_count3A_395 : vector<16xi32>
        %mul3A_397 = arith.constant 5 : i32
        %mul3A_398 = arith.muli %scan3A_258, %mul3A_397 : i32
        %add3A_399 = arith.constant 4 : i32
        %add3A_400 = arith.addi %mul3A_398, %add3A_399 : i32
        %mul3A_401 = arith.constant 16 : i32
        %mul3A_402 = arith.muli %add3A_400, %mul3A_401 : i32
        %add3A_403 = arith.constant 6000 : i32
        %add3A_404 = arith.addi %add3A_403, %mul3A_402 : i32
        %get3A_405 = arith.index_cast %add3A_404 : i32 to index
        %get3A_406 = tpu.vector_load %arg13[%get3A_405] {strides = array<i32>} : memref<8000xi32, #tpu.memory_space<vmem>>, vector<16xi32>,
        %get3A_407 = arith.index_cast %add3A_404 : i32 to index
        %get3A_408 = tpu.vector_load %arg11[%get3A_407] {strides = array<i32>} : memref<8000xi32, #tpu.memory_space<vmem>>, vector<16xi32>,
        %ge3A_409 = vector.broadcast %mul3A_2 : i32 to vector<16xi32>
        %ge3A_410 = arith.cmpi sge, %get3A_406, %ge3A_409 : vector<16xi32>
        %add3A_411 = arith.constant 320 : i32
        %add3A_412 = arith.addi %mul3A_2, %add3A_411 : i32
        %lt3A_413 = vector.broadcast %add3A_412 : i32 to vector<16xi32>
        %lt3A_414 = arith.cmpi slt, %get3A_406, %lt3A_413 : vector<16xi32>
        %and3A_415 = arith.andi %ge3A_410, %lt3A_414 : vector<16xi1>
        %jit3A_416 = arith.constant 1 : i32
        %jit3A_417 = arith.constant 0 : i32
        %broadcast_in_dim3A_418 = vector.broadcast %jit3A_416 : i32 to vector<16xi32>
        %broadcast_in_dim3A_419 = vector.broadcast %jit3A_417 : i32 to vector<16xi32>
        %select_n3A_420 = arith.select %and3A_415, %broadcast_in_dim3A_418, %broadcast_in_dim3A_419 : vector<16xi1>, vector<16xi32>
        %broadcast_in_dim3A_421 = arith.constant true
        %broadcast_in_dim3A_422 = vector.broadcast %broadcast_in_dim3A_421 : i1 to vector<16xi1>
        %masked_cumsum3A_423 = tpu.scan <sum>, %select_n3A_420 masked %broadcast_in_dim3A_422 : vector<16xi32>, vector<16xi1> -> vector<16xi32>
        %add3A_424 = arith.addi %add3A_396, %masked_cumsum3A_423 : vector<16xi32>
        %sub3A_425 = arith.constant 1 : i32
        %sub3A_426 = vector.broadcast %sub3A_425 : i32 to vector<16xi32>
        %sub3A_427 = arith.subi %add3A_424, %sub3A_426 : vector<16xi32>
        %sub3A_428 = vector.broadcast %mul3A_2 : i32 to vector<16xi32>
        %sub3A_429 = arith.subi %get3A_406, %sub3A_428 : vector<16xi32>
        tpu.vector_store_idx %arg15[%sub3A_427], %sub3A_429 masked %and3A_415 : memref<10208xi32, #tpu.memory_space<vmem>>[vector<16xi32>], vector<16xi32>, vector<16xi1>
        tpu.vector_store_idx %arg14[%sub3A_427], %get3A_408 masked %and3A_415 : memref<10208xi32, #tpu.memory_space<vmem>>[vector<16xi32>], vector<16xi32>, vector<16xi1>
        %all_reduce_population_count3A_430 = tpu.all_reduce %and3A_415 {dim = 0 : i64, kind = #tpu.reduction_kind<sum>} : vector<16xi1> -> vector<16xi32>
        %add3A_431 = arith.addi %add3A_396, %all_reduce_population_count3A_430 : vector<16xi32>
        scf.yield %add3A_431 : vector<16xi32>
      }
      %scan3A_243 = arith.constant 25 : i32
      %reduce_max3A_244 = arith.constant true
      %reduce_max3A_245 = vector.broadcast %reduce_max3A_244 : i1 to vector<16xi1>
      %reduce_max3A_246 = arith.constant -2147483648 : i32
      %reduce_max3A_247 = vector.broadcast %reduce_max3A_246 : i32 to vector<16xi32>
      %reduce_max3A_248 = arith.xori %scan3A_242, %reduce_max3A_247 : vector<16xi32>
      %reduce_max3A_249 = tpu.scan <max>, %reduce_max3A_248 masked %reduce_max3A_245 : vector<16xi32>, vector<16xi1> -> vector<16xi32>
      %reduce_max3A_250 = arith.xori %reduce_max3A_249, %reduce_max3A_247 : vector<16xi32>
      %reduce_max3A_251 = vector.extract %reduce_max3A_250[15] : i32 from vector<16xi32>
      %ge3A_252 = arith.constant 8192 : i32
      %ge3A_253 = arith.cmpi sge, %reduce_max3A_251, %ge3A_252 : i32
      %convert_element_type3A_254 = arith.extui %ge3A_253 : i1 to i32
      %cond3A_255 = arith.constant 0 : i32
      %cond3A_256 = arith.cmpi ne, %convert_element_type3A_254, %cond3A_255 : i32
      %cond3A_257:2 = scf.if %cond3A_256 -> (vector<16xi32>, i32) {
        %mul3A_258 = arith.constant 327680 : i32
        %mul3A_259 = arith.muli %add3A, %mul3A_258 : i32
        %add3A_260 = arith.addi %mul3A_259, %cond3A_237#1 : i32
        %multiple_of3A_261 = tpu.assume_multiple %add3A_260, 8192 : i32
        "tpu.region"() ({
          %run_scoped3A = tpu.sem_alloc : memref<!tpu.dma_semaphore, #tpu.memory_space<semaphore_mem>>
          %dma_start3A_274 = arith.constant 0 : i32
          %dma_start3A_275 = tpu.memref_slice %arg14[%dma_start3A_274] : memref<10208xi32, #tpu.memory_space<vmem>> -> memref<8192xi32, #tpu.memory_space<vmem>>
          %dma_start3A_276 = tpu.memref_slice %arg4[%multiple_of3A_261] : memref<10485760xi32, #tpu.memory_space<hbm>> -> memref<8192xi32, #tpu.memory_space<hbm>>
          %dma_start3A_277 = tpu.memref_slice %arg4[%multiple_of3A_261] : memref<10485760xi32, #tpu.memory_space<hbm>> -> memref<8192xi32, #tpu.memory_space<hbm>>
          %dma_start3A_278 = arith.constant 0 : i32
          %dma_start3A_279 = tpu.memref_slice %arg14[%dma_start3A_278] : memref<10208xi32, #tpu.memory_space<vmem>> -> memref<8192xi32, #tpu.memory_space<vmem>>
          tpu.enqueue_dma source(%dma_start3A_279 : memref<8192xi32, #tpu.memory_space<vmem>>) target(%dma_start3A_277 : memref<8192xi32, #tpu.memory_space<hbm>>) target_semaphore(%run_scoped3A : memref<!tpu.dma_semaphore, #tpu.memory_space<semaphore_mem>>)
          %dma_wait3A_280 = arith.constant 0 : i32
          %dma_wait3A_281 = tpu.memref_slice %arg14[%dma_wait3A_280] : memref<10208xi32, #tpu.memory_space<vmem>> -> memref<8192xi32, #tpu.memory_space<vmem>>
          %dma_wait3A_282 = tpu.memref_slice %arg4[%multiple_of3A_261] : memref<10485760xi32, #tpu.memory_space<hbm>> -> memref<8192xi32, #tpu.memory_space<hbm>>
          %dma_wait3A_283 = tpu.memref_slice %arg4[%multiple_of3A_261] : memref<10485760xi32, #tpu.memory_space<hbm>> -> memref<8192xi32, #tpu.memory_space<hbm>>
          %dma_wait3A_284 = arith.constant 0 : i32
          %dma_wait3A_285 = tpu.memref_slice %arg14[%dma_wait3A_284] : memref<10208xi32, #tpu.memory_space<vmem>> -> memref<8192xi32, #tpu.memory_space<vmem>>
          tpu.wait_dma2 semaphore(%run_scoped3A : memref<!tpu.dma_semaphore, #tpu.memory_space<semaphore_mem>>) src(%dma_wait3A_285 : memref<8192xi32, #tpu.memory_space<vmem>>) dst(%dma_wait3A_283 : memref<8192xi32, #tpu.memory_space<hbm>>)
          tpu.yield
        }) : () -> ()
        "tpu.region"() ({
          %run_scoped3A = tpu.sem_alloc : memref<!tpu.dma_semaphore, #tpu.memory_space<semaphore_mem>>
          %dma_start3A_274 = arith.constant 0 : i32
          %dma_start3A_275 = tpu.memref_slice %arg15[%dma_start3A_274] : memref<10208xi32, #tpu.memory_space<vmem>> -> memref<8192xi32, #tpu.memory_space<vmem>>
          %dma_start3A_276 = tpu.memref_slice %arg5[%multiple_of3A_261] : memref<10485760xi32, #tpu.memory_space<hbm>> -> memref<8192xi32, #tpu.memory_space<hbm>>
          %dma_start3A_277 = tpu.memref_slice %arg5[%multiple_of3A_261] : memref<10485760xi32, #tpu.memory_space<hbm>> -> memref<8192xi32, #tpu.memory_space<hbm>>
          %dma_start3A_278 = arith.constant 0 : i32
          %dma_start3A_279 = tpu.memref_slice %arg15[%dma_start3A_278] : memref<10208xi32, #tpu.memory_space<vmem>> -> memref<8192xi32, #tpu.memory_space<vmem>>
          tpu.enqueue_dma source(%dma_start3A_279 : memref<8192xi32, #tpu.memory_space<vmem>>) target(%dma_start3A_277 : memref<8192xi32, #tpu.memory_space<hbm>>) target_semaphore(%run_scoped3A : memref<!tpu.dma_semaphore, #tpu.memory_space<semaphore_mem>>)
          %dma_wait3A_280 = arith.constant 0 : i32
          %dma_wait3A_281 = tpu.memref_slice %arg15[%dma_wait3A_280] : memref<10208xi32, #tpu.memory_space<vmem>> -> memref<8192xi32, #tpu.memory_space<vmem>>
          %dma_wait3A_282 = tpu.memref_slice %arg5[%multiple_of3A_261] : memref<10485760xi32, #tpu.memory_space<hbm>> -> memref<8192xi32, #tpu.memory_space<hbm>>
          %dma_wait3A_283 = tpu.memref_slice %arg5[%multiple_of3A_261] : memref<10485760xi32, #tpu.memory_space<hbm>> -> memref<8192xi32, #tpu.memory_space<hbm>>
          %dma_wait3A_284 = arith.constant 0 : i32
          %dma_wait3A_285 = tpu.memref_slice %arg15[%dma_wait3A_284] : memref<10208xi32, #tpu.memory_space<vmem>> -> memref<8192xi32, #tpu.memory_space<vmem>>
          tpu.wait_dma2 semaphore(%run_scoped3A : memref<!tpu.dma_semaphore, #tpu.memory_space<semaphore_mem>>) src(%dma_wait3A_285 : memref<8192xi32, #tpu.memory_space<vmem>>) dst(%dma_wait3A_283 : memref<8192xi32, #tpu.memory_space<hbm>>)
          tpu.yield
        }) : () -> ()
        %scan3A_262 = arith.constant 0 : i32
        %scan3A_263 = arith.constant 0 : i32
        %scan3A_264 = arith.constant 126 : i32
        %scan3A_265 = arith.addi %scan3A_263, %scan3A_264 : i32
        %scan3A_266 = arith.constant 1 : i32
        %scan3A_267 = scf.for %scan3A_274 = %scan3A_263 to %scan3A_265 step %scan3A_266 iter_args(%scan3A_275 = %scan3A_262) -> (i32)  : i32 {
          %mul3A_276 = arith.constant 16 : i32
          %mul3A_277 = arith.muli %scan3A_274, %mul3A_276 : i32
          %add3A_278 = arith.constant 8192 : i32
          %add3A_279 = arith.addi %add3A_278, %mul3A_277 : i32
          %get3A = arith.index_cast %add3A_279 : i32 to index
          %get3A_280 = tpu.vector_load %arg14[%get3A] {strides = array<i32>} : memref<10208xi32, #tpu.memory_space<vmem>>, vector<16xi32>,
          %mul3A_281 = arith.constant 16 : i32
          %mul3A_282 = arith.muli %scan3A_274, %mul3A_281 : i32
          %add3A_283 = arith.constant 8192 : i32
          %add3A_284 = arith.addi %add3A_283, %mul3A_282 : i32
          %get3A_285 = arith.index_cast %add3A_284 : i32 to index
          %get3A_286 = tpu.vector_load %arg15[%get3A_285] {strides = array<i32>} : memref<10208xi32, #tpu.memory_space<vmem>>, vector<16xi32>,
          %mul3A_287 = arith.constant 16 : i32
          %mul3A_288 = arith.muli %scan3A_274, %mul3A_287 : i32
          %swap3A_289 = arith.index_cast %mul3A_288 : i32 to index
          %swap3A_290 = tpu.vector_load %arg14[%swap3A_289] {strides = array<i32>} : memref<10208xi32, #tpu.memory_space<vmem>>, vector<16xi32>,
          tpu.vector_store %arg14[%swap3A_289], %get3A_280 {strides = array<i32>} : memref<10208xi32, #tpu.memory_space<vmem>>, vector<16xi32>,
          %mul3A_291 = arith.constant 16 : i32
          %mul3A_292 = arith.muli %scan3A_274, %mul3A_291 : i32
          %swap3A_293 = arith.index_cast %mul3A_292 : i32 to index
          %swap3A_294 = tpu.vector_load %arg15[%swap3A_293] {strides = array<i32>} : memref<10208xi32, #tpu.memory_space<vmem>>, vector<16xi32>,
          tpu.vector_store %arg15[%swap3A_293], %get3A_286 {strides = array<i32>} : memref<10208xi32, #tpu.memory_space<vmem>>, vector<16xi32>,
          %scan3A_295 = arith.constant 0 : i32
          scf.yield %scan3A_295 : i32
        }
        %scan3A_268 = arith.constant 126 : i32
        %sub3A_269 = arith.constant 8192 : i32
        %sub3A_270 = vector.broadcast %sub3A_269 : i32 to vector<16xi32>
        %sub3A_271 = arith.subi %scan3A_242, %sub3A_270 : vector<16xi32>
        %add3A_272 = arith.constant 8192 : i32
        %add3A_273 = arith.addi %cond3A_237#1, %add3A_272 : i32
        scf.yield %sub3A_271, %add3A_273 : vector<16xi32>, i32
      } else {
        scf.yield %scan3A_242, %cond3A_237#1 : vector<16xi32>, i32
      }
      scf.yield %cond3A_257#0, %cond3A_257#1 : vector<16xi32>, i32
    }
    %scan3A_20 = arith.constant 20 : i32
    %mul3A_21 = arith.constant 327680 : i32
    %mul3A_22 = arith.muli %add3A, %mul3A_21 : i32
    %add3A_23 = arith.addi %mul3A_22, %scan3A_19#1 : i32
    %multiple_of3A_24 = tpu.assume_multiple %add3A_23, 8192 : i32
    "tpu.region"() ({
      %run_scoped3A = tpu.sem_alloc : memref<!tpu.dma_semaphore, #tpu.memory_space<semaphore_mem>>
      %dma_start3A_62 = arith.constant 0 : i32
      %dma_start3A_63 = tpu.memref_slice %arg14[%dma_start3A_62] : memref<10208xi32, #tpu.memory_space<vmem>> -> memref<8192xi32, #tpu.memory_space<vmem>>
      %dma_start3A_64 = tpu.memref_slice %arg4[%multiple_of3A_24] : memref<10485760xi32, #tpu.memory_space<hbm>> -> memref<8192xi32, #tpu.memory_space<hbm>>
      %dma_start3A_65 = tpu.memref_slice %arg4[%multiple_of3A_24] : memref<10485760xi32, #tpu.memory_space<hbm>> -> memref<8192xi32, #tpu.memory_space<hbm>>
      %dma_start3A_66 = arith.constant 0 : i32
      %dma_start3A_67 = tpu.memref_slice %arg14[%dma_start3A_66] : memref<10208xi32, #tpu.memory_space<vmem>> -> memref<8192xi32, #tpu.memory_space<vmem>>
      tpu.enqueue_dma source(%dma_start3A_67 : memref<8192xi32, #tpu.memory_space<vmem>>) target(%dma_start3A_65 : memref<8192xi32, #tpu.memory_space<hbm>>) target_semaphore(%run_scoped3A : memref<!tpu.dma_semaphore, #tpu.memory_space<semaphore_mem>>)
      %dma_wait3A = arith.constant 0 : i32
      %dma_wait3A_68 = tpu.memref_slice %arg14[%dma_wait3A] : memref<10208xi32, #tpu.memory_space<vmem>> -> memref<8192xi32, #tpu.memory_space<vmem>>
      %dma_wait3A_69 = tpu.memref_slice %arg4[%multiple_of3A_24] : memref<10485760xi32, #tpu.memory_space<hbm>> -> memref<8192xi32, #tpu.memory_space<hbm>>
      %dma_wait3A_70 = tpu.memref_slice %arg4[%multiple_of3A_24] : memref<10485760xi32, #tpu.memory_space<hbm>> -> memref<8192xi32, #tpu.memory_space<hbm>>
      %dma_wait3A_71 = arith.constant 0 : i32
      %dma_wait3A_72 = tpu.memref_slice %arg14[%dma_wait3A_71] : memref<10208xi32, #tpu.memory_space<vmem>> -> memref<8192xi32, #tpu.memory_space<vmem>>
      tpu.wait_dma2 semaphore(%run_scoped3A : memref<!tpu.dma_semaphore, #tpu.memory_space<semaphore_mem>>) src(%dma_wait3A_72 : memref<8192xi32, #tpu.memory_space<vmem>>) dst(%dma_wait3A_70 : memref<8192xi32, #tpu.memory_space<hbm>>)
      tpu.yield
    }) : () -> ()
    "tpu.region"() ({
      %run_scoped3A = tpu.sem_alloc : memref<!tpu.dma_semaphore, #tpu.memory_space<semaphore_mem>>
      %dma_start3A_62 = arith.constant 0 : i32
      %dma_start3A_63 = tpu.memref_slice %arg15[%dma_start3A_62] : memref<10208xi32, #tpu.memory_space<vmem>> -> memref<8192xi32, #tpu.memory_space<vmem>>
      %dma_start3A_64 = tpu.memref_slice %arg5[%multiple_of3A_24] : memref<10485760xi32, #tpu.memory_space<hbm>> -> memref<8192xi32, #tpu.memory_space<hbm>>
      %dma_start3A_65 = tpu.memref_slice %arg5[%multiple_of3A_24] : memref<10485760xi32, #tpu.memory_space<hbm>> -> memref<8192xi32, #tpu.memory_space<hbm>>
      %dma_start3A_66 = arith.constant 0 : i32
      %dma_start3A_67 = tpu.memref_slice %arg15[%dma_start3A_66] : memref<10208xi32, #tpu.memory_space<vmem>> -> memref<8192xi32, #tpu.memory_space<vmem>>
      tpu.enqueue_dma source(%dma_start3A_67 : memref<8192xi32, #tpu.memory_space<vmem>>) target(%dma_start3A_65 : memref<8192xi32, #tpu.memory_space<hbm>>) target_semaphore(%run_scoped3A : memref<!tpu.dma_semaphore, #tpu.memory_space<semaphore_mem>>)
      %dma_wait3A = arith.constant 0 : i32
      %dma_wait3A_68 = tpu.memref_slice %arg15[%dma_wait3A] : memref<10208xi32, #tpu.memory_space<vmem>> -> memref<8192xi32, #tpu.memory_space<vmem>>
      %dma_wait3A_69 = tpu.memref_slice %arg5[%multiple_of3A_24] : memref<10485760xi32, #tpu.memory_space<hbm>> -> memref<8192xi32, #tpu.memory_space<hbm>>
      %dma_wait3A_70 = tpu.memref_slice %arg5[%multiple_of3A_24] : memref<10485760xi32, #tpu.memory_space<hbm>> -> memref<8192xi32, #tpu.memory_space<hbm>>
      %dma_wait3A_71 = arith.constant 0 : i32
      %dma_wait3A_72 = tpu.memref_slice %arg15[%dma_wait3A_71] : memref<10208xi32, #tpu.memory_space<vmem>> -> memref<8192xi32, #tpu.memory_space<vmem>>
      tpu.wait_dma2 semaphore(%run_scoped3A : memref<!tpu.dma_semaphore, #tpu.memory_space<semaphore_mem>>) src(%dma_wait3A_72 : memref<8192xi32, #tpu.memory_space<vmem>>) dst(%dma_wait3A_70 : memref<8192xi32, #tpu.memory_space<hbm>>)
      tpu.yield
    }) : () -> ()
    %reduce_max3A = arith.constant true
    %reduce_max3A_25 = vector.broadcast %reduce_max3A : i1 to vector<16xi1>
    %reduce_max3A_26 = arith.constant -2147483648 : i32
    %reduce_max3A_27 = vector.broadcast %reduce_max3A_26 : i32 to vector<16xi32>
    %reduce_max3A_28 = arith.xori %scan3A_19#0, %reduce_max3A_27 : vector<16xi32>
    %reduce_max3A_29 = tpu.scan <max>, %reduce_max3A_28 masked %reduce_max3A_25 : vector<16xi32>, vector<16xi1> -> vector<16xi32>
    %reduce_max3A_30 = arith.xori %reduce_max3A_29, %reduce_max3A_27 : vector<16xi32>
    %reduce_max3A_31 = vector.extract %reduce_max3A_30[15] : i32 from vector<16xi32>
    %add3A_32 = arith.addi %scan3A_19#1, %reduce_max3A_31 : i32
    %broadcast_in_dim3A_33 = vector.broadcast %add3A_32 : i32 to vector<16xi32>
    %swap3A = arith.constant 0 : index
    %swap3A_34 = tpu.vector_load %arg16[%swap3A] {strides = array<i32>} : memref<16xi32, #tpu.memory_space<vmem>>, vector<16xi32>,
    tpu.vector_store %arg16[%swap3A], %broadcast_in_dim3A_33 {strides = array<i32>} : memref<16xi32, #tpu.memory_space<vmem>>, vector<16xi32>,
    "tpu.region"() ({
      %run_scoped3A = tpu.sem_alloc : memref<!tpu.dma_semaphore, #tpu.memory_space<semaphore_mem>>
      %dma_start3A_62 = arith.constant 0 : i32
      %dma_start3A_63 = tpu.memref_slice %arg6[%add3A, %dma_start3A_62] : memref<32x16xi32, #tpu.memory_space<hbm>> -> memref<1x16xi32, #tpu.memory_space<hbm>>
      %dma_start3A_64 = tpu.memref_squeeze %dma_start3A_63 : memref<1x16xi32, #tpu.memory_space<hbm>> -> memref<16xi32, #tpu.memory_space<hbm>>
      %dma_start3A_65 = arith.constant 0 : i32
      %dma_start3A_66 = tpu.memref_slice %arg6[%add3A, %dma_start3A_65] : memref<32x16xi32, #tpu.memory_space<hbm>> -> memref<1x16xi32, #tpu.memory_space<hbm>>
      %dma_start3A_67 = tpu.memref_squeeze %dma_start3A_66 : memref<1x16xi32, #tpu.memory_space<hbm>> -> memref<16xi32, #tpu.memory_space<hbm>>
      tpu.enqueue_dma source(%arg16 : memref<16xi32, #tpu.memory_space<vmem>>) target(%dma_start3A_67 : memref<16xi32, #tpu.memory_space<hbm>>) target_semaphore(%run_scoped3A : memref<!tpu.dma_semaphore, #tpu.memory_space<semaphore_mem>>)
      %dma_wait3A = arith.constant 0 : i32
      %dma_wait3A_68 = tpu.memref_slice %arg6[%add3A, %dma_wait3A] : memref<32x16xi32, #tpu.memory_space<hbm>> -> memref<1x16xi32, #tpu.memory_space<hbm>>
      %dma_wait3A_69 = tpu.memref_squeeze %dma_wait3A_68 : memref<1x16xi32, #tpu.memory_space<hbm>> -> memref<16xi32, #tpu.memory_space<hbm>>
      %dma_wait3A_70 = arith.constant 0 : i32
      %dma_wait3A_71 = tpu.memref_slice %arg6[%add3A, %dma_wait3A_70] : memref<32x16xi32, #tpu.memory_space<hbm>> -> memref<1x16xi32, #tpu.memory_space<hbm>>
      %dma_wait3A_72 = tpu.memref_squeeze %dma_wait3A_71 : memref<1x16xi32, #tpu.memory_space<hbm>> -> memref<16xi32, #tpu.memory_space<hbm>>
      tpu.wait_dma2 semaphore(%run_scoped3A : memref<!tpu.dma_semaphore, #tpu.memory_space<semaphore_mem>>) src(%arg16 : memref<16xi32, #tpu.memory_space<vmem>>) dst(%dma_wait3A_72 : memref<16xi32, #tpu.memory_space<hbm>>)
      tpu.yield
    }) : () -> ()
    %add3A_35 = arith.constant 1999 : i32
    %add3A_36 = arith.addi %add3A_32, %add3A_35 : i32
    %jit3A = arith.constant 2000 : i32
    %div3A = arith.divsi %add3A_36, %jit3A : i32
    %sign3A = arith.constant 0 : i32
    %sign3A_37 = arith.cmpi sgt, %add3A_36, %sign3A : i32
    %sign3A_38 = arith.extui %sign3A_37 : i1 to i32
    %sign3A_39 = arith.constant 0 : i32
    %sign3A_40 = arith.cmpi slt, %add3A_36, %sign3A_39 : i32
    %sign3A_41 = arith.extui %sign3A_40 : i1 to i32
    %sign3A_42 = arith.subi %sign3A_38, %sign3A_41 : i32
    %sign3A_43 = arith.constant 0 : i32
    %sign3A_44 = arith.cmpi sgt, %jit3A, %sign3A_43 : i32
    %sign3A_45 = arith.extui %sign3A_44 : i1 to i32
    %sign3A_46 = arith.constant 0 : i32
    %sign3A_47 = arith.cmpi slt, %jit3A, %sign3A_46 : i32
    %sign3A_48 = arith.extui %sign3A_47 : i1 to i32
    %sign3A_49 = arith.subi %sign3A_45, %sign3A_48 : i32
    %ne3A = arith.cmpi ne, %sign3A_42, %sign3A_49 : i32
    %rem3A = arith.remsi %add3A_36, %jit3A : i32
    %ne3A_50 = arith.constant 0 : i32
    %ne3A_51 = arith.cmpi ne, %rem3A, %ne3A_50 : i32
    %and3A = arith.andi %ne3A, %ne3A_51 : i1
    %sub3A = arith.constant 1 : i32
    %sub3A_52 = arith.subi %div3A, %sub3A : i32
    %select_n3A = arith.select %and3A, %sub3A_52, %div3A : i32
    %mul3A_53 = arith.constant 2000 : i32
    %mul3A_54 = arith.muli %select_n3A, %mul3A_53 : i32
    %le3A = arith.constant 16384 : i32
    %le3A_55 = arith.cmpi sle, %mul3A_54, %le3A : i32
    %convert_element_type3A = arith.extui %le3A_55 : i1 to i32
    %cond3A = arith.constant 0 : i32
    %cond3A_56 = arith.cmpi ne, %convert_element_type3A, %cond3A : i32
    scf.if %cond3A_56 {
      %scan3A_62 = arith.constant 0 : i32
      %scan3A_63 = arith.constant 0 : i32
      %scan3A_64 = arith.constant 328 : i32
      %scan3A_65 = arith.addi %scan3A_63, %scan3A_64 : i32
      %scan3A_66 = arith.constant 1 : i32
      %scan3A_67 = scf.for %scan3A_112 = %scan3A_63 to %scan3A_65 step %scan3A_66 iter_args(%scan3A_113 = %scan3A_62) -> (i32)  : i32 {
        %broadcast_in_dim3A_114 = arith.constant 0 : i32
        %broadcast_in_dim3A_115 = vector.broadcast %broadcast_in_dim3A_114 : i32 to vector<16xi32>
        %swap3A_116 = arith.index_cast %scan3A_112 : i32 to index
        %swap3A_117 = arith.constant 0 : index
        %swap3A_118 = tpu.vector_load %arg17[%swap3A_116, %swap3A_117] {strides = array<i32>} : memref<328x16xi32, #tpu.memory_space<vmem>>, vector<16xi32>,
        tpu.vector_store %arg17[%swap3A_116, %swap3A_117], %broadcast_in_dim3A_115 {strides = array<i32>} : memref<328x16xi32, #tpu.memory_space<vmem>>, vector<16xi32>,
        %scan3A_119 = arith.constant 0 : i32
        scf.yield %scan3A_119 : i32
      }
      %scan3A_68 = arith.constant 328 : i32
      %broadcast_in_dim3A_69 = arith.constant 1 : i32
      %broadcast_in_dim3A_70 = vector.broadcast %broadcast_in_dim3A_69 : i32 to vector<16xi32>
      %while3A = arith.constant 0 : i32
      %while3A_71 = arith.constant 0 : i32
      %while3A_72 = arith.subi %select_n3A, %while3A : i32
      %while3A_73 = arith.addi %while3A, %while3A_72 : i32
      %while3A_74 = arith.constant 1 : i32
      %while3A_75 = arith.divsi %while3A_72, %while3A_74 : i32
      %while3A_76 = arith.muli %while3A_75, %while3A_74 : i32
      %while3A_77 = arith.addi %while3A, %while3A_76 : i32
      %while3A_78 = arith.constant 1 : i32
      %while3A_79 = scf.for %while3A_112 = %while3A to %while3A_77 step %while3A_78 iter_args(%while3A_113 = %while3A_71) -> (i32)  : i32 {
        %mul3A_114 = arith.constant 327680 : i32
        %mul3A_115 = arith.muli %add3A, %mul3A_114 : i32
        %mul3A_116 = arith.constant 2000 : i32
        %mul3A_117 = arith.muli %while3A_112, %mul3A_116 : i32
        %add3A_118 = arith.addi %mul3A_115, %mul3A_117 : i32
        %multiple_of3A_119 = tpu.assume_multiple %add3A_118, 8 : i32
        "tpu.region"() ({
          %run_scoped3A = tpu.sem_alloc : memref<!tpu.dma_semaphore, #tpu.memory_space<semaphore_mem>>
          %dma_start3A_128 = arith.constant 0 : i32
          %dma_start3A_129 = tpu.memref_slice %arg12[%dma_start3A_128] : memref<8000xi32, #tpu.memory_space<vmem>> -> memref<2000xi32, #tpu.memory_space<vmem>>
          %dma_start3A_130 = tpu.memref_slice %arg5[%multiple_of3A_119] : memref<10485760xi32, #tpu.memory_space<hbm>> -> memref<2000xi32, #tpu.memory_space<hbm>>
          %dma_start3A_131 = arith.constant 0 : i32
          %dma_start3A_132 = tpu.memref_slice %arg12[%dma_start3A_131] : memref<8000xi32, #tpu.memory_space<vmem>> -> memref<2000xi32, #tpu.memory_space<vmem>>
          %dma_start3A_133 = tpu.memref_slice %arg5[%multiple_of3A_119] : memref<10485760xi32, #tpu.memory_space<hbm>> -> memref<2000xi32, #tpu.memory_space<hbm>>
          tpu.enqueue_dma source(%dma_start3A_133 : memref<2000xi32, #tpu.memory_space<hbm>>) target(%dma_start3A_132 : memref<2000xi32, #tpu.memory_space<vmem>>) target_semaphore(%run_scoped3A : memref<!tpu.dma_semaphore, #tpu.memory_space<semaphore_mem>>)
          %dma_wait3A = arith.constant 0 : i32
          %dma_wait3A_134 = tpu.memref_slice %arg12[%dma_wait3A] : memref<8000xi32, #tpu.memory_space<vmem>> -> memref<2000xi32, #tpu.memory_space<vmem>>
          %dma_wait3A_135 = tpu.memref_slice %arg5[%multiple_of3A_119] : memref<10485760xi32, #tpu.memory_space<hbm>> -> memref<2000xi32, #tpu.memory_space<hbm>>
          %dma_wait3A_136 = arith.constant 0 : i32
          %dma_wait3A_137 = tpu.memref_slice %arg12[%dma_wait3A_136] : memref<8000xi32, #tpu.memory_space<vmem>> -> memref<2000xi32, #tpu.memory_space<vmem>>
          %dma_wait3A_138 = tpu.memref_slice %arg5[%multiple_of3A_119] : memref<10485760xi32, #tpu.memory_space<hbm>> -> memref<2000xi32, #tpu.memory_space<hbm>>
          tpu.wait_dma2 semaphore(%run_scoped3A : memref<!tpu.dma_semaphore, #tpu.memory_space<semaphore_mem>>) src(%dma_wait3A_138 : memref<2000xi32, #tpu.memory_space<hbm>>) dst(%dma_wait3A_137 : memref<2000xi32, #tpu.memory_space<vmem>>)
          tpu.yield
        }) : () -> ()
        %scan3A_120 = arith.constant 0 : i32
        %scan3A_121 = arith.constant 0 : i32
        %scan3A_122 = arith.constant 125 : i32
        %scan3A_123 = arith.addi %scan3A_121, %scan3A_122 : i32
        %scan3A_124 = arith.constant 1 : i32
        %scan3A_125 = scf.for %scan3A_128 = %scan3A_121 to %scan3A_123 step %scan3A_124 iter_args(%scan3A_129 = %scan3A_120) -> (i32)  : i32 {
          %mul3A_130 = arith.constant 16 : i32
          %mul3A_131 = arith.muli %scan3A_128, %mul3A_130 : i32
          %get3A = arith.index_cast %mul3A_131 : i32 to index
          %get3A_132 = tpu.vector_load %arg12[%get3A] {strides = array<i32>} : memref<8000xi32, #tpu.memory_space<vmem>>, vector<16xi32>,
          tpu.vector_store_idx %arg17[%get3A_132, %iota3A], %broadcast_in_dim3A_70 {add = true} : memref<328x16xi32, #tpu.memory_space<vmem>>[vector<16xi32>, vector<16xi32>], vector<16xi32>,
          %scan3A_133 = arith.constant 0 : i32
          scf.yield %scan3A_133 : i32
        }
        %scan3A_126 = arith.constant 125 : i32
        %while3A_127 = arith.constant 0 : i32
        scf.yield %while3A_127 : i32
      }
      %while3A_80 = arith.constant 1 : i32
      %while3A_81 = scf.for %while3A_112 = %while3A_77 to %while3A_73 step %while3A_80 iter_args(%while3A_113 = %while3A_79) -> (i32)  : i32 {
        %mul3A_114 = arith.constant 327680 : i32
        %mul3A_115 = arith.muli %add3A, %mul3A_114 : i32
        %mul3A_116 = arith.constant 2000 : i32
        %mul3A_117 = arith.muli %while3A_112, %mul3A_116 : i32
        %add3A_118 = arith.addi %mul3A_115, %mul3A_117 : i32
        %multiple_of3A_119 = tpu.assume_multiple %add3A_118, 8 : i32
        "tpu.region"() ({
          %run_scoped3A = tpu.sem_alloc : memref<!tpu.dma_semaphore, #tpu.memory_space<semaphore_mem>>
          %dma_start3A_128 = arith.constant 0 : i32
          %dma_start3A_129 = tpu.memref_slice %arg12[%dma_start3A_128] : memref<8000xi32, #tpu.memory_space<vmem>> -> memref<2000xi32, #tpu.memory_space<vmem>>
          %dma_start3A_130 = tpu.memref_slice %arg5[%multiple_of3A_119] : memref<10485760xi32, #tpu.memory_space<hbm>> -> memref<2000xi32, #tpu.memory_space<hbm>>
          %dma_start3A_131 = arith.constant 0 : i32
          %dma_start3A_132 = tpu.memref_slice %arg12[%dma_start3A_131] : memref<8000xi32, #tpu.memory_space<vmem>> -> memref<2000xi32, #tpu.memory_space<vmem>>
          %dma_start3A_133 = tpu.memref_slice %arg5[%multiple_of3A_119] : memref<10485760xi32, #tpu.memory_space<hbm>> -> memref<2000xi32, #tpu.memory_space<hbm>>
          tpu.enqueue_dma source(%dma_start3A_133 : memref<2000xi32, #tpu.memory_space<hbm>>) target(%dma_start3A_132 : memref<2000xi32, #tpu.memory_space<vmem>>) target_semaphore(%run_scoped3A : memref<!tpu.dma_semaphore, #tpu.memory_space<semaphore_mem>>)
          %dma_wait3A = arith.constant 0 : i32
          %dma_wait3A_134 = tpu.memref_slice %arg12[%dma_wait3A] : memref<8000xi32, #tpu.memory_space<vmem>> -> memref<2000xi32, #tpu.memory_space<vmem>>
          %dma_wait3A_135 = tpu.memref_slice %arg5[%multiple_of3A_119] : memref<10485760xi32, #tpu.memory_space<hbm>> -> memref<2000xi32, #tpu.memory_space<hbm>>
          %dma_wait3A_136 = arith.constant 0 : i32
          %dma_wait3A_137 = tpu.memref_slice %arg12[%dma_wait3A_136] : memref<8000xi32, #tpu.memory_space<vmem>> -> memref<2000xi32, #tpu.memory_space<vmem>>
          %dma_wait3A_138 = tpu.memref_slice %arg5[%multiple_of3A_119] : memref<10485760xi32, #tpu.memory_space<hbm>> -> memref<2000xi32, #tpu.memory_space<hbm>>
          tpu.wait_dma2 semaphore(%run_scoped3A : memref<!tpu.dma_semaphore, #tpu.memory_space<semaphore_mem>>) src(%dma_wait3A_138 : memref<2000xi32, #tpu.memory_space<hbm>>) dst(%dma_wait3A_137 : memref<2000xi32, #tpu.memory_space<vmem>>)
          tpu.yield
        }) : () -> ()
        %scan3A_120 = arith.constant 0 : i32
        %scan3A_121 = arith.constant 0 : i32
        %scan3A_122 = arith.constant 125 : i32
        %scan3A_123 = arith.addi %scan3A_121, %scan3A_122 : i32
        %scan3A_124 = arith.constant 1 : i32
        %scan3A_125 = scf.for %scan3A_128 = %scan3A_121 to %scan3A_123 step %scan3A_124 iter_args(%scan3A_129 = %scan3A_120) -> (i32)  : i32 {
          %mul3A_130 = arith.constant 16 : i32
          %mul3A_131 = arith.muli %scan3A_128, %mul3A_130 : i32
          %get3A = arith.index_cast %mul3A_131 : i32 to index
          %get3A_132 = tpu.vector_load %arg12[%get3A] {strides = array<i32>} : memref<8000xi32, #tpu.memory_space<vmem>>, vector<16xi32>,
          tpu.vector_store_idx %arg17[%get3A_132, %iota3A], %broadcast_in_dim3A_70 {add = true} : memref<328x16xi32, #tpu.memory_space<vmem>>[vector<16xi32>, vector<16xi32>], vector<16xi32>,
          %scan3A_133 = arith.constant 0 : i32
          scf.yield %scan3A_133 : i32
        }
        %scan3A_126 = arith.constant 125 : i32
        %while3A_127 = arith.constant 0 : i32
        scf.yield %while3A_127 : i32
      }
      %broadcast_in_dim3A_82 = arith.constant 0 : i32
      %broadcast_in_dim3A_83 = vector.broadcast %broadcast_in_dim3A_82 : i32 to vector<16xi32>
      %scan3A_84 = arith.constant 0 : i32
      %scan3A_85 = arith.constant 328 : i32
      %scan3A_86 = arith.addi %scan3A_84, %scan3A_85 : i32
      %scan3A_87 = arith.constant 1 : i32
      %scan3A_88 = scf.for %scan3A_112 = %scan3A_84 to %scan3A_86 step %scan3A_87 iter_args(%scan3A_113 = %broadcast_in_dim3A_83) -> (vector<16xi32>)  : i32 {
        %get3A = arith.index_cast %scan3A_112 : i32 to index
        %get3A_114 = arith.constant 0 : index
        %get3A_115 = tpu.vector_load %arg17[%get3A, %get3A_114] {strides = array<i32>} : memref<328x16xi32, #tpu.memory_space<vmem>>, vector<16xi32>,
        %broadcast_in_dim3A_116 = arith.constant true
        %broadcast_in_dim3A_117 = vector.broadcast %broadcast_in_dim3A_116 : i1 to vector<16xi1>
        %masked_cumsum3A = tpu.scan <sum>, %get3A_115 masked %broadcast_in_dim3A_117 : vector<16xi32>, vector<16xi1> -> vector<16xi32>
        %add3A_118 = arith.addi %scan3A_113, %masked_cumsum3A : vector<16xi32>
        %sub3A_119 = arith.subi %add3A_118, %get3A_115 : vector<16xi32>
        %swap3A_120 = arith.index_cast %scan3A_112 : i32 to index
        %swap3A_121 = arith.constant 0 : index
        %swap3A_122 = tpu.vector_load %arg18[%swap3A_120, %swap3A_121] {strides = array<i32>} : memref<328x16xi32, #tpu.memory_space<vmem>>, vector<16xi32>,
        tpu.vector_store %arg18[%swap3A_120, %swap3A_121], %sub3A_119 {strides = array<i32>} : memref<328x16xi32, #tpu.memory_space<vmem>>, vector<16xi32>,
        %broadcast_in_dim3A_123 = arith.constant 15 : i32
        %broadcast_in_dim3A_124 = vector.broadcast %broadcast_in_dim3A_123 : i32 to vector<16x1xi32>
        %gather3A = vector.shape_cast %broadcast_in_dim3A_124 : vector<16x1xi32> to vector<16xi32>
        %gather3A_125 = tpu.dynamic_gather %masked_cumsum3A[%gather3A] in [0] : vector<16xi32>, vector<16xi32> -> vector<16xi32>
        %add3A_126 = arith.addi %scan3A_113, %gather3A_125 : vector<16xi32>
        scf.yield %add3A_126 : vector<16xi32>
      }
      %scan3A_89 = arith.constant 328 : i32
      %scan3A_90 = arith.constant 0 : i32
      %scan3A_91 = arith.constant 0 : i32
      %scan3A_92 = arith.constant 1024 : i32
      %scan3A_93 = arith.addi %scan3A_91, %scan3A_92 : i32
      %scan3A_94 = arith.constant 1 : i32
      %scan3A_95 = scf.for %scan3A_112 = %scan3A_91 to %scan3A_93 step %scan3A_94 iter_args(%scan3A_113 = %scan3A_90) -> (i32)  : i32 {
        %mul3A_114 = arith.constant 16 : i32
        %mul3A_115 = arith.muli %scan3A_112, %mul3A_114 : i32
        %add3A_116 = vector.broadcast %mul3A_115 : i32 to vector<16xi32>
        %add3A_117 = arith.addi %add3A_116, %iota3A : vector<16xi32>
        %and3A_118 = arith.constant 8191 : i32
        %and3A_119 = vector.broadcast %and3A_118 : i32 to vector<16xi32>
        %and3A_120 = arith.andi %add3A_117, %and3A_119 : vector<16xi32>
        %swap3A_121 = arith.index_cast %mul3A_115 : i32 to index
        %swap3A_122 = tpu.vector_load %arg19[%swap3A_121] {strides = array<i32>} : memref<16384xi32, #tpu.memory_space<vmem>>, vector<16xi32>,
        tpu.vector_store %arg19[%swap3A_121], %and3A_120 {strides = array<i32>} : memref<16384xi32, #tpu.memory_space<vmem>>, vector<16xi32>,
        %broadcast_in_dim3A_123 = arith.constant 320 : i32
        %broadcast_in_dim3A_124 = vector.broadcast %broadcast_in_dim3A_123 : i32 to vector<16xi32>
        %swap3A_125 = arith.index_cast %mul3A_115 : i32 to index
        %swap3A_126 = tpu.vector_load %arg20[%swap3A_125] {strides = array<i32>} : memref<16384xi32, #tpu.memory_space<vmem>>, vector<16xi32>,
        tpu.vector_store %arg20[%swap3A_125], %broadcast_in_dim3A_124 {strides = array<i32>} : memref<16384xi32, #tpu.memory_space<vmem>>, vector<16xi32>,
        %scan3A_127 = arith.constant 0 : i32
        scf.yield %scan3A_127 : i32
      }
      %scan3A_96 = arith.constant 1024 : i32
      %while3A_97 = arith.constant 0 : i32
      %while3A_98 = arith.constant 0 : i32
      %while3A_99 = arith.subi %select_n3A, %while3A_97 : i32
      %while3A_100 = arith.addi %while3A_97, %while3A_99 : i32
      %while3A_101 = arith.constant 1 : i32
      %while3A_102 = arith.divsi %while3A_99, %while3A_101 : i32
      %while3A_103 = arith.muli %while3A_102, %while3A_101 : i32
      %while3A_104 = arith.addi %while3A_97, %while3A_103 : i32
      %while3A_105 = arith.constant 1 : i32
      %while3A_106 = scf.for %while3A_112 = %while3A_97 to %while3A_104 step %while3A_105 iter_args(%while3A_113 = %while3A_98) -> (i32)  : i32 {
        %mul3A_114 = arith.constant 327680 : i32
        %mul3A_115 = arith.muli %add3A, %mul3A_114 : i32
        %mul3A_116 = arith.constant 2000 : i32
        %mul3A_117 = arith.muli %while3A_112, %mul3A_116 : i32
        %add3A_118 = arith.addi %mul3A_115, %mul3A_117 : i32
        %multiple_of3A_119 = tpu.assume_multiple %add3A_118, 8 : i32
        "tpu.region"() ({
          %run_scoped3A = tpu.sem_alloc : memref<!tpu.dma_semaphore, #tpu.memory_space<semaphore_mem>>
          %dma_start3A_128 = arith.constant 0 : i32
          %dma_start3A_129 = tpu.memref_slice %arg12[%dma_start3A_128] : memref<8000xi32, #tpu.memory_space<vmem>> -> memref<2000xi32, #tpu.memory_space<vmem>>
          %dma_start3A_130 = tpu.memref_slice %arg5[%multiple_of3A_119] : memref<10485760xi32, #tpu.memory_space<hbm>> -> memref<2000xi32, #tpu.memory_space<hbm>>
          %dma_start3A_131 = arith.constant 0 : i32
          %dma_start3A_132 = tpu.memref_slice %arg12[%dma_start3A_131] : memref<8000xi32, #tpu.memory_space<vmem>> -> memref<2000xi32, #tpu.memory_space<vmem>>
          %dma_start3A_133 = tpu.memref_slice %arg5[%multiple_of3A_119] : memref<10485760xi32, #tpu.memory_space<hbm>> -> memref<2000xi32, #tpu.memory_space<hbm>>
          tpu.enqueue_dma source(%dma_start3A_133 : memref<2000xi32, #tpu.memory_space<hbm>>) target(%dma_start3A_132 : memref<2000xi32, #tpu.memory_space<vmem>>) target_semaphore(%run_scoped3A : memref<!tpu.dma_semaphore, #tpu.memory_space<semaphore_mem>>)
          %dma_wait3A = arith.constant 0 : i32
          %dma_wait3A_134 = tpu.memref_slice %arg12[%dma_wait3A] : memref<8000xi32, #tpu.memory_space<vmem>> -> memref<2000xi32, #tpu.memory_space<vmem>>
          %dma_wait3A_135 = tpu.memref_slice %arg5[%multiple_of3A_119] : memref<10485760xi32, #tpu.memory_space<hbm>> -> memref<2000xi32, #tpu.memory_space<hbm>>
          %dma_wait3A_136 = arith.constant 0 : i32
          %dma_wait3A_137 = tpu.memref_slice %arg12[%dma_wait3A_136] : memref<8000xi32, #tpu.memory_space<vmem>> -> memref<2000xi32, #tpu.memory_space<vmem>>
          %dma_wait3A_138 = tpu.memref_slice %arg5[%multiple_of3A_119] : memref<10485760xi32, #tpu.memory_space<hbm>> -> memref<2000xi32, #tpu.memory_space<hbm>>
          tpu.wait_dma2 semaphore(%run_scoped3A : memref<!tpu.dma_semaphore, #tpu.memory_space<semaphore_mem>>) src(%dma_wait3A_138 : memref<2000xi32, #tpu.memory_space<hbm>>) dst(%dma_wait3A_137 : memref<2000xi32, #tpu.memory_space<vmem>>)
          tpu.yield
        }) : () -> ()
        "tpu.region"() ({
          %run_scoped3A = tpu.sem_alloc : memref<!tpu.dma_semaphore, #tpu.memory_space<semaphore_mem>>
          %dma_start3A_128 = arith.constant 0 : i32
          %dma_start3A_129 = tpu.memref_slice %arg10[%dma_start3A_128] : memref<8000xi32, #tpu.memory_space<vmem>> -> memref<2000xi32, #tpu.memory_space<vmem>>
          %dma_start3A_130 = tpu.memref_slice %arg4[%multiple_of3A_119] : memref<10485760xi32, #tpu.memory_space<hbm>> -> memref<2000xi32, #tpu.memory_space<hbm>>
          %dma_start3A_131 = arith.constant 0 : i32
          %dma_start3A_132 = tpu.memref_slice %arg10[%dma_start3A_131] : memref<8000xi32, #tpu.memory_space<vmem>> -> memref<2000xi32, #tpu.memory_space<vmem>>
          %dma_start3A_133 = tpu.memref_slice %arg4[%multiple_of3A_119] : memref<10485760xi32, #tpu.memory_space<hbm>> -> memref<2000xi32, #tpu.memory_space<hbm>>
          tpu.enqueue_dma source(%dma_start3A_133 : memref<2000xi32, #tpu.memory_space<hbm>>) target(%dma_start3A_132 : memref<2000xi32, #tpu.memory_space<vmem>>) target_semaphore(%run_scoped3A : memref<!tpu.dma_semaphore, #tpu.memory_space<semaphore_mem>>)
          %dma_wait3A = arith.constant 0 : i32
          %dma_wait3A_134 = tpu.memref_slice %arg10[%dma_wait3A] : memref<8000xi32, #tpu.memory_space<vmem>> -> memref<2000xi32, #tpu.memory_space<vmem>>
          %dma_wait3A_135 = tpu.memref_slice %arg4[%multiple_of3A_119] : memref<10485760xi32, #tpu.memory_space<hbm>> -> memref<2000xi32, #tpu.memory_space<hbm>>
          %dma_wait3A_136 = arith.constant 0 : i32
          %dma_wait3A_137 = tpu.memref_slice %arg10[%dma_wait3A_136] : memref<8000xi32, #tpu.memory_space<vmem>> -> memref<2000xi32, #tpu.memory_space<vmem>>
          %dma_wait3A_138 = tpu.memref_slice %arg4[%multiple_of3A_119] : memref<10485760xi32, #tpu.memory_space<hbm>> -> memref<2000xi32, #tpu.memory_space<hbm>>
          tpu.wait_dma2 semaphore(%run_scoped3A : memref<!tpu.dma_semaphore, #tpu.memory_space<semaphore_mem>>) src(%dma_wait3A_138 : memref<2000xi32, #tpu.memory_space<hbm>>) dst(%dma_wait3A_137 : memref<2000xi32, #tpu.memory_space<vmem>>)
          tpu.yield
        }) : () -> ()
        %scan3A_120 = arith.constant 0 : i32
        %scan3A_121 = arith.constant 0 : i32
        %scan3A_122 = arith.constant 125 : i32
        %scan3A_123 = arith.addi %scan3A_121, %scan3A_122 : i32
        %scan3A_124 = arith.constant 1 : i32
        %scan3A_125 = scf.for %scan3A_128 = %scan3A_121 to %scan3A_123 step %scan3A_124 iter_args(%scan3A_129 = %scan3A_120) -> (i32)  : i32 {
          %mul3A_130 = arith.constant 16 : i32
          %mul3A_131 = arith.muli %scan3A_128, %mul3A_130 : i32
          %get3A = arith.index_cast %mul3A_131 : i32 to index
          %get3A_132 = tpu.vector_load %arg12[%get3A] {strides = array<i32>} : memref<8000xi32, #tpu.memory_space<vmem>>, vector<16xi32>,
          %mul3A_133 = arith.constant 16 : i32
          %mul3A_134 = arith.muli %scan3A_128, %mul3A_133 : i32
          %get3A_135 = arith.index_cast %mul3A_134 : i32 to index
          %get3A_136 = tpu.vector_load %arg10[%get3A_135] {strides = array<i32>} : memref<8000xi32, #tpu.memory_space<vmem>>, vector<16xi32>,
          %gather3A = tpu.vector_load_idx %arg18[%get3A_132, %iota3A] : memref<328x16xi32, #tpu.memory_space<vmem>>[vector<16xi32>, vector<16xi32>], vector<16xi32>,
          %add3A_137 = arith.constant 1 : i32
          %add3A_138 = vector.broadcast %add3A_137 : i32 to vector<16xi32>
          %add3A_139 = arith.addi %gather3A, %add3A_138 : vector<16xi32>
          tpu.vector_store_idx %arg18[%get3A_132, %iota3A], %add3A_139 : memref<328x16xi32, #tpu.memory_space<vmem>>[vector<16xi32>, vector<16xi32>], vector<16xi32>,
          tpu.vector_store_idx %arg19[%gather3A], %get3A_136 : memref<16384xi32, #tpu.memory_space<vmem>>[vector<16xi32>], vector<16xi32>,
          tpu.vector_store_idx %arg20[%gather3A], %get3A_132 : memref<16384xi32, #tpu.memory_space<vmem>>[vector<16xi32>], vector<16xi32>,
          %scan3A_140 = arith.constant 0 : i32
          scf.yield %scan3A_140 : i32
        }
        %scan3A_126 = arith.constant 125 : i32
        %while3A_127 = arith.constant 0 : i32
        scf.yield %while3A_127 : i32
      }
      %while3A_107 = arith.constant 1 : i32
      %while3A_108 = scf.for %while3A_112 = %while3A_104 to %while3A_100 step %while3A_107 iter_args(%while3A_113 = %while3A_106) -> (i32)  : i32 {
        %mul3A_114 = arith.constant 327680 : i32
        %mul3A_115 = arith.muli %add3A, %mul3A_114 : i32
        %mul3A_116 = arith.constant 2000 : i32
        %mul3A_117 = arith.muli %while3A_112, %mul3A_116 : i32
        %add3A_118 = arith.addi %mul3A_115, %mul3A_117 : i32
        %multiple_of3A_119 = tpu.assume_multiple %add3A_118, 8 : i32
        "tpu.region"() ({
          %run_scoped3A = tpu.sem_alloc : memref<!tpu.dma_semaphore, #tpu.memory_space<semaphore_mem>>
          %dma_start3A_128 = arith.constant 0 : i32
          %dma_start3A_129 = tpu.memref_slice %arg12[%dma_start3A_128] : memref<8000xi32, #tpu.memory_space<vmem>> -> memref<2000xi32, #tpu.memory_space<vmem>>
          %dma_start3A_130 = tpu.memref_slice %arg5[%multiple_of3A_119] : memref<10485760xi32, #tpu.memory_space<hbm>> -> memref<2000xi32, #tpu.memory_space<hbm>>
          %dma_start3A_131 = arith.constant 0 : i32
          %dma_start3A_132 = tpu.memref_slice %arg12[%dma_start3A_131] : memref<8000xi32, #tpu.memory_space<vmem>> -> memref<2000xi32, #tpu.memory_space<vmem>>
          %dma_start3A_133 = tpu.memref_slice %arg5[%multiple_of3A_119] : memref<10485760xi32, #tpu.memory_space<hbm>> -> memref<2000xi32, #tpu.memory_space<hbm>>
          tpu.enqueue_dma source(%dma_start3A_133 : memref<2000xi32, #tpu.memory_space<hbm>>) target(%dma_start3A_132 : memref<2000xi32, #tpu.memory_space<vmem>>) target_semaphore(%run_scoped3A : memref<!tpu.dma_semaphore, #tpu.memory_space<semaphore_mem>>)
          %dma_wait3A = arith.constant 0 : i32
          %dma_wait3A_134 = tpu.memref_slice %arg12[%dma_wait3A] : memref<8000xi32, #tpu.memory_space<vmem>> -> memref<2000xi32, #tpu.memory_space<vmem>>
          %dma_wait3A_135 = tpu.memref_slice %arg5[%multiple_of3A_119] : memref<10485760xi32, #tpu.memory_space<hbm>> -> memref<2000xi32, #tpu.memory_space<hbm>>
          %dma_wait3A_136 = arith.constant 0 : i32
          %dma_wait3A_137 = tpu.memref_slice %arg12[%dma_wait3A_136] : memref<8000xi32, #tpu.memory_space<vmem>> -> memref<2000xi32, #tpu.memory_space<vmem>>
          %dma_wait3A_138 = tpu.memref_slice %arg5[%multiple_of3A_119] : memref<10485760xi32, #tpu.memory_space<hbm>> -> memref<2000xi32, #tpu.memory_space<hbm>>
          tpu.wait_dma2 semaphore(%run_scoped3A : memref<!tpu.dma_semaphore, #tpu.memory_space<semaphore_mem>>) src(%dma_wait3A_138 : memref<2000xi32, #tpu.memory_space<hbm>>) dst(%dma_wait3A_137 : memref<2000xi32, #tpu.memory_space<vmem>>)
          tpu.yield
        }) : () -> ()
        "tpu.region"() ({
          %run_scoped3A = tpu.sem_alloc : memref<!tpu.dma_semaphore, #tpu.memory_space<semaphore_mem>>
          %dma_start3A_128 = arith.constant 0 : i32
          %dma_start3A_129 = tpu.memref_slice %arg10[%dma_start3A_128] : memref<8000xi32, #tpu.memory_space<vmem>> -> memref<2000xi32, #tpu.memory_space<vmem>>
          %dma_start3A_130 = tpu.memref_slice %arg4[%multiple_of3A_119] : memref<10485760xi32, #tpu.memory_space<hbm>> -> memref<2000xi32, #tpu.memory_space<hbm>>
          %dma_start3A_131 = arith.constant 0 : i32
          %dma_start3A_132 = tpu.memref_slice %arg10[%dma_start3A_131] : memref<8000xi32, #tpu.memory_space<vmem>> -> memref<2000xi32, #tpu.memory_space<vmem>>
          %dma_start3A_133 = tpu.memref_slice %arg4[%multiple_of3A_119] : memref<10485760xi32, #tpu.memory_space<hbm>> -> memref<2000xi32, #tpu.memory_space<hbm>>
          tpu.enqueue_dma source(%dma_start3A_133 : memref<2000xi32, #tpu.memory_space<hbm>>) target(%dma_start3A_132 : memref<2000xi32, #tpu.memory_space<vmem>>) target_semaphore(%run_scoped3A : memref<!tpu.dma_semaphore, #tpu.memory_space<semaphore_mem>>)
          %dma_wait3A = arith.constant 0 : i32
          %dma_wait3A_134 = tpu.memref_slice %arg10[%dma_wait3A] : memref<8000xi32, #tpu.memory_space<vmem>> -> memref<2000xi32, #tpu.memory_space<vmem>>
          %dma_wait3A_135 = tpu.memref_slice %arg4[%multiple_of3A_119] : memref<10485760xi32, #tpu.memory_space<hbm>> -> memref<2000xi32, #tpu.memory_space<hbm>>
          %dma_wait3A_136 = arith.constant 0 : i32
          %dma_wait3A_137 = tpu.memref_slice %arg10[%dma_wait3A_136] : memref<8000xi32, #tpu.memory_space<vmem>> -> memref<2000xi32, #tpu.memory_space<vmem>>
          %dma_wait3A_138 = tpu.memref_slice %arg4[%multiple_of3A_119] : memref<10485760xi32, #tpu.memory_space<hbm>> -> memref<2000xi32, #tpu.memory_space<hbm>>
          tpu.wait_dma2 semaphore(%run_scoped3A : memref<!tpu.dma_semaphore, #tpu.memory_space<semaphore_mem>>) src(%dma_wait3A_138 : memref<2000xi32, #tpu.memory_space<hbm>>) dst(%dma_wait3A_137 : memref<2000xi32, #tpu.memory_space<vmem>>)
          tpu.yield
        }) : () -> ()
        %scan3A_120 = arith.constant 0 : i32
        %scan3A_121 = arith.constant 0 : i32
        %scan3A_122 = arith.constant 125 : i32
        %scan3A_123 = arith.addi %scan3A_121, %scan3A_122 : i32
        %scan3A_124 = arith.constant 1 : i32
        %scan3A_125 = scf.for %scan3A_128 = %scan3A_121 to %scan3A_123 step %scan3A_124 iter_args(%scan3A_129 = %scan3A_120) -> (i32)  : i32 {
          %mul3A_130 = arith.constant 16 : i32
          %mul3A_131 = arith.muli %scan3A_128, %mul3A_130 : i32
          %get3A = arith.index_cast %mul3A_131 : i32 to index
          %get3A_132 = tpu.vector_load %arg12[%get3A] {strides = array<i32>} : memref<8000xi32, #tpu.memory_space<vmem>>, vector<16xi32>,
          %mul3A_133 = arith.constant 16 : i32
          %mul3A_134 = arith.muli %scan3A_128, %mul3A_133 : i32
          %get3A_135 = arith.index_cast %mul3A_134 : i32 to index
          %get3A_136 = tpu.vector_load %arg10[%get3A_135] {strides = array<i32>} : memref<8000xi32, #tpu.memory_space<vmem>>, vector<16xi32>,
          %gather3A = tpu.vector_load_idx %arg18[%get3A_132, %iota3A] : memref<328x16xi32, #tpu.memory_space<vmem>>[vector<16xi32>, vector<16xi32>], vector<16xi32>,
          %add3A_137 = arith.constant 1 : i32
          %add3A_138 = vector.broadcast %add3A_137 : i32 to vector<16xi32>
          %add3A_139 = arith.addi %gather3A, %add3A_138 : vector<16xi32>
          tpu.vector_store_idx %arg18[%get3A_132, %iota3A], %add3A_139 : memref<328x16xi32, #tpu.memory_space<vmem>>[vector<16xi32>, vector<16xi32>], vector<16xi32>,
          tpu.vector_store_idx %arg19[%gather3A], %get3A_136 : memref<16384xi32, #tpu.memory_space<vmem>>[vector<16xi32>], vector<16xi32>,
          tpu.vector_store_idx %arg20[%gather3A], %get3A_132 : memref<16384xi32, #tpu.memory_space<vmem>>[vector<16xi32>], vector<16xi32>,
          %scan3A_140 = arith.constant 0 : i32
          scf.yield %scan3A_140 : i32
        }
        %scan3A_126 = arith.constant 125 : i32
        %while3A_127 = arith.constant 0 : i32
        scf.yield %while3A_127 : i32
      }
      %mul3A_109 = arith.constant 16384 : i32
      %mul3A_110 = arith.muli %add3A, %mul3A_109 : i32
      %multiple_of3A_111 = tpu.assume_multiple %mul3A_110, 8 : i32
      "tpu.region"() ({
        %run_scoped3A = tpu.sem_alloc : memref<!tpu.dma_semaphore, #tpu.memory_space<semaphore_mem>>
        %dma_start3A_112 = tpu.memref_slice %arg7[%multiple_of3A_111] : memref<524288xi32, #tpu.memory_space<hbm>> -> memref<16384xi32, #tpu.memory_space<hbm>>
        %dma_start3A_113 = tpu.memref_slice %arg7[%multiple_of3A_111] : memref<524288xi32, #tpu.memory_space<hbm>> -> memref<16384xi32, #tpu.memory_space<hbm>>
        tpu.enqueue_dma source(%arg19 : memref<16384xi32, #tpu.memory_space<vmem>>) target(%dma_start3A_113 : memref<16384xi32, #tpu.memory_space<hbm>>) target_semaphore(%run_scoped3A : memref<!tpu.dma_semaphore, #tpu.memory_space<semaphore_mem>>)
        %dma_wait3A = tpu.memref_slice %arg7[%multiple_of3A_111] : memref<524288xi32, #tpu.memory_space<hbm>> -> memref<16384xi32, #tpu.memory_space<hbm>>
        %dma_wait3A_114 = tpu.memref_slice %arg7[%multiple_of3A_111] : memref<524288xi32, #tpu.memory_space<hbm>> -> memref<16384xi32, #tpu.memory_space<hbm>>
        tpu.wait_dma2 semaphore(%run_scoped3A : memref<!tpu.dma_semaphore, #tpu.memory_space<semaphore_mem>>) src(%arg19 : memref<16384xi32, #tpu.memory_space<vmem>>) dst(%dma_wait3A_114 : memref<16384xi32, #tpu.memory_space<hbm>>)
        tpu.yield
      }) : () -> ()
      "tpu.region"() ({
        %run_scoped3A = tpu.sem_alloc : memref<!tpu.dma_semaphore, #tpu.memory_space<semaphore_mem>>
        %dma_start3A_112 = tpu.memref_slice %arg8[%multiple_of3A_111] : memref<524288xi32, #tpu.memory_space<hbm>> -> memref<16384xi32, #tpu.memory_space<hbm>>
        %dma_start3A_113 = tpu.memref_slice %arg8[%multiple_of3A_111] : memref<524288xi32, #tpu.memory_space<hbm>> -> memref<16384xi32, #tpu.memory_space<hbm>>
        tpu.enqueue_dma source(%arg20 : memref<16384xi32, #tpu.memory_space<vmem>>) target(%dma_start3A_113 : memref<16384xi32, #tpu.memory_space<hbm>>) target_semaphore(%run_scoped3A : memref<!tpu.dma_semaphore, #tpu.memory_space<semaphore_mem>>)
        %dma_wait3A = tpu.memref_slice %arg8[%multiple_of3A_111] : memref<524288xi32, #tpu.memory_space<hbm>> -> memref<16384xi32, #tpu.memory_space<hbm>>
        %dma_wait3A_114 = tpu.memref_slice %arg8[%multiple_of3A_111] : memref<524288xi32, #tpu.memory_space<hbm>> -> memref<16384xi32, #tpu.memory_space<hbm>>
        tpu.wait_dma2 semaphore(%run_scoped3A : memref<!tpu.dma_semaphore, #tpu.memory_space<semaphore_mem>>) src(%arg20 : memref<16384xi32, #tpu.memory_space<vmem>>) dst(%dma_wait3A_114 : memref<16384xi32, #tpu.memory_space<hbm>>)
        tpu.yield
      }) : () -> ()
    } else {
    }
    %jit3A_57 = arith.constant -1 : i32
    %select_n3A_58 = arith.select %le3A_55, %mul3A_54, %jit3A_57 : i32
    %broadcast_in_dim3A_59 = vector.broadcast %select_n3A_58 : i32 to vector<16xi32>
    %swap3A_60 = arith.constant 0 : index
    %swap3A_61 = tpu.vector_load %arg16[%swap3A_60] {strides = array<i32>} : memref<16xi32, #tpu.memory_space<vmem>>, vector<16xi32>,
    tpu.vector_store %arg16[%swap3A_60], %broadcast_in_dim3A_59 {strides = array<i32>} : memref<16xi32, #tpu.memory_space<vmem>>, vector<16xi32>,
    "tpu.region"() ({
      %run_scoped3A = tpu.sem_alloc : memref<!tpu.dma_semaphore, #tpu.memory_space<semaphore_mem>>
      %dma_start3A_62 = arith.constant 0 : i32
      %dma_start3A_63 = tpu.memref_slice %arg9[%add3A, %dma_start3A_62] : memref<32x16xi32, #tpu.memory_space<hbm>> -> memref<1x16xi32, #tpu.memory_space<hbm>>
      %dma_start3A_64 = tpu.memref_squeeze %dma_start3A_63 : memref<1x16xi32, #tpu.memory_space<hbm>> -> memref<16xi32, #tpu.memory_space<hbm>>
      %dma_start3A_65 = arith.constant 0 : i32
      %dma_start3A_66 = tpu.memref_slice %arg9[%add3A, %dma_start3A_65] : memref<32x16xi32, #tpu.memory_space<hbm>> -> memref<1x16xi32, #tpu.memory_space<hbm>>
      %dma_start3A_67 = tpu.memref_squeeze %dma_start3A_66 : memref<1x16xi32, #tpu.memory_space<hbm>> -> memref<16xi32, #tpu.memory_space<hbm>>
      tpu.enqueue_dma source(%arg16 : memref<16xi32, #tpu.memory_space<vmem>>) target(%dma_start3A_67 : memref<16xi32, #tpu.memory_space<hbm>>) target_semaphore(%run_scoped3A : memref<!tpu.dma_semaphore, #tpu.memory_space<semaphore_mem>>)
      %dma_wait3A = arith.constant 0 : i32
      %dma_wait3A_68 = tpu.memref_slice %arg9[%add3A, %dma_wait3A] : memref<32x16xi32, #tpu.memory_space<hbm>> -> memref<1x16xi32, #tpu.memory_space<hbm>>
      %dma_wait3A_69 = tpu.memref_squeeze %dma_wait3A_68 : memref<1x16xi32, #tpu.memory_space<hbm>> -> memref<16xi32, #tpu.memory_space<hbm>>
      %dma_wait3A_70 = arith.constant 0 : i32
      %dma_wait3A_71 = tpu.memref_slice %arg9[%add3A, %dma_wait3A_70] : memref<32x16xi32, #tpu.memory_space<hbm>> -> memref<1x16xi32, #tpu.memory_space<hbm>>
      %dma_wait3A_72 = tpu.memref_squeeze %dma_wait3A_71 : memref<1x16xi32, #tpu.memory_space<hbm>> -> memref<16xi32, #tpu.memory_space<hbm>>
      tpu.wait_dma2 semaphore(%run_scoped3A : memref<!tpu.dma_semaphore, #tpu.memory_space<semaphore_mem>>) src(%arg16 : memref<16xi32, #tpu.memory_space<vmem>>) dst(%dma_wait3A_72 : memref<16xi32, #tpu.memory_space<hbm>>)
      tpu.yield
    }) : () -> ()
    return
  }
}

</mosaic_0001>

<sc_bundles>
// kernel: _bucket.3.cloned.1.call-start
scs
__scs_entry_jumppad:
0x0: {  	(pc) =	sbr.rel $0x88, $3  }
0x1: {  	(tag) =	ssettag $0x0;
	lr =	simm.s32 $0x1  }
0x2: {  	[smem:$0x3F9F] =	sst lr;
	_ =	strace $0xD0000000  }
0x3: {  	_ = 	snop  }
0x4: {  	_ = 	snop  }
0x5: {  	_ = 	snop  }
0x6: {  	_ = 	snop  }
0x7: {  	_ = 	snop  }
__scs_overlays_trampoline_lowered:
0x8: {  	[smem:$0x3FAE] =	sst s0  }
0x9: {  	[smem:$0x3FAF] =	sst s1  }
0xa: {  	[smem:$0x3FB0] =	sst s2  }
0xb: {  	[smem:$0x3FB1] =	sst s3  }
0xc: {  	[smem:$0x3FB2] =	sst s4  }
0xd: {  	[smem:$0x3FB3] =	sst s5  }
0xe: {  	[smem:$0x3FB4] =	sst s6  }
0xf: {  	[smem:$0x3FB5] =	sst s7  }
0x10: {  	[smem:$0x3FB6] =	sst s8  }
0x11: {  	[smem:$0x3FB7] =	sst s9;
	s0 =	simm.s32 @!p0 $0x0  }
0x12: {  	s1 =	sld [smem:$0x3F9D];
	s0 =	simm.s32 @p0 $0x1  }
0x13: {  	[smem:$0x3FB8] =	sst s0;
	s0 =	simm.s32 @!p1 $0x0  }
0x14: {  	s2 =	sld [smem:$0x3F9C];
	s0 =	simm.s32 @p1 $0x1  }
0x15: {  	[smem:$0x3FB9] =	sst s0;
	s0 =	simm.s32 @!p2 $0x0  }
0x16: {  	s3 =	sld [smem:$0x3FDB];
	s0 =	simm.s32 @p2 $0x1  }
0x17: {  	s4 =	simm.s32 $0x1BF5;
	[smem:$0x3FBB] =	sst s0  }
0x18: {  	s0 =	sld [smem:$0x3F9E];
	_ =	swait.ge [sflag:s4], $0x0  }
0x19: {  	s7 =	sld [smem:$0x3F9F]  }
0x1a: {  	s8 =	sadd.s32 $0xFFFFE003, lr  }
0x1b: {  	s9 =	sadd.s32 $0xFFFFFEF7, lr;
	s5 =	simm.s32 $0xFFFFFFFF;
	p2 =	slt.u32 s8, $0xFFFFF086  }
0x1c: {  	p1 =	slt.u32 s9, $0xF7A;
	s5 =	simm.s32 @!p2 $0x0  }
0x1d: {  	s5 =	simm.s32 @p1 $0x1;
	p0 =	seq.s32 s7, s2  }
0x1e: {  	s7 =	smul.u32 @!p0 $0xF7A, s2;
	p2 =	seq.s32 @!p0 s5, $0x0  }
0x1f: {  	s9 =	smul.u32 $0xF7A, s1;
	s8 =	simm.s32 @!p0 $0x1BF5;
	p2 =	por !p2, p0  }
0x20: {  	[sflag:s8] =	ssyncset.s32 @!p0 $0xFFFFF086;
	s6 =	sadd.s32 @!p0 s3, s7;
	s7 =	simm.s32 @!p0 $0x108  }
0x21: {  	s3 =	sadd.s32 s3, s9;
	s6 =	sadd.s32 @!p0 $0x88, s6;
	s7 =	simm.s32 @p2 $0x1082  }
0x22: {  	[simem:s7], [sflag:s8] =	dma.local @!p0 [hbm:s6], $0xF7A  }
0x23: {  	s9 =	sor.u32 $0xD0000000, s2;
	s6 =	simm.s32 $0x108;
	_ =	swait.ge @!p0 [sflag:s8], $0x0  }
0x24: {  	s3 =	sadd.s32 $0x88, s3;
	s6 =	simm.s32 @!p1 $0x1082;
	[sflag:s4] =	ssyncset.s32 $0xFFFFF086  }
0x25: {  	[simem:s6], [sflag:s4] =	dma.local [hbm:s3], $0xF7A  }
0x26: {  	[smem:$0x3F9F] =	sst s1;
	(tag) =	ssettag s2;
	_ =	strace s9  }
0x27: {  	s1 =	sld [smem:$0x3FAF]  }
0x28: {  	s2 =	sld [smem:$0x3FB0]  }
0x29: {  	s4 =	sld [smem:$0x3FB2]  }
0x2a: {  	p0 =	seq.s32 s5, $0x0;
	s5 =	sld [smem:$0x3FB3]  }
0x2b: {  	s6 =	sld [smem:$0x3FB4]  }
0x2c: {  	s7 =	sld [smem:$0x3FB5]  }
0x2d: {  	s3 =	simm.s32 $0x108;
	s8 =	sld [smem:$0x3FB6]  }
0x2e: {  	s3 =	simm.s32 @!p0 $0x1082;
	s9 =	sld [smem:$0x3FB7]  }
0x2f: {  	lr =	sadd.s32 s0, s3;
	s0 =	sld [smem:$0x3FAE]  }
0x30: {  	s3 =	sld [smem:$0x3FB1]  }
0x31: {  	[smem:$0x3FBA] =	sst s10  }
0x32: {  	s10 =	sld [smem:$0x3FB8];
	_ =	sdelay $0x3  }
0x33: {  	p0 =	seq.s32 s10, $0x1;
	s10 =	sld [smem:$0x3FBA];
	_ =	sdelay $0x3  }
0x34: {  	[smem:$0x3FBA] =	sst s10  }
0x35: {  	s10 =	sld [smem:$0x3FB9];
	_ =	sdelay $0x3  }
0x36: {  	p1 =	seq.s32 s10, $0x1;
	s10 =	sld [smem:$0x3FBA];
	_ =	sdelay $0x3  }
0x37: {  	[smem:$0x3FBA] =	sst s10  }
0x38: {  	s10 =	sld [smem:$0x3FBB]  }
0x39: {  	_ = 	snop;
	(pc) =	sbr.ind lr, $3  }
0x3a: {  	_ = 	snop  }
0x3b: {  	_ = 	snop  }
0x3c: {  	p2 =	seq.s32 s10, $0x1;
	s10 =	sld [smem:$0x3FBA]  }
0x3d: {  	_ =	shalt  }
0x3e: {  	_ =	shalt  }
0x3f: {  	_ =	shalt  }
0x40: {  	_ =	shalt  }
0x41: {  	_ =	shalt  }
0x42: {  	_ =	shalt  }
0x43: {  	_ =	shalt  }
0x44: {  	_ =	shalt  }
0x45: {  	_ =	shalt  }
0x46: {  	_ =	shalt  }
0x47: {  	_ =	shalt  }
0x48: {  	_ =	shalt  }
0x49: {  	_ =	shalt  }
0x4a: {  	_ =	shalt  }
0x4b: {  	_ =	shalt  }
0x4c: {  	_ =	shalt  }
0x4d: {  	_ =	shalt  }
0x4e: {  	_ =	shalt  }
0x4f: {  	_ =	shalt  }
0x50: {  	_ =	shalt  }
0x51: {  	_ =	shalt  }
0x52: {  	_ =	shalt  }
0x53: {  	_ =	shalt  }
0x54: {  	_ =	shalt  }
0x55: {  	_ =	shalt  }
0x56: {  	_ =	shalt  }
0x57: {  	_ =	shalt  }
0x58: {  	_ =	shalt  }
0x59: {  	_ =	shalt  }
0x5a: {  	_ =	shalt  }
0x5b: {  	_ =	shalt  }
0x5c: {  	_ =	shalt  }
0x5d: {  	_ =	shalt  }
0x5e: {  	_ =	shalt  }
0x5f: {  	_ =	shalt  }
0x60: {  	_ =	shalt  }
0x61: {  	_ =	shalt  }
0x62: {  	_ =	shalt  }
0x63: {  	_ =	shalt  }
0x64: {  	_ =	shalt  }
0x65: {  	_ =	shalt  }
0x66: {  	_ =	shalt  }
0x67: {  	_ =	shalt  }
0x68: {  	_ =	shalt  }
0x69: {  	_ =	shalt  }
0x6a: {  	_ =	shalt  }
0x6b: {  	_ =	shalt  }
0x6c: {  	_ =	shalt  }
0x6d: {  	_ =	shalt  }
0x6e: {  	_ =	shalt  }
0x6f: {  	_ =	shalt  }
0x70: {  	_ =	shalt  }
0x71: {  	_ =	shalt  }
0x72: {  	_ =	shalt  }
0x73: {  	_ =	shalt  }
0x74: {  	_ =	shalt  }
0x75: {  	_ =	shalt  }
0x76: {  	_ =	shalt  }
0x77: {  	_ =	shalt  }
0x78: {  	_ =	shalt  }
0x79: {  	_ =	shalt  }
0x7a: {  	_ =	shalt  }
0x7b: {  	_ =	shalt  }
0x7c: {  	_ =	shalt  }
0x7d: {  	_ =	shalt  }
0x7e: {  	_ =	shalt  }
0x7f: {  	_ =	shalt  }
0x80: {  	_ =	shalt  }
0x81: {  	_ =	shalt  }
0x82: {  	_ =	shalt  }
0x83: {  	_ =	shalt  }
0x84: {  	_ =	shalt  }
0x85: {  	_ =	shalt  }
0x86: {  	_ =	shalt  }
0x87: {  	_ =	shalt  }
.Lfunc_end0:
.L_simem_size_0:
called_computation_lowered:
.L_overlay_start_0:
0x88: {  	s2 =	sld [smem:$0x3FD9]  }
0x89: {  	s3 =	sld [smem:$0x3FFE];
	_ =	sdelay $0x1  }
0x8a: {  	s1 =	srdreg.scid  }
0x8b: {  	s0 =	sand.u32 $0x1, s1  }
0x8c: {  	s14 =	sshll.u32 s0, $0xA;
	s2 =	sadd.s32 s3, s2  }
0x8d: {  	s2 =	sadd.s32 s2, s14  }
0x8e: {  	[smem:$0x3FC6] =	sst s2  }
0x8f: {  	_ = 	snop  }
0x90: {  	s2 =	sld [smem:$0x3FD0];
	_ =	sdelay $0x1  }
0x91: {  	s15 =	sld [smem:$0x3FC9]  }
0x92: {  	s5 =	simm.s32 $0xA;
	s6 =	simm.s32 $0x10;
	s4 =	sld [smem:$0x3FC8]  }
0x93: {  	[smem:s6], [sflag:s5] =	dma.local [hbm:s2], $0x1  }
0x94: {  	_ =	swait.eq [sflag:s5], $0x1  }
0x95: {  	s16 =	sld [smem:$0x10]  }
0x96: {  	s17 =	sld [smem:$0x11]  }
0x97: {  	s7 =	sld [smem:$0x13];
	[sflag:s5] =	ssyncset.done $0x0  }
0x98: {  	s8 =	sld [smem:$0x14];
	[sflag:s5] =	ssyncadd.s32 $0xFFFFFFFF  }
0x99: {  	s18 =	sld [smem:$0x15];
	(tm) =	ssettm $0x1  }
0x9a: {  	s9 =	sld [smem:$0x3FFB];
	_ =	sdelay $0x3  }
0x9b: {  	_ =	strace s9  }
0x9c: {  	s9 =	sld [smem:$0x3FFC];
	_ =	sdelay $0x3  }
0x9d: {  	_ =	strace s9  }
0x9e: {  	s9 =	sld [smem:$0x3FFD];
	_ =	sdelay $0x3  }
0x9f: {  	_ =	strace s9  }
0xa0: {  	_ =	strace $0x8FFFFFFF  }
0xa1: {  	s19 =	sld [smem:$0x3FDB];
	_ =	sdelay $0x1  }
0xa2: {  	s10 =	simm.s32 $_scs_section_size  }
0xa3: {  	s11 =	simm.s32 $_size__tile_overlayer_lowered;
	s12 =	simm.s32 $_tile_overlayer_lowered  }
0xa4: {  	s22 =	simm.s32 $0x1BFF;
	s21 =	sshll.u32 s12, $0x1;
	s9 =	sadd.s32 s10, s19  }
0xa5: {  	s13 =	simm.s32 $0x0;
	s20 =	sshll.u32 s11, $0x1;
	s11 =	sadd.s32 s21, s9  }
0xa6: {  	[timem:s13], [sflag:s22] =	dma.local [hbm:s11], s20  }
0xa7: {  	_ =	swait.ge [sflag:s22], s20  }
0xa8: {  	s10 =	ssub.s32 $0x0, s20;
	[sflag:s22] =	ssyncset.done $0x0  }
0xa9: {  	[sflag:s22] =	ssyncadd.s32 s10;
	_ =	sdelay $0x1  }
0xaa: {  	s23 =	simm.s32 $0x1B8B  }
0xab: {  	_ =	swait.ge [sflag:s23], $0x1  }
0xac: {  	[sflag:s23] =	ssyncset.done $0x0  }
0xad: {  	s25 =	simm.s32 $0x1B8E;
	s24 =	sld [smem:$0x3FFE];
	[sflag:s23] =	ssyncadd.s32 $0xFFFFFFFF  }
0xae: {  	s26 =	simm.s32 $execute0_lowered;
	[smem:$0x3FD2] =	sst s25  }
0xaf: {  	s11 =	sshll.u32 s26, $0x1;
	_ =	strace $0x80000046;
	[dreg:$0x1] =	wrdreg $0xFFFFFFFF  }
0xb0: {  	s28 =	simm.s32 $_size_execute0_lowered;
	s9 =	sadd.s32 s9, s11;
	[dreg:$0x0] =	wrdreg $0x0  }
0xb1: {  	s11 =	sshll.u32 s28, $0x1;
	[dreg:$0x2] =	wrdreg s9  }
0xb2: {  	[dreg:$0x3] =	wrdreg s11  }
0xb3: {  	[dreg:$0x4] =	wrdreg $0xC0  }
0xb4: {  	_ =	task [dreg:s13], $0x5FFFF  }
0xb5: {  	[dreg:$0x1] =	wrdreg $0xFFFFFFFF  }
0xb6: {  	[dreg:$0x0] =	wrdreg $0x60  }
0xb7: {  	[dreg:$0x2] =	wrdreg s15  }
0xb8: {  	[dreg:$0x3] =	wrdreg s4  }
0xb9: {  	[dreg:$0x4] =	wrdreg s16  }
0xba: {  	[dreg:$0x5] =	wrdreg s17  }
0xbb: {  	[dreg:$0x6] =	wrdreg s18  }
0xbc: {  	[dreg:$0x7] =	wrdreg s7  }
0xbd: {  	[dreg:$0x8] =	wrdreg s8  }
0xbe: {  	[dreg:$0x9] =	wrdreg s24  }
0xbf: {  	[dreg:$0xa] =	wrdreg $0x9  }
0xc0: {  	_ =	task.clear_ibuf [dreg:s13], $0xBFFFF;
	_ =	strace $0x90000046  }
0xc1: {  	s29 =	simm.s32 $0x9;
	_ =	strace $0x80000048  }
0xc2: {  	_ =	swait.ge [sflag:s29], $0x1  }
0xc3: {  	[sflag:s29] =	ssyncadd.s32 $0xFFFFFFFF  }
0xc4: {  	_ =	strace $0x90000048  }
0xc5: {  	_ =	sfence  }
0xc6: {  	s30 =	sld [smem:$0x0];
	_ =	sdelay $0x2  }
0xc7: {  	s31 =	sshll.u32 s1, $0xD;
	s1 =	sshrl.u32 s1, $0x2  }
0xc8: {  	s3 =	sand.u32 $0x4000, s31;
	s1 =	sadd.s32 s1, s30  }
0xc9: {  	s0 =	sor.u32 s3, s0;
	s1 =	sshll.u32 s1, $0x11  }
0xca: {  	s0 =	sor.u32 s1, s0  }
0xcb: {  	s0 =	sadd.s32 $0x8F2B, s0  }
0xcc: {  	[sflag:s0] =	ssyncadd.remote.s32 $0x1  }
0xcd: {  	_ =	sfence.sel $0xFFFF  }
0xce: {  	[dreg:$0x0] =	wrdreg $0xFFFFFFFF;
	(pc) =	sbr.abs _section_cstart, $3  }
0xcf: {  	[dreg:$0x1] =	wrdreg $0xFFFFFFFF  }
0xd0: {  	_ =	task.clear_ibuf [dreg:s13], $0x2FFFF;
	_ =	strace $0x9FFFFFFF  }
0xd1: {  	(tm) =	ssettm $0x7FFFFFFF  }
tec
execute0_lowered:
.L_overlay_start_1:
0x0: {  	(tag) =	ssettag $0x1  }
0x1: {  	s0 =	rddreg [dreg:$0x0]  }
0x2: {  	s1 =	rddreg [dreg:$0x1]  }
0x3: {  	s2 =	rddreg [dreg:$0x2]  }
0x4: {  	s3 =	rddreg [dreg:$0x3]  }
0x5: {  	s4 =	rddreg [dreg:$0x4]  }
0x6: {  	s5 =	rddreg [dreg:$0x5]  }
0x7: {  	s10 =	rddreg [dreg:$0x6];
	s6 =	srdreg.scid  }
0x8: {  	s9 =	stileid.u32;
	s7 =	rddreg [dreg:$0x7]  }
0x9: {  	s14 =	simm.s32 $0x5DC0;
	s15 =	simm.s32 $0x1F40;
	s16 =	simm.s32 $0x1  }
0xa: {  	s17 =	simm.s32 $0xA4E0;
	s19 =	simm.s32 $0x3;
	s20 =	simm.s32 $0x2  }
0xb: {  	s22 =	simm.s32 $0xCCD0;
	s23 =	simm.s32 $0xE150;
	s24 =	simm.s32 $0xF5D0  }
0xc: {  	s25 =	simm.s32 $0x135D0;
	s8 =	sand.u32 $0x1, s6;
	s9 =	sshll.u32 s9, $0x1  }
0xd: {  	s26 =	simm.s32 $0x0;
	s6 =	simm.s32 $0x0;
	s9 =	sor.u32 s8, s9  }
0xe: {  	[smem:$0x7FF] =	sst s6;
	s8 =	ssub.s32 $0x2, s8;
	s18 =	smul.u32 $0x140, s9  }
0xf: {  	_ =	strace $0x80000047;
	s11 =	sshll.u32 s9, $0x1;
	s12 =	sshrl.u32 s8, $0x1  }
.Ltmp0:
0x10: {  	s31 =	sshll.u32 s9, $0xB;
	s13 =	sadd.s32 s11, s7;
	(pc) =	sbr.rel .LBB2_1-.Ltmp0, $4  }
0x11: {  	s12 =	ssub.s32 s8, s12;
	s7 =	smul.u32 $0x50000, s9;
	s8 =	sadd.s32 s4, s11  }
0x12: {  	v2 =	vlaneseq.u32;
	s5 =	sadd.s32 s5, s31;
	s10 =	sadd.s32 s10, s31;
	s21 =	sadd.s32 $0x140, s18  }
0x13: {  	v3 =	vimm.s32 $0x140;
	v4 =	vimm.s32 $0x0;
	v5 =	vimm.s32 $0x1;
	[dreg:$0x9] =	wrdreg s5;
	s11 =	sadd.s32 $0x800, s13;
	s12 =	smax.u32 s12, $0x1  }
0x14: {  	v6 =	vimm.s32 $0xF;
	s13 =	simm.s32 $0x3E80;
	v0 =	vmov s18;
	s18 =	simm.s32 $0x7D00;
	v1 =	vmov s21;
	s21 =	simm.s32 $0xCCC0  }
.LBB2_72:
0x15: {  	s4 =	rddreg [dreg:$0x9]  }
0x16: {  	[hbm4b:s4+s6] =	stream.linear.scatter [tilespmem:s24], [sflag:$0x3], $0x4000, $0x38;
	[tilespmem:$0x175D0] =	vst v63  }
0x17: {  	_ =	swait.ge [sflag:s19], $0x4000  }
0x18: {  	[sflag:s19] =	ssyncset.done $0x0  }
0x19: {  	[sflag:s19] =	ssyncadd.s32 $0xFFFFC000  }
0x1a: {  	[hbm4b:s10+s6] =	stream.linear.scatter [tilespmem:s25], [sflag:$0x3], $0x4000, $0x38;
	[tilespmem:$0x175D0] =	vst v63  }
0x1b: {  	_ =	swait.ge [sflag:s19], $0x4000  }
0x1c: {  	[sflag:s19] =	ssyncset.done $0x0  }
0x1d: {  	s4 =	smov.u32 s28;
	[sflag:s19] =	ssyncadd.s32 $0xFFFFC000  }
.LBB2_73:
0x1e: {  	s26 =	sadd.s32 $0x1, s26  }
0x1f: {  	v7 =	vmov s4;
	p0 =	sne.s32 s26, s12  }
.Ltmp1:
0x20: {  	[tilespmem:$0xCCC0] =	vst v7;
	(pc) =	sbr.rel @!p0 .LBB2_74-.Ltmp1, $4  }
0x21: {  	[hbm4b:s11+s6] =	stream.linear.scatter [tilespmem:s21], [sflag:$0x3], $0x10, $0x38;
	[tilespmem:$0x175D0] =	vst v63  }
0x22: {  	_ =	swait.ge [sflag:s19], $0x10  }
0x23: {  	[sflag:s19] =	ssyncset.done $0x0  }
0x24: {  	[sflag:s19] =	ssyncadd.s32 $0xFFFFFFF0  }
.LBB2_1:
0x25: {  	v7 =	vor.u32 s6, v2  }
0x26: {  	v7 =	vand.u32 $0x1FFF, v7  }
0x27: {  	[tilespmem:s18+$0x0] =	vst v7  }
0x28: {  	s4 =	simm.s32 $0x10;
	s5 =	simm.s32 $0x7D00;
	s28 =	simm.s32 $0xA4E0;
	[tilespmem:s17+$0x0] =	vst v3  }
.LBB2_2:
0x29: {  	p0 =	sne.s32 s4, $0x27D0  }
.Ltmp2:
0x2a: {  	_ = 	snop;
	(pc) =	sbr.rel @p0 .LBB2_2-.Ltmp2, $4  }
0x2b: {  	v7 =	vor.u32 s4, v2  }
0x2c: {  	s5 =	sadd.s32 $0x10, s5;
	v7 =	vand.u32 $0x1FFF, v7  }
0x2d: {  	s28 =	sadd.s32 $0x10, s28;
	[tilespmem:s5+$0x0] =	vst v7  }
0x2e: {  	s4 =	sadd.s32 $0x10, s4;
	[tilespmem:s28+$0x0] =	vst v3  }
.Ltmp3:
0x2f: {  	(pc) =	sbr.rel .LBB2_4-.Ltmp3, $4  }
0x30: {  	s29 =	simm.s32 $0x0  }
0x31: {  	[tilespmem:s13], [sflag:$0x1] =	stream.linear.gather [hbm4b:s1+s29], $0x1F40, $0x38;
	[tilespmem:$0x175D0] =	vst v63  }
0x32: {  	s28 =	simm.s32 $0x0;
	s30 =	simm.s32 $0x0  }
0x33: {  	v7 =	vimm.s32 $0x0;
	[tilespmem:s29], [sflag:$0x1] =	stream.linear.gather [hbm4b:s0+s29], $0x1F40, $0x38;
	[tilespmem:$0x175D0] =	vst v63  }
.LBB2_52:
0x34: {  	s30 =	sadd.s32 $0x1, s30  }
0x35: {  	p0 =	sne.s32 s30, $0x14  }
.Ltmp4:
0x36: {  	_ = 	snop;
	(pc) =	sbr.rel @!p0 .LBB2_53-.Ltmp4, $1  }
0x37: {  	_ =	sdelay $0x3  }
.LBB2_4:
0x38: {  	s31 =	smul.u32 $0x3E80, s30;
	_ =	sdelay $0x1  }
0x39: {  	s4 =	sshrl.u32 s31, $0x3  }
0x3a: {  	s4 =	sadd.s32 $0x3E8, s4  }
0x3b: {  	s5 =	sadd.s32 s1, s4  }
0x3c: {  	[tilespmem:s14], [sflag:$0x2] =	stream.linear.gather [hbm4b:s5+s29], $0x1F40, $0x38;
	[tilespmem:$0x175D0] =	vst v63  }
0x3d: {  	s4 =	sadd.s32 s0, s4  }
0x3e: {  	[tilespmem:s15], [sflag:$0x2] =	stream.linear.gather [hbm4b:s4+s29], $0x1F40, $0x38;
	[tilespmem:$0x175D0] =	vst v63  }
0x3f: {  	_ =	swait.ge [sflag:s16], $0x1F40  }
0x40: {  	[sflag:s16] =	ssyncset.done $0x0  }
0x41: {  	[sflag:s16] =	ssyncadd.s32 $0xFFFFE0C0  }
0x42: {  	_ =	swait.ge [sflag:s16], $0x1F40  }
0x43: {  	[sflag:s16] =	ssyncset.done $0x0  }
0x44: {  	s5 =	simm.s32 $0x0;
	[sflag:s16] =	ssyncadd.s32 $0xFFFFE0C0  }
.LBB2_5:
0x45: {  	s4 =	sshra.s32 s5, $0x2  }
0x46: {  	v8 =	vld [tilespmem:s4+$0x3E80];
	_ =	sdelay $0x4  }
0x47: {  	vm0 =	vge.s32 v8, v0;
	vm1 =	vlt.s32 v8, v1  }
0x48: {  	vm0 =	vmand vm0, vm1  }
0x49: {  	v9 =	vsel vm0, $0x1, v4  }
0x4a: {  	(xrf0) =	vadd.scan.msk.s32 $0xffff, v9;
	_ =	sdelay $0x5  }
0x4b: {  	v9, _, _ =	vpop (xrf0)  }
0x4c: {  	v9 =	vadd.s32 v9, v7  }
0x4d: {  	v9 =	vadd.s32 $0xFFFFFFFF, v9  }
0x4e: {  	v10 =	vld [tilespmem:s4+$0x0];
	_ =	sdelay $0x2  }
0x4f: {  	v8 =	vsub.s32 v8, v0  }
0x50: {  	[tilespmem:v9+s17+$0x0] =	vst.idx.msk vm0, v8  }
0x51: {  	[tilespmem:v9+s18+$0x0] =	vst.idx.msk vm0, v10  }
0x52: {  	v8 =	vld [tilespmem:s4+$0x3E90];
	_ =	sdelay $0x4  }
0x53: {  	vm9 =	vge.s32 v8, v0;
	vm2 =	vlt.s32 v8, v1  }
0x54: {  	vm1 =	vmand vm9, vm2  }
0x55: {  	v52 =	vsel vm1, $0x1, v4  }
0x56: {  	(xrf0) =	vadd.scan.msk.s32 $0xffff, v52;
	_ =	sdelay $0x3  }
0x57: {  	v53 =	vmpcnt.ones.xlane vm0;
	_ =	sdelay $0x1  }
0x58: {  	v7 =	vadd.s32 v7, v53;
	v54, _, _ =	vpop (xrf0)  }
0x59: {  	v9 =	vadd.s32 v54, v7  }
0x5a: {  	v9 =	vadd.s32 $0xFFFFFFFF, v9  }
0x5b: {  	v10 =	vld [tilespmem:s4+$0x10];
	_ =	sdelay $0x2  }
0x5c: {  	v8 =	vsub.s32 v8, v0  }
0x5d: {  	[tilespmem:v9+s17+$0x0] =	vst.idx.msk vm1, v8  }
0x5e: {  	[tilespmem:v9+s18+$0x0] =	vst.idx.msk vm1, v10  }
0x5f: {  	v8 =	vld [tilespmem:s4+$0x3EA0];
	_ =	sdelay $0x4  }
0x60: {  	vm10 =	vge.s32 v8, v0;
	vm11 =	vlt.s32 v8, v1  }
0x61: {  	vm0 =	vmand vm10, vm11  }
0x62: {  	v55 =	vsel vm0, $0x1, v4  }
0x63: {  	(xrf0) =	vadd.scan.msk.s32 $0xffff, v55;
	_ =	sdelay $0x3  }
0x64: {  	v56 =	vmpcnt.ones.xlane vm1;
	_ =	sdelay $0x1  }
0x65: {  	v7 =	vadd.s32 v7, v56;
	v57, _, _ =	vpop (xrf0)  }
0x66: {  	v9 =	vadd.s32 v57, v7  }
0x67: {  	v9 =	vadd.s32 $0xFFFFFFFF, v9  }
0x68: {  	v10 =	vld [tilespmem:s4+$0x20];
	_ =	sdelay $0x2  }
0x69: {  	v8 =	vsub.s32 v8, v0  }
0x6a: {  	[tilespmem:v9+s17+$0x0] =	vst.idx.msk vm0, v8  }
0x6b: {  	[tilespmem:v9+s18+$0x0] =	vst.idx.msk vm0, v10  }
0x6c: {  	v8 =	vld [tilespmem:s4+$0x3EB0];
	_ =	sdelay $0x4  }
0x6d: {  	vm12 =	vge.s32 v8, v0;
	vm13 =	vlt.s32 v8, v1  }
0x6e: {  	vm1 =	vmand vm12, vm13  }
0x6f: {  	v58 =	vsel vm1, $0x1, v4  }
0x70: {  	(xrf0) =	vadd.scan.msk.s32 $0xffff, v58;
	_ =	sdelay $0x3  }
0x71: {  	v59 =	vmpcnt.ones.xlane vm0;
	_ =	sdelay $0x1  }
0x72: {  	v7 =	vadd.s32 v7, v59;
	v60, _, _ =	vpop (xrf0)  }
0x73: {  	v9 =	vadd.s32 v60, v7  }
0x74: {  	v9 =	vadd.s32 $0xFFFFFFFF, v9  }
0x75: {  	v10 =	vld [tilespmem:s4+$0x30];
	_ =	sdelay $0x2  }
0x76: {  	v8 =	vsub.s32 v8, v0  }
0x77: {  	[tilespmem:v9+s17+$0x0] =	vst.idx.msk vm1, v8  }
0x78: {  	[tilespmem:v9+s18+$0x0] =	vst.idx.msk vm1, v10  }
0x79: {  	v8 =	vld [tilespmem:s4+$0x3EC0];
	_ =	sdelay $0x4  }
0x7a: {  	vm14 =	vge.s32 v8, v0;
	vm15 =	vlt.s32 v8, v1  }
0x7b: {  	vm0 =	vmand vm14, vm15  }
0x7c: {  	v61 =	vsel vm0, $0x1, v4  }
0x7d: {  	(xrf0) =	vadd.scan.msk.s32 $0xffff, v61;
	_ =	sdelay $0x3  }
0x7e: {  	v62 =	vmpcnt.ones.xlane vm1;
	_ =	sdelay $0x1  }
0x7f: {  	v7 =	vadd.s32 v7, v62;
	v63, _, _ =	vpop (xrf0)  }
0x80: {  	v9 =	vadd.s32 v63, v7  }
0x81: {  	v9 =	vadd.s32 $0xFFFFFFFF, v9  }
0x82: {  	p0 =	sne.s32 s5, $0x1E00;
	v10 =	vld [tilespmem:s4+$0x40]  }
.Ltmp5:
0x83: {  	_ = 	snop;
	(pc) =	sbr.rel @p0 .LBB2_5-.Ltmp5, $4  }
0x84: {  	_ = 	snop  }
0x85: {  	v8 =	vsub.s32 v8, v0;
	v11 =	vmpcnt.ones.xlane vm0  }
0x86: {  	[tilespmem:v9+s17+$0x0] =	vst.idx.msk vm0, v8  }
0x87: {  	s5 =	sadd.s32 $0x140, s5;
	v7 =	vadd.s32 v7, v11;
	[tilespmem:v9+s18+$0x0] =	vst.idx.msk vm0, v10  }
0x88: {  	v8 =	vxor.u32 $0x80000000, v7  }
0x89: {  	(xrf0) =	vmax.scan.msk.u32 $0xffff, v8;
	_ =	sdelay $0x5  }
0x8a: {  	v8, _, _ =	vpop (xrf0)  }
0x8b: {  	(v2sf) =	vpush v8, $0xF;
	_ =	sdelay $0xe  }
0x8c: {  	s4 =	spop (v2sf)  }
0x8d: {  	p0 =	slt.u32 s4, $0x80002000  }
.Ltmp6:
0x8e: {  	_ = 	snop;
	(pc) =	sbr.rel @p0 .LBB2_10-.Ltmp6, $1  }
0x8f: {  	_ =	sdelay $0x3  }
0x90: {  	s4 =	sadd.s32 s7, s28  }
0x91: {  	s4 =	sshrl.u32 s4, $0x3  }
0x92: {  	s9 =	simm.s32 $0x0;
	s5 =	sadd.s32 s2, s4  }
0x93: {  	[hbm4b:s5+s9] =	stream.linear.scatter [tilespmem:s18], [sflag:$0x3], $0x2000, $0x38;
	[tilespmem:$0x175D0] =	vst v63  }
0x94: {  	_ =	swait.ge [sflag:s19], $0x2000  }
0x95: {  	[sflag:s19] =	ssyncset.done $0x0  }
0x96: {  	s4 =	sadd.s32 s3, s4;
	[sflag:s19] =	ssyncadd.s32 $0xFFFFE000  }
0x97: {  	[hbm4b:s4+s9] =	stream.linear.scatter [tilespmem:s17], [sflag:$0x3], $0x2000, $0x38;
	[tilespmem:$0x175D0] =	vst v63  }
0x98: {  	_ =	swait.ge [sflag:s19], $0x2000  }
0x99: {  	[sflag:s19] =	ssyncset.done $0x0  }
0x9a: {  	s4 =	simm.s32 $0x0;
	[sflag:s19] =	ssyncadd.s32 $0xFFFFE000  }
0x9b: {  	v8 =	vld [tilespmem:s4+$0xC4E0]  }
0x9c: {  	s5 =	simm.s32 $0x40;
	v9 =	vld [tilespmem:s4+$0x9D00]  }
.LBB2_8:
0x9d: {  	p0 =	sne.s32 s5, $0x1F40  }
.Ltmp7:
0x9e: {  	_ = 	snop;
	(pc) =	sbr.rel @p0 .LBB2_8-.Ltmp7, $4  }
0x9f: {  	_ = 	snop  }
0xa0: {  	s9 =	sshra.s32 s5, $0x2;
	s5 =	sadd.s32 $0x40, s5;
	[tilespmem:s4+$0xA4E0] =	vst v8  }
0xa1: {  	v8 =	vld [tilespmem:s9+$0xC4E0];
	[tilespmem:s4+$0x7D00] =	vst v9;
	s4 =	smov.u32 s9  }
0xa2: {  	v9 =	vld [tilespmem:s4+$0x9D00]  }
0xa3: {  	_ =	sdelay $0x2  }
0xa4: {  	[tilespmem:s4+$0xA4E0] =	vst v8  }
0xa5: {  	v7 =	vadd.s32 $0xFFFFE000, v7;
	s28 =	sadd.s32 $0x2000, s28;
	[tilespmem:s4+$0x7D00] =	vst v9  }
.LBB2_10:
0xa6: {  	s5 =	simm.s32 $0x0  }
.LBB2_11:
0xa7: {  	s4 =	sshra.s32 s5, $0x2  }
0xa8: {  	v8 =	vld [tilespmem:s4+$0x4650];
	_ =	sdelay $0x4  }
0xa9: {  	vm0 =	vge.s32 v8, v0;
	vm1 =	vlt.s32 v8, v1  }
0xaa: {  	vm0 =	vmand vm0, vm1  }
0xab: {  	v9 =	vsel vm0, $0x1, v4  }
0xac: {  	(xrf0) =	vadd.scan.msk.s32 $0xffff, v9;
	_ =	sdelay $0x5  }
0xad: {  	v9, _, _ =	vpop (xrf0)  }
0xae: {  	v9 =	vadd.s32 v9, v7  }
0xaf: {  	v9 =	vadd.s32 $0xFFFFFFFF, v9  }
0xb0: {  	v10 =	vld [tilespmem:s4+$0x7D0];
	_ =	sdelay $0x2  }
0xb1: {  	v8 =	vsub.s32 v8, v0  }
0xb2: {  	[tilespmem:v9+s17+$0x0] =	vst.idx.msk vm0, v8  }
0xb3: {  	[tilespmem:v9+s18+$0x0] =	vst.idx.msk vm0, v10  }
0xb4: {  	v8 =	vld [tilespmem:s4+$0x4660];
	_ =	sdelay $0x4  }
0xb5: {  	vm9 =	vge.s32 v8, v0;
	vm2 =	vlt.s32 v8, v1  }
0xb6: {  	vm1 =	vmand vm9, vm2  }
0xb7: {  	v52 =	vsel vm1, $0x1, v4  }
0xb8: {  	(xrf0) =	vadd.scan.msk.s32 $0xffff, v52;
	_ =	sdelay $0x3  }
0xb9: {  	v53 =	vmpcnt.ones.xlane vm0;
	_ =	sdelay $0x1  }
0xba: {  	v7 =	vadd.s32 v7, v53;
	v54, _, _ =	vpop (xrf0)  }
0xbb: {  	v9 =	vadd.s32 v54, v7  }
0xbc: {  	v9 =	vadd.s32 $0xFFFFFFFF, v9  }
0xbd: {  	v10 =	vld [tilespmem:s4+$0x7E0];
	_ =	sdelay $0x2  }
0xbe: {  	v8 =	vsub.s32 v8, v0  }
0xbf: {  	[tilespmem:v9+s17+$0x0] =	vst.idx.msk vm1, v8  }
0xc0: {  	[tilespmem:v9+s18+$0x0] =	vst.idx.msk vm1, v10  }
0xc1: {  	v8 =	vld [tilespmem:s4+$0x4670];
	_ =	sdelay $0x4  }
0xc2: {  	vm10 =	vge.s32 v8, v0;
	vm11 =	vlt.s32 v8, v1  }
0xc3: {  	vm0 =	vmand vm10, vm11  }
0xc4: {  	v55 =	vsel vm0, $0x1, v4  }
0xc5: {  	(xrf0) =	vadd.scan.msk.s32 $0xffff, v55;
	_ =	sdelay $0x3  }
0xc6: {  	v56 =	vmpcnt.ones.xlane vm1;
	_ =	sdelay $0x1  }
0xc7: {  	v7 =	vadd.s32 v7, v56;
	v57, _, _ =	vpop (xrf0)  }
0xc8: {  	v9 =	vadd.s32 v57, v7  }
0xc9: {  	v9 =	vadd.s32 $0xFFFFFFFF, v9  }
0xca: {  	v10 =	vld [tilespmem:s4+$0x7F0];
	_ =	sdelay $0x2  }
0xcb: {  	v8 =	vsub.s32 v8, v0  }
0xcc: {  	[tilespmem:v9+s17+$0x0] =	vst.idx.msk vm0, v8  }
0xcd: {  	[tilespmem:v9+s18+$0x0] =	vst.idx.msk vm0, v10  }
0xce: {  	v8 =	vld [tilespmem:s4+$0x4680];
	_ =	sdelay $0x4  }
0xcf: {  	vm12 =	vge.s32 v8, v0;
	vm13 =	vlt.s32 v8, v1  }
0xd0: {  	vm1 =	vmand vm12, vm13  }
0xd1: {  	v58 =	vsel vm1, $0x1, v4  }
0xd2: {  	(xrf0) =	vadd.scan.msk.s32 $0xffff, v58;
	_ =	sdelay $0x3  }
0xd3: {  	v59 =	vmpcnt.ones.xlane vm0;
	_ =	sdelay $0x1  }
0xd4: {  	v7 =	vadd.s32 v7, v59;
	v60, _, _ =	vpop (xrf0)  }
0xd5: {  	v9 =	vadd.s32 v60, v7  }
0xd6: {  	v9 =	vadd.s32 $0xFFFFFFFF, v9  }
0xd7: {  	v10 =	vld [tilespmem:s4+$0x800];
	_ =	sdelay $0x2  }
0xd8: {  	v8 =	vsub.s32 v8, v0  }
0xd9: {  	[tilespmem:v9+s17+$0x0] =	vst.idx.msk vm1, v8  }
0xda: {  	[tilespmem:v9+s18+$0x0] =	vst.idx.msk vm1, v10  }
0xdb: {  	v8 =	vld [tilespmem:s4+$0x4690];
	_ =	sdelay $0x4  }
0xdc: {  	vm14 =	vge.s32 v8, v0;
	vm15 =	vlt.s32 v8, v1  }
0xdd: {  	vm0 =	vmand vm14, vm15  }
0xde: {  	v61 =	vsel vm0, $0x1, v4  }
0xdf: {  	(xrf0) =	vadd.scan.msk.s32 $0xffff, v61;
	_ =	sdelay $0x3  }
0xe0: {  	v62 =	vmpcnt.ones.xlane vm1;
	_ =	sdelay $0x1  }
0xe1: {  	v7 =	vadd.s32 v7, v62;
	v63, _, _ =	vpop (xrf0)  }
0xe2: {  	v9 =	vadd.s32 v63, v7  }
0xe3: {  	v9 =	vadd.s32 $0xFFFFFFFF, v9  }
0xe4: {  	p0 =	sne.s32 s5, $0x1E00;
	v10 =	vld [tilespmem:s4+$0x810]  }
.Ltmp8:
0xe5: {  	_ = 	snop;
	(pc) =	sbr.rel @p0 .LBB2_11-.Ltmp8, $4  }
0xe6: {  	_ = 	snop  }
0xe7: {  	v8 =	vsub.s32 v8, v0;
	v11 =	vmpcnt.ones.xlane vm0  }
0xe8: {  	[tilespmem:v9+s17+$0x0] =	vst.idx.msk vm0, v8  }
0xe9: {  	s5 =	sadd.s32 $0x140, s5;
	v7 =	vadd.s32 v7, v11;
	[tilespmem:v9+s18+$0x0] =	vst.idx.msk vm0, v10  }
0xea: {  	v8 =	vxor.u32 $0x80000000, v7  }
0xeb: {  	(xrf0) =	vmax.scan.msk.u32 $0xffff, v8;
	_ =	sdelay $0x5  }
0xec: {  	v8, _, _ =	vpop (xrf0)  }
0xed: {  	(v2sf) =	vpush v8, $0xF;
	_ =	sdelay $0xe  }
0xee: {  	s4 =	spop (v2sf)  }
0xef: {  	p0 =	slt.u32 s4, $0x80002000  }
.Ltmp9:
0xf0: {  	_ = 	snop;
	(pc) =	sbr.rel @p0 .LBB2_16-.Ltmp9, $1  }
0xf1: {  	_ =	sdelay $0x3  }
0xf2: {  	s4 =	sadd.s32 s7, s28  }
0xf3: {  	s4 =	sshrl.u32 s4, $0x3  }
0xf4: {  	s9 =	simm.s32 $0x0;
	s5 =	sadd.s32 s2, s4  }
0xf5: {  	[hbm4b:s5+s9] =	stream.linear.scatter [tilespmem:s18], [sflag:$0x3], $0x2000, $0x38;
	[tilespmem:$0x175D0] =	vst v63  }
0xf6: {  	_ =	swait.ge [sflag:s19], $0x2000  }
0xf7: {  	[sflag:s19] =	ssyncset.done $0x0  }
0xf8: {  	s4 =	sadd.s32 s3, s4;
	[sflag:s19] =	ssyncadd.s32 $0xFFFFE000  }
0xf9: {  	[hbm4b:s4+s9] =	stream.linear.scatter [tilespmem:s17], [sflag:$0x3], $0x2000, $0x38;
	[tilespmem:$0x175D0] =	vst v63  }
0xfa: {  	_ =	swait.ge [sflag:s19], $0x2000  }
0xfb: {  	[sflag:s19] =	ssyncset.done $0x0  }
0xfc: {  	s4 =	simm.s32 $0x0;
	[sflag:s19] =	ssyncadd.s32 $0xFFFFE000  }
0xfd: {  	v8 =	vld [tilespmem:s4+$0xC4E0]  }
0xfe: {  	s5 =	simm.s32 $0x40;
	v9 =	vld [tilespmem:s4+$0x9D00]  }
.LBB2_14:
0xff: {  	p0 =	sne.s32 s5, $0x1F40  }
.Ltmp10:
0x100: {  	_ = 	snop;
	(pc) =	sbr.rel @p0 .LBB2_14-.Ltmp10, $4  }
0x101: {  	_ = 	snop  }
0x102: {  	s9 =	sshra.s32 s5, $0x2;
	s5 =	sadd.s32 $0x40, s5;
	[tilespmem:s4+$0xA4E0] =	vst v8  }
0x103: {  	v8 =	vld [tilespmem:s9+$0xC4E0];
	[tilespmem:s4+$0x7D00] =	vst v9;
	s4 =	smov.u32 s9  }
0x104: {  	v9 =	vld [tilespmem:s4+$0x9D00]  }
0x105: {  	_ =	sdelay $0x2  }
0x106: {  	[tilespmem:s4+$0xA4E0] =	vst v8  }
0x107: {  	v7 =	vadd.s32 $0xFFFFE000, v7;
	s28 =	sadd.s32 $0x2000, s28;
	[tilespmem:s4+$0x7D00] =	vst v9  }
.LBB2_16:
0x108: {  	s5 =	simm.s32 $0x0  }
.LBB2_17:
0x109: {  	s4 =	sshra.s32 s5, $0x2  }
0x10a: {  	v8 =	vld [tilespmem:s4+$0x4E20];
	_ =	sdelay $0x4  }
0x10b: {  	vm0 =	vge.s32 v8, v0;
	vm1 =	vlt.s32 v8, v1  }
0x10c: {  	vm0 =	vmand vm0, vm1  }
0x10d: {  	v9 =	vsel vm0, $0x1, v4  }
0x10e: {  	(xrf0) =	vadd.scan.msk.s32 $0xffff, v9;
	_ =	sdelay $0x5  }
0x10f: {  	v9, _, _ =	vpop (xrf0)  }
0x110: {  	v9 =	vadd.s32 v9, v7  }
0x111: {  	v9 =	vadd.s32 $0xFFFFFFFF, v9  }
0x112: {  	v10 =	vld [tilespmem:s4+$0xFA0];
	_ =	sdelay $0x2  }
0x113: {  	v8 =	vsub.s32 v8, v0  }
0x114: {  	[tilespmem:v9+s17+$0x0] =	vst.idx.msk vm0, v8  }
0x115: {  	[tilespmem:v9+s18+$0x0] =	vst.idx.msk vm0, v10  }
0x116: {  	v8 =	vld [tilespmem:s4+$0x4E30];
	_ =	sdelay $0x4  }
0x117: {  	vm9 =	vge.s32 v8, v0;
	vm2 =	vlt.s32 v8, v1  }
0x118: {  	vm1 =	vmand vm9, vm2  }
0x119: {  	v52 =	vsel vm1, $0x1, v4  }
0x11a: {  	(xrf0) =	vadd.scan.msk.s32 $0xffff, v52;
	_ =	sdelay $0x3  }
0x11b: {  	v53 =	vmpcnt.ones.xlane vm0;
	_ =	sdelay $0x1  }
0x11c: {  	v7 =	vadd.s32 v7, v53;
	v54, _, _ =	vpop (xrf0)  }
0x11d: {  	v9 =	vadd.s32 v54, v7  }
0x11e: {  	v9 =	vadd.s32 $0xFFFFFFFF, v9  }
0x11f: {  	v10 =	vld [tilespmem:s4+$0xFB0];
	_ =	sdelay $0x2  }
0x120: {  	v8 =	vsub.s32 v8, v0  }
0x121: {  	[tilespmem:v9+s17+$0x0] =	vst.idx.msk vm1, v8  }
0x122: {  	[tilespmem:v9+s18+$0x0] =	vst.idx.msk vm1, v10  }
0x123: {  	v8 =	vld [tilespmem:s4+$0x4E40];
	_ =	sdelay $0x4  }
0x124: {  	vm10 =	vge.s32 v8, v0;
	vm11 =	vlt.s32 v8, v1  }
0x125: {  	vm0 =	vmand vm10, vm11  }
0x126: {  	v55 =	vsel vm0, $0x1, v4  }
0x127: {  	(xrf0) =	vadd.scan.msk.s32 $0xffff, v55;
	_ =	sdelay $0x3  }
0x128: {  	v56 =	vmpcnt.ones.xlane vm1;
	_ =	sdelay $0x1  }
0x129: {  	v7 =	vadd.s32 v7, v56;
	v57, _, _ =	vpop (xrf0)  }
0x12a: {  	v9 =	vadd.s32 v57, v7  }
0x12b: {  	v9 =	vadd.s32 $0xFFFFFFFF, v9  }
0x12c: {  	v10 =	vld [tilespmem:s4+$0xFC0];
	_ =	sdelay $0x2  }
0x12d: {  	v8 =	vsub.s32 v8, v0  }
0x12e: {  	[tilespmem:v9+s17+$0x0] =	vst.idx.msk vm0, v8  }
0x12f: {  	[tilespmem:v9+s18+$0x0] =	vst.idx.msk vm0, v10  }
0x130: {  	v8 =	vld [tilespmem:s4+$0x4E50];
	_ =	sdelay $0x4  }
0x131: {  	vm12 =	vge.s32 v8, v0;
	vm13 =	vlt.s32 v8, v1  }
0x132: {  	vm1 =	vmand vm12, vm13  }
0x133: {  	v58 =	vsel vm1, $0x1, v4  }
0x134: {  	(xrf0) =	vadd.scan.msk.s32 $0xffff, v58;
	_ =	sdelay $0x3  }
0x135: {  	v59 =	vmpcnt.ones.xlane vm0;
	_ =	sdelay $0x1  }
0x136: {  	v7 =	vadd.s32 v7, v59;
	v60, _, _ =	vpop (xrf0)  }
0x137: {  	v9 =	vadd.s32 v60, v7  }
0x138: {  	v9 =	vadd.s32 $0xFFFFFFFF, v9  }
0x139: {  	v10 =	vld [tilespmem:s4+$0xFD0];
	_ =	sdelay $0x2  }
0x13a: {  	v8 =	vsub.s32 v8, v0  }
0x13b: {  	[tilespmem:v9+s17+$0x0] =	vst.idx.msk vm1, v8  }
0x13c: {  	[tilespmem:v9+s18+$0x0] =	vst.idx.msk vm1, v10  }
0x13d: {  	v8 =	vld [tilespmem:s4+$0x4E60];
	_ =	sdelay $0x4  }
0x13e: {  	vm14 =	vge.s32 v8, v0;
	vm15 =	vlt.s32 v8, v1  }
0x13f: {  	vm0 =	vmand vm14, vm15  }
0x140: {  	v61 =	vsel vm0, $0x1, v4  }
0x141: {  	(xrf0) =	vadd.scan.msk.s32 $0xffff, v61;
	_ =	sdelay $0x3  }
0x142: {  	v62 =	vmpcnt.ones.xlane vm1;
	_ =	sdelay $0x1  }
0x143: {  	v7 =	vadd.s32 v7, v62;
	v63, _, _ =	vpop (xrf0)  }
0x144: {  	v9 =	vadd.s32 v63, v7  }
0x145: {  	v9 =	vadd.s32 $0xFFFFFFFF, v9  }
0x146: {  	p0 =	sne.s32 s5, $0x1E00;
	v10 =	vld [tilespmem:s4+$0xFE0]  }
.Ltmp11:
0x147: {  	_ = 	snop;
	(pc) =	sbr.rel @p0 .LBB2_17-.Ltmp11, $4  }
0x148: {  	_ = 	snop  }
0x149: {  	v8 =	vsub.s32 v8, v0;
	v11 =	vmpcnt.ones.xlane vm0  }
0x14a: {  	[tilespmem:v9+s17+$0x0] =	vst.idx.msk vm0, v8  }
0x14b: {  	s5 =	sadd.s32 $0x140, s5;
	v7 =	vadd.s32 v7, v11;
	[tilespmem:v9+s18+$0x0] =	vst.idx.msk vm0, v10  }
0x14c: {  	v8 =	vxor.u32 $0x80000000, v7  }
0x14d: {  	(xrf0) =	vmax.scan.msk.u32 $0xffff, v8;
	_ =	sdelay $0x5  }
0x14e: {  	v8, _, _ =	vpop (xrf0)  }
0x14f: {  	(v2sf) =	vpush v8, $0xF;
	_ =	sdelay $0xe  }
0x150: {  	s4 =	spop (v2sf)  }
0x151: {  	p0 =	slt.u32 s4, $0x80002000  }
.Ltmp12:
0x152: {  	_ = 	snop;
	(pc) =	sbr.rel @p0 .LBB2_22-.Ltmp12, $1  }
0x153: {  	_ =	sdelay $0x3  }
0x154: {  	s4 =	sadd.s32 s7, s28  }
0x155: {  	s4 =	sshrl.u32 s4, $0x3  }
0x156: {  	s9 =	simm.s32 $0x0;
	s5 =	sadd.s32 s2, s4  }
0x157: {  	[hbm4b:s5+s9] =	stream.linear.scatter [tilespmem:s18], [sflag:$0x3], $0x2000, $0x38;
	[tilespmem:$0x175D0] =	vst v63  }
0x158: {  	_ =	swait.ge [sflag:s19], $0x2000  }
0x159: {  	[sflag:s19] =	ssyncset.done $0x0  }
0x15a: {  	s4 =	sadd.s32 s3, s4;
	[sflag:s19] =	ssyncadd.s32 $0xFFFFE000  }
0x15b: {  	[hbm4b:s4+s9] =	stream.linear.scatter [tilespmem:s17], [sflag:$0x3], $0x2000, $0x38;
	[tilespmem:$0x175D0] =	vst v63  }
0x15c: {  	_ =	swait.ge [sflag:s19], $0x2000  }
0x15d: {  	[sflag:s19] =	ssyncset.done $0x0  }
0x15e: {  	s4 =	simm.s32 $0x0;
	[sflag:s19] =	ssyncadd.s32 $0xFFFFE000  }
0x15f: {  	v8 =	vld [tilespmem:s4+$0xC4E0]  }
0x160: {  	s5 =	simm.s32 $0x40;
	v9 =	vld [tilespmem:s4+$0x9D00]  }
.LBB2_20:
0x161: {  	p0 =	sne.s32 s5, $0x1F40  }
.Ltmp13:
0x162: {  	_ = 	snop;
	(pc) =	sbr.rel @p0 .LBB2_20-.Ltmp13, $4  }
0x163: {  	_ = 	snop  }
0x164: {  	s9 =	sshra.s32 s5, $0x2;
	s5 =	sadd.s32 $0x40, s5;
	[tilespmem:s4+$0xA4E0] =	vst v8  }
0x165: {  	v8 =	vld [tilespmem:s9+$0xC4E0];
	[tilespmem:s4+$0x7D00] =	vst v9;
	s4 =	smov.u32 s9  }
0x166: {  	v9 =	vld [tilespmem:s4+$0x9D00]  }
0x167: {  	_ =	sdelay $0x2  }
0x168: {  	[tilespmem:s4+$0xA4E0] =	vst v8  }
0x169: {  	v7 =	vadd.s32 $0xFFFFE000, v7;
	s28 =	sadd.s32 $0x2000, s28;
	[tilespmem:s4+$0x7D00] =	vst v9  }
.LBB2_22:
0x16a: {  	s5 =	simm.s32 $0x0  }
.LBB2_23:
0x16b: {  	s4 =	sshra.s32 s5, $0x2  }
0x16c: {  	v8 =	vld [tilespmem:s4+$0x55F0];
	_ =	sdelay $0x4  }
0x16d: {  	vm0 =	vge.s32 v8, v0;
	vm1 =	vlt.s32 v8, v1  }
0x16e: {  	vm0 =	vmand vm0, vm1  }
0x16f: {  	v9 =	vsel vm0, $0x1, v4  }
0x170: {  	(xrf0) =	vadd.scan.msk.s32 $0xffff, v9;
	_ =	sdelay $0x5  }
0x171: {  	v9, _, _ =	vpop (xrf0)  }
0x172: {  	v9 =	vadd.s32 v9, v7  }
0x173: {  	v9 =	vadd.s32 $0xFFFFFFFF, v9  }
0x174: {  	v10 =	vld [tilespmem:s4+$0x1770];
	_ =	sdelay $0x2  }
0x175: {  	v8 =	vsub.s32 v8, v0  }
0x176: {  	[tilespmem:v9+s17+$0x0] =	vst.idx.msk vm0, v8  }
0x177: {  	[tilespmem:v9+s18+$0x0] =	vst.idx.msk vm0, v10  }
0x178: {  	v8 =	vld [tilespmem:s4+$0x5600];
	_ =	sdelay $0x4  }
0x179: {  	vm9 =	vge.s32 v8, v0;
	vm2 =	vlt.s32 v8, v1  }
0x17a: {  	vm1 =	vmand vm9, vm2  }
0x17b: {  	v52 =	vsel vm1, $0x1, v4  }
0x17c: {  	(xrf0) =	vadd.scan.msk.s32 $0xffff, v52;
	_ =	sdelay $0x3  }
0x17d: {  	v53 =	vmpcnt.ones.xlane vm0;
	_ =	sdelay $0x1  }
0x17e: {  	v7 =	vadd.s32 v7, v53;
	v54, _, _ =	vpop (xrf0)  }
0x17f: {  	v9 =	vadd.s32 v54, v7  }
0x180: {  	v9 =	vadd.s32 $0xFFFFFFFF, v9  }
0x181: {  	v10 =	vld [tilespmem:s4+$0x1780];
	_ =	sdelay $0x2  }
0x182: {  	v8 =	vsub.s32 v8, v0  }
0x183: {  	[tilespmem:v9+s17+$0x0] =	vst.idx.msk vm1, v8  }
0x184: {  	[tilespmem:v9+s18+$0x0] =	vst.idx.msk vm1, v10  }
0x185: {  	v8 =	vld [tilespmem:s4+$0x5610];
	_ =	sdelay $0x4  }
0x186: {  	vm10 =	vge.s32 v8, v0;
	vm11 =	vlt.s32 v8, v1  }
0x187: {  	vm0 =	vmand vm10, vm11  }
0x188: {  	v55 =	vsel vm0, $0x1, v4  }
0x189: {  	(xrf0) =	vadd.scan.msk.s32 $0xffff, v55;
	_ =	sdelay $0x3  }
0x18a: {  	v56 =	vmpcnt.ones.xlane vm1;
	_ =	sdelay $0x1  }
0x18b: {  	v7 =	vadd.s32 v7, v56;
	v57, _, _ =	vpop (xrf0)  }
0x18c: {  	v9 =	vadd.s32 v57, v7  }
0x18d: {  	v9 =	vadd.s32 $0xFFFFFFFF, v9  }
0x18e: {  	v10 =	vld [tilespmem:s4+$0x1790];
	_ =	sdelay $0x2  }
0x18f: {  	v8 =	vsub.s32 v8, v0  }
0x190: {  	[tilespmem:v9+s17+$0x0] =	vst.idx.msk vm0, v8  }
0x191: {  	[tilespmem:v9+s18+$0x0] =	vst.idx.msk vm0, v10  }
0x192: {  	v8 =	vld [tilespmem:s4+$0x5620];
	_ =	sdelay $0x4  }
0x193: {  	vm12 =	vge.s32 v8, v0;
	vm13 =	vlt.s32 v8, v1  }
0x194: {  	vm1 =	vmand vm12, vm13  }
0x195: {  	v58 =	vsel vm1, $0x1, v4  }
0x196: {  	(xrf0) =	vadd.scan.msk.s32 $0xffff, v58;
	_ =	sdelay $0x3  }
0x197: {  	v59 =	vmpcnt.ones.xlane vm0;
	_ =	sdelay $0x1  }
0x198: {  	v7 =	vadd.s32 v7, v59;
	v60, _, _ =	vpop (xrf0)  }
0x199: {  	v9 =	vadd.s32 v60, v7  }
0x19a: {  	v9 =	vadd.s32 $0xFFFFFFFF, v9  }
0x19b: {  	v10 =	vld [tilespmem:s4+$0x17A0];
	_ =	sdelay $0x2  }
0x19c: {  	v8 =	vsub.s32 v8, v0  }
0x19d: {  	[tilespmem:v9+s17+$0x0] =	vst.idx.msk vm1, v8  }
0x19e: {  	[tilespmem:v9+s18+$0x0] =	vst.idx.msk vm1, v10  }
0x19f: {  	v8 =	vld [tilespmem:s4+$0x5630];
	_ =	sdelay $0x4  }
0x1a0: {  	vm14 =	vge.s32 v8, v0;
	vm15 =	vlt.s32 v8, v1  }
0x1a1: {  	vm0 =	vmand vm14, vm15  }
0x1a2: {  	v61 =	vsel vm0, $0x1, v4  }
0x1a3: {  	(xrf0) =	vadd.scan.msk.s32 $0xffff, v61;
	_ =	sdelay $0x3  }
0x1a4: {  	v62 =	vmpcnt.ones.xlane vm1;
	_ =	sdelay $0x1  }
0x1a5: {  	v7 =	vadd.s32 v7, v62;
	v63, _, _ =	vpop (xrf0)  }
0x1a6: {  	v9 =	vadd.s32 v63, v7  }
0x1a7: {  	v9 =	vadd.s32 $0xFFFFFFFF, v9  }
0x1a8: {  	p0 =	sne.s32 s5, $0x1E00;
	v10 =	vld [tilespmem:s4+$0x17B0]  }
.Ltmp14:
0x1a9: {  	_ = 	snop;
	(pc) =	sbr.rel @p0 .LBB2_23-.Ltmp14, $4  }
0x1aa: {  	_ = 	snop  }
0x1ab: {  	v8 =	vsub.s32 v8, v0;
	v11 =	vmpcnt.ones.xlane vm0  }
0x1ac: {  	[tilespmem:v9+s17+$0x0] =	vst.idx.msk vm0, v8  }
0x1ad: {  	s5 =	sadd.s32 $0x140, s5;
	v7 =	vadd.s32 v7, v11;
	[tilespmem:v9+s18+$0x0] =	vst.idx.msk vm0, v10  }
0x1ae: {  	v8 =	vxor.u32 $0x80000000, v7  }
0x1af: {  	(xrf0) =	vmax.scan.msk.u32 $0xffff, v8;
	_ =	sdelay $0x5  }
0x1b0: {  	v8, _, _ =	vpop (xrf0)  }
0x1b1: {  	(v2sf) =	vpush v8, $0xF;
	_ =	sdelay $0xe  }
0x1b2: {  	s4 =	spop (v2sf)  }
0x1b3: {  	p0 =	slt.u32 s4, $0x80002000  }
.Ltmp15:
0x1b4: {  	_ = 	snop;
	(pc) =	sbr.rel @p0 .LBB2_28-.Ltmp15, $1  }
0x1b5: {  	_ =	sdelay $0x3  }
0x1b6: {  	s4 =	sadd.s32 s7, s28  }
0x1b7: {  	s4 =	sshrl.u32 s4, $0x3  }
0x1b8: {  	s9 =	simm.s32 $0x0;
	s5 =	sadd.s32 s2, s4  }
0x1b9: {  	[hbm4b:s5+s9] =	stream.linear.scatter [tilespmem:s18], [sflag:$0x3], $0x2000, $0x38;
	[tilespmem:$0x175D0] =	vst v63  }
0x1ba: {  	_ =	swait.ge [sflag:s19], $0x2000  }
0x1bb: {  	[sflag:s19] =	ssyncset.done $0x0  }
0x1bc: {  	s4 =	sadd.s32 s3, s4;
	[sflag:s19] =	ssyncadd.s32 $0xFFFFE000  }
0x1bd: {  	[hbm4b:s4+s9] =	stream.linear.scatter [tilespmem:s17], [sflag:$0x3], $0x2000, $0x38;
	[tilespmem:$0x175D0] =	vst v63  }
0x1be: {  	_ =	swait.ge [sflag:s19], $0x2000  }
0x1bf: {  	[sflag:s19] =	ssyncset.done $0x0  }
0x1c0: {  	s4 =	simm.s32 $0x0;
	[sflag:s19] =	ssyncadd.s32 $0xFFFFE000  }
0x1c1: {  	v8 =	vld [tilespmem:s4+$0xC4E0]  }
0x1c2: {  	s5 =	simm.s32 $0x40;
	v9 =	vld [tilespmem:s4+$0x9D00]  }
.LBB2_26:
0x1c3: {  	p0 =	sne.s32 s5, $0x1F40  }
.Ltmp16:
0x1c4: {  	_ = 	snop;
	(pc) =	sbr.rel @p0 .LBB2_26-.Ltmp16, $4  }
0x1c5: {  	_ = 	snop  }
0x1c6: {  	s9 =	sshra.s32 s5, $0x2;
	s5 =	sadd.s32 $0x40, s5;
	[tilespmem:s4+$0xA4E0] =	vst v8  }
0x1c7: {  	v8 =	vld [tilespmem:s9+$0xC4E0];
	[tilespmem:s4+$0x7D00] =	vst v9;
	s4 =	smov.u32 s9  }
0x1c8: {  	v9 =	vld [tilespmem:s4+$0x9D00]  }
0x1c9: {  	_ =	sdelay $0x2  }
0x1ca: {  	[tilespmem:s4+$0xA4E0] =	vst v8  }
0x1cb: {  	v7 =	vadd.s32 $0xFFFFE000, v7;
	s28 =	sadd.s32 $0x2000, s28;
	[tilespmem:s4+$0x7D00] =	vst v9  }
.LBB2_28:
0x1cc: {  	p0 =	seq.s32 s30, $0x13  }
0x1cd: {  	s4 =	sshrl.u32 @!p0 s31, $0x3  }
0x1ce: {  	s4 =	sadd.s32 @!p0 $0x7D0, s4  }
0x1cf: {  	s9 =	simm.s32 @!p0 $0x0;
	s31 =	simm.s32 @!p0 $0x3E80;
	s5 =	sadd.s32 @!p0 s1, s4  }
0x1d0: {  	[tilespmem:s31], [sflag:$0x1] =	stream.linear.gather @!p0 [hbm4b:s5+s9], $0x1F40, $0x38;
	[tilespmem:$0x175D0] =	vst v63  }
0x1d1: {  	s4 =	sadd.s32 @!p0 s0, s4  }
0x1d2: {  	[tilespmem:s9], [sflag:$0x1] =	stream.linear.gather @!p0 [hbm4b:s4+s9], $0x1F40, $0x38;
	[tilespmem:$0x175D0] =	vst v63  }
0x1d3: {  	_ =	swait.ge [sflag:s20], $0x1F40  }
0x1d4: {  	[sflag:s20] =	ssyncset.done $0x0  }
0x1d5: {  	[sflag:s20] =	ssyncadd.s32 $0xFFFFE0C0  }
0x1d6: {  	_ =	swait.ge [sflag:s20], $0x1F40  }
0x1d7: {  	[sflag:s20] =	ssyncset.done $0x0  }
0x1d8: {  	s5 =	simm.s32 $0x0;
	[sflag:s20] =	ssyncadd.s32 $0xFFFFE0C0  }
.LBB2_29:
0x1d9: {  	s4 =	sshra.s32 s5, $0x2  }
0x1da: {  	v8 =	vld [tilespmem:s4+$0x5DC0];
	_ =	sdelay $0x4  }
0x1db: {  	vm0 =	vge.s32 v8, v0;
	vm1 =	vlt.s32 v8, v1  }
0x1dc: {  	vm0 =	vmand vm0, vm1  }
0x1dd: {  	v9 =	vsel vm0, $0x1, v4  }
0x1de: {  	(xrf0) =	vadd.scan.msk.s32 $0xffff, v9;
	_ =	sdelay $0x5  }
0x1df: {  	v9, _, _ =	vpop (xrf0)  }
0x1e0: {  	v9 =	vadd.s32 v9, v7  }
0x1e1: {  	v9 =	vadd.s32 $0xFFFFFFFF, v9  }
0x1e2: {  	v10 =	vld [tilespmem:s4+$0x1F40];
	_ =	sdelay $0x2  }
0x1e3: {  	v8 =	vsub.s32 v8, v0  }
0x1e4: {  	[tilespmem:v9+s17+$0x0] =	vst.idx.msk vm0, v8  }
0x1e5: {  	[tilespmem:v9+s18+$0x0] =	vst.idx.msk vm0, v10  }
0x1e6: {  	v8 =	vld [tilespmem:s4+$0x5DD0];
	_ =	sdelay $0x4  }
0x1e7: {  	vm9 =	vge.s32 v8, v0;
	vm2 =	vlt.s32 v8, v1  }
0x1e8: {  	vm1 =	vmand vm9, vm2  }
0x1e9: {  	v52 =	vsel vm1, $0x1, v4  }
0x1ea: {  	(xrf0) =	vadd.scan.msk.s32 $0xffff, v52;
	_ =	sdelay $0x3  }
0x1eb: {  	v53 =	vmpcnt.ones.xlane vm0;
	_ =	sdelay $0x1  }
0x1ec: {  	v7 =	vadd.s32 v7, v53;
	v54, _, _ =	vpop (xrf0)  }
0x1ed: {  	v9 =	vadd.s32 v54, v7  }
0x1ee: {  	v9 =	vadd.s32 $0xFFFFFFFF, v9  }
0x1ef: {  	v10 =	vld [tilespmem:s4+$0x1F50];
	_ =	sdelay $0x2  }
0x1f0: {  	v8 =	vsub.s32 v8, v0  }
0x1f1: {  	[tilespmem:v9+s17+$0x0] =	vst.idx.msk vm1, v8  }
0x1f2: {  	[tilespmem:v9+s18+$0x0] =	vst.idx.msk vm1, v10  }
0x1f3: {  	v8 =	vld [tilespmem:s4+$0x5DE0];
	_ =	sdelay $0x4  }
0x1f4: {  	vm10 =	vge.s32 v8, v0;
	vm11 =	vlt.s32 v8, v1  }
0x1f5: {  	vm0 =	vmand vm10, vm11  }
0x1f6: {  	v55 =	vsel vm0, $0x1, v4  }
0x1f7: {  	(xrf0) =	vadd.scan.msk.s32 $0xffff, v55;
	_ =	sdelay $0x3  }
0x1f8: {  	v56 =	vmpcnt.ones.xlane vm1;
	_ =	sdelay $0x1  }
0x1f9: {  	v7 =	vadd.s32 v7, v56;
	v57, _, _ =	vpop (xrf0)  }
0x1fa: {  	v9 =	vadd.s32 v57, v7  }
0x1fb: {  	v9 =	vadd.s32 $0xFFFFFFFF, v9  }
0x1fc: {  	v10 =	vld [tilespmem:s4+$0x1F60];
	_ =	sdelay $0x2  }
0x1fd: {  	v8 =	vsub.s32 v8, v0  }
0x1fe: {  	[tilespmem:v9+s17+$0x0] =	vst.idx.msk vm0, v8  }
0x1ff: {  	[tilespmem:v9+s18+$0x0] =	vst.idx.msk vm0, v10  }
0x200: {  	v8 =	vld [tilespmem:s4+$0x5DF0];
	_ =	sdelay $0x4  }
0x201: {  	vm12 =	vge.s32 v8, v0;
	vm13 =	vlt.s32 v8, v1  }
0x202: {  	vm1 =	vmand vm12, vm13  }
0x203: {  	v58 =	vsel vm1, $0x1, v4  }
0x204: {  	(xrf0) =	vadd.scan.msk.s32 $0xffff, v58;
	_ =	sdelay $0x3  }
0x205: {  	v59 =	vmpcnt.ones.xlane vm0;
	_ =	sdelay $0x1  }
0x206: {  	v7 =	vadd.s32 v7, v59;
	v60, _, _ =	vpop (xrf0)  }
0x207: {  	v9 =	vadd.s32 v60, v7  }
0x208: {  	v9 =	vadd.s32 $0xFFFFFFFF, v9  }
0x209: {  	v10 =	vld [tilespmem:s4+$0x1F70];
	_ =	sdelay $0x2  }
0x20a: {  	v8 =	vsub.s32 v8, v0  }
0x20b: {  	[tilespmem:v9+s17+$0x0] =	vst.idx.msk vm1, v8  }
0x20c: {  	[tilespmem:v9+s18+$0x0] =	vst.idx.msk vm1, v10  }
0x20d: {  	v8 =	vld [tilespmem:s4+$0x5E00];
	_ =	sdelay $0x4  }
0x20e: {  	vm14 =	vge.s32 v8, v0;
	vm15 =	vlt.s32 v8, v1  }
0x20f: {  	vm0 =	vmand vm14, vm15  }
0x210: {  	v61 =	vsel vm0, $0x1, v4  }
0x211: {  	(xrf0) =	vadd.scan.msk.s32 $0xffff, v61;
	_ =	sdelay $0x3  }
0x212: {  	v62 =	vmpcnt.ones.xlane vm1;
	_ =	sdelay $0x1  }
0x213: {  	v7 =	vadd.s32 v7, v62;
	v63, _, _ =	vpop (xrf0)  }
0x214: {  	v9 =	vadd.s32 v63, v7  }
0x215: {  	v9 =	vadd.s32 $0xFFFFFFFF, v9  }
0x216: {  	p0 =	sne.s32 s5, $0x1E00;
	v10 =	vld [tilespmem:s4+$0x1F80]  }
.Ltmp17:
0x217: {  	_ = 	snop;
	(pc) =	sbr.rel @p0 .LBB2_29-.Ltmp17, $4  }
0x218: {  	_ = 	snop  }
0x219: {  	v8 =	vsub.s32 v8, v0;
	v11 =	vmpcnt.ones.xlane vm0  }
0x21a: {  	[tilespmem:v9+s17+$0x0] =	vst.idx.msk vm0, v8  }
0x21b: {  	s5 =	sadd.s32 $0x140, s5;
	v7 =	vadd.s32 v7, v11;
	[tilespmem:v9+s18+$0x0] =	vst.idx.msk vm0, v10  }
0x21c: {  	v8 =	vxor.u32 $0x80000000, v7  }
0x21d: {  	(xrf0) =	vmax.scan.msk.u32 $0xffff, v8;
	_ =	sdelay $0x5  }
0x21e: {  	v8, _, _ =	vpop (xrf0)  }
0x21f: {  	(v2sf) =	vpush v8, $0xF;
	_ =	sdelay $0xe  }
0x220: {  	s4 =	spop (v2sf)  }
0x221: {  	p0 =	slt.u32 s4, $0x80002000  }
.Ltmp18:
0x222: {  	_ = 	snop;
	(pc) =	sbr.rel @p0 .LBB2_34-.Ltmp18, $1  }
0x223: {  	_ =	sdelay $0x3  }
0x224: {  	s4 =	sadd.s32 s7, s28  }
0x225: {  	s4 =	sshrl.u32 s4, $0x3  }
0x226: {  	s9 =	simm.s32 $0x0;
	s5 =	sadd.s32 s2, s4  }
0x227: {  	[hbm4b:s5+s9] =	stream.linear.scatter [tilespmem:s18], [sflag:$0x3], $0x2000, $0x38;
	[tilespmem:$0x175D0] =	vst v63  }
0x228: {  	_ =	swait.ge [sflag:s19], $0x2000  }
0x229: {  	[sflag:s19] =	ssyncset.done $0x0  }
0x22a: {  	s4 =	sadd.s32 s3, s4;
	[sflag:s19] =	ssyncadd.s32 $0xFFFFE000  }
0x22b: {  	[hbm4b:s4+s9] =	stream.linear.scatter [tilespmem:s17], [sflag:$0x3], $0x2000, $0x38;
	[tilespmem:$0x175D0] =	vst v63  }
0x22c: {  	_ =	swait.ge [sflag:s19], $0x2000  }
0x22d: {  	[sflag:s19] =	ssyncset.done $0x0  }
0x22e: {  	s4 =	simm.s32 $0x0;
	[sflag:s19] =	ssyncadd.s32 $0xFFFFE000  }
0x22f: {  	v8 =	vld [tilespmem:s4+$0xC4E0]  }
0x230: {  	s5 =	simm.s32 $0x40;
	v9 =	vld [tilespmem:s4+$0x9D00]  }
.LBB2_32:
0x231: {  	p0 =	sne.s32 s5, $0x1F40  }
.Ltmp19:
0x232: {  	_ = 	snop;
	(pc) =	sbr.rel @p0 .LBB2_32-.Ltmp19, $4  }
0x233: {  	_ = 	snop  }
0x234: {  	s9 =	sshra.s32 s5, $0x2;
	s5 =	sadd.s32 $0x40, s5;
	[tilespmem:s4+$0xA4E0] =	vst v8  }
0x235: {  	v8 =	vld [tilespmem:s9+$0xC4E0];
	[tilespmem:s4+$0x7D00] =	vst v9;
	s4 =	smov.u32 s9  }
0x236: {  	v9 =	vld [tilespmem:s4+$0x9D00]  }
0x237: {  	_ =	sdelay $0x2  }
0x238: {  	[tilespmem:s4+$0xA4E0] =	vst v8  }
0x239: {  	v7 =	vadd.s32 $0xFFFFE000, v7;
	s28 =	sadd.s32 $0x2000, s28;
	[tilespmem:s4+$0x7D00] =	vst v9  }
.LBB2_34:
0x23a: {  	s5 =	simm.s32 $0x0  }
.LBB2_35:
0x23b: {  	s4 =	sshra.s32 s5, $0x2  }
0x23c: {  	v8 =	vld [tilespmem:s4+$0x6590];
	_ =	sdelay $0x4  }
0x23d: {  	vm0 =	vge.s32 v8, v0;
	vm1 =	vlt.s32 v8, v1  }
0x23e: {  	vm0 =	vmand vm0, vm1  }
0x23f: {  	v9 =	vsel vm0, $0x1, v4  }
0x240: {  	(xrf0) =	vadd.scan.msk.s32 $0xffff, v9;
	_ =	sdelay $0x5  }
0x241: {  	v9, _, _ =	vpop (xrf0)  }
0x242: {  	v9 =	vadd.s32 v9, v7  }
0x243: {  	v9 =	vadd.s32 $0xFFFFFFFF, v9  }
0x244: {  	v10 =	vld [tilespmem:s4+$0x2710];
	_ =	sdelay $0x2  }
0x245: {  	v8 =	vsub.s32 v8, v0  }
0x246: {  	[tilespmem:v9+s17+$0x0] =	vst.idx.msk vm0, v8  }
0x247: {  	[tilespmem:v9+s18+$0x0] =	vst.idx.msk vm0, v10  }
0x248: {  	v8 =	vld [tilespmem:s4+$0x65A0];
	_ =	sdelay $0x4  }
0x249: {  	vm9 =	vge.s32 v8, v0;
	vm2 =	vlt.s32 v8, v1  }
0x24a: {  	vm1 =	vmand vm9, vm2  }
0x24b: {  	v52 =	vsel vm1, $0x1, v4  }
0x24c: {  	(xrf0) =	vadd.scan.msk.s32 $0xffff, v52;
	_ =	sdelay $0x3  }
0x24d: {  	v53 =	vmpcnt.ones.xlane vm0;
	_ =	sdelay $0x1  }
0x24e: {  	v7 =	vadd.s32 v7, v53;
	v54, _, _ =	vpop (xrf0)  }
0x24f: {  	v9 =	vadd.s32 v54, v7  }
0x250: {  	v9 =	vadd.s32 $0xFFFFFFFF, v9  }
0x251: {  	v10 =	vld [tilespmem:s4+$0x2720];
	_ =	sdelay $0x2  }
0x252: {  	v8 =	vsub.s32 v8, v0  }
0x253: {  	[tilespmem:v9+s17+$0x0] =	vst.idx.msk vm1, v8  }
0x254: {  	[tilespmem:v9+s18+$0x0] =	vst.idx.msk vm1, v10  }
0x255: {  	v8 =	vld [tilespmem:s4+$0x65B0];
	_ =	sdelay $0x4  }
0x256: {  	vm10 =	vge.s32 v8, v0;
	vm11 =	vlt.s32 v8, v1  }
0x257: {  	vm0 =	vmand vm10, vm11  }
0x258: {  	v55 =	vsel vm0, $0x1, v4  }
0x259: {  	(xrf0) =	vadd.scan.msk.s32 $0xffff, v55;
	_ =	sdelay $0x3  }
0x25a: {  	v56 =	vmpcnt.ones.xlane vm1;
	_ =	sdelay $0x1  }
0x25b: {  	v7 =	vadd.s32 v7, v56;
	v57, _, _ =	vpop (xrf0)  }
0x25c: {  	v9 =	vadd.s32 v57, v7  }
0x25d: {  	v9 =	vadd.s32 $0xFFFFFFFF, v9  }
0x25e: {  	v10 =	vld [tilespmem:s4+$0x2730];
	_ =	sdelay $0x2  }
0x25f: {  	v8 =	vsub.s32 v8, v0  }
0x260: {  	[tilespmem:v9+s17+$0x0] =	vst.idx.msk vm0, v8  }
0x261: {  	[tilespmem:v9+s18+$0x0] =	vst.idx.msk vm0, v10  }
0x262: {  	v8 =	vld [tilespmem:s4+$0x65C0];
	_ =	sdelay $0x4  }
0x263: {  	vm12 =	vge.s32 v8, v0;
	vm13 =	vlt.s32 v8, v1  }
0x264: {  	vm1 =	vmand vm12, vm13  }
0x265: {  	v58 =	vsel vm1, $0x1, v4  }
0x266: {  	(xrf0) =	vadd.scan.msk.s32 $0xffff, v58;
	_ =	sdelay $0x3  }
0x267: {  	v59 =	vmpcnt.ones.xlane vm0;
	_ =	sdelay $0x1  }
0x268: {  	v7 =	vadd.s32 v7, v59;
	v60, _, _ =	vpop (xrf0)  }
0x269: {  	v9 =	vadd.s32 v60, v7  }
0x26a: {  	v9 =	vadd.s32 $0xFFFFFFFF, v9  }
0x26b: {  	v10 =	vld [tilespmem:s4+$0x2740];
	_ =	sdelay $0x2  }
0x26c: {  	v8 =	vsub.s32 v8, v0  }
0x26d: {  	[tilespmem:v9+s17+$0x0] =	vst.idx.msk vm1, v8  }
0x26e: {  	[tilespmem:v9+s18+$0x0] =	vst.idx.msk vm1, v10  }
0x26f: {  	v8 =	vld [tilespmem:s4+$0x65D0];
	_ =	sdelay $0x4  }
0x270: {  	vm14 =	vge.s32 v8, v0;
	vm15 =	vlt.s32 v8, v1  }
0x271: {  	vm0 =	vmand vm14, vm15  }
0x272: {  	v61 =	vsel vm0, $0x1, v4  }
0x273: {  	(xrf0) =	vadd.scan.msk.s32 $0xffff, v61;
	_ =	sdelay $0x3  }
0x274: {  	v62 =	vmpcnt.ones.xlane vm1;
	_ =	sdelay $0x1  }
0x275: {  	v7 =	vadd.s32 v7, v62;
	v63, _, _ =	vpop (xrf0)  }
0x276: {  	v9 =	vadd.s32 v63, v7  }
0x277: {  	v9 =	vadd.s32 $0xFFFFFFFF, v9  }
0x278: {  	p0 =	sne.s32 s5, $0x1E00;
	v10 =	vld [tilespmem:s4+$0x2750]  }
.Ltmp20:
0x279: {  	_ = 	snop;
	(pc) =	sbr.rel @p0 .LBB2_35-.Ltmp20, $4  }
0x27a: {  	_ = 	snop  }
0x27b: {  	v8 =	vsub.s32 v8, v0;
	v11 =	vmpcnt.ones.xlane vm0  }
0x27c: {  	[tilespmem:v9+s17+$0x0] =	vst.idx.msk vm0, v8  }
0x27d: {  	s5 =	sadd.s32 $0x140, s5;
	v7 =	vadd.s32 v7, v11;
	[tilespmem:v9+s18+$0x0] =	vst.idx.msk vm0, v10  }
0x27e: {  	v8 =	vxor.u32 $0x80000000, v7  }
0x27f: {  	(xrf0) =	vmax.scan.msk.u32 $0xffff, v8;
	_ =	sdelay $0x5  }
0x280: {  	v8, _, _ =	vpop (xrf0)  }
0x281: {  	(v2sf) =	vpush v8, $0xF;
	_ =	sdelay $0xe  }
0x282: {  	s4 =	spop (v2sf)  }
0x283: {  	p0 =	slt.u32 s4, $0x80002000  }
.Ltmp21:
0x284: {  	_ = 	snop;
	(pc) =	sbr.rel @p0 .LBB2_40-.Ltmp21, $1  }
0x285: {  	_ =	sdelay $0x3  }
0x286: {  	s4 =	sadd.s32 s7, s28  }
0x287: {  	s4 =	sshrl.u32 s4, $0x3  }
0x288: {  	s9 =	simm.s32 $0x0;
	s5 =	sadd.s32 s2, s4  }
0x289: {  	[hbm4b:s5+s9] =	stream.linear.scatter [tilespmem:s18], [sflag:$0x3], $0x2000, $0x38;
	[tilespmem:$0x175D0] =	vst v63  }
0x28a: {  	_ =	swait.ge [sflag:s19], $0x2000  }
0x28b: {  	[sflag:s19] =	ssyncset.done $0x0  }
0x28c: {  	s4 =	sadd.s32 s3, s4;
	[sflag:s19] =	ssyncadd.s32 $0xFFFFE000  }
0x28d: {  	[hbm4b:s4+s9] =	stream.linear.scatter [tilespmem:s17], [sflag:$0x3], $0x2000, $0x38;
	[tilespmem:$0x175D0] =	vst v63  }
0x28e: {  	_ =	swait.ge [sflag:s19], $0x2000  }
0x28f: {  	[sflag:s19] =	ssyncset.done $0x0  }
0x290: {  	s4 =	simm.s32 $0x0;
	[sflag:s19] =	ssyncadd.s32 $0xFFFFE000  }
0x291: {  	v8 =	vld [tilespmem:s4+$0xC4E0]  }
0x292: {  	s5 =	simm.s32 $0x40;
	v9 =	vld [tilespmem:s4+$0x9D00]  }
.LBB2_38:
0x293: {  	p0 =	sne.s32 s5, $0x1F40  }
.Ltmp22:
0x294: {  	_ = 	snop;
	(pc) =	sbr.rel @p0 .LBB2_38-.Ltmp22, $4  }
0x295: {  	_ = 	snop  }
0x296: {  	s9 =	sshra.s32 s5, $0x2;
	s5 =	sadd.s32 $0x40, s5;
	[tilespmem:s4+$0xA4E0] =	vst v8  }
0x297: {  	v8 =	vld [tilespmem:s9+$0xC4E0];
	[tilespmem:s4+$0x7D00] =	vst v9;
	s4 =	smov.u32 s9  }
0x298: {  	v9 =	vld [tilespmem:s4+$0x9D00]  }
0x299: {  	_ =	sdelay $0x2  }
0x29a: {  	[tilespmem:s4+$0xA4E0] =	vst v8  }
0x29b: {  	v7 =	vadd.s32 $0xFFFFE000, v7;
	s28 =	sadd.s32 $0x2000, s28;
	[tilespmem:s4+$0x7D00] =	vst v9  }
.LBB2_40:
0x29c: {  	s5 =	simm.s32 $0x0  }
.LBB2_41:
0x29d: {  	s4 =	sshra.s32 s5, $0x2  }
0x29e: {  	v8 =	vld [tilespmem:s4+$0x6D60];
	_ =	sdelay $0x4  }
0x29f: {  	vm0 =	vge.s32 v8, v0;
	vm1 =	vlt.s32 v8, v1  }
0x2a0: {  	vm0 =	vmand vm0, vm1  }
0x2a1: {  	v9 =	vsel vm0, $0x1, v4  }
0x2a2: {  	(xrf0) =	vadd.scan.msk.s32 $0xffff, v9;
	_ =	sdelay $0x5  }
0x2a3: {  	v9, _, _ =	vpop (xrf0)  }
0x2a4: {  	v9 =	vadd.s32 v9, v7  }
0x2a5: {  	v9 =	vadd.s32 $0xFFFFFFFF, v9  }
0x2a6: {  	v10 =	vld [tilespmem:s4+$0x2EE0];
	_ =	sdelay $0x2  }
0x2a7: {  	v8 =	vsub.s32 v8, v0  }
0x2a8: {  	[tilespmem:v9+s17+$0x0] =	vst.idx.msk vm0, v8  }
0x2a9: {  	[tilespmem:v9+s18+$0x0] =	vst.idx.msk vm0, v10  }
0x2aa: {  	v8 =	vld [tilespmem:s4+$0x6D70];
	_ =	sdelay $0x4  }
0x2ab: {  	vm9 =	vge.s32 v8, v0;
	vm2 =	vlt.s32 v8, v1  }
0x2ac: {  	vm1 =	vmand vm9, vm2  }
0x2ad: {  	v52 =	vsel vm1, $0x1, v4  }
0x2ae: {  	(xrf0) =	vadd.scan.msk.s32 $0xffff, v52;
	_ =	sdelay $0x3  }
0x2af: {  	v53 =	vmpcnt.ones.xlane vm0;
	_ =	sdelay $0x1  }
0x2b0: {  	v7 =	vadd.s32 v7, v53;
	v54, _, _ =	vpop (xrf0)  }
0x2b1: {  	v9 =	vadd.s32 v54, v7  }
0x2b2: {  	v9 =	vadd.s32 $0xFFFFFFFF, v9  }
0x2b3: {  	v10 =	vld [tilespmem:s4+$0x2EF0];
	_ =	sdelay $0x2  }
0x2b4: {  	v8 =	vsub.s32 v8, v0  }
0x2b5: {  	[tilespmem:v9+s17+$0x0] =	vst.idx.msk vm1, v8  }
0x2b6: {  	[tilespmem:v9+s18+$0x0] =	vst.idx.msk vm1, v10  }
0x2b7: {  	v8 =	vld [tilespmem:s4+$0x6D80];
	_ =	sdelay $0x4  }
0x2b8: {  	vm10 =	vge.s32 v8, v0;
	vm11 =	vlt.s32 v8, v1  }
0x2b9: {  	vm0 =	vmand vm10, vm11  }
0x2ba: {  	v55 =	vsel vm0, $0x1, v4  }
0x2bb: {  	(xrf0) =	vadd.scan.msk.s32 $0xffff, v55;
	_ =	sdelay $0x3  }
0x2bc: {  	v56 =	vmpcnt.ones.xlane vm1;
	_ =	sdelay $0x1  }
0x2bd: {  	v7 =	vadd.s32 v7, v56;
	v57, _, _ =	vpop (xrf0)  }
0x2be: {  	v9 =	vadd.s32 v57, v7  }
0x2bf: {  	v9 =	vadd.s32 $0xFFFFFFFF, v9  }
0x2c0: {  	v10 =	vld [tilespmem:s4+$0x2F00];
	_ =	sdelay $0x2  }
0x2c1: {  	v8 =	vsub.s32 v8, v0  }
0x2c2: {  	[tilespmem:v9+s17+$0x0] =	vst.idx.msk vm0, v8  }
0x2c3: {  	[tilespmem:v9+s18+$0x0] =	vst.idx.msk vm0, v10  }
0x2c4: {  	v8 =	vld [tilespmem:s4+$0x6D90];
	_ =	sdelay $0x4  }
0x2c5: {  	vm12 =	vge.s32 v8, v0;
	vm13 =	vlt.s32 v8, v1  }
0x2c6: {  	vm1 =	vmand vm12, vm13  }
0x2c7: {  	v58 =	vsel vm1, $0x1, v4  }
0x2c8: {  	(xrf0) =	vadd.scan.msk.s32 $0xffff, v58;
	_ =	sdelay $0x3  }
0x2c9: {  	v59 =	vmpcnt.ones.xlane vm0;
	_ =	sdelay $0x1  }
0x2ca: {  	v7 =	vadd.s32 v7, v59;
	v60, _, _ =	vpop (xrf0)  }
0x2cb: {  	v9 =	vadd.s32 v60, v7  }
0x2cc: {  	v9 =	vadd.s32 $0xFFFFFFFF, v9  }
0x2cd: {  	v10 =	vld [tilespmem:s4+$0x2F10];
	_ =	sdelay $0x2  }
0x2ce: {  	v8 =	vsub.s32 v8, v0  }
0x2cf: {  	[tilespmem:v9+s17+$0x0] =	vst.idx.msk vm1, v8  }
0x2d0: {  	[tilespmem:v9+s18+$0x0] =	vst.idx.msk vm1, v10  }
0x2d1: {  	v8 =	vld [tilespmem:s4+$0x6DA0];
	_ =	sdelay $0x4  }
0x2d2: {  	vm14 =	vge.s32 v8, v0;
	vm15 =	vlt.s32 v8, v1  }
0x2d3: {  	vm0 =	vmand vm14, vm15  }
0x2d4: {  	v61 =	vsel vm0, $0x1, v4  }
0x2d5: {  	(xrf0) =	vadd.scan.msk.s32 $0xffff, v61;
	_ =	sdelay $0x3  }
0x2d6: {  	v62 =	vmpcnt.ones.xlane vm1;
	_ =	sdelay $0x1  }
0x2d7: {  	v7 =	vadd.s32 v7, v62;
	v63, _, _ =	vpop (xrf0)  }
0x2d8: {  	v9 =	vadd.s32 v63, v7  }
0x2d9: {  	v9 =	vadd.s32 $0xFFFFFFFF, v9  }
0x2da: {  	p0 =	sne.s32 s5, $0x1E00;
	v10 =	vld [tilespmem:s4+$0x2F20]  }
.Ltmp23:
0x2db: {  	_ = 	snop;
	(pc) =	sbr.rel @p0 .LBB2_41-.Ltmp23, $4  }
0x2dc: {  	_ = 	snop  }
0x2dd: {  	v8 =	vsub.s32 v8, v0;
	v11 =	vmpcnt.ones.xlane vm0  }
0x2de: {  	[tilespmem:v9+s17+$0x0] =	vst.idx.msk vm0, v8  }
0x2df: {  	s5 =	sadd.s32 $0x140, s5;
	v7 =	vadd.s32 v7, v11;
	[tilespmem:v9+s18+$0x0] =	vst.idx.msk vm0, v10  }
0x2e0: {  	v8 =	vxor.u32 $0x80000000, v7  }
0x2e1: {  	(xrf0) =	vmax.scan.msk.u32 $0xffff, v8;
	_ =	sdelay $0x5  }
0x2e2: {  	v8, _, _ =	vpop (xrf0)  }
0x2e3: {  	(v2sf) =	vpush v8, $0xF;
	_ =	sdelay $0xe  }
0x2e4: {  	s4 =	spop (v2sf)  }
0x2e5: {  	p0 =	slt.u32 s4, $0x80002000  }
.Ltmp24:
0x2e6: {  	_ = 	snop;
	(pc) =	sbr.rel @p0 .LBB2_46-.Ltmp24, $1  }
0x2e7: {  	_ =	sdelay $0x3  }
0x2e8: {  	s4 =	sadd.s32 s7, s28  }
0x2e9: {  	s4 =	sshrl.u32 s4, $0x3  }
0x2ea: {  	s9 =	simm.s32 $0x0;
	s5 =	sadd.s32 s2, s4  }
0x2eb: {  	[hbm4b:s5+s9] =	stream.linear.scatter [tilespmem:s18], [sflag:$0x3], $0x2000, $0x38;
	[tilespmem:$0x175D0] =	vst v63  }
0x2ec: {  	_ =	swait.ge [sflag:s19], $0x2000  }
0x2ed: {  	[sflag:s19] =	ssyncset.done $0x0  }
0x2ee: {  	s4 =	sadd.s32 s3, s4;
	[sflag:s19] =	ssyncadd.s32 $0xFFFFE000  }
0x2ef: {  	[hbm4b:s4+s9] =	stream.linear.scatter [tilespmem:s17], [sflag:$0x3], $0x2000, $0x38;
	[tilespmem:$0x175D0] =	vst v63  }
0x2f0: {  	_ =	swait.ge [sflag:s19], $0x2000  }
0x2f1: {  	[sflag:s19] =	ssyncset.done $0x0  }
0x2f2: {  	s4 =	simm.s32 $0x0;
	[sflag:s19] =	ssyncadd.s32 $0xFFFFE000  }
0x2f3: {  	v8 =	vld [tilespmem:s4+$0xC4E0]  }
0x2f4: {  	s5 =	simm.s32 $0x40;
	v9 =	vld [tilespmem:s4+$0x9D00]  }
.LBB2_44:
0x2f5: {  	p0 =	sne.s32 s5, $0x1F40  }
.Ltmp25:
0x2f6: {  	_ = 	snop;
	(pc) =	sbr.rel @p0 .LBB2_44-.Ltmp25, $4  }
0x2f7: {  	_ = 	snop  }
0x2f8: {  	s9 =	sshra.s32 s5, $0x2;
	s5 =	sadd.s32 $0x40, s5;
	[tilespmem:s4+$0xA4E0] =	vst v8  }
0x2f9: {  	v8 =	vld [tilespmem:s9+$0xC4E0];
	[tilespmem:s4+$0x7D00] =	vst v9;
	s4 =	smov.u32 s9  }
0x2fa: {  	v9 =	vld [tilespmem:s4+$0x9D00]  }
0x2fb: {  	_ =	sdelay $0x2  }
0x2fc: {  	[tilespmem:s4+$0xA4E0] =	vst v8  }
0x2fd: {  	v7 =	vadd.s32 $0xFFFFE000, v7;
	s28 =	sadd.s32 $0x2000, s28;
	[tilespmem:s4+$0x7D00] =	vst v9  }
.LBB2_46:
0x2fe: {  	s5 =	simm.s32 $0x0  }
.LBB2_47:
0x2ff: {  	s4 =	sshra.s32 s5, $0x2  }
0x300: {  	v8 =	vld [tilespmem:s4+$0x7530];
	_ =	sdelay $0x4  }
0x301: {  	vm0 =	vge.s32 v8, v0;
	vm1 =	vlt.s32 v8, v1  }
0x302: {  	vm0 =	vmand vm0, vm1  }
0x303: {  	v9 =	vsel vm0, $0x1, v4  }
0x304: {  	(xrf0) =	vadd.scan.msk.s32 $0xffff, v9;
	_ =	sdelay $0x5  }
0x305: {  	v9, _, _ =	vpop (xrf0)  }
0x306: {  	v9 =	vadd.s32 v9, v7  }
0x307: {  	v9 =	vadd.s32 $0xFFFFFFFF, v9  }
0x308: {  	v10 =	vld [tilespmem:s4+$0x36B0];
	_ =	sdelay $0x2  }
0x309: {  	v8 =	vsub.s32 v8, v0  }
0x30a: {  	[tilespmem:v9+s17+$0x0] =	vst.idx.msk vm0, v8  }
0x30b: {  	[tilespmem:v9+s18+$0x0] =	vst.idx.msk vm0, v10  }
0x30c: {  	v8 =	vld [tilespmem:s4+$0x7540];
	_ =	sdelay $0x4  }
0x30d: {  	vm9 =	vge.s32 v8, v0;
	vm2 =	vlt.s32 v8, v1  }
0x30e: {  	vm1 =	vmand vm9, vm2  }
0x30f: {  	v52 =	vsel vm1, $0x1, v4  }
0x310: {  	(xrf0) =	vadd.scan.msk.s32 $0xffff, v52;
	_ =	sdelay $0x3  }
0x311: {  	v53 =	vmpcnt.ones.xlane vm0;
	_ =	sdelay $0x1  }
0x312: {  	v7 =	vadd.s32 v7, v53;
	v54, _, _ =	vpop (xrf0)  }
0x313: {  	v9 =	vadd.s32 v54, v7  }
0x314: {  	v9 =	vadd.s32 $0xFFFFFFFF, v9  }
0x315: {  	v10 =	vld [tilespmem:s4+$0x36C0];
	_ =	sdelay $0x2  }
0x316: {  	v8 =	vsub.s32 v8, v0  }
0x317: {  	[tilespmem:v9+s17+$0x0] =	vst.idx.msk vm1, v8  }
0x318: {  	[tilespmem:v9+s18+$0x0] =	vst.idx.msk vm1, v10  }
0x319: {  	v8 =	vld [tilespmem:s4+$0x7550];
	_ =	sdelay $0x4  }
0x31a: {  	vm10 =	vge.s32 v8, v0;
	vm11 =	vlt.s32 v8, v1  }
0x31b: {  	vm0 =	vmand vm10, vm11  }
0x31c: {  	v55 =	vsel vm0, $0x1, v4  }
0x31d: {  	(xrf0) =	vadd.scan.msk.s32 $0xffff, v55;
	_ =	sdelay $0x3  }
0x31e: {  	v56 =	vmpcnt.ones.xlane vm1;
	_ =	sdelay $0x1  }
0x31f: {  	v7 =	vadd.s32 v7, v56;
	v57, _, _ =	vpop (xrf0)  }
0x320: {  	v9 =	vadd.s32 v57, v7  }
0x321: {  	v9 =	vadd.s32 $0xFFFFFFFF, v9  }
0x322: {  	v10 =	vld [tilespmem:s4+$0x36D0];
	_ =	sdelay $0x2  }
0x323: {  	v8 =	vsub.s32 v8, v0  }
0x324: {  	[tilespmem:v9+s17+$0x0] =	vst.idx.msk vm0, v8  }
0x325: {  	[tilespmem:v9+s18+$0x0] =	vst.idx.msk vm0, v10  }
0x326: {  	v8 =	vld [tilespmem:s4+$0x7560];
	_ =	sdelay $0x4  }
0x327: {  	vm12 =	vge.s32 v8, v0;
	vm13 =	vlt.s32 v8, v1  }
0x328: {  	vm1 =	vmand vm12, vm13  }
0x329: {  	v58 =	vsel vm1, $0x1, v4  }
0x32a: {  	(xrf0) =	vadd.scan.msk.s32 $0xffff, v58;
	_ =	sdelay $0x3  }
0x32b: {  	v59 =	vmpcnt.ones.xlane vm0;
	_ =	sdelay $0x1  }
0x32c: {  	v7 =	vadd.s32 v7, v59;
	v60, _, _ =	vpop (xrf0)  }
0x32d: {  	v9 =	vadd.s32 v60, v7  }
0x32e: {  	v9 =	vadd.s32 $0xFFFFFFFF, v9  }
0x32f: {  	v10 =	vld [tilespmem:s4+$0x36E0];
	_ =	sdelay $0x2  }
0x330: {  	v8 =	vsub.s32 v8, v0  }
0x331: {  	[tilespmem:v9+s17+$0x0] =	vst.idx.msk vm1, v8  }
0x332: {  	[tilespmem:v9+s18+$0x0] =	vst.idx.msk vm1, v10  }
0x333: {  	v8 =	vld [tilespmem:s4+$0x7570];
	_ =	sdelay $0x4  }
0x334: {  	vm14 =	vge.s32 v8, v0;
	vm15 =	vlt.s32 v8, v1  }
0x335: {  	vm0 =	vmand vm14, vm15  }
0x336: {  	v61 =	vsel vm0, $0x1, v4  }
0x337: {  	(xrf0) =	vadd.scan.msk.s32 $0xffff, v61;
	_ =	sdelay $0x3  }
0x338: {  	v62 =	vmpcnt.ones.xlane vm1;
	_ =	sdelay $0x1  }
0x339: {  	v7 =	vadd.s32 v7, v62;
	v63, _, _ =	vpop (xrf0)  }
0x33a: {  	v9 =	vadd.s32 v63, v7  }
0x33b: {  	v9 =	vadd.s32 $0xFFFFFFFF, v9  }
0x33c: {  	p0 =	sne.s32 s5, $0x1E00;
	v10 =	vld [tilespmem:s4+$0x36F0]  }
.Ltmp26:
0x33d: {  	_ = 	snop;
	(pc) =	sbr.rel @p0 .LBB2_47-.Ltmp26, $4  }
0x33e: {  	_ = 	snop  }
0x33f: {  	v8 =	vsub.s32 v8, v0;
	v11 =	vmpcnt.ones.xlane vm0  }
0x340: {  	[tilespmem:v9+s17+$0x0] =	vst.idx.msk vm0, v8  }
0x341: {  	s5 =	sadd.s32 $0x140, s5;
	v7 =	vadd.s32 v7, v11;
	[tilespmem:v9+s18+$0x0] =	vst.idx.msk vm0, v10  }
0x342: {  	v8 =	vxor.u32 $0x80000000, v7  }
0x343: {  	(xrf0) =	vmax.scan.msk.u32 $0xffff, v8;
	_ =	sdelay $0x5  }
0x344: {  	v8, _, _ =	vpop (xrf0)  }
0x345: {  	(v2sf) =	vpush v8, $0xF;
	_ =	sdelay $0xe  }
0x346: {  	s4 =	spop (v2sf)  }
0x347: {  	p0 =	slt.u32 s4, $0x80002000  }
.Ltmp27:
0x348: {  	_ = 	snop;
	(pc) =	sbr.rel @p0 .LBB2_52-.Ltmp27, $1  }
0x349: {  	_ =	sdelay $0x3  }
0x34a: {  	s4 =	sadd.s32 s7, s28  }
0x34b: {  	s4 =	sshrl.u32 s4, $0x3  }
0x34c: {  	s9 =	simm.s32 $0x0;
	s5 =	sadd.s32 s2, s4  }
0x34d: {  	[hbm4b:s5+s9] =	stream.linear.scatter [tilespmem:s18], [sflag:$0x3], $0x2000, $0x38;
	[tilespmem:$0x175D0] =	vst v63  }
0x34e: {  	_ =	swait.ge [sflag:s19], $0x2000  }
0x34f: {  	[sflag:s19] =	ssyncset.done $0x0  }
0x350: {  	s4 =	sadd.s32 s3, s4;
	[sflag:s19] =	ssyncadd.s32 $0xFFFFE000  }
0x351: {  	[hbm4b:s4+s9] =	stream.linear.scatter [tilespmem:s17], [sflag:$0x3], $0x2000, $0x38;
	[tilespmem:$0x175D0] =	vst v63  }
0x352: {  	_ =	swait.ge [sflag:s19], $0x2000  }
0x353: {  	[sflag:s19] =	ssyncset.done $0x0  }
0x354: {  	s4 =	simm.s32 $0x0;
	[sflag:s19] =	ssyncadd.s32 $0xFFFFE000  }
0x355: {  	v8 =	vld [tilespmem:s4+$0xC4E0]  }
0x356: {  	s5 =	simm.s32 $0x40;
	v9 =	vld [tilespmem:s4+$0x9D00]  }
.LBB2_50:
0x357: {  	p0 =	sne.s32 s5, $0x1F40  }
.Ltmp28:
0x358: {  	_ = 	snop;
	(pc) =	sbr.rel @p0 .LBB2_50-.Ltmp28, $4  }
0x359: {  	_ = 	snop  }
0x35a: {  	s9 =	sshra.s32 s5, $0x2;
	s5 =	sadd.s32 $0x40, s5;
	[tilespmem:s4+$0xA4E0] =	vst v8  }
0x35b: {  	v8 =	vld [tilespmem:s9+$0xC4E0];
	[tilespmem:s4+$0x7D00] =	vst v9;
	s4 =	smov.u32 s9  }
0x35c: {  	v9 =	vld [tilespmem:s4+$0x9D00]  }
.Ltmp29:
0x35d: {  	_ = 	snop;
	(pc) =	sbr.rel .LBB2_52-.Ltmp29, $3  }
0x35e: {  	_ =	sdelay $0x1  }
0x35f: {  	[tilespmem:s4+$0xA4E0] =	vst v8  }
0x360: {  	v7 =	vadd.s32 $0xFFFFE000, v7;
	s28 =	sadd.s32 $0x2000, s28;
	[tilespmem:s4+$0x7D00] =	vst v9  }
.LBB2_53:
0x361: {  	s4 =	sadd.s32 s7, s28  }
0x362: {  	s4 =	sshrl.u32 s4, $0x3  }
0x363: {  	s9 =	simm.s32 $0x0;
	s5 =	sadd.s32 s2, s4  }
0x364: {  	[hbm4b:s5+s9] =	stream.linear.scatter [tilespmem:s18], [sflag:$0x3], $0x2000, $0x38;
	[tilespmem:$0x175D0] =	vst v63  }
0x365: {  	_ =	swait.ge [sflag:s19], $0x2000  }
0x366: {  	[sflag:s19] =	ssyncset.done $0x0  }
0x367: {  	s4 =	sadd.s32 s3, s4;
	[sflag:s19] =	ssyncadd.s32 $0xFFFFE000  }
0x368: {  	[hbm4b:s4+s9] =	stream.linear.scatter [tilespmem:s17], [sflag:$0x3], $0x2000, $0x38;
	[tilespmem:$0x175D0] =	vst v63  }
0x369: {  	v7 =	vxor.u32 $0x80000000, v7;
	_ =	swait.ge [sflag:s19], $0x2000  }
0x36a: {  	(xrf0) =	vmax.scan.msk.u32 $0xffff, v7;
	_ =	sdelay $0x5  }
0x36b: {  	v7, _, _ =	vpop (xrf0)  }
0x36c: {  	(v2sf) =	vpush v7, $0xF;
	_ =	sdelay $0xe  }
0x36d: {  	s30 =	spop (v2sf)  }
0x36e: {  	s4 =	sadd.s32 s30, s28  }
0x36f: {  	[sflag:s19] =	ssyncset.done $0x0;
	s31 =	sadd.s32 $0x80000000, s4;
	s28 =	sadd.s32 $0x800007CF, s4  }
0x370: {  	[sflag:s19] =	ssyncadd.s32 $0xFFFFE000;
	v7 =	vmov s31;
	s30 =	smulhi.u32 $0x10624DD3, s28;
	s29 =	sshra.s32 s28, $0x1F  }
0x371: {  	[tilespmem:$0xCCC0] =	vst v7;
	s29 =	smul.u32 $0x10624DD3, s29  }
0x372: {  	[hbm4b:s8+s9] =	stream.linear.scatter [tilespmem:s21], [sflag:$0x3], $0x10, $0x38;
	[tilespmem:$0x175D0] =	vst v63  }
0x373: {  	s5 =	sadd.s32 s29, s30  }
0x374: {  	s31 =	sshrl.u32 s5, $0x1F;
	s5 =	sshra.s32 s5, $0x7  }
0x375: {  	s5 =	sadd.s32 s31, s5  }
0x376: {  	s9 =	smul.u32 $0xFFFFF830, s5  }
0x377: {  	s4 =	ssub.s32 $0x7FFFF831, s4  }
0x378: {  	p0 =	slt.s32 s28, $0x1;
	p1 =	sne.s32 s9, s4  }
0x379: {  	p0 =	por !p0, !p1  }
0x37a: {  	s4 =	simm.s32 $0x1;
	p0 =	por !p0, !p0  }
0x37b: {  	s4 =	simm.s32 @!p0 $0x0  }
0x37c: {  	s29 =	ssub.s32 s5, s4  }
0x37d: {  	s28 =	smul.u32 $0x7D0, s29;
	_ =	sdelay $0x1  }
0x37e: {  	p0 =	slt.s32 s28, $0x4001  }
.Ltmp30:
0x37f: {  	_ = 	snop;
	(pc) =	sbr.rel @!p0 .LBB2_73-.Ltmp30, $4  }
0x380: {  	_ = 	snop  }
0x381: {  	_ =	swait.ge [sflag:s19], $0x10  }
0x382: {  	[sflag:s19] =	ssyncset.done $0x0  }
0x383: {  	[sflag:s19] =	ssyncadd.s32 $0xFFFFFFF0;
	s4 =	simm.s32 $0xFFFFFFFF  }
0x384: {  	s4 =	simm.s32 $0x40;
	s5 =	simm.s32 $0x0  }
.LBB2_55:
0x385: {  	p0 =	seq.s32 s4, $0x51C0;
	[tilespmem:s5+$0xCCD0] =	vst v4;
	s5 =	smov.u32 s4;
	s4 =	sadd.s32 $0x40, s4  }
.Ltmp31:
0x386: {  	(pc) =	sbr.rel @!p0 .LBB2_55-.Ltmp31, $2  }
0x387: {  	_ =	sdelay $0x2  }
0x388: {  	s5 =	sshra.s32 s5, $0x2  }
0x389: {  	p0 =	sgt.s32 s29, $0x0  }
.Ltmp32:
0x38a: {  	_ = 	snop;
	(pc) =	sbr.rel @!p0 .LBB2_60-.Ltmp32, $2  }
0x38b: {  	_ =	sdelay $0x2  }
0x38c: {  	[tilespmem:s5+$0xCCD0] =	vst v4;
	s4 =	simm.s32 $0x0;
	s5 =	simm.s32 $0x0  }
.LBB2_57:
0x38d: {  	s9 =	smul.u32 $0x7D0, s5;
	_ =	sdelay $0x1  }
0x38e: {  	s9 =	sadd.s32 s7, s9  }
0x38f: {  	s9 =	sshrl.u32 s9, $0x3  }
0x390: {  	s9 =	sadd.s32 s3, s9  }
0x391: {  	[tilespmem:s13], [sflag:$0x3] =	stream.linear.gather [hbm4b:s9+s4], $0x7D0, $0x38;
	[tilespmem:$0x175D0] =	vst v63  }
0x392: {  	_ =	swait.ge [sflag:s19], $0x7D0  }
0x393: {  	[sflag:s19] =	ssyncset.done $0x0  }
0x394: {  	s31 =	simm.s32 $0x0;
	s30 =	simm.s32 $0x40;
	[sflag:s19] =	ssyncadd.s32 $0xFFFFF830  }
.LBB2_58:
0x395: {  	p1 =	sne.s32 s30, $0x1F00;
	v7 =	vld [tilespmem:s31+$0x3E80];
	_ =	sdelay $0x4  }
0x396: {  	v7 =	vshll.u32 v7, $0x4  }
0x397: {  	v7 =	vor.u32 v2, v7  }
.Ltmp33:
0x398: {  	(pc) =	sbr.rel @p1 .LBB2_58-.Ltmp33, $2  }
0x399: {  	_ =	sdelay $0x2  }
0x39a: {  	s31 =	sshra.s32 s30, $0x2;
	s30 =	sadd.s32 $0x40, s30;
	[tilespmem:v7+s22+$0x0] =	vst.idx.add.s32.msk $0xffff, v5  }
0x39b: {  	v7 =	vld [tilespmem:s31+$0x3E80];
	_ =	sdelay $0x4  }
0x39c: {  	s5 =	sadd.s32 $0x1, s5;
	v7 =	vshll.u32 v7, $0x4  }
0x39d: {  	p1 =	sne.s32 s5, s29;
	v7 =	vor.u32 v2, v7  }
.Ltmp34:
0x39e: {  	_ = 	snop;
	(pc) =	sbr.rel @p1 .LBB2_57-.Ltmp34, $2  }
0x39f: {  	_ =	sdelay $0x2  }
0x3a0: {  	[tilespmem:v7+s22+$0x0] =	vst.idx.add.s32.msk $0xffff, v5  }
.LBB2_60:
0x3a1: {  	p2 =	por $0x0, $0x0  }
.Ltmp35:
0x3a2: {  	_ = 	snop;
	(pc) =	sbr.rel @p2 .LBB2_61-.Ltmp35, $3  }
0x3a3: {  	_ =	sdelay $0x1  }
0x3a4: {  	s5 =	simm.s32 $0x0  }
0x3a5: {  	v7 =	vimm.s32 $0x0;
	s4 =	simm.s32 $0x0;
	p1 =	por $0x0, $0x0;
	v10 =	vld [tilespmem:s5+$0xCCD0]  }
0x3a6: {  	_ =	sdelay $0x2  }
0x3a7: {  	p2 =	por $0x0, $0x0  }
.Ltmp36:
0x3a8: {  	s30 =	simm.s32 $0x10;
	(xrf0) =	vadd.scan.msk.s32 $0xffff, v10;
	(pc) =	sbr.rel @p2 .LBB2_63-.Ltmp36, $2  }
0x3a9: {  	v11 =	vld [tilespmem:s30+$0xCCD0];
	_ =	sdelay $0x2  }
0x3aa: {  	s31 =	simm.s32 $0x80;
	p1 =	por $0x1, $0x1;
	v9 =	vimm.s32 $0x0;
	v8 =	vsub.s32 v7, v10  }
.LBB2_64:
0x3ab: {  	p2 =	seq.s32 s31, $0x51C0  }
.Ltmp37:
0x3ac: {  	s9 =	sshra.s32 s31, $0x2;
	s31 =	sadd.s32 $0x40, s31;
	(xrf0) =	vadd.scan.msk.s32 $0xffff, v11;
	v10, _, _ =	vpop (xrf0);
	v12 =	vmov v11;
	(pc) =	sbr.rel @!p2 .LBB2_64-.Ltmp37, $4  }
0x3ad: {  	v11 =	vld [tilespmem:s9+$0xCCD0];
	v8 =	vadd.s32 v10, v8;
	v10 =	vperm.xlane v10, v6  }
0x3ae: {  	[tilespmem:s5+$0xE150] =	vst v8;
	s5 =	smov.u32 s30;
	s30 =	smov.u32 s9  }
0x3af: {  	v9 =	vadd.s32 v9, v10  }
0x3b0: {  	v8 =	vsub.s32 v9, v12  }
0x3b1: {  	_ = 	snop  }
0x3b2: {  	s31 =	smov.u32 s5;
	s5 =	smov.u32 s30;
	v10 =	vmov v11  }
.LBB2_66:
0x3b3: {  	(xrf0) =	vadd.scan.msk.s32 $0xffff, v10  }
0x3b4: {  	v11, _, _ =	vpop @p1 (xrf0)  }
0x3b5: {  	v12 =	vperm.xlane @p1 v11, v6;
	_ =	sdelay $0x1  }
0x3b6: {  	v9 =	vadd.s32 @p1 v9, v12  }
0x3b7: {  	v7 =	vpsel p1, v9, v7  }
0x3b8: {  	v8 =	vadd.s32 @p1 v11, v8;
	v7 =	vsub.s32 v7, v10;
	v63, _, _ =	vpop (xrf0)  }
0x3b9: {  	[tilespmem:s31+$0xE150] =	vst @p1 v8;
	v7 =	vadd.s32 v63, v7  }
0x3ba: {  	[tilespmem:s5+$0xE150] =	vst v7;
	v7 =	vor.u32 s4, v2  }
0x3bb: {  	s5 =	simm.s32 $0xF5D0;
	v7 =	vand.u32 $0x1FFF, v7  }
0x3bc: {  	s30 =	simm.s32 $0x135D0;
	[tilespmem:s5+$0x0] =	vst v7  }
0x3bd: {  	s4 =	simm.s32 $0x10;
	[tilespmem:s30+$0x0] =	vst v3  }
.LBB2_67:
0x3be: {  	p1 =	seq.s32 s4, $0x3FF0  }
.Ltmp38:
0x3bf: {  	_ = 	snop;
	(pc) =	sbr.rel @!p1 .LBB2_67-.Ltmp38, $4  }
0x3c0: {  	v7 =	vor.u32 s4, v2  }
0x3c1: {  	s5 =	sadd.s32 $0x10, s5;
	v7 =	vand.u32 $0x1FFF, v7  }
0x3c2: {  	s30 =	sadd.s32 $0x10, s30;
	[tilespmem:s5+$0x0] =	vst v7  }
0x3c3: {  	s4 =	sadd.s32 $0x10, s4;
	[tilespmem:s30+$0x0] =	vst v3  }
.Ltmp39:
0x3c4: {  	(pc) =	sbr.rel @!p0 .LBB2_72-.Ltmp39, $2  }
0x3c5: {  	_ =	sdelay $0x2  }
0x3c6: {  	s4 =	simm.s32 $0x0;
	s5 =	simm.s32 $0x0  }
.LBB2_69:
0x3c7: {  	s9 =	smul.u32 $0x7D0, s5;
	_ =	sdelay $0x1  }
0x3c8: {  	s9 =	sadd.s32 s7, s9  }
0x3c9: {  	s9 =	sshrl.u32 s9, $0x3  }
0x3ca: {  	s30 =	sadd.s32 s3, s9  }
0x3cb: {  	[tilespmem:s13], [sflag:$0x3] =	stream.linear.gather [hbm4b:s30+s4], $0x7D0, $0x38;
	[tilespmem:$0x175D0] =	vst v63  }
0x3cc: {  	_ =	swait.ge [sflag:s19], $0x7D0  }
0x3cd: {  	[sflag:s19] =	ssyncset.done $0x0  }
0x3ce: {  	s9 =	sadd.s32 s2, s9;
	[sflag:s19] =	ssyncadd.s32 $0xFFFFF830  }
0x3cf: {  	[tilespmem:s4], [sflag:$0x3] =	stream.linear.gather [hbm4b:s9+s4], $0x7D0, $0x38;
	[tilespmem:$0x175D0] =	vst v63  }
0x3d0: {  	_ =	swait.ge [sflag:s19], $0x7D0  }
0x3d1: {  	[sflag:s19] =	ssyncset.done $0x0  }
0x3d2: {  	s31 =	simm.s32 $0x0;
	[sflag:s19] =	ssyncadd.s32 $0xFFFFF830  }
0x3d3: {  	s30 =	simm.s32 $0x40;
	v7 =	vld [tilespmem:s31+$0x3E80]  }
.LBB2_70:
0x3d4: {  	p0 =	sne.s32 s30, $0x1F00;
	v8 =	vld [tilespmem:s31+$0x0];
	_ =	sdelay $0x3  }
0x3d5: {  	v9 =	vshll.u32 v7, $0x4  }
0x3d6: {  	v9 =	vor.u32 v2, v9;
	_ =	sdelay $0x4  }
0x3d7: {  	v10 =	vld.idx.msk [tilespmem:v9+s23+$0x0], $0xffff;
	_ =	sdelay $0x5  }
.Ltmp40:
0x3d8: {  	v11 =	vadd.s32 $0x1, v10;
	(pc) =	sbr.rel @p0 .LBB2_70-.Ltmp40, $4  }
0x3d9: {  	[tilespmem:v9+s23+$0x0] =	vst.idx.msk $0xffff, v11  }
0x3da: {  	[tilespmem:v10+s24+$0x0] =	vst.idx.msk $0xffff, v8  }
0x3db: {  	s31 =	sshra.s32 s30, $0x2;
	[tilespmem:v10+s25+$0x0] =	vst.idx.msk $0xffff, v7  }
0x3dc: {  	s30 =	sadd.s32 $0x40, s30;
	v7 =	vld [tilespmem:s31+$0x3E80]  }
0x3dd: {  	_ =	sdelay $0x3  }
0x3de: {  	v8 =	vshll.u32 v7, $0x4  }
0x3df: {  	v8 =	vor.u32 v2, v8;
	_ =	sdelay $0x4  }
0x3e0: {  	v9 =	vld.idx.msk [tilespmem:v8+s23+$0x0], $0xffff;
	_ =	sdelay $0x2  }
0x3e1: {  	v10 =	vld [tilespmem:s31+$0x0];
	s5 =	sadd.s32 $0x1, s5  }
0x3e2: {  	p0 =	sne.s32 s5, s29  }
.Ltmp41:
0x3e3: {  	_ = 	snop;
	(pc) =	sbr.rel @p0 .LBB2_69-.Ltmp41, $4  }
.Ltmp42:
0x3e4: {  	v11 =	vadd.s32 $0x1, v9;
	(pc) =	sbr.rel @!p0 .LBB2_72-.Ltmp42, $4  }
0x3e5: {  	[tilespmem:v8+s23+$0x0] =	vst.idx.msk $0xffff, v11  }
0x3e6: {  	[tilespmem:v9+s24+$0x0] =	vst.idx.msk $0xffff, v10  }
0x3e7: {  	[tilespmem:v9+s25+$0x0] =	vst.idx.msk $0xffff, v7  }
0x3e8: {  	_ = 	snop  }
.LBB2_61:
.Ltmp43:
0x3e9: {  	(pc) =	sbr.rel .LBB2_66-.Ltmp43, $2  }
0x3ea: {  	_ =	sdelay $0x2  }
0x3eb: {  	v9 =	vimm.s32 $0x0  }
.LBB2_63:
.Ltmp44:
0x3ec: {  	(pc) =	sbr.rel .LBB2_66-.Ltmp44, $2  }
0x3ed: {  	_ =	sdelay $0x2  }
0x3ee: {  	s31 =	simm.s32 $0x0;
	s5 =	simm.s32 $0x10;
	v9 =	vimm.s32 $0x0;
	v10 =	vmov v11  }
.LBB2_74:
0x3ef: {  	_ =	sfence.sel $0x180000  }
0x3f0: {  	[bflag:$0x0] =	sbarrier.arrive $0xFFFF  }
0x3f1: {  	_ =	strace $0x90000047  }
0x3f2: {  	s0 =	stileid.u32;
	[bflag:$0x2] =	sbarrier.arrive $0xFFFF  }
0x3f3: {  	p0 =	sne.s32 s0, $0x0;
	s0 =	rddreg [dreg:$0x8]  }
0x3f4: {  	s0 =	sadd.s32 @!p0 $0x100000, s0  }
0x3f5: {  	[sflag:s0] =	ssyncadd.tile.s32 @!p0 $0x1;
	_ =	shalt  }
.Lfunc_end2:
_tile_overlayer_lowered:
.L_overlay_start_2:
0x3f6: {  	(tag) =	ssettag $0x2  }
0x3f7: {  	s0 =	rddreg [dreg:$0x0];
	s2 =	stileid.u32  }
0x3f8: {  	s1 =	rddreg [dreg:$0x1];
	p0 =	sne.s32 s2, $0x0  }
0x3f9: {  	s3 =	rddreg [dreg:$0x2];
	[bflag:$0x3] =	sbarrier.arrive $0xFFFF;
	s2 =	simm.s32 @!p0 $0x1C03  }
0x3fa: {  	[timem:s3], [sflag:s2] =	dma.local @!p0 [hbm:s0], s1  }
0x3fb: {  	s0 =	simm.s32 @!p0 $0x3  }
0x3fc: {  	_ =	swait.ge @!p0 [sflag:s0], s1  }
0x3fd: {  	s1 =	ssub.s32 @!p0 $0x0, s1;
	[sflag:s0] =	ssyncset.done @!p0 $0x0  }
0x3fe: {  	[sflag:s0] =	ssyncadd.s32 @!p0 s1  }
0x3ff: {  	[bflag:$0x3] =	sbarrier.arrive $0xFFFF  }
0x400: {  	_ =	shalt  }

</sc_bundles>
